<compile_context>
chip_gen: v7x
topology: tpu7x:2x2x1
jax: 0.10.2.dev20260603
libtpu: 0.0.44.dev20260713+nightly
codegen_flags: <defaults>
</compile_context>

<pallas_src>
import functools
import math

import jax
import jax.numpy as jnp
from jax import lax
from jax.experimental import pallas as pl
from jax.experimental.pallas import tpu as pltpu
from jax.experimental.pallas import tpu_sc as plsc

_L = 16


def _sc_message_pass(node_feats, edge_feats, src, dst):
    n_nodes, d = node_feats.shape
    n_edges = src.shape[0]
    info = plsc.get_sparse_core_info()
    nc, ns = info.num_cores, info.num_subcores

    half = n_nodes // nc
    zrows = 112
    per_tile_zero = -(-(half + 1 + ns * _L) // (ns * zrows)) * zrows
    acc_rows = per_tile_zero * ns
    epc = n_edges // ns
    C = 80
    n_chunks = epc // C
    NSETS = 4
    assert n_chunks * C == epc and half * nc == n_nodes
    assert n_chunks % NSETS == 2

    mesh = plsc.VectorSubcoreMesh(core_axis_name="c", subcore_axis_name="s")

    @functools.partial(
        pl.kernel,
        out_type=jax.ShapeDtypeStruct((n_nodes, d), jnp.float32),
        mesh=mesh,
        scratch_types=[
            [pltpu.VMEM((C,), jnp.int32)] * NSETS,
            [pltpu.VMEM((C,), jnp.int32)] * NSETS,
            [pltpu.VMEM((C,), jnp.int32)] * NSETS,
            [pltpu.VMEM((C, d), jnp.float32)] * NSETS,
            [pltpu.VMEM((C, d), jnp.float32)] * NSETS,
            pltpu.VMEM((zrows, d), jnp.float32),
            pltpu.VMEM_SHARED((acc_rows, d), jnp.float32),
            [pltpu.SemaphoreType.DMA] * NSETS,
            [pltpu.SemaphoreType.DMA] * NSETS,
            [pltpu.SemaphoreType.DMA] * NSETS,
            [pltpu.SemaphoreType.DMA] * NSETS,
        ],
        compiler_params=pltpu.CompilerParams(use_tc_tiling_on_sc=False),
    )
    def mp(node_hbm, edge_hbm, src_hbm, dst_hbm, out_hbm,
           srcS, dstS, idxS, gS, eS, zbuf, acc, isem, gsem, esem, ssem):
        cid = lax.axis_index("c")
        sid = lax.axis_index("s")
        base_node = cid * half

        zero = jnp.zeros((_L,), jnp.float32)
        for r in range(zrows):
            for h in range(d // _L):
                zbuf[r, pl.ds(h * _L, _L)] = zero

        def zero_body(k, carry):
            pltpu.sync_copy(zbuf, acc.at[pl.ds(sid * per_tile_zero + k * zrows, zrows)])
            return carry
        lax.fori_loop(0, per_tile_zero // zrows, zero_body, 0)
        plsc.subcore_barrier()

        tile_base = sid * epc

        def ebase(j):
            return pl.multiple_of(tile_base + j * C, 8)

        def L(j, s):
            b = ebase(j)
            pltpu.async_copy(src_hbm.at[pl.ds(b, C)], srcS[s], isem[s])
            pltpu.async_copy(dst_hbm.at[pl.ds(b, C)], dstS[s], isem[s])

        def Lw(s):
            pltpu.make_async_copy(src_hbm.at[pl.ds(0, C)], srcS[s], isem[s]).wait()
            pltpu.make_async_copy(dst_hbm.at[pl.ds(0, C)], dstS[s], isem[s]).wait()

        def G(j, s):
            pltpu.async_copy(node_hbm.at[srcS[s]], gS[s], gsem[s])
            pltpu.async_copy(edge_hbm.at[pl.ds(ebase(j), C)], eS[s], esem[s])

        def Gw(s):
            pltpu.make_async_copy(node_hbm.at[srcS[s]], gS[s], gsem[s]).wait()
            pltpu.make_async_copy(edge_hbm.at[pl.ds(0, C)], eS[s], esem[s]).wait()

        trash = half + sid * _L + lax.iota(jnp.int32, _L)

        def comp(s):
            for k in range(C // _L):
                v = dstS[s][pl.ds(k * _L, _L)]
                loc = v - base_node
                ok = (loc >= 0) & (loc < half)
                idxS[s][pl.ds(k * _L, _L)] = jnp.where(ok, loc, trash)

        def S(s):
            pltpu.async_copy(gS[s], acc.at[idxS[s]], ssem[s], add=True)
            pltpu.async_copy(eS[s], acc.at[idxS[s]], ssem[s], add=True)

        def Sw(s):
            pltpu.make_async_copy(gS[s], acc.at[idxS[s]], ssem[s]).wait()
            pltpu.make_async_copy(eS[s], acc.at[idxS[s]], ssem[s]).wait()

        for s in range(NSETS):
            L(s, s)
        for s in (0, 1):
            Lw(s); comp(s); G(s, s)
        for j in (0, 1):
            s, s2 = j % NSETS, (j + 2) % NSETS
            Gw(s); L(j + 4, s); S(s)
            Lw(s2); comp(s2); G(j + 2, s2)
        for j in (2, 3):
            s, s2 = j % NSETS, (j + 2) % NSETS
            Gw(s); L(j + 4, s); S(s); Sw(s2)
            Lw(s2); comp(s2); G(j + 2, s2)

        def body(i, carry):
            for u in range(NSETS):
                s, s2 = u, (u + 2) % NSETS
                j = i * NSETS + u
                Gw(s)

                @pl.when(j + 4 < n_chunks)
                def _():
                    L(j + 4, s)
                S(s); Sw(s2)
                Lw(s2); comp(s2); G(j + 2, s2)
            return carry
        lax.fori_loop(1, n_chunks // NSETS, body, 0)

        for j in (n_chunks - 2, n_chunks - 1):
            s, s2 = j % NSETS, (j + 2) % NSETS
            Gw(s); S(s); Sw(s2)
        Sw((n_chunks - 2) % NSETS)
        Sw((n_chunks - 1) % NSETS)
        plsc.subcore_barrier()

        w0 = -(-(half // ns) // 8) * 8
        w_last = half - (ns - 1) * w0
        start = pl.multiple_of(sid * w0, 8)
        obase = pl.multiple_of(cid * half + sid * w0, 8)

        @pl.when(sid < ns - 1)
        def _():
            pltpu.sync_copy(acc.at[pl.ds(start, w0)], out_hbm.at[pl.ds(obase, w0)])

        @pl.when(sid == ns - 1)
        def _():
            pltpu.sync_copy(acc.at[pl.ds(start, w_last)],
                            out_hbm.at[pl.ds(obase, w_last)])

    return mp(node_feats, edge_feats, src, dst)


def _epilogue_body(inv_sqrt_n, a_ref, nf_ref, w1_ref, b1_ref, w2_ref, b2_ref,
                   g_ref, bt_ref, o_ref):
    h1 = jnp.maximum(
        jnp.dot(a_ref[...], w1_ref[...], preferred_element_type=jnp.float32)
        + b1_ref[...], 0.0)
    h = jnp.dot(h1, w2_ref[...], preferred_element_type=jnp.float32) + b2_ref[...]
    mu = jnp.mean(h, axis=-1, keepdims=True)
    var = jnp.mean((h - mu) ** 2, axis=-1, keepdims=True)
    h = (h - mu) * lax.rsqrt(var + 1e-5) * g_ref[...] + bt_ref[...]
    h = jnp.maximum(h * inv_sqrt_n, 0.0)
    o_ref[...] = h + nf_ref[...]


def _tc_epilogue(agg, node_feats, W1, b1, W2, b2, ln_gamma, ln_beta):
    n, d = agg.shape
    rows = 4000
    grid = n // rows
    assert grid * rows == n
    b1r = b1.reshape(1, -1)
    b2r = b2.reshape(1, -1)
    gr = ln_gamma.reshape(1, -1)
    br = ln_beta.reshape(1, -1)
    inv = 1.0 / math.sqrt(n)
    full = lambda i: (0, 0)
    return pl.pallas_call(
        functools.partial(_epilogue_body, inv),
        grid=(grid,),
        in_specs=[
            pl.BlockSpec((rows, d), lambda i: (i, 0)),
            pl.BlockSpec((rows, d), lambda i: (i, 0)),
            pl.BlockSpec((d, 2 * d), full),
            pl.BlockSpec((1, 2 * d), full),
            pl.BlockSpec((2 * d, d), full),
            pl.BlockSpec((1, d), full),
            pl.BlockSpec((1, d), full),
            pl.BlockSpec((1, d), full),
        ],
        out_specs=pl.BlockSpec((rows, d), lambda i: (i, 0)),
        out_shape=jax.ShapeDtypeStruct((n, d), jnp.float32),
    )(agg, node_feats, W1, b1r, W2, b2r, gr, br)


def kernel(node_feats, edge_feats, edge_index, W1, b1, W2, b2, ln_gamma, ln_beta):
    src = edge_index[0]
    dst = edge_index[1]
    agg = _sc_message_pass(node_feats, edge_feats, src, dst)
    return _tc_epilogue(agg, node_feats, W1, b1, W2, b2, ln_gamma, ln_beta)

# --- scband reference (transcript-rebuilt; emitter-appended) ---
"""Pipeline reference for scband-geo-gnnblock-29068338659622 (READ-ONLY COPY).

The authoritative reference and input builder live on the scoring server;
editing this copy changes nothing except your own understanding.
"""

import jax, jax.numpy as jnp
import numpy as np
import math

EMBED_DIM = 32
N_NODES = 100000
N_EDGES = 1600000


def setup_inputs(seed: int = 0) -> dict:
    key = jax.random.key(seed)
    ks = jax.random.split(key, 8)
    node_feats = jax.random.normal(ks[0], (N_NODES, EMBED_DIM), dtype=jnp.float32)
    edge_feats = jax.random.normal(ks[1], (N_EDGES, EMBED_DIM), dtype=jnp.float32)
    edge_index = jax.random.randint(ks[2], (2, N_EDGES), 0, N_NODES, dtype=jnp.int32)
    # SimpleGIN MLP params: Linear(d, 2d) -> ReLU -> Linear(2d, d)
    s1 = 1.0 / math.sqrt(EMBED_DIM)
    s2 = 1.0 / math.sqrt(2 * EMBED_DIM)
    W1 = jax.random.uniform(ks[3], (EMBED_DIM, 2 * EMBED_DIM), jnp.float32, -s1, s1)
    b1 = jax.random.uniform(ks[4], (2 * EMBED_DIM,), jnp.float32, -s1, s1)
    W2 = jax.random.uniform(ks[5], (2 * EMBED_DIM, EMBED_DIM), jnp.float32, -s2, s2)
    b2 = jax.random.uniform(ks[6], (EMBED_DIM,), jnp.float32, -s2, s2)
    ln_gamma = jnp.ones((EMBED_DIM,), jnp.float32)
    ln_beta = jnp.zeros((EMBED_DIM,), jnp.float32)
    return {
        "node_feats": node_feats,
        "edge_feats": edge_feats,
        "edge_index": edge_index,
        "W1": W1, "b1": b1, "W2": W2, "b2": b2,
        "ln_gamma": ln_gamma, "ln_beta": ln_beta,
    }


def reference(node_feats, edge_feats, edge_index, W1, b1, W2, b2, ln_gamma, ln_beta):
    n_nodes = node_feats.shape[0]
    src = edge_index[0]
    dst = edge_index[1]
    # --- SimpleGIN: message = src node feat + edge feat; sum-aggregate to dst; MLP ---
    msg = jnp.take(node_feats, src, axis=0) + edge_feats
    agg = jax.ops.segment_sum(msg, dst, num_segments=n_nodes)
    h = jnp.maximum(agg @ W1 + b1, 0.0) @ W2 + b2
    # --- LayerNorm ---
    mean = jnp.mean(h, axis=-1, keepdims=True)
    var = jnp.var(h, axis=-1, keepdims=True)
    h = (h - mean) / jnp.sqrt(var + 1e-5) * ln_gamma + ln_beta
    # --- SqrtGraphNorm: divide each node feature by sqrt(num nodes in its graph) ---
    h = h / jnp.sqrt(jnp.asarray(n_nodes, jnp.float32))
    # --- last activation (has_last_act=True) ---
    h = jnp.maximum(h, 0.0)
    # --- dropout: p=0.0 / eval mode -> identity ---
    # --- residual ---
    out = h + node_feats
    return out

if __name__ == "__main__":
    import jax
    _d = setup_inputs()
    print(jax.jit(kernel)(*tuple(_d.values())))

</pallas_src>

<mosaic_0001>
#map = affine_map<(d0, d1) -> (0, 0)>
#map1 = affine_map<(d0, d1) -> (0)>
module attributes {stable_mosaic.version = 14 : i64} {
  func.func @mp(%arg0: i32, %arg1: i32, %arg2: memref<100000x32xf32, #tpu.memory_space<hbm>>, %arg3: memref<1600000x32xf32, #tpu.memory_space<hbm>>, %arg4: memref<1600000xi32, #tpu.memory_space<hbm>>, %arg5: memref<1600000xi32, #tpu.memory_space<hbm>>, %arg6: memref<100000x32xf32, #tpu.memory_space<hbm>>, %arg7: memref<80xi32, #tpu.memory_space<vmem>>, %arg8: memref<80xi32, #tpu.memory_space<vmem>>, %arg9: memref<80xi32, #tpu.memory_space<vmem>>, %arg10: memref<80xi32, #tpu.memory_space<vmem>>, %arg11: memref<80xi32, #tpu.memory_space<vmem>>, %arg12: memref<80xi32, #tpu.memory_space<vmem>>, %arg13: memref<80xi32, #tpu.memory_space<vmem>>, %arg14: memref<80xi32, #tpu.memory_space<vmem>>, %arg15: memref<80xi32, #tpu.memory_space<vmem>>, %arg16: memref<80xi32, #tpu.memory_space<vmem>>, %arg17: memref<80xi32, #tpu.memory_space<vmem>>, %arg18: memref<80xi32, #tpu.memory_space<vmem>>, %arg19: memref<80x32xf32, #tpu.memory_space<vmem>>, %arg20: memref<80x32xf32, #tpu.memory_space<vmem>>, %arg21: memref<80x32xf32, #tpu.memory_space<vmem>>, %arg22: memref<80x32xf32, #tpu.memory_space<vmem>>, %arg23: memref<80x32xf32, #tpu.memory_space<vmem>>, %arg24: memref<80x32xf32, #tpu.memory_space<vmem>>, %arg25: memref<80x32xf32, #tpu.memory_space<vmem>>, %arg26: memref<80x32xf32, #tpu.memory_space<vmem>>, %arg27: memref<112x32xf32, #tpu.memory_space<vmem>>, %arg28: memref<51968x32xf32, #tpu.memory_space<vmem_shared>>, %arg29: memref<!tpu.dma_semaphore, #tpu.memory_space<semaphore_mem>>, %arg30: memref<!tpu.dma_semaphore, #tpu.memory_space<semaphore_mem>>, %arg31: memref<!tpu.dma_semaphore, #tpu.memory_space<semaphore_mem>>, %arg32: memref<!tpu.dma_semaphore, #tpu.memory_space<semaphore_mem>>, %arg33: memref<!tpu.dma_semaphore, #tpu.memory_space<semaphore_mem>>, %arg34: memref<!tpu.dma_semaphore, #tpu.memory_space<semaphore_mem>>, %arg35: memref<!tpu.dma_semaphore, #tpu.memory_space<semaphore_mem>>, %arg36: memref<!tpu.dma_semaphore, #tpu.memory_space<semaphore_mem>>, %arg37: memref<!tpu.dma_semaphore, #tpu.memory_space<semaphore_mem>>, %arg38: memref<!tpu.dma_semaphore, #tpu.memory_space<semaphore_mem>>, %arg39: memref<!tpu.dma_semaphore, #tpu.memory_space<semaphore_mem>>, %arg40: memref<!tpu.dma_semaphore, #tpu.memory_space<semaphore_mem>>, %arg41: memref<!tpu.dma_semaphore, #tpu.memory_space<semaphore_mem>>, %arg42: memref<!tpu.dma_semaphore, #tpu.memory_space<semaphore_mem>>, %arg43: memref<!tpu.dma_semaphore, #tpu.memory_space<semaphore_mem>>, %arg44: memref<!tpu.dma_semaphore, #tpu.memory_space<semaphore_mem>>) attributes {dimension_semantics = [#tpu.dimension_semantics<core_parallel>, #tpu.dimension_semantics<subcore_parallel>], iteration_bounds = array<i64: 2, 16>, scalar_prefetch = 0 : i64, scratch_operands = 38 : i64, tpu.core_type = #tpu.core_type<sc_vector_subcore>, window_params = [{transform_indices = #map}, {transform_indices = #map}, {transform_indices = #map1}, {transform_indices = #map1}, {transform_indices = #map}]} {
    %mul3A = arith.constant 50000 : i32
    %mul3A_0 = arith.muli %arg0, %mul3A : i32
    %broadcast_in_dim3A = arith.constant 0.000000e+00 : f32
    %broadcast_in_dim3A_1 = vector.broadcast %broadcast_in_dim3A : f32 to vector<16xf32>
    %swap3A = arith.constant 0 : i32
    %swap3A_2 = arith.index_cast %swap3A : i32 to index
    %swap3A_3 = arith.constant 0 : index
    %swap3A_4 = tpu.vector_load %arg27[%swap3A_2, %swap3A_3] {strides = array<i32>} : memref<112x32xf32, #tpu.memory_space<vmem>>, vector<1x16xf32>,
    %swap3A_5 = vector.shape_cast %swap3A_4 : vector<1x16xf32> to vector<16xf32>
    %swap3A_6 = vector.shape_cast %broadcast_in_dim3A_1 : vector<16xf32> to vector<1x16xf32>
    tpu.vector_store %arg27[%swap3A_2, %swap3A_3], %swap3A_6 {strides = array<i32>} : memref<112x32xf32, #tpu.memory_space<vmem>>, vector<1x16xf32>,
    %swap3A_7 = arith.constant 0 : i32
    %swap3A_8 = arith.index_cast %swap3A_7 : i32 to index
    %swap3A_9 = arith.constant 16 : index
    %swap3A_10 = tpu.vector_load %arg27[%swap3A_8, %swap3A_9] {strides = array<i32>} : memref<112x32xf32, #tpu.memory_space<vmem>>, vector<1x16xf32>,
    %swap3A_11 = vector.shape_cast %swap3A_10 : vector<1x16xf32> to vector<16xf32>
    %swap3A_12 = vector.shape_cast %broadcast_in_dim3A_1 : vector<16xf32> to vector<1x16xf32>
    tpu.vector_store %arg27[%swap3A_8, %swap3A_9], %swap3A_12 {strides = array<i32>} : memref<112x32xf32, #tpu.memory_space<vmem>>, vector<1x16xf32>,
    %swap3A_13 = arith.constant 1 : i32
    %swap3A_14 = arith.index_cast %swap3A_13 : i32 to index
    %swap3A_15 = arith.constant 0 : index
    %swap3A_16 = tpu.vector_load %arg27[%swap3A_14, %swap3A_15] {strides = array<i32>} : memref<112x32xf32, #tpu.memory_space<vmem>>, vector<1x16xf32>,
    %swap3A_17 = vector.shape_cast %swap3A_16 : vector<1x16xf32> to vector<16xf32>
    %swap3A_18 = vector.shape_cast %broadcast_in_dim3A_1 : vector<16xf32> to vector<1x16xf32>
    tpu.vector_store %arg27[%swap3A_14, %swap3A_15], %swap3A_18 {strides = array<i32>} : memref<112x32xf32, #tpu.memory_space<vmem>>, vector<1x16xf32>,
    %swap3A_19 = arith.constant 1 : i32
    %swap3A_20 = arith.index_cast %swap3A_19 : i32 to index
    %swap3A_21 = arith.constant 16 : index
    %swap3A_22 = tpu.vector_load %arg27[%swap3A_20, %swap3A_21] {strides = array<i32>} : memref<112x32xf32, #tpu.memory_space<vmem>>, vector<1x16xf32>,
    %swap3A_23 = vector.shape_cast %swap3A_22 : vector<1x16xf32> to vector<16xf32>
    %swap3A_24 = vector.shape_cast %broadcast_in_dim3A_1 : vector<16xf32> to vector<1x16xf32>
    tpu.vector_store %arg27[%swap3A_20, %swap3A_21], %swap3A_24 {strides = array<i32>} : memref<112x32xf32, #tpu.memory_space<vmem>>, vector<1x16xf32>,
    %swap3A_25 = arith.constant 2 : i32
    %swap3A_26 = arith.index_cast %swap3A_25 : i32 to index
    %swap3A_27 = arith.constant 0 : index
    %swap3A_28 = tpu.vector_load %arg27[%swap3A_26, %swap3A_27] {strides = array<i32>} : memref<112x32xf32, #tpu.memory_space<vmem>>, vector<1x16xf32>,
    %swap3A_29 = vector.shape_cast %swap3A_28 : vector<1x16xf32> to vector<16xf32>
    %swap3A_30 = vector.shape_cast %broadcast_in_dim3A_1 : vector<16xf32> to vector<1x16xf32>
    tpu.vector_store %arg27[%swap3A_26, %swap3A_27], %swap3A_30 {strides = array<i32>} : memref<112x32xf32, #tpu.memory_space<vmem>>, vector<1x16xf32>,
    %swap3A_31 = arith.constant 2 : i32
    %swap3A_32 = arith.index_cast %swap3A_31 : i32 to index
    %swap3A_33 = arith.constant 16 : index
    %swap3A_34 = tpu.vector_load %arg27[%swap3A_32, %swap3A_33] {strides = array<i32>} : memref<112x32xf32, #tpu.memory_space<vmem>>, vector<1x16xf32>,
    %swap3A_35 = vector.shape_cast %swap3A_34 : vector<1x16xf32> to vector<16xf32>
    %swap3A_36 = vector.shape_cast %broadcast_in_dim3A_1 : vector<16xf32> to vector<1x16xf32>
    tpu.vector_store %arg27[%swap3A_32, %swap3A_33], %swap3A_36 {strides = array<i32>} : memref<112x32xf32, #tpu.memory_space<vmem>>, vector<1x16xf32>,
    %swap3A_37 = arith.constant 3 : i32
    %swap3A_38 = arith.index_cast %swap3A_37 : i32 to index
    %swap3A_39 = arith.constant 0 : index
    %swap3A_40 = tpu.vector_load %arg27[%swap3A_38, %swap3A_39] {strides = array<i32>} : memref<112x32xf32, #tpu.memory_space<vmem>>, vector<1x16xf32>,
    %swap3A_41 = vector.shape_cast %swap3A_40 : vector<1x16xf32> to vector<16xf32>
    %swap3A_42 = vector.shape_cast %broadcast_in_dim3A_1 : vector<16xf32> to vector<1x16xf32>
    tpu.vector_store %arg27[%swap3A_38, %swap3A_39], %swap3A_42 {strides = array<i32>} : memref<112x32xf32, #tpu.memory_space<vmem>>, vector<1x16xf32>,
    %swap3A_43 = arith.constant 3 : i32
    %swap3A_44 = arith.index_cast %swap3A_43 : i32 to index
    %swap3A_45 = arith.constant 16 : index
    %swap3A_46 = tpu.vector_load %arg27[%swap3A_44, %swap3A_45] {strides = array<i32>} : memref<112x32xf32, #tpu.memory_space<vmem>>, vector<1x16xf32>,
    %swap3A_47 = vector.shape_cast %swap3A_46 : vector<1x16xf32> to vector<16xf32>
    %swap3A_48 = vector.shape_cast %broadcast_in_dim3A_1 : vector<16xf32> to vector<1x16xf32>
    tpu.vector_store %arg27[%swap3A_44, %swap3A_45], %swap3A_48 {strides = array<i32>} : memref<112x32xf32, #tpu.memory_space<vmem>>, vector<1x16xf32>,
    %swap3A_49 = arith.constant 4 : i32
    %swap3A_50 = arith.index_cast %swap3A_49 : i32 to index
    %swap3A_51 = arith.constant 0 : index
    %swap3A_52 = tpu.vector_load %arg27[%swap3A_50, %swap3A_51] {strides = array<i32>} : memref<112x32xf32, #tpu.memory_space<vmem>>, vector<1x16xf32>,
    %swap3A_53 = vector.shape_cast %swap3A_52 : vector<1x16xf32> to vector<16xf32>
    %swap3A_54 = vector.shape_cast %broadcast_in_dim3A_1 : vector<16xf32> to vector<1x16xf32>
    tpu.vector_store %arg27[%swap3A_50, %swap3A_51], %swap3A_54 {strides = array<i32>} : memref<112x32xf32, #tpu.memory_space<vmem>>, vector<1x16xf32>,
    %swap3A_55 = arith.constant 4 : i32
    %swap3A_56 = arith.index_cast %swap3A_55 : i32 to index
    %swap3A_57 = arith.constant 16 : index
    %swap3A_58 = tpu.vector_load %arg27[%swap3A_56, %swap3A_57] {strides = array<i32>} : memref<112x32xf32, #tpu.memory_space<vmem>>, vector<1x16xf32>,
    %swap3A_59 = vector.shape_cast %swap3A_58 : vector<1x16xf32> to vector<16xf32>
    %swap3A_60 = vector.shape_cast %broadcast_in_dim3A_1 : vector<16xf32> to vector<1x16xf32>
    tpu.vector_store %arg27[%swap3A_56, %swap3A_57], %swap3A_60 {strides = array<i32>} : memref<112x32xf32, #tpu.memory_space<vmem>>, vector<1x16xf32>,
    %swap3A_61 = arith.constant 5 : i32
    %swap3A_62 = arith.index_cast %swap3A_61 : i32 to index
    %swap3A_63 = arith.constant 0 : index
    %swap3A_64 = tpu.vector_load %arg27[%swap3A_62, %swap3A_63] {strides = array<i32>} : memref<112x32xf32, #tpu.memory_space<vmem>>, vector<1x16xf32>,
    %swap3A_65 = vector.shape_cast %swap3A_64 : vector<1x16xf32> to vector<16xf32>
    %swap3A_66 = vector.shape_cast %broadcast_in_dim3A_1 : vector<16xf32> to vector<1x16xf32>
    tpu.vector_store %arg27[%swap3A_62, %swap3A_63], %swap3A_66 {strides = array<i32>} : memref<112x32xf32, #tpu.memory_space<vmem>>, vector<1x16xf32>,
    %swap3A_67 = arith.constant 5 : i32
    %swap3A_68 = arith.index_cast %swap3A_67 : i32 to index
    %swap3A_69 = arith.constant 16 : index
    %swap3A_70 = tpu.vector_load %arg27[%swap3A_68, %swap3A_69] {strides = array<i32>} : memref<112x32xf32, #tpu.memory_space<vmem>>, vector<1x16xf32>,
    %swap3A_71 = vector.shape_cast %swap3A_70 : vector<1x16xf32> to vector<16xf32>
    %swap3A_72 = vector.shape_cast %broadcast_in_dim3A_1 : vector<16xf32> to vector<1x16xf32>
    tpu.vector_store %arg27[%swap3A_68, %swap3A_69], %swap3A_72 {strides = array<i32>} : memref<112x32xf32, #tpu.memory_space<vmem>>, vector<1x16xf32>,
    %swap3A_73 = arith.constant 6 : i32
    %swap3A_74 = arith.index_cast %swap3A_73 : i32 to index
    %swap3A_75 = arith.constant 0 : index
    %swap3A_76 = tpu.vector_load %arg27[%swap3A_74, %swap3A_75] {strides = array<i32>} : memref<112x32xf32, #tpu.memory_space<vmem>>, vector<1x16xf32>,
    %swap3A_77 = vector.shape_cast %swap3A_76 : vector<1x16xf32> to vector<16xf32>
    %swap3A_78 = vector.shape_cast %broadcast_in_dim3A_1 : vector<16xf32> to vector<1x16xf32>
    tpu.vector_store %arg27[%swap3A_74, %swap3A_75], %swap3A_78 {strides = array<i32>} : memref<112x32xf32, #tpu.memory_space<vmem>>, vector<1x16xf32>,
    %swap3A_79 = arith.constant 6 : i32
    %swap3A_80 = arith.index_cast %swap3A_79 : i32 to index
    %swap3A_81 = arith.constant 16 : index
    %swap3A_82 = tpu.vector_load %arg27[%swap3A_80, %swap3A_81] {strides = array<i32>} : memref<112x32xf32, #tpu.memory_space<vmem>>, vector<1x16xf32>,
    %swap3A_83 = vector.shape_cast %swap3A_82 : vector<1x16xf32> to vector<16xf32>
    %swap3A_84 = vector.shape_cast %broadcast_in_dim3A_1 : vector<16xf32> to vector<1x16xf32>
    tpu.vector_store %arg27[%swap3A_80, %swap3A_81], %swap3A_84 {strides = array<i32>} : memref<112x32xf32, #tpu.memory_space<vmem>>, vector<1x16xf32>,
    %swap3A_85 = arith.constant 7 : i32
    %swap3A_86 = arith.index_cast %swap3A_85 : i32 to index
    %swap3A_87 = arith.constant 0 : index
    %swap3A_88 = tpu.vector_load %arg27[%swap3A_86, %swap3A_87] {strides = array<i32>} : memref<112x32xf32, #tpu.memory_space<vmem>>, vector<1x16xf32>,
    %swap3A_89 = vector.shape_cast %swap3A_88 : vector<1x16xf32> to vector<16xf32>
    %swap3A_90 = vector.shape_cast %broadcast_in_dim3A_1 : vector<16xf32> to vector<1x16xf32>
    tpu.vector_store %arg27[%swap3A_86, %swap3A_87], %swap3A_90 {strides = array<i32>} : memref<112x32xf32, #tpu.memory_space<vmem>>, vector<1x16xf32>,
    %swap3A_91 = arith.constant 7 : i32
    %swap3A_92 = arith.index_cast %swap3A_91 : i32 to index
    %swap3A_93 = arith.constant 16 : index
    %swap3A_94 = tpu.vector_load %arg27[%swap3A_92, %swap3A_93] {strides = array<i32>} : memref<112x32xf32, #tpu.memory_space<vmem>>, vector<1x16xf32>,
    %swap3A_95 = vector.shape_cast %swap3A_94 : vector<1x16xf32> to vector<16xf32>
    %swap3A_96 = vector.shape_cast %broadcast_in_dim3A_1 : vector<16xf32> to vector<1x16xf32>
    tpu.vector_store %arg27[%swap3A_92, %swap3A_93], %swap3A_96 {strides = array<i32>} : memref<112x32xf32, #tpu.memory_space<vmem>>, vector<1x16xf32>,
    %swap3A_97 = arith.constant 8 : i32
    %swap3A_98 = arith.index_cast %swap3A_97 : i32 to index
    %swap3A_99 = arith.constant 0 : index
    %swap3A_100 = tpu.vector_load %arg27[%swap3A_98, %swap3A_99] {strides = array<i32>} : memref<112x32xf32, #tpu.memory_space<vmem>>, vector<1x16xf32>,
    %swap3A_101 = vector.shape_cast %swap3A_100 : vector<1x16xf32> to vector<16xf32>
    %swap3A_102 = vector.shape_cast %broadcast_in_dim3A_1 : vector<16xf32> to vector<1x16xf32>
    tpu.vector_store %arg27[%swap3A_98, %swap3A_99], %swap3A_102 {strides = array<i32>} : memref<112x32xf32, #tpu.memory_space<vmem>>, vector<1x16xf32>,
    %swap3A_103 = arith.constant 8 : i32
    %swap3A_104 = arith.index_cast %swap3A_103 : i32 to index
    %swap3A_105 = arith.constant 16 : index
    %swap3A_106 = tpu.vector_load %arg27[%swap3A_104, %swap3A_105] {strides = array<i32>} : memref<112x32xf32, #tpu.memory_space<vmem>>, vector<1x16xf32>,
    %swap3A_107 = vector.shape_cast %swap3A_106 : vector<1x16xf32> to vector<16xf32>
    %swap3A_108 = vector.shape_cast %broadcast_in_dim3A_1 : vector<16xf32> to vector<1x16xf32>
    tpu.vector_store %arg27[%swap3A_104, %swap3A_105], %swap3A_108 {strides = array<i32>} : memref<112x32xf32, #tpu.memory_space<vmem>>, vector<1x16xf32>,
    %swap3A_109 = arith.constant 9 : i32
    %swap3A_110 = arith.index_cast %swap3A_109 : i32 to index
    %swap3A_111 = arith.constant 0 : index
    %swap3A_112 = tpu.vector_load %arg27[%swap3A_110, %swap3A_111] {strides = array<i32>} : memref<112x32xf32, #tpu.memory_space<vmem>>, vector<1x16xf32>,
    %swap3A_113 = vector.shape_cast %swap3A_112 : vector<1x16xf32> to vector<16xf32>
    %swap3A_114 = vector.shape_cast %broadcast_in_dim3A_1 : vector<16xf32> to vector<1x16xf32>
    tpu.vector_store %arg27[%swap3A_110, %swap3A_111], %swap3A_114 {strides = array<i32>} : memref<112x32xf32, #tpu.memory_space<vmem>>, vector<1x16xf32>,
    %swap3A_115 = arith.constant 9 : i32
    %swap3A_116 = arith.index_cast %swap3A_115 : i32 to index
    %swap3A_117 = arith.constant 16 : index
    %swap3A_118 = tpu.vector_load %arg27[%swap3A_116, %swap3A_117] {strides = array<i32>} : memref<112x32xf32, #tpu.memory_space<vmem>>, vector<1x16xf32>,
    %swap3A_119 = vector.shape_cast %swap3A_118 : vector<1x16xf32> to vector<16xf32>
    %swap3A_120 = vector.shape_cast %broadcast_in_dim3A_1 : vector<16xf32> to vector<1x16xf32>
    tpu.vector_store %arg27[%swap3A_116, %swap3A_117], %swap3A_120 {strides = array<i32>} : memref<112x32xf32, #tpu.memory_space<vmem>>, vector<1x16xf32>,
    %swap3A_121 = arith.constant 10 : i32
    %swap3A_122 = arith.index_cast %swap3A_121 : i32 to index
    %swap3A_123 = arith.constant 0 : index
    %swap3A_124 = tpu.vector_load %arg27[%swap3A_122, %swap3A_123] {strides = array<i32>} : memref<112x32xf32, #tpu.memory_space<vmem>>, vector<1x16xf32>,
    %swap3A_125 = vector.shape_cast %swap3A_124 : vector<1x16xf32> to vector<16xf32>
    %swap3A_126 = vector.shape_cast %broadcast_in_dim3A_1 : vector<16xf32> to vector<1x16xf32>
    tpu.vector_store %arg27[%swap3A_122, %swap3A_123], %swap3A_126 {strides = array<i32>} : memref<112x32xf32, #tpu.memory_space<vmem>>, vector<1x16xf32>,
    %swap3A_127 = arith.constant 10 : i32
    %swap3A_128 = arith.index_cast %swap3A_127 : i32 to index
    %swap3A_129 = arith.constant 16 : index
    %swap3A_130 = tpu.vector_load %arg27[%swap3A_128, %swap3A_129] {strides = array<i32>} : memref<112x32xf32, #tpu.memory_space<vmem>>, vector<1x16xf32>,
    %swap3A_131 = vector.shape_cast %swap3A_130 : vector<1x16xf32> to vector<16xf32>
    %swap3A_132 = vector.shape_cast %broadcast_in_dim3A_1 : vector<16xf32> to vector<1x16xf32>
    tpu.vector_store %arg27[%swap3A_128, %swap3A_129], %swap3A_132 {strides = array<i32>} : memref<112x32xf32, #tpu.memory_space<vmem>>, vector<1x16xf32>,
    %swap3A_133 = arith.constant 11 : i32
    %swap3A_134 = arith.index_cast %swap3A_133 : i32 to index
    %swap3A_135 = arith.constant 0 : index
    %swap3A_136 = tpu.vector_load %arg27[%swap3A_134, %swap3A_135] {strides = array<i32>} : memref<112x32xf32, #tpu.memory_space<vmem>>, vector<1x16xf32>,
    %swap3A_137 = vector.shape_cast %swap3A_136 : vector<1x16xf32> to vector<16xf32>
    %swap3A_138 = vector.shape_cast %broadcast_in_dim3A_1 : vector<16xf32> to vector<1x16xf32>
    tpu.vector_store %arg27[%swap3A_134, %swap3A_135], %swap3A_138 {strides = array<i32>} : memref<112x32xf32, #tpu.memory_space<vmem>>, vector<1x16xf32>,
    %swap3A_139 = arith.constant 11 : i32
    %swap3A_140 = arith.index_cast %swap3A_139 : i32 to index
    %swap3A_141 = arith.constant 16 : index
    %swap3A_142 = tpu.vector_load %arg27[%swap3A_140, %swap3A_141] {strides = array<i32>} : memref<112x32xf32, #tpu.memory_space<vmem>>, vector<1x16xf32>,
    %swap3A_143 = vector.shape_cast %swap3A_142 : vector<1x16xf32> to vector<16xf32>
    %swap3A_144 = vector.shape_cast %broadcast_in_dim3A_1 : vector<16xf32> to vector<1x16xf32>
    tpu.vector_store %arg27[%swap3A_140, %swap3A_141], %swap3A_144 {strides = array<i32>} : memref<112x32xf32, #tpu.memory_space<vmem>>, vector<1x16xf32>,
    %swap3A_145 = arith.constant 12 : i32
    %swap3A_146 = arith.index_cast %swap3A_145 : i32 to index
    %swap3A_147 = arith.constant 0 : index
    %swap3A_148 = tpu.vector_load %arg27[%swap3A_146, %swap3A_147] {strides = array<i32>} : memref<112x32xf32, #tpu.memory_space<vmem>>, vector<1x16xf32>,
    %swap3A_149 = vector.shape_cast %swap3A_148 : vector<1x16xf32> to vector<16xf32>
    %swap3A_150 = vector.shape_cast %broadcast_in_dim3A_1 : vector<16xf32> to vector<1x16xf32>
    tpu.vector_store %arg27[%swap3A_146, %swap3A_147], %swap3A_150 {strides = array<i32>} : memref<112x32xf32, #tpu.memory_space<vmem>>, vector<1x16xf32>,
    %swap3A_151 = arith.constant 12 : i32
    %swap3A_152 = arith.index_cast %swap3A_151 : i32 to index
    %swap3A_153 = arith.constant 16 : index
    %swap3A_154 = tpu.vector_load %arg27[%swap3A_152, %swap3A_153] {strides = array<i32>} : memref<112x32xf32, #tpu.memory_space<vmem>>, vector<1x16xf32>,
    %swap3A_155 = vector.shape_cast %swap3A_154 : vector<1x16xf32> to vector<16xf32>
    %swap3A_156 = vector.shape_cast %broadcast_in_dim3A_1 : vector<16xf32> to vector<1x16xf32>
    tpu.vector_store %arg27[%swap3A_152, %swap3A_153], %swap3A_156 {strides = array<i32>} : memref<112x32xf32, #tpu.memory_space<vmem>>, vector<1x16xf32>,
    %swap3A_157 = arith.constant 13 : i32
    %swap3A_158 = arith.index_cast %swap3A_157 : i32 to index
    %swap3A_159 = arith.constant 0 : index
    %swap3A_160 = tpu.vector_load %arg27[%swap3A_158, %swap3A_159] {strides = array<i32>} : memref<112x32xf32, #tpu.memory_space<vmem>>, vector<1x16xf32>,
    %swap3A_161 = vector.shape_cast %swap3A_160 : vector<1x16xf32> to vector<16xf32>
    %swap3A_162 = vector.shape_cast %broadcast_in_dim3A_1 : vector<16xf32> to vector<1x16xf32>
    tpu.vector_store %arg27[%swap3A_158, %swap3A_159], %swap3A_162 {strides = array<i32>} : memref<112x32xf32, #tpu.memory_space<vmem>>, vector<1x16xf32>,
    %swap3A_163 = arith.constant 13 : i32
    %swap3A_164 = arith.index_cast %swap3A_163 : i32 to index
    %swap3A_165 = arith.constant 16 : index
    %swap3A_166 = tpu.vector_load %arg27[%swap3A_164, %swap3A_165] {strides = array<i32>} : memref<112x32xf32, #tpu.memory_space<vmem>>, vector<1x16xf32>,
    %swap3A_167 = vector.shape_cast %swap3A_166 : vector<1x16xf32> to vector<16xf32>
    %swap3A_168 = vector.shape_cast %broadcast_in_dim3A_1 : vector<16xf32> to vector<1x16xf32>
    tpu.vector_store %arg27[%swap3A_164, %swap3A_165], %swap3A_168 {strides = array<i32>} : memref<112x32xf32, #tpu.memory_space<vmem>>, vector<1x16xf32>,
    %swap3A_169 = arith.constant 14 : i32
    %swap3A_170 = arith.index_cast %swap3A_169 : i32 to index
    %swap3A_171 = arith.constant 0 : index
    %swap3A_172 = tpu.vector_load %arg27[%swap3A_170, %swap3A_171] {strides = array<i32>} : memref<112x32xf32, #tpu.memory_space<vmem>>, vector<1x16xf32>,
    %swap3A_173 = vector.shape_cast %swap3A_172 : vector<1x16xf32> to vector<16xf32>
    %swap3A_174 = vector.shape_cast %broadcast_in_dim3A_1 : vector<16xf32> to vector<1x16xf32>
    tpu.vector_store %arg27[%swap3A_170, %swap3A_171], %swap3A_174 {strides = array<i32>} : memref<112x32xf32, #tpu.memory_space<vmem>>, vector<1x16xf32>,
    %swap3A_175 = arith.constant 14 : i32
    %swap3A_176 = arith.index_cast %swap3A_175 : i32 to index
    %swap3A_177 = arith.constant 16 : index
    %swap3A_178 = tpu.vector_load %arg27[%swap3A_176, %swap3A_177] {strides = array<i32>} : memref<112x32xf32, #tpu.memory_space<vmem>>, vector<1x16xf32>,
    %swap3A_179 = vector.shape_cast %swap3A_178 : vector<1x16xf32> to vector<16xf32>
    %swap3A_180 = vector.shape_cast %broadcast_in_dim3A_1 : vector<16xf32> to vector<1x16xf32>
    tpu.vector_store %arg27[%swap3A_176, %swap3A_177], %swap3A_180 {strides = array<i32>} : memref<112x32xf32, #tpu.memory_space<vmem>>, vector<1x16xf32>,
    %swap3A_181 = arith.constant 15 : i32
    %swap3A_182 = arith.index_cast %swap3A_181 : i32 to index
    %swap3A_183 = arith.constant 0 : index
    %swap3A_184 = tpu.vector_load %arg27[%swap3A_182, %swap3A_183] {strides = array<i32>} : memref<112x32xf32, #tpu.memory_space<vmem>>, vector<1x16xf32>,
    %swap3A_185 = vector.shape_cast %swap3A_184 : vector<1x16xf32> to vector<16xf32>
    %swap3A_186 = vector.shape_cast %broadcast_in_dim3A_1 : vector<16xf32> to vector<1x16xf32>
    tpu.vector_store %arg27[%swap3A_182, %swap3A_183], %swap3A_186 {strides = array<i32>} : memref<112x32xf32, #tpu.memory_space<vmem>>, vector<1x16xf32>,
    %swap3A_187 = arith.constant 15 : i32
    %swap3A_188 = arith.index_cast %swap3A_187 : i32 to index
    %swap3A_189 = arith.constant 16 : index
    %swap3A_190 = tpu.vector_load %arg27[%swap3A_188, %swap3A_189] {strides = array<i32>} : memref<112x32xf32, #tpu.memory_space<vmem>>, vector<1x16xf32>,
    %swap3A_191 = vector.shape_cast %swap3A_190 : vector<1x16xf32> to vector<16xf32>
    %swap3A_192 = vector.shape_cast %broadcast_in_dim3A_1 : vector<16xf32> to vector<1x16xf32>
    tpu.vector_store %arg27[%swap3A_188, %swap3A_189], %swap3A_192 {strides = array<i32>} : memref<112x32xf32, #tpu.memory_space<vmem>>, vector<1x16xf32>,
    %swap3A_193 = arith.constant 16 : i32
    %swap3A_194 = arith.index_cast %swap3A_193 : i32 to index
    %swap3A_195 = arith.constant 0 : index
    %swap3A_196 = tpu.vector_load %arg27[%swap3A_194, %swap3A_195] {strides = array<i32>} : memref<112x32xf32, #tpu.memory_space<vmem>>, vector<1x16xf32>,
    %swap3A_197 = vector.shape_cast %swap3A_196 : vector<1x16xf32> to vector<16xf32>
    %swap3A_198 = vector.shape_cast %broadcast_in_dim3A_1 : vector<16xf32> to vector<1x16xf32>
    tpu.vector_store %arg27[%swap3A_194, %swap3A_195], %swap3A_198 {strides = array<i32>} : memref<112x32xf32, #tpu.memory_space<vmem>>, vector<1x16xf32>,
    %swap3A_199 = arith.constant 16 : i32
    %swap3A_200 = arith.index_cast %swap3A_199 : i32 to index
    %swap3A_201 = arith.constant 16 : index
    %swap3A_202 = tpu.vector_load %arg27[%swap3A_200, %swap3A_201] {strides = array<i32>} : memref<112x32xf32, #tpu.memory_space<vmem>>, vector<1x16xf32>,
    %swap3A_203 = vector.shape_cast %swap3A_202 : vector<1x16xf32> to vector<16xf32>
    %swap3A_204 = vector.shape_cast %broadcast_in_dim3A_1 : vector<16xf32> to vector<1x16xf32>
    tpu.vector_store %arg27[%swap3A_200, %swap3A_201], %swap3A_204 {strides = array<i32>} : memref<112x32xf32, #tpu.memory_space<vmem>>, vector<1x16xf32>,
    %swap3A_205 = arith.constant 17 : i32
    %swap3A_206 = arith.index_cast %swap3A_205 : i32 to index
    %swap3A_207 = arith.constant 0 : index
    %swap3A_208 = tpu.vector_load %arg27[%swap3A_206, %swap3A_207] {strides = array<i32>} : memref<112x32xf32, #tpu.memory_space<vmem>>, vector<1x16xf32>,
    %swap3A_209 = vector.shape_cast %swap3A_208 : vector<1x16xf32> to vector<16xf32>
    %swap3A_210 = vector.shape_cast %broadcast_in_dim3A_1 : vector<16xf32> to vector<1x16xf32>
    tpu.vector_store %arg27[%swap3A_206, %swap3A_207], %swap3A_210 {strides = array<i32>} : memref<112x32xf32, #tpu.memory_space<vmem>>, vector<1x16xf32>,
    %swap3A_211 = arith.constant 17 : i32
    %swap3A_212 = arith.index_cast %swap3A_211 : i32 to index
    %swap3A_213 = arith.constant 16 : index
    %swap3A_214 = tpu.vector_load %arg27[%swap3A_212, %swap3A_213] {strides = array<i32>} : memref<112x32xf32, #tpu.memory_space<vmem>>, vector<1x16xf32>,
    %swap3A_215 = vector.shape_cast %swap3A_214 : vector<1x16xf32> to vector<16xf32>
    %swap3A_216 = vector.shape_cast %broadcast_in_dim3A_1 : vector<16xf32> to vector<1x16xf32>
    tpu.vector_store %arg27[%swap3A_212, %swap3A_213], %swap3A_216 {strides = array<i32>} : memref<112x32xf32, #tpu.memory_space<vmem>>, vector<1x16xf32>,
    %swap3A_217 = arith.constant 18 : i32
    %swap3A_218 = arith.index_cast %swap3A_217 : i32 to index
    %swap3A_219 = arith.constant 0 : index
    %swap3A_220 = tpu.vector_load %arg27[%swap3A_218, %swap3A_219] {strides = array<i32>} : memref<112x32xf32, #tpu.memory_space<vmem>>, vector<1x16xf32>,
    %swap3A_221 = vector.shape_cast %swap3A_220 : vector<1x16xf32> to vector<16xf32>
    %swap3A_222 = vector.shape_cast %broadcast_in_dim3A_1 : vector<16xf32> to vector<1x16xf32>
    tpu.vector_store %arg27[%swap3A_218, %swap3A_219], %swap3A_222 {strides = array<i32>} : memref<112x32xf32, #tpu.memory_space<vmem>>, vector<1x16xf32>,
    %swap3A_223 = arith.constant 18 : i32
    %swap3A_224 = arith.index_cast %swap3A_223 : i32 to index
    %swap3A_225 = arith.constant 16 : index
    %swap3A_226 = tpu.vector_load %arg27[%swap3A_224, %swap3A_225] {strides = array<i32>} : memref<112x32xf32, #tpu.memory_space<vmem>>, vector<1x16xf32>,
    %swap3A_227 = vector.shape_cast %swap3A_226 : vector<1x16xf32> to vector<16xf32>
    %swap3A_228 = vector.shape_cast %broadcast_in_dim3A_1 : vector<16xf32> to vector<1x16xf32>
    tpu.vector_store %arg27[%swap3A_224, %swap3A_225], %swap3A_228 {strides = array<i32>} : memref<112x32xf32, #tpu.memory_space<vmem>>, vector<1x16xf32>,
    %swap3A_229 = arith.constant 19 : i32
    %swap3A_230 = arith.index_cast %swap3A_229 : i32 to index
    %swap3A_231 = arith.constant 0 : index
    %swap3A_232 = tpu.vector_load %arg27[%swap3A_230, %swap3A_231] {strides = array<i32>} : memref<112x32xf32, #tpu.memory_space<vmem>>, vector<1x16xf32>,
    %swap3A_233 = vector.shape_cast %swap3A_232 : vector<1x16xf32> to vector<16xf32>
    %swap3A_234 = vector.shape_cast %broadcast_in_dim3A_1 : vector<16xf32> to vector<1x16xf32>
    tpu.vector_store %arg27[%swap3A_230, %swap3A_231], %swap3A_234 {strides = array<i32>} : memref<112x32xf32, #tpu.memory_space<vmem>>, vector<1x16xf32>,
    %swap3A_235 = arith.constant 19 : i32
    %swap3A_236 = arith.index_cast %swap3A_235 : i32 to index
    %swap3A_237 = arith.constant 16 : index
    %swap3A_238 = tpu.vector_load %arg27[%swap3A_236, %swap3A_237] {strides = array<i32>} : memref<112x32xf32, #tpu.memory_space<vmem>>, vector<1x16xf32>,
    %swap3A_239 = vector.shape_cast %swap3A_238 : vector<1x16xf32> to vector<16xf32>
    %swap3A_240 = vector.shape_cast %broadcast_in_dim3A_1 : vector<16xf32> to vector<1x16xf32>
    tpu.vector_store %arg27[%swap3A_236, %swap3A_237], %swap3A_240 {strides = array<i32>} : memref<112x32xf32, #tpu.memory_space<vmem>>, vector<1x16xf32>,
    %swap3A_241 = arith.constant 20 : i32
    %swap3A_242 = arith.index_cast %swap3A_241 : i32 to index
    %swap3A_243 = arith.constant 0 : index
    %swap3A_244 = tpu.vector_load %arg27[%swap3A_242, %swap3A_243] {strides = array<i32>} : memref<112x32xf32, #tpu.memory_space<vmem>>, vector<1x16xf32>,
    %swap3A_245 = vector.shape_cast %swap3A_244 : vector<1x16xf32> to vector<16xf32>
    %swap3A_246 = vector.shape_cast %broadcast_in_dim3A_1 : vector<16xf32> to vector<1x16xf32>
    tpu.vector_store %arg27[%swap3A_242, %swap3A_243], %swap3A_246 {strides = array<i32>} : memref<112x32xf32, #tpu.memory_space<vmem>>, vector<1x16xf32>,
    %swap3A_247 = arith.constant 20 : i32
    %swap3A_248 = arith.index_cast %swap3A_247 : i32 to index
    %swap3A_249 = arith.constant 16 : index
    %swap3A_250 = tpu.vector_load %arg27[%swap3A_248, %swap3A_249] {strides = array<i32>} : memref<112x32xf32, #tpu.memory_space<vmem>>, vector<1x16xf32>,
    %swap3A_251 = vector.shape_cast %swap3A_250 : vector<1x16xf32> to vector<16xf32>
    %swap3A_252 = vector.shape_cast %broadcast_in_dim3A_1 : vector<16xf32> to vector<1x16xf32>
    tpu.vector_store %arg27[%swap3A_248, %swap3A_249], %swap3A_252 {strides = array<i32>} : memref<112x32xf32, #tpu.memory_space<vmem>>, vector<1x16xf32>,
    %swap3A_253 = arith.constant 21 : i32
    %swap3A_254 = arith.index_cast %swap3A_253 : i32 to index
    %swap3A_255 = arith.constant 0 : index
    %swap3A_256 = tpu.vector_load %arg27[%swap3A_254, %swap3A_255] {strides = array<i32>} : memref<112x32xf32, #tpu.memory_space<vmem>>, vector<1x16xf32>,
    %swap3A_257 = vector.shape_cast %swap3A_256 : vector<1x16xf32> to vector<16xf32>
    %swap3A_258 = vector.shape_cast %broadcast_in_dim3A_1 : vector<16xf32> to vector<1x16xf32>
    tpu.vector_store %arg27[%swap3A_254, %swap3A_255], %swap3A_258 {strides = array<i32>} : memref<112x32xf32, #tpu.memory_space<vmem>>, vector<1x16xf32>,
    %swap3A_259 = arith.constant 21 : i32
    %swap3A_260 = arith.index_cast %swap3A_259 : i32 to index
    %swap3A_261 = arith.constant 16 : index
    %swap3A_262 = tpu.vector_load %arg27[%swap3A_260, %swap3A_261] {strides = array<i32>} : memref<112x32xf32, #tpu.memory_space<vmem>>, vector<1x16xf32>,
    %swap3A_263 = vector.shape_cast %swap3A_262 : vector<1x16xf32> to vector<16xf32>
    %swap3A_264 = vector.shape_cast %broadcast_in_dim3A_1 : vector<16xf32> to vector<1x16xf32>
    tpu.vector_store %arg27[%swap3A_260, %swap3A_261], %swap3A_264 {strides = array<i32>} : memref<112x32xf32, #tpu.memory_space<vmem>>, vector<1x16xf32>,
    %swap3A_265 = arith.constant 22 : i32
    %swap3A_266 = arith.index_cast %swap3A_265 : i32 to index
    %swap3A_267 = arith.constant 0 : index
    %swap3A_268 = tpu.vector_load %arg27[%swap3A_266, %swap3A_267] {strides = array<i32>} : memref<112x32xf32, #tpu.memory_space<vmem>>, vector<1x16xf32>,
    %swap3A_269 = vector.shape_cast %swap3A_268 : vector<1x16xf32> to vector<16xf32>
    %swap3A_270 = vector.shape_cast %broadcast_in_dim3A_1 : vector<16xf32> to vector<1x16xf32>
    tpu.vector_store %arg27[%swap3A_266, %swap3A_267], %swap3A_270 {strides = array<i32>} : memref<112x32xf32, #tpu.memory_space<vmem>>, vector<1x16xf32>,
    %swap3A_271 = arith.constant 22 : i32
    %swap3A_272 = arith.index_cast %swap3A_271 : i32 to index
    %swap3A_273 = arith.constant 16 : index
    %swap3A_274 = tpu.vector_load %arg27[%swap3A_272, %swap3A_273] {strides = array<i32>} : memref<112x32xf32, #tpu.memory_space<vmem>>, vector<1x16xf32>,
    %swap3A_275 = vector.shape_cast %swap3A_274 : vector<1x16xf32> to vector<16xf32>
    %swap3A_276 = vector.shape_cast %broadcast_in_dim3A_1 : vector<16xf32> to vector<1x16xf32>
    tpu.vector_store %arg27[%swap3A_272, %swap3A_273], %swap3A_276 {strides = array<i32>} : memref<112x32xf32, #tpu.memory_space<vmem>>, vector<1x16xf32>,
    %swap3A_277 = arith.constant 23 : i32
    %swap3A_278 = arith.index_cast %swap3A_277 : i32 to index
    %swap3A_279 = arith.constant 0 : index
    %swap3A_280 = tpu.vector_load %arg27[%swap3A_278, %swap3A_279] {strides = array<i32>} : memref<112x32xf32, #tpu.memory_space<vmem>>, vector<1x16xf32>,
    %swap3A_281 = vector.shape_cast %swap3A_280 : vector<1x16xf32> to vector<16xf32>
    %swap3A_282 = vector.shape_cast %broadcast_in_dim3A_1 : vector<16xf32> to vector<1x16xf32>
    tpu.vector_store %arg27[%swap3A_278, %swap3A_279], %swap3A_282 {strides = array<i32>} : memref<112x32xf32, #tpu.memory_space<vmem>>, vector<1x16xf32>,
    %swap3A_283 = arith.constant 23 : i32
    %swap3A_284 = arith.index_cast %swap3A_283 : i32 to index
    %swap3A_285 = arith.constant 16 : index
    %swap3A_286 = tpu.vector_load %arg27[%swap3A_284, %swap3A_285] {strides = array<i32>} : memref<112x32xf32, #tpu.memory_space<vmem>>, vector<1x16xf32>,
    %swap3A_287 = vector.shape_cast %swap3A_286 : vector<1x16xf32> to vector<16xf32>
    %swap3A_288 = vector.shape_cast %broadcast_in_dim3A_1 : vector<16xf32> to vector<1x16xf32>
    tpu.vector_store %arg27[%swap3A_284, %swap3A_285], %swap3A_288 {strides = array<i32>} : memref<112x32xf32, #tpu.memory_space<vmem>>, vector<1x16xf32>,
    %swap3A_289 = arith.constant 24 : i32
    %swap3A_290 = arith.index_cast %swap3A_289 : i32 to index
    %swap3A_291 = arith.constant 0 : index
    %swap3A_292 = tpu.vector_load %arg27[%swap3A_290, %swap3A_291] {strides = array<i32>} : memref<112x32xf32, #tpu.memory_space<vmem>>, vector<1x16xf32>,
    %swap3A_293 = vector.shape_cast %swap3A_292 : vector<1x16xf32> to vector<16xf32>
    %swap3A_294 = vector.shape_cast %broadcast_in_dim3A_1 : vector<16xf32> to vector<1x16xf32>
    tpu.vector_store %arg27[%swap3A_290, %swap3A_291], %swap3A_294 {strides = array<i32>} : memref<112x32xf32, #tpu.memory_space<vmem>>, vector<1x16xf32>,
    %swap3A_295 = arith.constant 24 : i32
    %swap3A_296 = arith.index_cast %swap3A_295 : i32 to index
    %swap3A_297 = arith.constant 16 : index
    %swap3A_298 = tpu.vector_load %arg27[%swap3A_296, %swap3A_297] {strides = array<i32>} : memref<112x32xf32, #tpu.memory_space<vmem>>, vector<1x16xf32>,
    %swap3A_299 = vector.shape_cast %swap3A_298 : vector<1x16xf32> to vector<16xf32>
    %swap3A_300 = vector.shape_cast %broadcast_in_dim3A_1 : vector<16xf32> to vector<1x16xf32>
    tpu.vector_store %arg27[%swap3A_296, %swap3A_297], %swap3A_300 {strides = array<i32>} : memref<112x32xf32, #tpu.memory_space<vmem>>, vector<1x16xf32>,
    %swap3A_301 = arith.constant 25 : i32
    %swap3A_302 = arith.index_cast %swap3A_301 : i32 to index
    %swap3A_303 = arith.constant 0 : index
    %swap3A_304 = tpu.vector_load %arg27[%swap3A_302, %swap3A_303] {strides = array<i32>} : memref<112x32xf32, #tpu.memory_space<vmem>>, vector<1x16xf32>,
    %swap3A_305 = vector.shape_cast %swap3A_304 : vector<1x16xf32> to vector<16xf32>
    %swap3A_306 = vector.shape_cast %broadcast_in_dim3A_1 : vector<16xf32> to vector<1x16xf32>
    tpu.vector_store %arg27[%swap3A_302, %swap3A_303], %swap3A_306 {strides = array<i32>} : memref<112x32xf32, #tpu.memory_space<vmem>>, vector<1x16xf32>,
    %swap3A_307 = arith.constant 25 : i32
    %swap3A_308 = arith.index_cast %swap3A_307 : i32 to index
    %swap3A_309 = arith.constant 16 : index
    %swap3A_310 = tpu.vector_load %arg27[%swap3A_308, %swap3A_309] {strides = array<i32>} : memref<112x32xf32, #tpu.memory_space<vmem>>, vector<1x16xf32>,
    %swap3A_311 = vector.shape_cast %swap3A_310 : vector<1x16xf32> to vector<16xf32>
    %swap3A_312 = vector.shape_cast %broadcast_in_dim3A_1 : vector<16xf32> to vector<1x16xf32>
    tpu.vector_store %arg27[%swap3A_308, %swap3A_309], %swap3A_312 {strides = array<i32>} : memref<112x32xf32, #tpu.memory_space<vmem>>, vector<1x16xf32>,
    %swap3A_313 = arith.constant 26 : i32
    %swap3A_314 = arith.index_cast %swap3A_313 : i32 to index
    %swap3A_315 = arith.constant 0 : index
    %swap3A_316 = tpu.vector_load %arg27[%swap3A_314, %swap3A_315] {strides = array<i32>} : memref<112x32xf32, #tpu.memory_space<vmem>>, vector<1x16xf32>,
    %swap3A_317 = vector.shape_cast %swap3A_316 : vector<1x16xf32> to vector<16xf32>
    %swap3A_318 = vector.shape_cast %broadcast_in_dim3A_1 : vector<16xf32> to vector<1x16xf32>
    tpu.vector_store %arg27[%swap3A_314, %swap3A_315], %swap3A_318 {strides = array<i32>} : memref<112x32xf32, #tpu.memory_space<vmem>>, vector<1x16xf32>,
    %swap3A_319 = arith.constant 26 : i32
    %swap3A_320 = arith.index_cast %swap3A_319 : i32 to index
    %swap3A_321 = arith.constant 16 : index
    %swap3A_322 = tpu.vector_load %arg27[%swap3A_320, %swap3A_321] {strides = array<i32>} : memref<112x32xf32, #tpu.memory_space<vmem>>, vector<1x16xf32>,
    %swap3A_323 = vector.shape_cast %swap3A_322 : vector<1x16xf32> to vector<16xf32>
    %swap3A_324 = vector.shape_cast %broadcast_in_dim3A_1 : vector<16xf32> to vector<1x16xf32>
    tpu.vector_store %arg27[%swap3A_320, %swap3A_321], %swap3A_324 {strides = array<i32>} : memref<112x32xf32, #tpu.memory_space<vmem>>, vector<1x16xf32>,
    %swap3A_325 = arith.constant 27 : i32
    %swap3A_326 = arith.index_cast %swap3A_325 : i32 to index
    %swap3A_327 = arith.constant 0 : index
    %swap3A_328 = tpu.vector_load %arg27[%swap3A_326, %swap3A_327] {strides = array<i32>} : memref<112x32xf32, #tpu.memory_space<vmem>>, vector<1x16xf32>,
    %swap3A_329 = vector.shape_cast %swap3A_328 : vector<1x16xf32> to vector<16xf32>
    %swap3A_330 = vector.shape_cast %broadcast_in_dim3A_1 : vector<16xf32> to vector<1x16xf32>
    tpu.vector_store %arg27[%swap3A_326, %swap3A_327], %swap3A_330 {strides = array<i32>} : memref<112x32xf32, #tpu.memory_space<vmem>>, vector<1x16xf32>,
    %swap3A_331 = arith.constant 27 : i32
    %swap3A_332 = arith.index_cast %swap3A_331 : i32 to index
    %swap3A_333 = arith.constant 16 : index
    %swap3A_334 = tpu.vector_load %arg27[%swap3A_332, %swap3A_333] {strides = array<i32>} : memref<112x32xf32, #tpu.memory_space<vmem>>, vector<1x16xf32>,
    %swap3A_335 = vector.shape_cast %swap3A_334 : vector<1x16xf32> to vector<16xf32>
    %swap3A_336 = vector.shape_cast %broadcast_in_dim3A_1 : vector<16xf32> to vector<1x16xf32>
    tpu.vector_store %arg27[%swap3A_332, %swap3A_333], %swap3A_336 {strides = array<i32>} : memref<112x32xf32, #tpu.memory_space<vmem>>, vector<1x16xf32>,
    %swap3A_337 = arith.constant 28 : i32
    %swap3A_338 = arith.index_cast %swap3A_337 : i32 to index
    %swap3A_339 = arith.constant 0 : index
    %swap3A_340 = tpu.vector_load %arg27[%swap3A_338, %swap3A_339] {strides = array<i32>} : memref<112x32xf32, #tpu.memory_space<vmem>>, vector<1x16xf32>,
    %swap3A_341 = vector.shape_cast %swap3A_340 : vector<1x16xf32> to vector<16xf32>
    %swap3A_342 = vector.shape_cast %broadcast_in_dim3A_1 : vector<16xf32> to vector<1x16xf32>
    tpu.vector_store %arg27[%swap3A_338, %swap3A_339], %swap3A_342 {strides = array<i32>} : memref<112x32xf32, #tpu.memory_space<vmem>>, vector<1x16xf32>,
    %swap3A_343 = arith.constant 28 : i32
    %swap3A_344 = arith.index_cast %swap3A_343 : i32 to index
    %swap3A_345 = arith.constant 16 : index
    %swap3A_346 = tpu.vector_load %arg27[%swap3A_344, %swap3A_345] {strides = array<i32>} : memref<112x32xf32, #tpu.memory_space<vmem>>, vector<1x16xf32>,
    %swap3A_347 = vector.shape_cast %swap3A_346 : vector<1x16xf32> to vector<16xf32>
    %swap3A_348 = vector.shape_cast %broadcast_in_dim3A_1 : vector<16xf32> to vector<1x16xf32>
    tpu.vector_store %arg27[%swap3A_344, %swap3A_345], %swap3A_348 {strides = array<i32>} : memref<112x32xf32, #tpu.memory_space<vmem>>, vector<1x16xf32>,
    %swap3A_349 = arith.constant 29 : i32
    %swap3A_350 = arith.index_cast %swap3A_349 : i32 to index
    %swap3A_351 = arith.constant 0 : index
    %swap3A_352 = tpu.vector_load %arg27[%swap3A_350, %swap3A_351] {strides = array<i32>} : memref<112x32xf32, #tpu.memory_space<vmem>>, vector<1x16xf32>,
    %swap3A_353 = vector.shape_cast %swap3A_352 : vector<1x16xf32> to vector<16xf32>
    %swap3A_354 = vector.shape_cast %broadcast_in_dim3A_1 : vector<16xf32> to vector<1x16xf32>
    tpu.vector_store %arg27[%swap3A_350, %swap3A_351], %swap3A_354 {strides = array<i32>} : memref<112x32xf32, #tpu.memory_space<vmem>>, vector<1x16xf32>,
    %swap3A_355 = arith.constant 29 : i32
    %swap3A_356 = arith.index_cast %swap3A_355 : i32 to index
    %swap3A_357 = arith.constant 16 : index
    %swap3A_358 = tpu.vector_load %arg27[%swap3A_356, %swap3A_357] {strides = array<i32>} : memref<112x32xf32, #tpu.memory_space<vmem>>, vector<1x16xf32>,
    %swap3A_359 = vector.shape_cast %swap3A_358 : vector<1x16xf32> to vector<16xf32>
    %swap3A_360 = vector.shape_cast %broadcast_in_dim3A_1 : vector<16xf32> to vector<1x16xf32>
    tpu.vector_store %arg27[%swap3A_356, %swap3A_357], %swap3A_360 {strides = array<i32>} : memref<112x32xf32, #tpu.memory_space<vmem>>, vector<1x16xf32>,
    %swap3A_361 = arith.constant 30 : i32
    %swap3A_362 = arith.index_cast %swap3A_361 : i32 to index
    %swap3A_363 = arith.constant 0 : index
    %swap3A_364 = tpu.vector_load %arg27[%swap3A_362, %swap3A_363] {strides = array<i32>} : memref<112x32xf32, #tpu.memory_space<vmem>>, vector<1x16xf32>,
    %swap3A_365 = vector.shape_cast %swap3A_364 : vector<1x16xf32> to vector<16xf32>
    %swap3A_366 = vector.shape_cast %broadcast_in_dim3A_1 : vector<16xf32> to vector<1x16xf32>
    tpu.vector_store %arg27[%swap3A_362, %swap3A_363], %swap3A_366 {strides = array<i32>} : memref<112x32xf32, #tpu.memory_space<vmem>>, vector<1x16xf32>,
    %swap3A_367 = arith.constant 30 : i32
    %swap3A_368 = arith.index_cast %swap3A_367 : i32 to index
    %swap3A_369 = arith.constant 16 : index
    %swap3A_370 = tpu.vector_load %arg27[%swap3A_368, %swap3A_369] {strides = array<i32>} : memref<112x32xf32, #tpu.memory_space<vmem>>, vector<1x16xf32>,
    %swap3A_371 = vector.shape_cast %swap3A_370 : vector<1x16xf32> to vector<16xf32>
    %swap3A_372 = vector.shape_cast %broadcast_in_dim3A_1 : vector<16xf32> to vector<1x16xf32>
    tpu.vector_store %arg27[%swap3A_368, %swap3A_369], %swap3A_372 {strides = array<i32>} : memref<112x32xf32, #tpu.memory_space<vmem>>, vector<1x16xf32>,
    %swap3A_373 = arith.constant 31 : i32
    %swap3A_374 = arith.index_cast %swap3A_373 : i32 to index
    %swap3A_375 = arith.constant 0 : index
    %swap3A_376 = tpu.vector_load %arg27[%swap3A_374, %swap3A_375] {strides = array<i32>} : memref<112x32xf32, #tpu.memory_space<vmem>>, vector<1x16xf32>,
    %swap3A_377 = vector.shape_cast %swap3A_376 : vector<1x16xf32> to vector<16xf32>
    %swap3A_378 = vector.shape_cast %broadcast_in_dim3A_1 : vector<16xf32> to vector<1x16xf32>
    tpu.vector_store %arg27[%swap3A_374, %swap3A_375], %swap3A_378 {strides = array<i32>} : memref<112x32xf32, #tpu.memory_space<vmem>>, vector<1x16xf32>,
    %swap3A_379 = arith.constant 31 : i32
    %swap3A_380 = arith.index_cast %swap3A_379 : i32 to index
    %swap3A_381 = arith.constant 16 : index
    %swap3A_382 = tpu.vector_load %arg27[%swap3A_380, %swap3A_381] {strides = array<i32>} : memref<112x32xf32, #tpu.memory_space<vmem>>, vector<1x16xf32>,
    %swap3A_383 = vector.shape_cast %swap3A_382 : vector<1x16xf32> to vector<16xf32>
    %swap3A_384 = vector.shape_cast %broadcast_in_dim3A_1 : vector<16xf32> to vector<1x16xf32>
    tpu.vector_store %arg27[%swap3A_380, %swap3A_381], %swap3A_384 {strides = array<i32>} : memref<112x32xf32, #tpu.memory_space<vmem>>, vector<1x16xf32>,
    %swap3A_385 = arith.constant 32 : i32
    %swap3A_386 = arith.index_cast %swap3A_385 : i32 to index
    %swap3A_387 = arith.constant 0 : index
    %swap3A_388 = tpu.vector_load %arg27[%swap3A_386, %swap3A_387] {strides = array<i32>} : memref<112x32xf32, #tpu.memory_space<vmem>>, vector<1x16xf32>,
    %swap3A_389 = vector.shape_cast %swap3A_388 : vector<1x16xf32> to vector<16xf32>
    %swap3A_390 = vector.shape_cast %broadcast_in_dim3A_1 : vector<16xf32> to vector<1x16xf32>
    tpu.vector_store %arg27[%swap3A_386, %swap3A_387], %swap3A_390 {strides = array<i32>} : memref<112x32xf32, #tpu.memory_space<vmem>>, vector<1x16xf32>,
    %swap3A_391 = arith.constant 32 : i32
    %swap3A_392 = arith.index_cast %swap3A_391 : i32 to index
    %swap3A_393 = arith.constant 16 : index
    %swap3A_394 = tpu.vector_load %arg27[%swap3A_392, %swap3A_393] {strides = array<i32>} : memref<112x32xf32, #tpu.memory_space<vmem>>, vector<1x16xf32>,
    %swap3A_395 = vector.shape_cast %swap3A_394 : vector<1x16xf32> to vector<16xf32>
    %swap3A_396 = vector.shape_cast %broadcast_in_dim3A_1 : vector<16xf32> to vector<1x16xf32>
    tpu.vector_store %arg27[%swap3A_392, %swap3A_393], %swap3A_396 {strides = array<i32>} : memref<112x32xf32, #tpu.memory_space<vmem>>, vector<1x16xf32>,
    %swap3A_397 = arith.constant 33 : i32
    %swap3A_398 = arith.index_cast %swap3A_397 : i32 to index
    %swap3A_399 = arith.constant 0 : index
    %swap3A_400 = tpu.vector_load %arg27[%swap3A_398, %swap3A_399] {strides = array<i32>} : memref<112x32xf32, #tpu.memory_space<vmem>>, vector<1x16xf32>,
    %swap3A_401 = vector.shape_cast %swap3A_400 : vector<1x16xf32> to vector<16xf32>
    %swap3A_402 = vector.shape_cast %broadcast_in_dim3A_1 : vector<16xf32> to vector<1x16xf32>
    tpu.vector_store %arg27[%swap3A_398, %swap3A_399], %swap3A_402 {strides = array<i32>} : memref<112x32xf32, #tpu.memory_space<vmem>>, vector<1x16xf32>,
    %swap3A_403 = arith.constant 33 : i32
    %swap3A_404 = arith.index_cast %swap3A_403 : i32 to index
    %swap3A_405 = arith.constant 16 : index
    %swap3A_406 = tpu.vector_load %arg27[%swap3A_404, %swap3A_405] {strides = array<i32>} : memref<112x32xf32, #tpu.memory_space<vmem>>, vector<1x16xf32>,
    %swap3A_407 = vector.shape_cast %swap3A_406 : vector<1x16xf32> to vector<16xf32>
    %swap3A_408 = vector.shape_cast %broadcast_in_dim3A_1 : vector<16xf32> to vector<1x16xf32>
    tpu.vector_store %arg27[%swap3A_404, %swap3A_405], %swap3A_408 {strides = array<i32>} : memref<112x32xf32, #tpu.memory_space<vmem>>, vector<1x16xf32>,
    %swap3A_409 = arith.constant 34 : i32
    %swap3A_410 = arith.index_cast %swap3A_409 : i32 to index
    %swap3A_411 = arith.constant 0 : index
    %swap3A_412 = tpu.vector_load %arg27[%swap3A_410, %swap3A_411] {strides = array<i32>} : memref<112x32xf32, #tpu.memory_space<vmem>>, vector<1x16xf32>,
    %swap3A_413 = vector.shape_cast %swap3A_412 : vector<1x16xf32> to vector<16xf32>
    %swap3A_414 = vector.shape_cast %broadcast_in_dim3A_1 : vector<16xf32> to vector<1x16xf32>
    tpu.vector_store %arg27[%swap3A_410, %swap3A_411], %swap3A_414 {strides = array<i32>} : memref<112x32xf32, #tpu.memory_space<vmem>>, vector<1x16xf32>,
    %swap3A_415 = arith.constant 34 : i32
    %swap3A_416 = arith.index_cast %swap3A_415 : i32 to index
    %swap3A_417 = arith.constant 16 : index
    %swap3A_418 = tpu.vector_load %arg27[%swap3A_416, %swap3A_417] {strides = array<i32>} : memref<112x32xf32, #tpu.memory_space<vmem>>, vector<1x16xf32>,
    %swap3A_419 = vector.shape_cast %swap3A_418 : vector<1x16xf32> to vector<16xf32>
    %swap3A_420 = vector.shape_cast %broadcast_in_dim3A_1 : vector<16xf32> to vector<1x16xf32>
    tpu.vector_store %arg27[%swap3A_416, %swap3A_417], %swap3A_420 {strides = array<i32>} : memref<112x32xf32, #tpu.memory_space<vmem>>, vector<1x16xf32>,
    %swap3A_421 = arith.constant 35 : i32
    %swap3A_422 = arith.index_cast %swap3A_421 : i32 to index
    %swap3A_423 = arith.constant 0 : index
    %swap3A_424 = tpu.vector_load %arg27[%swap3A_422, %swap3A_423] {strides = array<i32>} : memref<112x32xf32, #tpu.memory_space<vmem>>, vector<1x16xf32>,
    %swap3A_425 = vector.shape_cast %swap3A_424 : vector<1x16xf32> to vector<16xf32>
    %swap3A_426 = vector.shape_cast %broadcast_in_dim3A_1 : vector<16xf32> to vector<1x16xf32>
    tpu.vector_store %arg27[%swap3A_422, %swap3A_423], %swap3A_426 {strides = array<i32>} : memref<112x32xf32, #tpu.memory_space<vmem>>, vector<1x16xf32>,
    %swap3A_427 = arith.constant 35 : i32
    %swap3A_428 = arith.index_cast %swap3A_427 : i32 to index
    %swap3A_429 = arith.constant 16 : index
    %swap3A_430 = tpu.vector_load %arg27[%swap3A_428, %swap3A_429] {strides = array<i32>} : memref<112x32xf32, #tpu.memory_space<vmem>>, vector<1x16xf32>,
    %swap3A_431 = vector.shape_cast %swap3A_430 : vector<1x16xf32> to vector<16xf32>
    %swap3A_432 = vector.shape_cast %broadcast_in_dim3A_1 : vector<16xf32> to vector<1x16xf32>
    tpu.vector_store %arg27[%swap3A_428, %swap3A_429], %swap3A_432 {strides = array<i32>} : memref<112x32xf32, #tpu.memory_space<vmem>>, vector<1x16xf32>,
    %swap3A_433 = arith.constant 36 : i32
    %swap3A_434 = arith.index_cast %swap3A_433 : i32 to index
    %swap3A_435 = arith.constant 0 : index
    %swap3A_436 = tpu.vector_load %arg27[%swap3A_434, %swap3A_435] {strides = array<i32>} : memref<112x32xf32, #tpu.memory_space<vmem>>, vector<1x16xf32>,
    %swap3A_437 = vector.shape_cast %swap3A_436 : vector<1x16xf32> to vector<16xf32>
    %swap3A_438 = vector.shape_cast %broadcast_in_dim3A_1 : vector<16xf32> to vector<1x16xf32>
    tpu.vector_store %arg27[%swap3A_434, %swap3A_435], %swap3A_438 {strides = array<i32>} : memref<112x32xf32, #tpu.memory_space<vmem>>, vector<1x16xf32>,
    %swap3A_439 = arith.constant 36 : i32
    %swap3A_440 = arith.index_cast %swap3A_439 : i32 to index
    %swap3A_441 = arith.constant 16 : index
    %swap3A_442 = tpu.vector_load %arg27[%swap3A_440, %swap3A_441] {strides = array<i32>} : memref<112x32xf32, #tpu.memory_space<vmem>>, vector<1x16xf32>,
    %swap3A_443 = vector.shape_cast %swap3A_442 : vector<1x16xf32> to vector<16xf32>
    %swap3A_444 = vector.shape_cast %broadcast_in_dim3A_1 : vector<16xf32> to vector<1x16xf32>
    tpu.vector_store %arg27[%swap3A_440, %swap3A_441], %swap3A_444 {strides = array<i32>} : memref<112x32xf32, #tpu.memory_space<vmem>>, vector<1x16xf32>,
    %swap3A_445 = arith.constant 37 : i32
    %swap3A_446 = arith.index_cast %swap3A_445 : i32 to index
    %swap3A_447 = arith.constant 0 : index
    %swap3A_448 = tpu.vector_load %arg27[%swap3A_446, %swap3A_447] {strides = array<i32>} : memref<112x32xf32, #tpu.memory_space<vmem>>, vector<1x16xf32>,
    %swap3A_449 = vector.shape_cast %swap3A_448 : vector<1x16xf32> to vector<16xf32>
    %swap3A_450 = vector.shape_cast %broadcast_in_dim3A_1 : vector<16xf32> to vector<1x16xf32>
    tpu.vector_store %arg27[%swap3A_446, %swap3A_447], %swap3A_450 {strides = array<i32>} : memref<112x32xf32, #tpu.memory_space<vmem>>, vector<1x16xf32>,
    %swap3A_451 = arith.constant 37 : i32
    %swap3A_452 = arith.index_cast %swap3A_451 : i32 to index
    %swap3A_453 = arith.constant 16 : index
    %swap3A_454 = tpu.vector_load %arg27[%swap3A_452, %swap3A_453] {strides = array<i32>} : memref<112x32xf32, #tpu.memory_space<vmem>>, vector<1x16xf32>,
    %swap3A_455 = vector.shape_cast %swap3A_454 : vector<1x16xf32> to vector<16xf32>
    %swap3A_456 = vector.shape_cast %broadcast_in_dim3A_1 : vector<16xf32> to vector<1x16xf32>
    tpu.vector_store %arg27[%swap3A_452, %swap3A_453], %swap3A_456 {strides = array<i32>} : memref<112x32xf32, #tpu.memory_space<vmem>>, vector<1x16xf32>,
    %swap3A_457 = arith.constant 38 : i32
    %swap3A_458 = arith.index_cast %swap3A_457 : i32 to index
    %swap3A_459 = arith.constant 0 : index
    %swap3A_460 = tpu.vector_load %arg27[%swap3A_458, %swap3A_459] {strides = array<i32>} : memref<112x32xf32, #tpu.memory_space<vmem>>, vector<1x16xf32>,
    %swap3A_461 = vector.shape_cast %swap3A_460 : vector<1x16xf32> to vector<16xf32>
    %swap3A_462 = vector.shape_cast %broadcast_in_dim3A_1 : vector<16xf32> to vector<1x16xf32>
    tpu.vector_store %arg27[%swap3A_458, %swap3A_459], %swap3A_462 {strides = array<i32>} : memref<112x32xf32, #tpu.memory_space<vmem>>, vector<1x16xf32>,
    %swap3A_463 = arith.constant 38 : i32
    %swap3A_464 = arith.index_cast %swap3A_463 : i32 to index
    %swap3A_465 = arith.constant 16 : index
    %swap3A_466 = tpu.vector_load %arg27[%swap3A_464, %swap3A_465] {strides = array<i32>} : memref<112x32xf32, #tpu.memory_space<vmem>>, vector<1x16xf32>,
    %swap3A_467 = vector.shape_cast %swap3A_466 : vector<1x16xf32> to vector<16xf32>
    %swap3A_468 = vector.shape_cast %broadcast_in_dim3A_1 : vector<16xf32> to vector<1x16xf32>
    tpu.vector_store %arg27[%swap3A_464, %swap3A_465], %swap3A_468 {strides = array<i32>} : memref<112x32xf32, #tpu.memory_space<vmem>>, vector<1x16xf32>,
    %swap3A_469 = arith.constant 39 : i32
    %swap3A_470 = arith.index_cast %swap3A_469 : i32 to index
    %swap3A_471 = arith.constant 0 : index
    %swap3A_472 = tpu.vector_load %arg27[%swap3A_470, %swap3A_471] {strides = array<i32>} : memref<112x32xf32, #tpu.memory_space<vmem>>, vector<1x16xf32>,
    %swap3A_473 = vector.shape_cast %swap3A_472 : vector<1x16xf32> to vector<16xf32>
    %swap3A_474 = vector.shape_cast %broadcast_in_dim3A_1 : vector<16xf32> to vector<1x16xf32>
    tpu.vector_store %arg27[%swap3A_470, %swap3A_471], %swap3A_474 {strides = array<i32>} : memref<112x32xf32, #tpu.memory_space<vmem>>, vector<1x16xf32>,
    %swap3A_475 = arith.constant 39 : i32
    %swap3A_476 = arith.index_cast %swap3A_475 : i32 to index
    %swap3A_477 = arith.constant 16 : index
    %swap3A_478 = tpu.vector_load %arg27[%swap3A_476, %swap3A_477] {strides = array<i32>} : memref<112x32xf32, #tpu.memory_space<vmem>>, vector<1x16xf32>,
    %swap3A_479 = vector.shape_cast %swap3A_478 : vector<1x16xf32> to vector<16xf32>
    %swap3A_480 = vector.shape_cast %broadcast_in_dim3A_1 : vector<16xf32> to vector<1x16xf32>
    tpu.vector_store %arg27[%swap3A_476, %swap3A_477], %swap3A_480 {strides = array<i32>} : memref<112x32xf32, #tpu.memory_space<vmem>>, vector<1x16xf32>,
    %swap3A_481 = arith.constant 40 : i32
    %swap3A_482 = arith.index_cast %swap3A_481 : i32 to index
    %swap3A_483 = arith.constant 0 : index
    %swap3A_484 = tpu.vector_load %arg27[%swap3A_482, %swap3A_483] {strides = array<i32>} : memref<112x32xf32, #tpu.memory_space<vmem>>, vector<1x16xf32>,
    %swap3A_485 = vector.shape_cast %swap3A_484 : vector<1x16xf32> to vector<16xf32>
    %swap3A_486 = vector.shape_cast %broadcast_in_dim3A_1 : vector<16xf32> to vector<1x16xf32>
    tpu.vector_store %arg27[%swap3A_482, %swap3A_483], %swap3A_486 {strides = array<i32>} : memref<112x32xf32, #tpu.memory_space<vmem>>, vector<1x16xf32>,
    %swap3A_487 = arith.constant 40 : i32
    %swap3A_488 = arith.index_cast %swap3A_487 : i32 to index
    %swap3A_489 = arith.constant 16 : index
    %swap3A_490 = tpu.vector_load %arg27[%swap3A_488, %swap3A_489] {strides = array<i32>} : memref<112x32xf32, #tpu.memory_space<vmem>>, vector<1x16xf32>,
    %swap3A_491 = vector.shape_cast %swap3A_490 : vector<1x16xf32> to vector<16xf32>
    %swap3A_492 = vector.shape_cast %broadcast_in_dim3A_1 : vector<16xf32> to vector<1x16xf32>
    tpu.vector_store %arg27[%swap3A_488, %swap3A_489], %swap3A_492 {strides = array<i32>} : memref<112x32xf32, #tpu.memory_space<vmem>>, vector<1x16xf32>,
    %swap3A_493 = arith.constant 41 : i32
    %swap3A_494 = arith.index_cast %swap3A_493 : i32 to index
    %swap3A_495 = arith.constant 0 : index
    %swap3A_496 = tpu.vector_load %arg27[%swap3A_494, %swap3A_495] {strides = array<i32>} : memref<112x32xf32, #tpu.memory_space<vmem>>, vector<1x16xf32>,
    %swap3A_497 = vector.shape_cast %swap3A_496 : vector<1x16xf32> to vector<16xf32>
    %swap3A_498 = vector.shape_cast %broadcast_in_dim3A_1 : vector<16xf32> to vector<1x16xf32>
    tpu.vector_store %arg27[%swap3A_494, %swap3A_495], %swap3A_498 {strides = array<i32>} : memref<112x32xf32, #tpu.memory_space<vmem>>, vector<1x16xf32>,
    %swap3A_499 = arith.constant 41 : i32
    %swap3A_500 = arith.index_cast %swap3A_499 : i32 to index
    %swap3A_501 = arith.constant 16 : index
    %swap3A_502 = tpu.vector_load %arg27[%swap3A_500, %swap3A_501] {strides = array<i32>} : memref<112x32xf32, #tpu.memory_space<vmem>>, vector<1x16xf32>,
    %swap3A_503 = vector.shape_cast %swap3A_502 : vector<1x16xf32> to vector<16xf32>
    %swap3A_504 = vector.shape_cast %broadcast_in_dim3A_1 : vector<16xf32> to vector<1x16xf32>
    tpu.vector_store %arg27[%swap3A_500, %swap3A_501], %swap3A_504 {strides = array<i32>} : memref<112x32xf32, #tpu.memory_space<vmem>>, vector<1x16xf32>,
    %swap3A_505 = arith.constant 42 : i32
    %swap3A_506 = arith.index_cast %swap3A_505 : i32 to index
    %swap3A_507 = arith.constant 0 : index
    %swap3A_508 = tpu.vector_load %arg27[%swap3A_506, %swap3A_507] {strides = array<i32>} : memref<112x32xf32, #tpu.memory_space<vmem>>, vector<1x16xf32>,
    %swap3A_509 = vector.shape_cast %swap3A_508 : vector<1x16xf32> to vector<16xf32>
    %swap3A_510 = vector.shape_cast %broadcast_in_dim3A_1 : vector<16xf32> to vector<1x16xf32>
    tpu.vector_store %arg27[%swap3A_506, %swap3A_507], %swap3A_510 {strides = array<i32>} : memref<112x32xf32, #tpu.memory_space<vmem>>, vector<1x16xf32>,
    %swap3A_511 = arith.constant 42 : i32
    %swap3A_512 = arith.index_cast %swap3A_511 : i32 to index
    %swap3A_513 = arith.constant 16 : index
    %swap3A_514 = tpu.vector_load %arg27[%swap3A_512, %swap3A_513] {strides = array<i32>} : memref<112x32xf32, #tpu.memory_space<vmem>>, vector<1x16xf32>,
    %swap3A_515 = vector.shape_cast %swap3A_514 : vector<1x16xf32> to vector<16xf32>
    %swap3A_516 = vector.shape_cast %broadcast_in_dim3A_1 : vector<16xf32> to vector<1x16xf32>
    tpu.vector_store %arg27[%swap3A_512, %swap3A_513], %swap3A_516 {strides = array<i32>} : memref<112x32xf32, #tpu.memory_space<vmem>>, vector<1x16xf32>,
    %swap3A_517 = arith.constant 43 : i32
    %swap3A_518 = arith.index_cast %swap3A_517 : i32 to index
    %swap3A_519 = arith.constant 0 : index
    %swap3A_520 = tpu.vector_load %arg27[%swap3A_518, %swap3A_519] {strides = array<i32>} : memref<112x32xf32, #tpu.memory_space<vmem>>, vector<1x16xf32>,
    %swap3A_521 = vector.shape_cast %swap3A_520 : vector<1x16xf32> to vector<16xf32>
    %swap3A_522 = vector.shape_cast %broadcast_in_dim3A_1 : vector<16xf32> to vector<1x16xf32>
    tpu.vector_store %arg27[%swap3A_518, %swap3A_519], %swap3A_522 {strides = array<i32>} : memref<112x32xf32, #tpu.memory_space<vmem>>, vector<1x16xf32>,
    %swap3A_523 = arith.constant 43 : i32
    %swap3A_524 = arith.index_cast %swap3A_523 : i32 to index
    %swap3A_525 = arith.constant 16 : index
    %swap3A_526 = tpu.vector_load %arg27[%swap3A_524, %swap3A_525] {strides = array<i32>} : memref<112x32xf32, #tpu.memory_space<vmem>>, vector<1x16xf32>,
    %swap3A_527 = vector.shape_cast %swap3A_526 : vector<1x16xf32> to vector<16xf32>
    %swap3A_528 = vector.shape_cast %broadcast_in_dim3A_1 : vector<16xf32> to vector<1x16xf32>
    tpu.vector_store %arg27[%swap3A_524, %swap3A_525], %swap3A_528 {strides = array<i32>} : memref<112x32xf32, #tpu.memory_space<vmem>>, vector<1x16xf32>,
    %swap3A_529 = arith.constant 44 : i32
    %swap3A_530 = arith.index_cast %swap3A_529 : i32 to index
    %swap3A_531 = arith.constant 0 : index
    %swap3A_532 = tpu.vector_load %arg27[%swap3A_530, %swap3A_531] {strides = array<i32>} : memref<112x32xf32, #tpu.memory_space<vmem>>, vector<1x16xf32>,
    %swap3A_533 = vector.shape_cast %swap3A_532 : vector<1x16xf32> to vector<16xf32>
    %swap3A_534 = vector.shape_cast %broadcast_in_dim3A_1 : vector<16xf32> to vector<1x16xf32>
    tpu.vector_store %arg27[%swap3A_530, %swap3A_531], %swap3A_534 {strides = array<i32>} : memref<112x32xf32, #tpu.memory_space<vmem>>, vector<1x16xf32>,
    %swap3A_535 = arith.constant 44 : i32
    %swap3A_536 = arith.index_cast %swap3A_535 : i32 to index
    %swap3A_537 = arith.constant 16 : index
    %swap3A_538 = tpu.vector_load %arg27[%swap3A_536, %swap3A_537] {strides = array<i32>} : memref<112x32xf32, #tpu.memory_space<vmem>>, vector<1x16xf32>,
    %swap3A_539 = vector.shape_cast %swap3A_538 : vector<1x16xf32> to vector<16xf32>
    %swap3A_540 = vector.shape_cast %broadcast_in_dim3A_1 : vector<16xf32> to vector<1x16xf32>
    tpu.vector_store %arg27[%swap3A_536, %swap3A_537], %swap3A_540 {strides = array<i32>} : memref<112x32xf32, #tpu.memory_space<vmem>>, vector<1x16xf32>,
    %swap3A_541 = arith.constant 45 : i32
    %swap3A_542 = arith.index_cast %swap3A_541 : i32 to index
    %swap3A_543 = arith.constant 0 : index
    %swap3A_544 = tpu.vector_load %arg27[%swap3A_542, %swap3A_543] {strides = array<i32>} : memref<112x32xf32, #tpu.memory_space<vmem>>, vector<1x16xf32>,
    %swap3A_545 = vector.shape_cast %swap3A_544 : vector<1x16xf32> to vector<16xf32>
    %swap3A_546 = vector.shape_cast %broadcast_in_dim3A_1 : vector<16xf32> to vector<1x16xf32>
    tpu.vector_store %arg27[%swap3A_542, %swap3A_543], %swap3A_546 {strides = array<i32>} : memref<112x32xf32, #tpu.memory_space<vmem>>, vector<1x16xf32>,
    %swap3A_547 = arith.constant 45 : i32
    %swap3A_548 = arith.index_cast %swap3A_547 : i32 to index
    %swap3A_549 = arith.constant 16 : index
    %swap3A_550 = tpu.vector_load %arg27[%swap3A_548, %swap3A_549] {strides = array<i32>} : memref<112x32xf32, #tpu.memory_space<vmem>>, vector<1x16xf32>,
    %swap3A_551 = vector.shape_cast %swap3A_550 : vector<1x16xf32> to vector<16xf32>
    %swap3A_552 = vector.shape_cast %broadcast_in_dim3A_1 : vector<16xf32> to vector<1x16xf32>
    tpu.vector_store %arg27[%swap3A_548, %swap3A_549], %swap3A_552 {strides = array<i32>} : memref<112x32xf32, #tpu.memory_space<vmem>>, vector<1x16xf32>,
    %swap3A_553 = arith.constant 46 : i32
    %swap3A_554 = arith.index_cast %swap3A_553 : i32 to index
    %swap3A_555 = arith.constant 0 : index
    %swap3A_556 = tpu.vector_load %arg27[%swap3A_554, %swap3A_555] {strides = array<i32>} : memref<112x32xf32, #tpu.memory_space<vmem>>, vector<1x16xf32>,
    %swap3A_557 = vector.shape_cast %swap3A_556 : vector<1x16xf32> to vector<16xf32>
    %swap3A_558 = vector.shape_cast %broadcast_in_dim3A_1 : vector<16xf32> to vector<1x16xf32>
    tpu.vector_store %arg27[%swap3A_554, %swap3A_555], %swap3A_558 {strides = array<i32>} : memref<112x32xf32, #tpu.memory_space<vmem>>, vector<1x16xf32>,
    %swap3A_559 = arith.constant 46 : i32
    %swap3A_560 = arith.index_cast %swap3A_559 : i32 to index
    %swap3A_561 = arith.constant 16 : index
    %swap3A_562 = tpu.vector_load %arg27[%swap3A_560, %swap3A_561] {strides = array<i32>} : memref<112x32xf32, #tpu.memory_space<vmem>>, vector<1x16xf32>,
    %swap3A_563 = vector.shape_cast %swap3A_562 : vector<1x16xf32> to vector<16xf32>
    %swap3A_564 = vector.shape_cast %broadcast_in_dim3A_1 : vector<16xf32> to vector<1x16xf32>
    tpu.vector_store %arg27[%swap3A_560, %swap3A_561], %swap3A_564 {strides = array<i32>} : memref<112x32xf32, #tpu.memory_space<vmem>>, vector<1x16xf32>,
    %swap3A_565 = arith.constant 47 : i32
    %swap3A_566 = arith.index_cast %swap3A_565 : i32 to index
    %swap3A_567 = arith.constant 0 : index
    %swap3A_568 = tpu.vector_load %arg27[%swap3A_566, %swap3A_567] {strides = array<i32>} : memref<112x32xf32, #tpu.memory_space<vmem>>, vector<1x16xf32>,
    %swap3A_569 = vector.shape_cast %swap3A_568 : vector<1x16xf32> to vector<16xf32>
    %swap3A_570 = vector.shape_cast %broadcast_in_dim3A_1 : vector<16xf32> to vector<1x16xf32>
    tpu.vector_store %arg27[%swap3A_566, %swap3A_567], %swap3A_570 {strides = array<i32>} : memref<112x32xf32, #tpu.memory_space<vmem>>, vector<1x16xf32>,
    %swap3A_571 = arith.constant 47 : i32
    %swap3A_572 = arith.index_cast %swap3A_571 : i32 to index
    %swap3A_573 = arith.constant 16 : index
    %swap3A_574 = tpu.vector_load %arg27[%swap3A_572, %swap3A_573] {strides = array<i32>} : memref<112x32xf32, #tpu.memory_space<vmem>>, vector<1x16xf32>,
    %swap3A_575 = vector.shape_cast %swap3A_574 : vector<1x16xf32> to vector<16xf32>
    %swap3A_576 = vector.shape_cast %broadcast_in_dim3A_1 : vector<16xf32> to vector<1x16xf32>
    tpu.vector_store %arg27[%swap3A_572, %swap3A_573], %swap3A_576 {strides = array<i32>} : memref<112x32xf32, #tpu.memory_space<vmem>>, vector<1x16xf32>,
    %swap3A_577 = arith.constant 48 : i32
    %swap3A_578 = arith.index_cast %swap3A_577 : i32 to index
    %swap3A_579 = arith.constant 0 : index
    %swap3A_580 = tpu.vector_load %arg27[%swap3A_578, %swap3A_579] {strides = array<i32>} : memref<112x32xf32, #tpu.memory_space<vmem>>, vector<1x16xf32>,
    %swap3A_581 = vector.shape_cast %swap3A_580 : vector<1x16xf32> to vector<16xf32>
    %swap3A_582 = vector.shape_cast %broadcast_in_dim3A_1 : vector<16xf32> to vector<1x16xf32>
    tpu.vector_store %arg27[%swap3A_578, %swap3A_579], %swap3A_582 {strides = array<i32>} : memref<112x32xf32, #tpu.memory_space<vmem>>, vector<1x16xf32>,
    %swap3A_583 = arith.constant 48 : i32
    %swap3A_584 = arith.index_cast %swap3A_583 : i32 to index
    %swap3A_585 = arith.constant 16 : index
    %swap3A_586 = tpu.vector_load %arg27[%swap3A_584, %swap3A_585] {strides = array<i32>} : memref<112x32xf32, #tpu.memory_space<vmem>>, vector<1x16xf32>,
    %swap3A_587 = vector.shape_cast %swap3A_586 : vector<1x16xf32> to vector<16xf32>
    %swap3A_588 = vector.shape_cast %broadcast_in_dim3A_1 : vector<16xf32> to vector<1x16xf32>
    tpu.vector_store %arg27[%swap3A_584, %swap3A_585], %swap3A_588 {strides = array<i32>} : memref<112x32xf32, #tpu.memory_space<vmem>>, vector<1x16xf32>,
    %swap3A_589 = arith.constant 49 : i32
    %swap3A_590 = arith.index_cast %swap3A_589 : i32 to index
    %swap3A_591 = arith.constant 0 : index
    %swap3A_592 = tpu.vector_load %arg27[%swap3A_590, %swap3A_591] {strides = array<i32>} : memref<112x32xf32, #tpu.memory_space<vmem>>, vector<1x16xf32>,
    %swap3A_593 = vector.shape_cast %swap3A_592 : vector<1x16xf32> to vector<16xf32>
    %swap3A_594 = vector.shape_cast %broadcast_in_dim3A_1 : vector<16xf32> to vector<1x16xf32>
    tpu.vector_store %arg27[%swap3A_590, %swap3A_591], %swap3A_594 {strides = array<i32>} : memref<112x32xf32, #tpu.memory_space<vmem>>, vector<1x16xf32>,
    %swap3A_595 = arith.constant 49 : i32
    %swap3A_596 = arith.index_cast %swap3A_595 : i32 to index
    %swap3A_597 = arith.constant 16 : index
    %swap3A_598 = tpu.vector_load %arg27[%swap3A_596, %swap3A_597] {strides = array<i32>} : memref<112x32xf32, #tpu.memory_space<vmem>>, vector<1x16xf32>,
    %swap3A_599 = vector.shape_cast %swap3A_598 : vector<1x16xf32> to vector<16xf32>
    %swap3A_600 = vector.shape_cast %broadcast_in_dim3A_1 : vector<16xf32> to vector<1x16xf32>
    tpu.vector_store %arg27[%swap3A_596, %swap3A_597], %swap3A_600 {strides = array<i32>} : memref<112x32xf32, #tpu.memory_space<vmem>>, vector<1x16xf32>,
    %swap3A_601 = arith.constant 50 : i32
    %swap3A_602 = arith.index_cast %swap3A_601 : i32 to index
    %swap3A_603 = arith.constant 0 : index
    %swap3A_604 = tpu.vector_load %arg27[%swap3A_602, %swap3A_603] {strides = array<i32>} : memref<112x32xf32, #tpu.memory_space<vmem>>, vector<1x16xf32>,
    %swap3A_605 = vector.shape_cast %swap3A_604 : vector<1x16xf32> to vector<16xf32>
    %swap3A_606 = vector.shape_cast %broadcast_in_dim3A_1 : vector<16xf32> to vector<1x16xf32>
    tpu.vector_store %arg27[%swap3A_602, %swap3A_603], %swap3A_606 {strides = array<i32>} : memref<112x32xf32, #tpu.memory_space<vmem>>, vector<1x16xf32>,
    %swap3A_607 = arith.constant 50 : i32
    %swap3A_608 = arith.index_cast %swap3A_607 : i32 to index
    %swap3A_609 = arith.constant 16 : index
    %swap3A_610 = tpu.vector_load %arg27[%swap3A_608, %swap3A_609] {strides = array<i32>} : memref<112x32xf32, #tpu.memory_space<vmem>>, vector<1x16xf32>,
    %swap3A_611 = vector.shape_cast %swap3A_610 : vector<1x16xf32> to vector<16xf32>
    %swap3A_612 = vector.shape_cast %broadcast_in_dim3A_1 : vector<16xf32> to vector<1x16xf32>
    tpu.vector_store %arg27[%swap3A_608, %swap3A_609], %swap3A_612 {strides = array<i32>} : memref<112x32xf32, #tpu.memory_space<vmem>>, vector<1x16xf32>,
    %swap3A_613 = arith.constant 51 : i32
    %swap3A_614 = arith.index_cast %swap3A_613 : i32 to index
    %swap3A_615 = arith.constant 0 : index
    %swap3A_616 = tpu.vector_load %arg27[%swap3A_614, %swap3A_615] {strides = array<i32>} : memref<112x32xf32, #tpu.memory_space<vmem>>, vector<1x16xf32>,
    %swap3A_617 = vector.shape_cast %swap3A_616 : vector<1x16xf32> to vector<16xf32>
    %swap3A_618 = vector.shape_cast %broadcast_in_dim3A_1 : vector<16xf32> to vector<1x16xf32>
    tpu.vector_store %arg27[%swap3A_614, %swap3A_615], %swap3A_618 {strides = array<i32>} : memref<112x32xf32, #tpu.memory_space<vmem>>, vector<1x16xf32>,
    %swap3A_619 = arith.constant 51 : i32
    %swap3A_620 = arith.index_cast %swap3A_619 : i32 to index
    %swap3A_621 = arith.constant 16 : index
    %swap3A_622 = tpu.vector_load %arg27[%swap3A_620, %swap3A_621] {strides = array<i32>} : memref<112x32xf32, #tpu.memory_space<vmem>>, vector<1x16xf32>,
    %swap3A_623 = vector.shape_cast %swap3A_622 : vector<1x16xf32> to vector<16xf32>
    %swap3A_624 = vector.shape_cast %broadcast_in_dim3A_1 : vector<16xf32> to vector<1x16xf32>
    tpu.vector_store %arg27[%swap3A_620, %swap3A_621], %swap3A_624 {strides = array<i32>} : memref<112x32xf32, #tpu.memory_space<vmem>>, vector<1x16xf32>,
    %swap3A_625 = arith.constant 52 : i32
    %swap3A_626 = arith.index_cast %swap3A_625 : i32 to index
    %swap3A_627 = arith.constant 0 : index
    %swap3A_628 = tpu.vector_load %arg27[%swap3A_626, %swap3A_627] {strides = array<i32>} : memref<112x32xf32, #tpu.memory_space<vmem>>, vector<1x16xf32>,
    %swap3A_629 = vector.shape_cast %swap3A_628 : vector<1x16xf32> to vector<16xf32>
    %swap3A_630 = vector.shape_cast %broadcast_in_dim3A_1 : vector<16xf32> to vector<1x16xf32>
    tpu.vector_store %arg27[%swap3A_626, %swap3A_627], %swap3A_630 {strides = array<i32>} : memref<112x32xf32, #tpu.memory_space<vmem>>, vector<1x16xf32>,
    %swap3A_631 = arith.constant 52 : i32
    %swap3A_632 = arith.index_cast %swap3A_631 : i32 to index
    %swap3A_633 = arith.constant 16 : index
    %swap3A_634 = tpu.vector_load %arg27[%swap3A_632, %swap3A_633] {strides = array<i32>} : memref<112x32xf32, #tpu.memory_space<vmem>>, vector<1x16xf32>,
    %swap3A_635 = vector.shape_cast %swap3A_634 : vector<1x16xf32> to vector<16xf32>
    %swap3A_636 = vector.shape_cast %broadcast_in_dim3A_1 : vector<16xf32> to vector<1x16xf32>
    tpu.vector_store %arg27[%swap3A_632, %swap3A_633], %swap3A_636 {strides = array<i32>} : memref<112x32xf32, #tpu.memory_space<vmem>>, vector<1x16xf32>,
    %swap3A_637 = arith.constant 53 : i32
    %swap3A_638 = arith.index_cast %swap3A_637 : i32 to index
    %swap3A_639 = arith.constant 0 : index
    %swap3A_640 = tpu.vector_load %arg27[%swap3A_638, %swap3A_639] {strides = array<i32>} : memref<112x32xf32, #tpu.memory_space<vmem>>, vector<1x16xf32>,
    %swap3A_641 = vector.shape_cast %swap3A_640 : vector<1x16xf32> to vector<16xf32>
    %swap3A_642 = vector.shape_cast %broadcast_in_dim3A_1 : vector<16xf32> to vector<1x16xf32>
    tpu.vector_store %arg27[%swap3A_638, %swap3A_639], %swap3A_642 {strides = array<i32>} : memref<112x32xf32, #tpu.memory_space<vmem>>, vector<1x16xf32>,
    %swap3A_643 = arith.constant 53 : i32
    %swap3A_644 = arith.index_cast %swap3A_643 : i32 to index
    %swap3A_645 = arith.constant 16 : index
    %swap3A_646 = tpu.vector_load %arg27[%swap3A_644, %swap3A_645] {strides = array<i32>} : memref<112x32xf32, #tpu.memory_space<vmem>>, vector<1x16xf32>,
    %swap3A_647 = vector.shape_cast %swap3A_646 : vector<1x16xf32> to vector<16xf32>
    %swap3A_648 = vector.shape_cast %broadcast_in_dim3A_1 : vector<16xf32> to vector<1x16xf32>
    tpu.vector_store %arg27[%swap3A_644, %swap3A_645], %swap3A_648 {strides = array<i32>} : memref<112x32xf32, #tpu.memory_space<vmem>>, vector<1x16xf32>,
    %swap3A_649 = arith.constant 54 : i32
    %swap3A_650 = arith.index_cast %swap3A_649 : i32 to index
    %swap3A_651 = arith.constant 0 : index
    %swap3A_652 = tpu.vector_load %arg27[%swap3A_650, %swap3A_651] {strides = array<i32>} : memref<112x32xf32, #tpu.memory_space<vmem>>, vector<1x16xf32>,
    %swap3A_653 = vector.shape_cast %swap3A_652 : vector<1x16xf32> to vector<16xf32>
    %swap3A_654 = vector.shape_cast %broadcast_in_dim3A_1 : vector<16xf32> to vector<1x16xf32>
    tpu.vector_store %arg27[%swap3A_650, %swap3A_651], %swap3A_654 {strides = array<i32>} : memref<112x32xf32, #tpu.memory_space<vmem>>, vector<1x16xf32>,
    %swap3A_655 = arith.constant 54 : i32
    %swap3A_656 = arith.index_cast %swap3A_655 : i32 to index
    %swap3A_657 = arith.constant 16 : index
    %swap3A_658 = tpu.vector_load %arg27[%swap3A_656, %swap3A_657] {strides = array<i32>} : memref<112x32xf32, #tpu.memory_space<vmem>>, vector<1x16xf32>,
    %swap3A_659 = vector.shape_cast %swap3A_658 : vector<1x16xf32> to vector<16xf32>
    %swap3A_660 = vector.shape_cast %broadcast_in_dim3A_1 : vector<16xf32> to vector<1x16xf32>
    tpu.vector_store %arg27[%swap3A_656, %swap3A_657], %swap3A_660 {strides = array<i32>} : memref<112x32xf32, #tpu.memory_space<vmem>>, vector<1x16xf32>,
    %swap3A_661 = arith.constant 55 : i32
    %swap3A_662 = arith.index_cast %swap3A_661 : i32 to index
    %swap3A_663 = arith.constant 0 : index
    %swap3A_664 = tpu.vector_load %arg27[%swap3A_662, %swap3A_663] {strides = array<i32>} : memref<112x32xf32, #tpu.memory_space<vmem>>, vector<1x16xf32>,
    %swap3A_665 = vector.shape_cast %swap3A_664 : vector<1x16xf32> to vector<16xf32>
    %swap3A_666 = vector.shape_cast %broadcast_in_dim3A_1 : vector<16xf32> to vector<1x16xf32>
    tpu.vector_store %arg27[%swap3A_662, %swap3A_663], %swap3A_666 {strides = array<i32>} : memref<112x32xf32, #tpu.memory_space<vmem>>, vector<1x16xf32>,
    %swap3A_667 = arith.constant 55 : i32
    %swap3A_668 = arith.index_cast %swap3A_667 : i32 to index
    %swap3A_669 = arith.constant 16 : index
    %swap3A_670 = tpu.vector_load %arg27[%swap3A_668, %swap3A_669] {strides = array<i32>} : memref<112x32xf32, #tpu.memory_space<vmem>>, vector<1x16xf32>,
    %swap3A_671 = vector.shape_cast %swap3A_670 : vector<1x16xf32> to vector<16xf32>
    %swap3A_672 = vector.shape_cast %broadcast_in_dim3A_1 : vector<16xf32> to vector<1x16xf32>
    tpu.vector_store %arg27[%swap3A_668, %swap3A_669], %swap3A_672 {strides = array<i32>} : memref<112x32xf32, #tpu.memory_space<vmem>>, vector<1x16xf32>,
    %swap3A_673 = arith.constant 56 : i32
    %swap3A_674 = arith.index_cast %swap3A_673 : i32 to index
    %swap3A_675 = arith.constant 0 : index
    %swap3A_676 = tpu.vector_load %arg27[%swap3A_674, %swap3A_675] {strides = array<i32>} : memref<112x32xf32, #tpu.memory_space<vmem>>, vector<1x16xf32>,
    %swap3A_677 = vector.shape_cast %swap3A_676 : vector<1x16xf32> to vector<16xf32>
    %swap3A_678 = vector.shape_cast %broadcast_in_dim3A_1 : vector<16xf32> to vector<1x16xf32>
    tpu.vector_store %arg27[%swap3A_674, %swap3A_675], %swap3A_678 {strides = array<i32>} : memref<112x32xf32, #tpu.memory_space<vmem>>, vector<1x16xf32>,
    %swap3A_679 = arith.constant 56 : i32
    %swap3A_680 = arith.index_cast %swap3A_679 : i32 to index
    %swap3A_681 = arith.constant 16 : index
    %swap3A_682 = tpu.vector_load %arg27[%swap3A_680, %swap3A_681] {strides = array<i32>} : memref<112x32xf32, #tpu.memory_space<vmem>>, vector<1x16xf32>,
    %swap3A_683 = vector.shape_cast %swap3A_682 : vector<1x16xf32> to vector<16xf32>
    %swap3A_684 = vector.shape_cast %broadcast_in_dim3A_1 : vector<16xf32> to vector<1x16xf32>
    tpu.vector_store %arg27[%swap3A_680, %swap3A_681], %swap3A_684 {strides = array<i32>} : memref<112x32xf32, #tpu.memory_space<vmem>>, vector<1x16xf32>,
    %swap3A_685 = arith.constant 57 : i32
    %swap3A_686 = arith.index_cast %swap3A_685 : i32 to index
    %swap3A_687 = arith.constant 0 : index
    %swap3A_688 = tpu.vector_load %arg27[%swap3A_686, %swap3A_687] {strides = array<i32>} : memref<112x32xf32, #tpu.memory_space<vmem>>, vector<1x16xf32>,
    %swap3A_689 = vector.shape_cast %swap3A_688 : vector<1x16xf32> to vector<16xf32>
    %swap3A_690 = vector.shape_cast %broadcast_in_dim3A_1 : vector<16xf32> to vector<1x16xf32>
    tpu.vector_store %arg27[%swap3A_686, %swap3A_687], %swap3A_690 {strides = array<i32>} : memref<112x32xf32, #tpu.memory_space<vmem>>, vector<1x16xf32>,
    %swap3A_691 = arith.constant 57 : i32
    %swap3A_692 = arith.index_cast %swap3A_691 : i32 to index
    %swap3A_693 = arith.constant 16 : index
    %swap3A_694 = tpu.vector_load %arg27[%swap3A_692, %swap3A_693] {strides = array<i32>} : memref<112x32xf32, #tpu.memory_space<vmem>>, vector<1x16xf32>,
    %swap3A_695 = vector.shape_cast %swap3A_694 : vector<1x16xf32> to vector<16xf32>
    %swap3A_696 = vector.shape_cast %broadcast_in_dim3A_1 : vector<16xf32> to vector<1x16xf32>
    tpu.vector_store %arg27[%swap3A_692, %swap3A_693], %swap3A_696 {strides = array<i32>} : memref<112x32xf32, #tpu.memory_space<vmem>>, vector<1x16xf32>,
    %swap3A_697 = arith.constant 58 : i32
    %swap3A_698 = arith.index_cast %swap3A_697 : i32 to index
    %swap3A_699 = arith.constant 0 : index
    %swap3A_700 = tpu.vector_load %arg27[%swap3A_698, %swap3A_699] {strides = array<i32>} : memref<112x32xf32, #tpu.memory_space<vmem>>, vector<1x16xf32>,
    %swap3A_701 = vector.shape_cast %swap3A_700 : vector<1x16xf32> to vector<16xf32>
    %swap3A_702 = vector.shape_cast %broadcast_in_dim3A_1 : vector<16xf32> to vector<1x16xf32>
    tpu.vector_store %arg27[%swap3A_698, %swap3A_699], %swap3A_702 {strides = array<i32>} : memref<112x32xf32, #tpu.memory_space<vmem>>, vector<1x16xf32>,
    %swap3A_703 = arith.constant 58 : i32
    %swap3A_704 = arith.index_cast %swap3A_703 : i32 to index
    %swap3A_705 = arith.constant 16 : index
    %swap3A_706 = tpu.vector_load %arg27[%swap3A_704, %swap3A_705] {strides = array<i32>} : memref<112x32xf32, #tpu.memory_space<vmem>>, vector<1x16xf32>,
    %swap3A_707 = vector.shape_cast %swap3A_706 : vector<1x16xf32> to vector<16xf32>
    %swap3A_708 = vector.shape_cast %broadcast_in_dim3A_1 : vector<16xf32> to vector<1x16xf32>
    tpu.vector_store %arg27[%swap3A_704, %swap3A_705], %swap3A_708 {strides = array<i32>} : memref<112x32xf32, #tpu.memory_space<vmem>>, vector<1x16xf32>,
    %swap3A_709 = arith.constant 59 : i32
    %swap3A_710 = arith.index_cast %swap3A_709 : i32 to index
    %swap3A_711 = arith.constant 0 : index
    %swap3A_712 = tpu.vector_load %arg27[%swap3A_710, %swap3A_711] {strides = array<i32>} : memref<112x32xf32, #tpu.memory_space<vmem>>, vector<1x16xf32>,
    %swap3A_713 = vector.shape_cast %swap3A_712 : vector<1x16xf32> to vector<16xf32>
    %swap3A_714 = vector.shape_cast %broadcast_in_dim3A_1 : vector<16xf32> to vector<1x16xf32>
    tpu.vector_store %arg27[%swap3A_710, %swap3A_711], %swap3A_714 {strides = array<i32>} : memref<112x32xf32, #tpu.memory_space<vmem>>, vector<1x16xf32>,
    %swap3A_715 = arith.constant 59 : i32
    %swap3A_716 = arith.index_cast %swap3A_715 : i32 to index
    %swap3A_717 = arith.constant 16 : index
    %swap3A_718 = tpu.vector_load %arg27[%swap3A_716, %swap3A_717] {strides = array<i32>} : memref<112x32xf32, #tpu.memory_space<vmem>>, vector<1x16xf32>,
    %swap3A_719 = vector.shape_cast %swap3A_718 : vector<1x16xf32> to vector<16xf32>
    %swap3A_720 = vector.shape_cast %broadcast_in_dim3A_1 : vector<16xf32> to vector<1x16xf32>
    tpu.vector_store %arg27[%swap3A_716, %swap3A_717], %swap3A_720 {strides = array<i32>} : memref<112x32xf32, #tpu.memory_space<vmem>>, vector<1x16xf32>,
    %swap3A_721 = arith.constant 60 : i32
    %swap3A_722 = arith.index_cast %swap3A_721 : i32 to index
    %swap3A_723 = arith.constant 0 : index
    %swap3A_724 = tpu.vector_load %arg27[%swap3A_722, %swap3A_723] {strides = array<i32>} : memref<112x32xf32, #tpu.memory_space<vmem>>, vector<1x16xf32>,
    %swap3A_725 = vector.shape_cast %swap3A_724 : vector<1x16xf32> to vector<16xf32>
    %swap3A_726 = vector.shape_cast %broadcast_in_dim3A_1 : vector<16xf32> to vector<1x16xf32>
    tpu.vector_store %arg27[%swap3A_722, %swap3A_723], %swap3A_726 {strides = array<i32>} : memref<112x32xf32, #tpu.memory_space<vmem>>, vector<1x16xf32>,
    %swap3A_727 = arith.constant 60 : i32
    %swap3A_728 = arith.index_cast %swap3A_727 : i32 to index
    %swap3A_729 = arith.constant 16 : index
    %swap3A_730 = tpu.vector_load %arg27[%swap3A_728, %swap3A_729] {strides = array<i32>} : memref<112x32xf32, #tpu.memory_space<vmem>>, vector<1x16xf32>,
    %swap3A_731 = vector.shape_cast %swap3A_730 : vector<1x16xf32> to vector<16xf32>
    %swap3A_732 = vector.shape_cast %broadcast_in_dim3A_1 : vector<16xf32> to vector<1x16xf32>
    tpu.vector_store %arg27[%swap3A_728, %swap3A_729], %swap3A_732 {strides = array<i32>} : memref<112x32xf32, #tpu.memory_space<vmem>>, vector<1x16xf32>,
    %swap3A_733 = arith.constant 61 : i32
    %swap3A_734 = arith.index_cast %swap3A_733 : i32 to index
    %swap3A_735 = arith.constant 0 : index
    %swap3A_736 = tpu.vector_load %arg27[%swap3A_734, %swap3A_735] {strides = array<i32>} : memref<112x32xf32, #tpu.memory_space<vmem>>, vector<1x16xf32>,
    %swap3A_737 = vector.shape_cast %swap3A_736 : vector<1x16xf32> to vector<16xf32>
    %swap3A_738 = vector.shape_cast %broadcast_in_dim3A_1 : vector<16xf32> to vector<1x16xf32>
    tpu.vector_store %arg27[%swap3A_734, %swap3A_735], %swap3A_738 {strides = array<i32>} : memref<112x32xf32, #tpu.memory_space<vmem>>, vector<1x16xf32>,
    %swap3A_739 = arith.constant 61 : i32
    %swap3A_740 = arith.index_cast %swap3A_739 : i32 to index
    %swap3A_741 = arith.constant 16 : index
    %swap3A_742 = tpu.vector_load %arg27[%swap3A_740, %swap3A_741] {strides = array<i32>} : memref<112x32xf32, #tpu.memory_space<vmem>>, vector<1x16xf32>,
    %swap3A_743 = vector.shape_cast %swap3A_742 : vector<1x16xf32> to vector<16xf32>
    %swap3A_744 = vector.shape_cast %broadcast_in_dim3A_1 : vector<16xf32> to vector<1x16xf32>
    tpu.vector_store %arg27[%swap3A_740, %swap3A_741], %swap3A_744 {strides = array<i32>} : memref<112x32xf32, #tpu.memory_space<vmem>>, vector<1x16xf32>,
    %swap3A_745 = arith.constant 62 : i32
    %swap3A_746 = arith.index_cast %swap3A_745 : i32 to index
    %swap3A_747 = arith.constant 0 : index
    %swap3A_748 = tpu.vector_load %arg27[%swap3A_746, %swap3A_747] {strides = array<i32>} : memref<112x32xf32, #tpu.memory_space<vmem>>, vector<1x16xf32>,
    %swap3A_749 = vector.shape_cast %swap3A_748 : vector<1x16xf32> to vector<16xf32>
    %swap3A_750 = vector.shape_cast %broadcast_in_dim3A_1 : vector<16xf32> to vector<1x16xf32>
    tpu.vector_store %arg27[%swap3A_746, %swap3A_747], %swap3A_750 {strides = array<i32>} : memref<112x32xf32, #tpu.memory_space<vmem>>, vector<1x16xf32>,
    %swap3A_751 = arith.constant 62 : i32
    %swap3A_752 = arith.index_cast %swap3A_751 : i32 to index
    %swap3A_753 = arith.constant 16 : index
    %swap3A_754 = tpu.vector_load %arg27[%swap3A_752, %swap3A_753] {strides = array<i32>} : memref<112x32xf32, #tpu.memory_space<vmem>>, vector<1x16xf32>,
    %swap3A_755 = vector.shape_cast %swap3A_754 : vector<1x16xf32> to vector<16xf32>
    %swap3A_756 = vector.shape_cast %broadcast_in_dim3A_1 : vector<16xf32> to vector<1x16xf32>
    tpu.vector_store %arg27[%swap3A_752, %swap3A_753], %swap3A_756 {strides = array<i32>} : memref<112x32xf32, #tpu.memory_space<vmem>>, vector<1x16xf32>,
    %swap3A_757 = arith.constant 63 : i32
    %swap3A_758 = arith.index_cast %swap3A_757 : i32 to index
    %swap3A_759 = arith.constant 0 : index
    %swap3A_760 = tpu.vector_load %arg27[%swap3A_758, %swap3A_759] {strides = array<i32>} : memref<112x32xf32, #tpu.memory_space<vmem>>, vector<1x16xf32>,
    %swap3A_761 = vector.shape_cast %swap3A_760 : vector<1x16xf32> to vector<16xf32>
    %swap3A_762 = vector.shape_cast %broadcast_in_dim3A_1 : vector<16xf32> to vector<1x16xf32>
    tpu.vector_store %arg27[%swap3A_758, %swap3A_759], %swap3A_762 {strides = array<i32>} : memref<112x32xf32, #tpu.memory_space<vmem>>, vector<1x16xf32>,
    %swap3A_763 = arith.constant 63 : i32
    %swap3A_764 = arith.index_cast %swap3A_763 : i32 to index
    %swap3A_765 = arith.constant 16 : index
    %swap3A_766 = tpu.vector_load %arg27[%swap3A_764, %swap3A_765] {strides = array<i32>} : memref<112x32xf32, #tpu.memory_space<vmem>>, vector<1x16xf32>,
    %swap3A_767 = vector.shape_cast %swap3A_766 : vector<1x16xf32> to vector<16xf32>
    %swap3A_768 = vector.shape_cast %broadcast_in_dim3A_1 : vector<16xf32> to vector<1x16xf32>
    tpu.vector_store %arg27[%swap3A_764, %swap3A_765], %swap3A_768 {strides = array<i32>} : memref<112x32xf32, #tpu.memory_space<vmem>>, vector<1x16xf32>,
    %swap3A_769 = arith.constant 64 : i32
    %swap3A_770 = arith.index_cast %swap3A_769 : i32 to index
    %swap3A_771 = arith.constant 0 : index
    %swap3A_772 = tpu.vector_load %arg27[%swap3A_770, %swap3A_771] {strides = array<i32>} : memref<112x32xf32, #tpu.memory_space<vmem>>, vector<1x16xf32>,
    %swap3A_773 = vector.shape_cast %swap3A_772 : vector<1x16xf32> to vector<16xf32>
    %swap3A_774 = vector.shape_cast %broadcast_in_dim3A_1 : vector<16xf32> to vector<1x16xf32>
    tpu.vector_store %arg27[%swap3A_770, %swap3A_771], %swap3A_774 {strides = array<i32>} : memref<112x32xf32, #tpu.memory_space<vmem>>, vector<1x16xf32>,
    %swap3A_775 = arith.constant 64 : i32
    %swap3A_776 = arith.index_cast %swap3A_775 : i32 to index
    %swap3A_777 = arith.constant 16 : index
    %swap3A_778 = tpu.vector_load %arg27[%swap3A_776, %swap3A_777] {strides = array<i32>} : memref<112x32xf32, #tpu.memory_space<vmem>>, vector<1x16xf32>,
    %swap3A_779 = vector.shape_cast %swap3A_778 : vector<1x16xf32> to vector<16xf32>
    %swap3A_780 = vector.shape_cast %broadcast_in_dim3A_1 : vector<16xf32> to vector<1x16xf32>
    tpu.vector_store %arg27[%swap3A_776, %swap3A_777], %swap3A_780 {strides = array<i32>} : memref<112x32xf32, #tpu.memory_space<vmem>>, vector<1x16xf32>,
    %swap3A_781 = arith.constant 65 : i32
    %swap3A_782 = arith.index_cast %swap3A_781 : i32 to index
    %swap3A_783 = arith.constant 0 : index
    %swap3A_784 = tpu.vector_load %arg27[%swap3A_782, %swap3A_783] {strides = array<i32>} : memref<112x32xf32, #tpu.memory_space<vmem>>, vector<1x16xf32>,
    %swap3A_785 = vector.shape_cast %swap3A_784 : vector<1x16xf32> to vector<16xf32>
    %swap3A_786 = vector.shape_cast %broadcast_in_dim3A_1 : vector<16xf32> to vector<1x16xf32>
    tpu.vector_store %arg27[%swap3A_782, %swap3A_783], %swap3A_786 {strides = array<i32>} : memref<112x32xf32, #tpu.memory_space<vmem>>, vector<1x16xf32>,
    %swap3A_787 = arith.constant 65 : i32
    %swap3A_788 = arith.index_cast %swap3A_787 : i32 to index
    %swap3A_789 = arith.constant 16 : index
    %swap3A_790 = tpu.vector_load %arg27[%swap3A_788, %swap3A_789] {strides = array<i32>} : memref<112x32xf32, #tpu.memory_space<vmem>>, vector<1x16xf32>,
    %swap3A_791 = vector.shape_cast %swap3A_790 : vector<1x16xf32> to vector<16xf32>
    %swap3A_792 = vector.shape_cast %broadcast_in_dim3A_1 : vector<16xf32> to vector<1x16xf32>
    tpu.vector_store %arg27[%swap3A_788, %swap3A_789], %swap3A_792 {strides = array<i32>} : memref<112x32xf32, #tpu.memory_space<vmem>>, vector<1x16xf32>,
    %swap3A_793 = arith.constant 66 : i32
    %swap3A_794 = arith.index_cast %swap3A_793 : i32 to index
    %swap3A_795 = arith.constant 0 : index
    %swap3A_796 = tpu.vector_load %arg27[%swap3A_794, %swap3A_795] {strides = array<i32>} : memref<112x32xf32, #tpu.memory_space<vmem>>, vector<1x16xf32>,
    %swap3A_797 = vector.shape_cast %swap3A_796 : vector<1x16xf32> to vector<16xf32>
    %swap3A_798 = vector.shape_cast %broadcast_in_dim3A_1 : vector<16xf32> to vector<1x16xf32>
    tpu.vector_store %arg27[%swap3A_794, %swap3A_795], %swap3A_798 {strides = array<i32>} : memref<112x32xf32, #tpu.memory_space<vmem>>, vector<1x16xf32>,
    %swap3A_799 = arith.constant 66 : i32
    %swap3A_800 = arith.index_cast %swap3A_799 : i32 to index
    %swap3A_801 = arith.constant 16 : index
    %swap3A_802 = tpu.vector_load %arg27[%swap3A_800, %swap3A_801] {strides = array<i32>} : memref<112x32xf32, #tpu.memory_space<vmem>>, vector<1x16xf32>,
    %swap3A_803 = vector.shape_cast %swap3A_802 : vector<1x16xf32> to vector<16xf32>
    %swap3A_804 = vector.shape_cast %broadcast_in_dim3A_1 : vector<16xf32> to vector<1x16xf32>
    tpu.vector_store %arg27[%swap3A_800, %swap3A_801], %swap3A_804 {strides = array<i32>} : memref<112x32xf32, #tpu.memory_space<vmem>>, vector<1x16xf32>,
    %swap3A_805 = arith.constant 67 : i32
    %swap3A_806 = arith.index_cast %swap3A_805 : i32 to index
    %swap3A_807 = arith.constant 0 : index
    %swap3A_808 = tpu.vector_load %arg27[%swap3A_806, %swap3A_807] {strides = array<i32>} : memref<112x32xf32, #tpu.memory_space<vmem>>, vector<1x16xf32>,
    %swap3A_809 = vector.shape_cast %swap3A_808 : vector<1x16xf32> to vector<16xf32>
    %swap3A_810 = vector.shape_cast %broadcast_in_dim3A_1 : vector<16xf32> to vector<1x16xf32>
    tpu.vector_store %arg27[%swap3A_806, %swap3A_807], %swap3A_810 {strides = array<i32>} : memref<112x32xf32, #tpu.memory_space<vmem>>, vector<1x16xf32>,
    %swap3A_811 = arith.constant 67 : i32
    %swap3A_812 = arith.index_cast %swap3A_811 : i32 to index
    %swap3A_813 = arith.constant 16 : index
    %swap3A_814 = tpu.vector_load %arg27[%swap3A_812, %swap3A_813] {strides = array<i32>} : memref<112x32xf32, #tpu.memory_space<vmem>>, vector<1x16xf32>,
    %swap3A_815 = vector.shape_cast %swap3A_814 : vector<1x16xf32> to vector<16xf32>
    %swap3A_816 = vector.shape_cast %broadcast_in_dim3A_1 : vector<16xf32> to vector<1x16xf32>
    tpu.vector_store %arg27[%swap3A_812, %swap3A_813], %swap3A_816 {strides = array<i32>} : memref<112x32xf32, #tpu.memory_space<vmem>>, vector<1x16xf32>,
    %swap3A_817 = arith.constant 68 : i32
    %swap3A_818 = arith.index_cast %swap3A_817 : i32 to index
    %swap3A_819 = arith.constant 0 : index
    %swap3A_820 = tpu.vector_load %arg27[%swap3A_818, %swap3A_819] {strides = array<i32>} : memref<112x32xf32, #tpu.memory_space<vmem>>, vector<1x16xf32>,
    %swap3A_821 = vector.shape_cast %swap3A_820 : vector<1x16xf32> to vector<16xf32>
    %swap3A_822 = vector.shape_cast %broadcast_in_dim3A_1 : vector<16xf32> to vector<1x16xf32>
    tpu.vector_store %arg27[%swap3A_818, %swap3A_819], %swap3A_822 {strides = array<i32>} : memref<112x32xf32, #tpu.memory_space<vmem>>, vector<1x16xf32>,
    %swap3A_823 = arith.constant 68 : i32
    %swap3A_824 = arith.index_cast %swap3A_823 : i32 to index
    %swap3A_825 = arith.constant 16 : index
    %swap3A_826 = tpu.vector_load %arg27[%swap3A_824, %swap3A_825] {strides = array<i32>} : memref<112x32xf32, #tpu.memory_space<vmem>>, vector<1x16xf32>,
    %swap3A_827 = vector.shape_cast %swap3A_826 : vector<1x16xf32> to vector<16xf32>
    %swap3A_828 = vector.shape_cast %broadcast_in_dim3A_1 : vector<16xf32> to vector<1x16xf32>
    tpu.vector_store %arg27[%swap3A_824, %swap3A_825], %swap3A_828 {strides = array<i32>} : memref<112x32xf32, #tpu.memory_space<vmem>>, vector<1x16xf32>,
    %swap3A_829 = arith.constant 69 : i32
    %swap3A_830 = arith.index_cast %swap3A_829 : i32 to index
    %swap3A_831 = arith.constant 0 : index
    %swap3A_832 = tpu.vector_load %arg27[%swap3A_830, %swap3A_831] {strides = array<i32>} : memref<112x32xf32, #tpu.memory_space<vmem>>, vector<1x16xf32>,
    %swap3A_833 = vector.shape_cast %swap3A_832 : vector<1x16xf32> to vector<16xf32>
    %swap3A_834 = vector.shape_cast %broadcast_in_dim3A_1 : vector<16xf32> to vector<1x16xf32>
    tpu.vector_store %arg27[%swap3A_830, %swap3A_831], %swap3A_834 {strides = array<i32>} : memref<112x32xf32, #tpu.memory_space<vmem>>, vector<1x16xf32>,
    %swap3A_835 = arith.constant 69 : i32
    %swap3A_836 = arith.index_cast %swap3A_835 : i32 to index
    %swap3A_837 = arith.constant 16 : index
    %swap3A_838 = tpu.vector_load %arg27[%swap3A_836, %swap3A_837] {strides = array<i32>} : memref<112x32xf32, #tpu.memory_space<vmem>>, vector<1x16xf32>,
    %swap3A_839 = vector.shape_cast %swap3A_838 : vector<1x16xf32> to vector<16xf32>
    %swap3A_840 = vector.shape_cast %broadcast_in_dim3A_1 : vector<16xf32> to vector<1x16xf32>
    tpu.vector_store %arg27[%swap3A_836, %swap3A_837], %swap3A_840 {strides = array<i32>} : memref<112x32xf32, #tpu.memory_space<vmem>>, vector<1x16xf32>,
    %swap3A_841 = arith.constant 70 : i32
    %swap3A_842 = arith.index_cast %swap3A_841 : i32 to index
    %swap3A_843 = arith.constant 0 : index
    %swap3A_844 = tpu.vector_load %arg27[%swap3A_842, %swap3A_843] {strides = array<i32>} : memref<112x32xf32, #tpu.memory_space<vmem>>, vector<1x16xf32>,
    %swap3A_845 = vector.shape_cast %swap3A_844 : vector<1x16xf32> to vector<16xf32>
    %swap3A_846 = vector.shape_cast %broadcast_in_dim3A_1 : vector<16xf32> to vector<1x16xf32>
    tpu.vector_store %arg27[%swap3A_842, %swap3A_843], %swap3A_846 {strides = array<i32>} : memref<112x32xf32, #tpu.memory_space<vmem>>, vector<1x16xf32>,
    %swap3A_847 = arith.constant 70 : i32
    %swap3A_848 = arith.index_cast %swap3A_847 : i32 to index
    %swap3A_849 = arith.constant 16 : index
    %swap3A_850 = tpu.vector_load %arg27[%swap3A_848, %swap3A_849] {strides = array<i32>} : memref<112x32xf32, #tpu.memory_space<vmem>>, vector<1x16xf32>,
    %swap3A_851 = vector.shape_cast %swap3A_850 : vector<1x16xf32> to vector<16xf32>
    %swap3A_852 = vector.shape_cast %broadcast_in_dim3A_1 : vector<16xf32> to vector<1x16xf32>
    tpu.vector_store %arg27[%swap3A_848, %swap3A_849], %swap3A_852 {strides = array<i32>} : memref<112x32xf32, #tpu.memory_space<vmem>>, vector<1x16xf32>,
    %swap3A_853 = arith.constant 71 : i32
    %swap3A_854 = arith.index_cast %swap3A_853 : i32 to index
    %swap3A_855 = arith.constant 0 : index
    %swap3A_856 = tpu.vector_load %arg27[%swap3A_854, %swap3A_855] {strides = array<i32>} : memref<112x32xf32, #tpu.memory_space<vmem>>, vector<1x16xf32>,
    %swap3A_857 = vector.shape_cast %swap3A_856 : vector<1x16xf32> to vector<16xf32>
    %swap3A_858 = vector.shape_cast %broadcast_in_dim3A_1 : vector<16xf32> to vector<1x16xf32>
    tpu.vector_store %arg27[%swap3A_854, %swap3A_855], %swap3A_858 {strides = array<i32>} : memref<112x32xf32, #tpu.memory_space<vmem>>, vector<1x16xf32>,
    %swap3A_859 = arith.constant 71 : i32
    %swap3A_860 = arith.index_cast %swap3A_859 : i32 to index
    %swap3A_861 = arith.constant 16 : index
    %swap3A_862 = tpu.vector_load %arg27[%swap3A_860, %swap3A_861] {strides = array<i32>} : memref<112x32xf32, #tpu.memory_space<vmem>>, vector<1x16xf32>,
    %swap3A_863 = vector.shape_cast %swap3A_862 : vector<1x16xf32> to vector<16xf32>
    %swap3A_864 = vector.shape_cast %broadcast_in_dim3A_1 : vector<16xf32> to vector<1x16xf32>
    tpu.vector_store %arg27[%swap3A_860, %swap3A_861], %swap3A_864 {strides = array<i32>} : memref<112x32xf32, #tpu.memory_space<vmem>>, vector<1x16xf32>,
    %swap3A_865 = arith.constant 72 : i32
    %swap3A_866 = arith.index_cast %swap3A_865 : i32 to index
    %swap3A_867 = arith.constant 0 : index
    %swap3A_868 = tpu.vector_load %arg27[%swap3A_866, %swap3A_867] {strides = array<i32>} : memref<112x32xf32, #tpu.memory_space<vmem>>, vector<1x16xf32>,
    %swap3A_869 = vector.shape_cast %swap3A_868 : vector<1x16xf32> to vector<16xf32>
    %swap3A_870 = vector.shape_cast %broadcast_in_dim3A_1 : vector<16xf32> to vector<1x16xf32>
    tpu.vector_store %arg27[%swap3A_866, %swap3A_867], %swap3A_870 {strides = array<i32>} : memref<112x32xf32, #tpu.memory_space<vmem>>, vector<1x16xf32>,
    %swap3A_871 = arith.constant 72 : i32
    %swap3A_872 = arith.index_cast %swap3A_871 : i32 to index
    %swap3A_873 = arith.constant 16 : index
    %swap3A_874 = tpu.vector_load %arg27[%swap3A_872, %swap3A_873] {strides = array<i32>} : memref<112x32xf32, #tpu.memory_space<vmem>>, vector<1x16xf32>,
    %swap3A_875 = vector.shape_cast %swap3A_874 : vector<1x16xf32> to vector<16xf32>
    %swap3A_876 = vector.shape_cast %broadcast_in_dim3A_1 : vector<16xf32> to vector<1x16xf32>
    tpu.vector_store %arg27[%swap3A_872, %swap3A_873], %swap3A_876 {strides = array<i32>} : memref<112x32xf32, #tpu.memory_space<vmem>>, vector<1x16xf32>,
    %swap3A_877 = arith.constant 73 : i32
    %swap3A_878 = arith.index_cast %swap3A_877 : i32 to index
    %swap3A_879 = arith.constant 0 : index
    %swap3A_880 = tpu.vector_load %arg27[%swap3A_878, %swap3A_879] {strides = array<i32>} : memref<112x32xf32, #tpu.memory_space<vmem>>, vector<1x16xf32>,
    %swap3A_881 = vector.shape_cast %swap3A_880 : vector<1x16xf32> to vector<16xf32>
    %swap3A_882 = vector.shape_cast %broadcast_in_dim3A_1 : vector<16xf32> to vector<1x16xf32>
    tpu.vector_store %arg27[%swap3A_878, %swap3A_879], %swap3A_882 {strides = array<i32>} : memref<112x32xf32, #tpu.memory_space<vmem>>, vector<1x16xf32>,
    %swap3A_883 = arith.constant 73 : i32
    %swap3A_884 = arith.index_cast %swap3A_883 : i32 to index
    %swap3A_885 = arith.constant 16 : index
    %swap3A_886 = tpu.vector_load %arg27[%swap3A_884, %swap3A_885] {strides = array<i32>} : memref<112x32xf32, #tpu.memory_space<vmem>>, vector<1x16xf32>,
    %swap3A_887 = vector.shape_cast %swap3A_886 : vector<1x16xf32> to vector<16xf32>
    %swap3A_888 = vector.shape_cast %broadcast_in_dim3A_1 : vector<16xf32> to vector<1x16xf32>
    tpu.vector_store %arg27[%swap3A_884, %swap3A_885], %swap3A_888 {strides = array<i32>} : memref<112x32xf32, #tpu.memory_space<vmem>>, vector<1x16xf32>,
    %swap3A_889 = arith.constant 74 : i32
    %swap3A_890 = arith.index_cast %swap3A_889 : i32 to index
    %swap3A_891 = arith.constant 0 : index
    %swap3A_892 = tpu.vector_load %arg27[%swap3A_890, %swap3A_891] {strides = array<i32>} : memref<112x32xf32, #tpu.memory_space<vmem>>, vector<1x16xf32>,
    %swap3A_893 = vector.shape_cast %swap3A_892 : vector<1x16xf32> to vector<16xf32>
    %swap3A_894 = vector.shape_cast %broadcast_in_dim3A_1 : vector<16xf32> to vector<1x16xf32>
    tpu.vector_store %arg27[%swap3A_890, %swap3A_891], %swap3A_894 {strides = array<i32>} : memref<112x32xf32, #tpu.memory_space<vmem>>, vector<1x16xf32>,
    %swap3A_895 = arith.constant 74 : i32
    %swap3A_896 = arith.index_cast %swap3A_895 : i32 to index
    %swap3A_897 = arith.constant 16 : index
    %swap3A_898 = tpu.vector_load %arg27[%swap3A_896, %swap3A_897] {strides = array<i32>} : memref<112x32xf32, #tpu.memory_space<vmem>>, vector<1x16xf32>,
    %swap3A_899 = vector.shape_cast %swap3A_898 : vector<1x16xf32> to vector<16xf32>
    %swap3A_900 = vector.shape_cast %broadcast_in_dim3A_1 : vector<16xf32> to vector<1x16xf32>
    tpu.vector_store %arg27[%swap3A_896, %swap3A_897], %swap3A_900 {strides = array<i32>} : memref<112x32xf32, #tpu.memory_space<vmem>>, vector<1x16xf32>,
    %swap3A_901 = arith.constant 75 : i32
    %swap3A_902 = arith.index_cast %swap3A_901 : i32 to index
    %swap3A_903 = arith.constant 0 : index
    %swap3A_904 = tpu.vector_load %arg27[%swap3A_902, %swap3A_903] {strides = array<i32>} : memref<112x32xf32, #tpu.memory_space<vmem>>, vector<1x16xf32>,
    %swap3A_905 = vector.shape_cast %swap3A_904 : vector<1x16xf32> to vector<16xf32>
    %swap3A_906 = vector.shape_cast %broadcast_in_dim3A_1 : vector<16xf32> to vector<1x16xf32>
    tpu.vector_store %arg27[%swap3A_902, %swap3A_903], %swap3A_906 {strides = array<i32>} : memref<112x32xf32, #tpu.memory_space<vmem>>, vector<1x16xf32>,
    %swap3A_907 = arith.constant 75 : i32
    %swap3A_908 = arith.index_cast %swap3A_907 : i32 to index
    %swap3A_909 = arith.constant 16 : index
    %swap3A_910 = tpu.vector_load %arg27[%swap3A_908, %swap3A_909] {strides = array<i32>} : memref<112x32xf32, #tpu.memory_space<vmem>>, vector<1x16xf32>,
    %swap3A_911 = vector.shape_cast %swap3A_910 : vector<1x16xf32> to vector<16xf32>
    %swap3A_912 = vector.shape_cast %broadcast_in_dim3A_1 : vector<16xf32> to vector<1x16xf32>
    tpu.vector_store %arg27[%swap3A_908, %swap3A_909], %swap3A_912 {strides = array<i32>} : memref<112x32xf32, #tpu.memory_space<vmem>>, vector<1x16xf32>,
    %swap3A_913 = arith.constant 76 : i32
    %swap3A_914 = arith.index_cast %swap3A_913 : i32 to index
    %swap3A_915 = arith.constant 0 : index
    %swap3A_916 = tpu.vector_load %arg27[%swap3A_914, %swap3A_915] {strides = array<i32>} : memref<112x32xf32, #tpu.memory_space<vmem>>, vector<1x16xf32>,
    %swap3A_917 = vector.shape_cast %swap3A_916 : vector<1x16xf32> to vector<16xf32>
    %swap3A_918 = vector.shape_cast %broadcast_in_dim3A_1 : vector<16xf32> to vector<1x16xf32>
    tpu.vector_store %arg27[%swap3A_914, %swap3A_915], %swap3A_918 {strides = array<i32>} : memref<112x32xf32, #tpu.memory_space<vmem>>, vector<1x16xf32>,
    %swap3A_919 = arith.constant 76 : i32
    %swap3A_920 = arith.index_cast %swap3A_919 : i32 to index
    %swap3A_921 = arith.constant 16 : index
    %swap3A_922 = tpu.vector_load %arg27[%swap3A_920, %swap3A_921] {strides = array<i32>} : memref<112x32xf32, #tpu.memory_space<vmem>>, vector<1x16xf32>,
    %swap3A_923 = vector.shape_cast %swap3A_922 : vector<1x16xf32> to vector<16xf32>
    %swap3A_924 = vector.shape_cast %broadcast_in_dim3A_1 : vector<16xf32> to vector<1x16xf32>
    tpu.vector_store %arg27[%swap3A_920, %swap3A_921], %swap3A_924 {strides = array<i32>} : memref<112x32xf32, #tpu.memory_space<vmem>>, vector<1x16xf32>,
    %swap3A_925 = arith.constant 77 : i32
    %swap3A_926 = arith.index_cast %swap3A_925 : i32 to index
    %swap3A_927 = arith.constant 0 : index
    %swap3A_928 = tpu.vector_load %arg27[%swap3A_926, %swap3A_927] {strides = array<i32>} : memref<112x32xf32, #tpu.memory_space<vmem>>, vector<1x16xf32>,
    %swap3A_929 = vector.shape_cast %swap3A_928 : vector<1x16xf32> to vector<16xf32>
    %swap3A_930 = vector.shape_cast %broadcast_in_dim3A_1 : vector<16xf32> to vector<1x16xf32>
    tpu.vector_store %arg27[%swap3A_926, %swap3A_927], %swap3A_930 {strides = array<i32>} : memref<112x32xf32, #tpu.memory_space<vmem>>, vector<1x16xf32>,
    %swap3A_931 = arith.constant 77 : i32
    %swap3A_932 = arith.index_cast %swap3A_931 : i32 to index
    %swap3A_933 = arith.constant 16 : index
    %swap3A_934 = tpu.vector_load %arg27[%swap3A_932, %swap3A_933] {strides = array<i32>} : memref<112x32xf32, #tpu.memory_space<vmem>>, vector<1x16xf32>,
    %swap3A_935 = vector.shape_cast %swap3A_934 : vector<1x16xf32> to vector<16xf32>
    %swap3A_936 = vector.shape_cast %broadcast_in_dim3A_1 : vector<16xf32> to vector<1x16xf32>
    tpu.vector_store %arg27[%swap3A_932, %swap3A_933], %swap3A_936 {strides = array<i32>} : memref<112x32xf32, #tpu.memory_space<vmem>>, vector<1x16xf32>,
    %swap3A_937 = arith.constant 78 : i32
    %swap3A_938 = arith.index_cast %swap3A_937 : i32 to index
    %swap3A_939 = arith.constant 0 : index
    %swap3A_940 = tpu.vector_load %arg27[%swap3A_938, %swap3A_939] {strides = array<i32>} : memref<112x32xf32, #tpu.memory_space<vmem>>, vector<1x16xf32>,
    %swap3A_941 = vector.shape_cast %swap3A_940 : vector<1x16xf32> to vector<16xf32>
    %swap3A_942 = vector.shape_cast %broadcast_in_dim3A_1 : vector<16xf32> to vector<1x16xf32>
    tpu.vector_store %arg27[%swap3A_938, %swap3A_939], %swap3A_942 {strides = array<i32>} : memref<112x32xf32, #tpu.memory_space<vmem>>, vector<1x16xf32>,
    %swap3A_943 = arith.constant 78 : i32
    %swap3A_944 = arith.index_cast %swap3A_943 : i32 to index
    %swap3A_945 = arith.constant 16 : index
    %swap3A_946 = tpu.vector_load %arg27[%swap3A_944, %swap3A_945] {strides = array<i32>} : memref<112x32xf32, #tpu.memory_space<vmem>>, vector<1x16xf32>,
    %swap3A_947 = vector.shape_cast %swap3A_946 : vector<1x16xf32> to vector<16xf32>
    %swap3A_948 = vector.shape_cast %broadcast_in_dim3A_1 : vector<16xf32> to vector<1x16xf32>
    tpu.vector_store %arg27[%swap3A_944, %swap3A_945], %swap3A_948 {strides = array<i32>} : memref<112x32xf32, #tpu.memory_space<vmem>>, vector<1x16xf32>,
    %swap3A_949 = arith.constant 79 : i32
    %swap3A_950 = arith.index_cast %swap3A_949 : i32 to index
    %swap3A_951 = arith.constant 0 : index
    %swap3A_952 = tpu.vector_load %arg27[%swap3A_950, %swap3A_951] {strides = array<i32>} : memref<112x32xf32, #tpu.memory_space<vmem>>, vector<1x16xf32>,
    %swap3A_953 = vector.shape_cast %swap3A_952 : vector<1x16xf32> to vector<16xf32>
    %swap3A_954 = vector.shape_cast %broadcast_in_dim3A_1 : vector<16xf32> to vector<1x16xf32>
    tpu.vector_store %arg27[%swap3A_950, %swap3A_951], %swap3A_954 {strides = array<i32>} : memref<112x32xf32, #tpu.memory_space<vmem>>, vector<1x16xf32>,
    %swap3A_955 = arith.constant 79 : i32
    %swap3A_956 = arith.index_cast %swap3A_955 : i32 to index
    %swap3A_957 = arith.constant 16 : index
    %swap3A_958 = tpu.vector_load %arg27[%swap3A_956, %swap3A_957] {strides = array<i32>} : memref<112x32xf32, #tpu.memory_space<vmem>>, vector<1x16xf32>,
    %swap3A_959 = vector.shape_cast %swap3A_958 : vector<1x16xf32> to vector<16xf32>
    %swap3A_960 = vector.shape_cast %broadcast_in_dim3A_1 : vector<16xf32> to vector<1x16xf32>
    tpu.vector_store %arg27[%swap3A_956, %swap3A_957], %swap3A_960 {strides = array<i32>} : memref<112x32xf32, #tpu.memory_space<vmem>>, vector<1x16xf32>,
    %swap3A_961 = arith.constant 80 : i32
    %swap3A_962 = arith.index_cast %swap3A_961 : i32 to index
    %swap3A_963 = arith.constant 0 : index
    %swap3A_964 = tpu.vector_load %arg27[%swap3A_962, %swap3A_963] {strides = array<i32>} : memref<112x32xf32, #tpu.memory_space<vmem>>, vector<1x16xf32>,
    %swap3A_965 = vector.shape_cast %swap3A_964 : vector<1x16xf32> to vector<16xf32>
    %swap3A_966 = vector.shape_cast %broadcast_in_dim3A_1 : vector<16xf32> to vector<1x16xf32>
    tpu.vector_store %arg27[%swap3A_962, %swap3A_963], %swap3A_966 {strides = array<i32>} : memref<112x32xf32, #tpu.memory_space<vmem>>, vector<1x16xf32>,
    %swap3A_967 = arith.constant 80 : i32
    %swap3A_968 = arith.index_cast %swap3A_967 : i32 to index
    %swap3A_969 = arith.constant 16 : index
    %swap3A_970 = tpu.vector_load %arg27[%swap3A_968, %swap3A_969] {strides = array<i32>} : memref<112x32xf32, #tpu.memory_space<vmem>>, vector<1x16xf32>,
    %swap3A_971 = vector.shape_cast %swap3A_970 : vector<1x16xf32> to vector<16xf32>
    %swap3A_972 = vector.shape_cast %broadcast_in_dim3A_1 : vector<16xf32> to vector<1x16xf32>
    tpu.vector_store %arg27[%swap3A_968, %swap3A_969], %swap3A_972 {strides = array<i32>} : memref<112x32xf32, #tpu.memory_space<vmem>>, vector<1x16xf32>,
    %swap3A_973 = arith.constant 81 : i32
    %swap3A_974 = arith.index_cast %swap3A_973 : i32 to index
    %swap3A_975 = arith.constant 0 : index
    %swap3A_976 = tpu.vector_load %arg27[%swap3A_974, %swap3A_975] {strides = array<i32>} : memref<112x32xf32, #tpu.memory_space<vmem>>, vector<1x16xf32>,
    %swap3A_977 = vector.shape_cast %swap3A_976 : vector<1x16xf32> to vector<16xf32>
    %swap3A_978 = vector.shape_cast %broadcast_in_dim3A_1 : vector<16xf32> to vector<1x16xf32>
    tpu.vector_store %arg27[%swap3A_974, %swap3A_975], %swap3A_978 {strides = array<i32>} : memref<112x32xf32, #tpu.memory_space<vmem>>, vector<1x16xf32>,
    %swap3A_979 = arith.constant 81 : i32
    %swap3A_980 = arith.index_cast %swap3A_979 : i32 to index
    %swap3A_981 = arith.constant 16 : index
    %swap3A_982 = tpu.vector_load %arg27[%swap3A_980, %swap3A_981] {strides = array<i32>} : memref<112x32xf32, #tpu.memory_space<vmem>>, vector<1x16xf32>,
    %swap3A_983 = vector.shape_cast %swap3A_982 : vector<1x16xf32> to vector<16xf32>
    %swap3A_984 = vector.shape_cast %broadcast_in_dim3A_1 : vector<16xf32> to vector<1x16xf32>
    tpu.vector_store %arg27[%swap3A_980, %swap3A_981], %swap3A_984 {strides = array<i32>} : memref<112x32xf32, #tpu.memory_space<vmem>>, vector<1x16xf32>,
    %swap3A_985 = arith.constant 82 : i32
    %swap3A_986 = arith.index_cast %swap3A_985 : i32 to index
    %swap3A_987 = arith.constant 0 : index
    %swap3A_988 = tpu.vector_load %arg27[%swap3A_986, %swap3A_987] {strides = array<i32>} : memref<112x32xf32, #tpu.memory_space<vmem>>, vector<1x16xf32>,
    %swap3A_989 = vector.shape_cast %swap3A_988 : vector<1x16xf32> to vector<16xf32>
    %swap3A_990 = vector.shape_cast %broadcast_in_dim3A_1 : vector<16xf32> to vector<1x16xf32>
    tpu.vector_store %arg27[%swap3A_986, %swap3A_987], %swap3A_990 {strides = array<i32>} : memref<112x32xf32, #tpu.memory_space<vmem>>, vector<1x16xf32>,
    %swap3A_991 = arith.constant 82 : i32
    %swap3A_992 = arith.index_cast %swap3A_991 : i32 to index
    %swap3A_993 = arith.constant 16 : index
    %swap3A_994 = tpu.vector_load %arg27[%swap3A_992, %swap3A_993] {strides = array<i32>} : memref<112x32xf32, #tpu.memory_space<vmem>>, vector<1x16xf32>,
    %swap3A_995 = vector.shape_cast %swap3A_994 : vector<1x16xf32> to vector<16xf32>
    %swap3A_996 = vector.shape_cast %broadcast_in_dim3A_1 : vector<16xf32> to vector<1x16xf32>
    tpu.vector_store %arg27[%swap3A_992, %swap3A_993], %swap3A_996 {strides = array<i32>} : memref<112x32xf32, #tpu.memory_space<vmem>>, vector<1x16xf32>,
    %swap3A_997 = arith.constant 83 : i32
    %swap3A_998 = arith.index_cast %swap3A_997 : i32 to index
    %swap3A_999 = arith.constant 0 : index
    %swap3A_1000 = tpu.vector_load %arg27[%swap3A_998, %swap3A_999] {strides = array<i32>} : memref<112x32xf32, #tpu.memory_space<vmem>>, vector<1x16xf32>,
    %swap3A_1001 = vector.shape_cast %swap3A_1000 : vector<1x16xf32> to vector<16xf32>
    %swap3A_1002 = vector.shape_cast %broadcast_in_dim3A_1 : vector<16xf32> to vector<1x16xf32>
    tpu.vector_store %arg27[%swap3A_998, %swap3A_999], %swap3A_1002 {strides = array<i32>} : memref<112x32xf32, #tpu.memory_space<vmem>>, vector<1x16xf32>,
    %swap3A_1003 = arith.constant 83 : i32
    %swap3A_1004 = arith.index_cast %swap3A_1003 : i32 to index
    %swap3A_1005 = arith.constant 16 : index
    %swap3A_1006 = tpu.vector_load %arg27[%swap3A_1004, %swap3A_1005] {strides = array<i32>} : memref<112x32xf32, #tpu.memory_space<vmem>>, vector<1x16xf32>,
    %swap3A_1007 = vector.shape_cast %swap3A_1006 : vector<1x16xf32> to vector<16xf32>
    %swap3A_1008 = vector.shape_cast %broadcast_in_dim3A_1 : vector<16xf32> to vector<1x16xf32>
    tpu.vector_store %arg27[%swap3A_1004, %swap3A_1005], %swap3A_1008 {strides = array<i32>} : memref<112x32xf32, #tpu.memory_space<vmem>>, vector<1x16xf32>,
    %swap3A_1009 = arith.constant 84 : i32
    %swap3A_1010 = arith.index_cast %swap3A_1009 : i32 to index
    %swap3A_1011 = arith.constant 0 : index
    %swap3A_1012 = tpu.vector_load %arg27[%swap3A_1010, %swap3A_1011] {strides = array<i32>} : memref<112x32xf32, #tpu.memory_space<vmem>>, vector<1x16xf32>,
    %swap3A_1013 = vector.shape_cast %swap3A_1012 : vector<1x16xf32> to vector<16xf32>
    %swap3A_1014 = vector.shape_cast %broadcast_in_dim3A_1 : vector<16xf32> to vector<1x16xf32>
    tpu.vector_store %arg27[%swap3A_1010, %swap3A_1011], %swap3A_1014 {strides = array<i32>} : memref<112x32xf32, #tpu.memory_space<vmem>>, vector<1x16xf32>,
    %swap3A_1015 = arith.constant 84 : i32
    %swap3A_1016 = arith.index_cast %swap3A_1015 : i32 to index
    %swap3A_1017 = arith.constant 16 : index
    %swap3A_1018 = tpu.vector_load %arg27[%swap3A_1016, %swap3A_1017] {strides = array<i32>} : memref<112x32xf32, #tpu.memory_space<vmem>>, vector<1x16xf32>,
    %swap3A_1019 = vector.shape_cast %swap3A_1018 : vector<1x16xf32> to vector<16xf32>
    %swap3A_1020 = vector.shape_cast %broadcast_in_dim3A_1 : vector<16xf32> to vector<1x16xf32>
    tpu.vector_store %arg27[%swap3A_1016, %swap3A_1017], %swap3A_1020 {strides = array<i32>} : memref<112x32xf32, #tpu.memory_space<vmem>>, vector<1x16xf32>,
    %swap3A_1021 = arith.constant 85 : i32
    %swap3A_1022 = arith.index_cast %swap3A_1021 : i32 to index
    %swap3A_1023 = arith.constant 0 : index
    %swap3A_1024 = tpu.vector_load %arg27[%swap3A_1022, %swap3A_1023] {strides = array<i32>} : memref<112x32xf32, #tpu.memory_space<vmem>>, vector<1x16xf32>,
    %swap3A_1025 = vector.shape_cast %swap3A_1024 : vector<1x16xf32> to vector<16xf32>
    %swap3A_1026 = vector.shape_cast %broadcast_in_dim3A_1 : vector<16xf32> to vector<1x16xf32>
    tpu.vector_store %arg27[%swap3A_1022, %swap3A_1023], %swap3A_1026 {strides = array<i32>} : memref<112x32xf32, #tpu.memory_space<vmem>>, vector<1x16xf32>,
    %swap3A_1027 = arith.constant 85 : i32
    %swap3A_1028 = arith.index_cast %swap3A_1027 : i32 to index
    %swap3A_1029 = arith.constant 16 : index
    %swap3A_1030 = tpu.vector_load %arg27[%swap3A_1028, %swap3A_1029] {strides = array<i32>} : memref<112x32xf32, #tpu.memory_space<vmem>>, vector<1x16xf32>,
    %swap3A_1031 = vector.shape_cast %swap3A_1030 : vector<1x16xf32> to vector<16xf32>
    %swap3A_1032 = vector.shape_cast %broadcast_in_dim3A_1 : vector<16xf32> to vector<1x16xf32>
    tpu.vector_store %arg27[%swap3A_1028, %swap3A_1029], %swap3A_1032 {strides = array<i32>} : memref<112x32xf32, #tpu.memory_space<vmem>>, vector<1x16xf32>,
    %swap3A_1033 = arith.constant 86 : i32
    %swap3A_1034 = arith.index_cast %swap3A_1033 : i32 to index
    %swap3A_1035 = arith.constant 0 : index
    %swap3A_1036 = tpu.vector_load %arg27[%swap3A_1034, %swap3A_1035] {strides = array<i32>} : memref<112x32xf32, #tpu.memory_space<vmem>>, vector<1x16xf32>,
    %swap3A_1037 = vector.shape_cast %swap3A_1036 : vector<1x16xf32> to vector<16xf32>
    %swap3A_1038 = vector.shape_cast %broadcast_in_dim3A_1 : vector<16xf32> to vector<1x16xf32>
    tpu.vector_store %arg27[%swap3A_1034, %swap3A_1035], %swap3A_1038 {strides = array<i32>} : memref<112x32xf32, #tpu.memory_space<vmem>>, vector<1x16xf32>,
    %swap3A_1039 = arith.constant 86 : i32
    %swap3A_1040 = arith.index_cast %swap3A_1039 : i32 to index
    %swap3A_1041 = arith.constant 16 : index
    %swap3A_1042 = tpu.vector_load %arg27[%swap3A_1040, %swap3A_1041] {strides = array<i32>} : memref<112x32xf32, #tpu.memory_space<vmem>>, vector<1x16xf32>,
    %swap3A_1043 = vector.shape_cast %swap3A_1042 : vector<1x16xf32> to vector<16xf32>
    %swap3A_1044 = vector.shape_cast %broadcast_in_dim3A_1 : vector<16xf32> to vector<1x16xf32>
    tpu.vector_store %arg27[%swap3A_1040, %swap3A_1041], %swap3A_1044 {strides = array<i32>} : memref<112x32xf32, #tpu.memory_space<vmem>>, vector<1x16xf32>,
    %swap3A_1045 = arith.constant 87 : i32
    %swap3A_1046 = arith.index_cast %swap3A_1045 : i32 to index
    %swap3A_1047 = arith.constant 0 : index
    %swap3A_1048 = tpu.vector_load %arg27[%swap3A_1046, %swap3A_1047] {strides = array<i32>} : memref<112x32xf32, #tpu.memory_space<vmem>>, vector<1x16xf32>,
    %swap3A_1049 = vector.shape_cast %swap3A_1048 : vector<1x16xf32> to vector<16xf32>
    %swap3A_1050 = vector.shape_cast %broadcast_in_dim3A_1 : vector<16xf32> to vector<1x16xf32>
    tpu.vector_store %arg27[%swap3A_1046, %swap3A_1047], %swap3A_1050 {strides = array<i32>} : memref<112x32xf32, #tpu.memory_space<vmem>>, vector<1x16xf32>,
    %swap3A_1051 = arith.constant 87 : i32
    %swap3A_1052 = arith.index_cast %swap3A_1051 : i32 to index
    %swap3A_1053 = arith.constant 16 : index
    %swap3A_1054 = tpu.vector_load %arg27[%swap3A_1052, %swap3A_1053] {strides = array<i32>} : memref<112x32xf32, #tpu.memory_space<vmem>>, vector<1x16xf32>,
    %swap3A_1055 = vector.shape_cast %swap3A_1054 : vector<1x16xf32> to vector<16xf32>
    %swap3A_1056 = vector.shape_cast %broadcast_in_dim3A_1 : vector<16xf32> to vector<1x16xf32>
    tpu.vector_store %arg27[%swap3A_1052, %swap3A_1053], %swap3A_1056 {strides = array<i32>} : memref<112x32xf32, #tpu.memory_space<vmem>>, vector<1x16xf32>,
    %swap3A_1057 = arith.constant 88 : i32
    %swap3A_1058 = arith.index_cast %swap3A_1057 : i32 to index
    %swap3A_1059 = arith.constant 0 : index
    %swap3A_1060 = tpu.vector_load %arg27[%swap3A_1058, %swap3A_1059] {strides = array<i32>} : memref<112x32xf32, #tpu.memory_space<vmem>>, vector<1x16xf32>,
    %swap3A_1061 = vector.shape_cast %swap3A_1060 : vector<1x16xf32> to vector<16xf32>
    %swap3A_1062 = vector.shape_cast %broadcast_in_dim3A_1 : vector<16xf32> to vector<1x16xf32>
    tpu.vector_store %arg27[%swap3A_1058, %swap3A_1059], %swap3A_1062 {strides = array<i32>} : memref<112x32xf32, #tpu.memory_space<vmem>>, vector<1x16xf32>,
    %swap3A_1063 = arith.constant 88 : i32
    %swap3A_1064 = arith.index_cast %swap3A_1063 : i32 to index
    %swap3A_1065 = arith.constant 16 : index
    %swap3A_1066 = tpu.vector_load %arg27[%swap3A_1064, %swap3A_1065] {strides = array<i32>} : memref<112x32xf32, #tpu.memory_space<vmem>>, vector<1x16xf32>,
    %swap3A_1067 = vector.shape_cast %swap3A_1066 : vector<1x16xf32> to vector<16xf32>
    %swap3A_1068 = vector.shape_cast %broadcast_in_dim3A_1 : vector<16xf32> to vector<1x16xf32>
    tpu.vector_store %arg27[%swap3A_1064, %swap3A_1065], %swap3A_1068 {strides = array<i32>} : memref<112x32xf32, #tpu.memory_space<vmem>>, vector<1x16xf32>,
    %swap3A_1069 = arith.constant 89 : i32
    %swap3A_1070 = arith.index_cast %swap3A_1069 : i32 to index
    %swap3A_1071 = arith.constant 0 : index
    %swap3A_1072 = tpu.vector_load %arg27[%swap3A_1070, %swap3A_1071] {strides = array<i32>} : memref<112x32xf32, #tpu.memory_space<vmem>>, vector<1x16xf32>,
    %swap3A_1073 = vector.shape_cast %swap3A_1072 : vector<1x16xf32> to vector<16xf32>
    %swap3A_1074 = vector.shape_cast %broadcast_in_dim3A_1 : vector<16xf32> to vector<1x16xf32>
    tpu.vector_store %arg27[%swap3A_1070, %swap3A_1071], %swap3A_1074 {strides = array<i32>} : memref<112x32xf32, #tpu.memory_space<vmem>>, vector<1x16xf32>,
    %swap3A_1075 = arith.constant 89 : i32
    %swap3A_1076 = arith.index_cast %swap3A_1075 : i32 to index
    %swap3A_1077 = arith.constant 16 : index
    %swap3A_1078 = tpu.vector_load %arg27[%swap3A_1076, %swap3A_1077] {strides = array<i32>} : memref<112x32xf32, #tpu.memory_space<vmem>>, vector<1x16xf32>,
    %swap3A_1079 = vector.shape_cast %swap3A_1078 : vector<1x16xf32> to vector<16xf32>
    %swap3A_1080 = vector.shape_cast %broadcast_in_dim3A_1 : vector<16xf32> to vector<1x16xf32>
    tpu.vector_store %arg27[%swap3A_1076, %swap3A_1077], %swap3A_1080 {strides = array<i32>} : memref<112x32xf32, #tpu.memory_space<vmem>>, vector<1x16xf32>,
    %swap3A_1081 = arith.constant 90 : i32
    %swap3A_1082 = arith.index_cast %swap3A_1081 : i32 to index
    %swap3A_1083 = arith.constant 0 : index
    %swap3A_1084 = tpu.vector_load %arg27[%swap3A_1082, %swap3A_1083] {strides = array<i32>} : memref<112x32xf32, #tpu.memory_space<vmem>>, vector<1x16xf32>,
    %swap3A_1085 = vector.shape_cast %swap3A_1084 : vector<1x16xf32> to vector<16xf32>
    %swap3A_1086 = vector.shape_cast %broadcast_in_dim3A_1 : vector<16xf32> to vector<1x16xf32>
    tpu.vector_store %arg27[%swap3A_1082, %swap3A_1083], %swap3A_1086 {strides = array<i32>} : memref<112x32xf32, #tpu.memory_space<vmem>>, vector<1x16xf32>,
    %swap3A_1087 = arith.constant 90 : i32
    %swap3A_1088 = arith.index_cast %swap3A_1087 : i32 to index
    %swap3A_1089 = arith.constant 16 : index
    %swap3A_1090 = tpu.vector_load %arg27[%swap3A_1088, %swap3A_1089] {strides = array<i32>} : memref<112x32xf32, #tpu.memory_space<vmem>>, vector<1x16xf32>,
    %swap3A_1091 = vector.shape_cast %swap3A_1090 : vector<1x16xf32> to vector<16xf32>
    %swap3A_1092 = vector.shape_cast %broadcast_in_dim3A_1 : vector<16xf32> to vector<1x16xf32>
    tpu.vector_store %arg27[%swap3A_1088, %swap3A_1089], %swap3A_1092 {strides = array<i32>} : memref<112x32xf32, #tpu.memory_space<vmem>>, vector<1x16xf32>,
    %swap3A_1093 = arith.constant 91 : i32
    %swap3A_1094 = arith.index_cast %swap3A_1093 : i32 to index
    %swap3A_1095 = arith.constant 0 : index
    %swap3A_1096 = tpu.vector_load %arg27[%swap3A_1094, %swap3A_1095] {strides = array<i32>} : memref<112x32xf32, #tpu.memory_space<vmem>>, vector<1x16xf32>,
    %swap3A_1097 = vector.shape_cast %swap3A_1096 : vector<1x16xf32> to vector<16xf32>
    %swap3A_1098 = vector.shape_cast %broadcast_in_dim3A_1 : vector<16xf32> to vector<1x16xf32>
    tpu.vector_store %arg27[%swap3A_1094, %swap3A_1095], %swap3A_1098 {strides = array<i32>} : memref<112x32xf32, #tpu.memory_space<vmem>>, vector<1x16xf32>,
    %swap3A_1099 = arith.constant 91 : i32
    %swap3A_1100 = arith.index_cast %swap3A_1099 : i32 to index
    %swap3A_1101 = arith.constant 16 : index
    %swap3A_1102 = tpu.vector_load %arg27[%swap3A_1100, %swap3A_1101] {strides = array<i32>} : memref<112x32xf32, #tpu.memory_space<vmem>>, vector<1x16xf32>,
    %swap3A_1103 = vector.shape_cast %swap3A_1102 : vector<1x16xf32> to vector<16xf32>
    %swap3A_1104 = vector.shape_cast %broadcast_in_dim3A_1 : vector<16xf32> to vector<1x16xf32>
    tpu.vector_store %arg27[%swap3A_1100, %swap3A_1101], %swap3A_1104 {strides = array<i32>} : memref<112x32xf32, #tpu.memory_space<vmem>>, vector<1x16xf32>,
    %swap3A_1105 = arith.constant 92 : i32
    %swap3A_1106 = arith.index_cast %swap3A_1105 : i32 to index
    %swap3A_1107 = arith.constant 0 : index
    %swap3A_1108 = tpu.vector_load %arg27[%swap3A_1106, %swap3A_1107] {strides = array<i32>} : memref<112x32xf32, #tpu.memory_space<vmem>>, vector<1x16xf32>,
    %swap3A_1109 = vector.shape_cast %swap3A_1108 : vector<1x16xf32> to vector<16xf32>
    %swap3A_1110 = vector.shape_cast %broadcast_in_dim3A_1 : vector<16xf32> to vector<1x16xf32>
    tpu.vector_store %arg27[%swap3A_1106, %swap3A_1107], %swap3A_1110 {strides = array<i32>} : memref<112x32xf32, #tpu.memory_space<vmem>>, vector<1x16xf32>,
    %swap3A_1111 = arith.constant 92 : i32
    %swap3A_1112 = arith.index_cast %swap3A_1111 : i32 to index
    %swap3A_1113 = arith.constant 16 : index
    %swap3A_1114 = tpu.vector_load %arg27[%swap3A_1112, %swap3A_1113] {strides = array<i32>} : memref<112x32xf32, #tpu.memory_space<vmem>>, vector<1x16xf32>,
    %swap3A_1115 = vector.shape_cast %swap3A_1114 : vector<1x16xf32> to vector<16xf32>
    %swap3A_1116 = vector.shape_cast %broadcast_in_dim3A_1 : vector<16xf32> to vector<1x16xf32>
    tpu.vector_store %arg27[%swap3A_1112, %swap3A_1113], %swap3A_1116 {strides = array<i32>} : memref<112x32xf32, #tpu.memory_space<vmem>>, vector<1x16xf32>,
    %swap3A_1117 = arith.constant 93 : i32
    %swap3A_1118 = arith.index_cast %swap3A_1117 : i32 to index
    %swap3A_1119 = arith.constant 0 : index
    %swap3A_1120 = tpu.vector_load %arg27[%swap3A_1118, %swap3A_1119] {strides = array<i32>} : memref<112x32xf32, #tpu.memory_space<vmem>>, vector<1x16xf32>,
    %swap3A_1121 = vector.shape_cast %swap3A_1120 : vector<1x16xf32> to vector<16xf32>
    %swap3A_1122 = vector.shape_cast %broadcast_in_dim3A_1 : vector<16xf32> to vector<1x16xf32>
    tpu.vector_store %arg27[%swap3A_1118, %swap3A_1119], %swap3A_1122 {strides = array<i32>} : memref<112x32xf32, #tpu.memory_space<vmem>>, vector<1x16xf32>,
    %swap3A_1123 = arith.constant 93 : i32
    %swap3A_1124 = arith.index_cast %swap3A_1123 : i32 to index
    %swap3A_1125 = arith.constant 16 : index
    %swap3A_1126 = tpu.vector_load %arg27[%swap3A_1124, %swap3A_1125] {strides = array<i32>} : memref<112x32xf32, #tpu.memory_space<vmem>>, vector<1x16xf32>,
    %swap3A_1127 = vector.shape_cast %swap3A_1126 : vector<1x16xf32> to vector<16xf32>
    %swap3A_1128 = vector.shape_cast %broadcast_in_dim3A_1 : vector<16xf32> to vector<1x16xf32>
    tpu.vector_store %arg27[%swap3A_1124, %swap3A_1125], %swap3A_1128 {strides = array<i32>} : memref<112x32xf32, #tpu.memory_space<vmem>>, vector<1x16xf32>,
    %swap3A_1129 = arith.constant 94 : i32
    %swap3A_1130 = arith.index_cast %swap3A_1129 : i32 to index
    %swap3A_1131 = arith.constant 0 : index
    %swap3A_1132 = tpu.vector_load %arg27[%swap3A_1130, %swap3A_1131] {strides = array<i32>} : memref<112x32xf32, #tpu.memory_space<vmem>>, vector<1x16xf32>,
    %swap3A_1133 = vector.shape_cast %swap3A_1132 : vector<1x16xf32> to vector<16xf32>
    %swap3A_1134 = vector.shape_cast %broadcast_in_dim3A_1 : vector<16xf32> to vector<1x16xf32>
    tpu.vector_store %arg27[%swap3A_1130, %swap3A_1131], %swap3A_1134 {strides = array<i32>} : memref<112x32xf32, #tpu.memory_space<vmem>>, vector<1x16xf32>,
    %swap3A_1135 = arith.constant 94 : i32
    %swap3A_1136 = arith.index_cast %swap3A_1135 : i32 to index
    %swap3A_1137 = arith.constant 16 : index
    %swap3A_1138 = tpu.vector_load %arg27[%swap3A_1136, %swap3A_1137] {strides = array<i32>} : memref<112x32xf32, #tpu.memory_space<vmem>>, vector<1x16xf32>,
    %swap3A_1139 = vector.shape_cast %swap3A_1138 : vector<1x16xf32> to vector<16xf32>
    %swap3A_1140 = vector.shape_cast %broadcast_in_dim3A_1 : vector<16xf32> to vector<1x16xf32>
    tpu.vector_store %arg27[%swap3A_1136, %swap3A_1137], %swap3A_1140 {strides = array<i32>} : memref<112x32xf32, #tpu.memory_space<vmem>>, vector<1x16xf32>,
    %swap3A_1141 = arith.constant 95 : i32
    %swap3A_1142 = arith.index_cast %swap3A_1141 : i32 to index
    %swap3A_1143 = arith.constant 0 : index
    %swap3A_1144 = tpu.vector_load %arg27[%swap3A_1142, %swap3A_1143] {strides = array<i32>} : memref<112x32xf32, #tpu.memory_space<vmem>>, vector<1x16xf32>,
    %swap3A_1145 = vector.shape_cast %swap3A_1144 : vector<1x16xf32> to vector<16xf32>
    %swap3A_1146 = vector.shape_cast %broadcast_in_dim3A_1 : vector<16xf32> to vector<1x16xf32>
    tpu.vector_store %arg27[%swap3A_1142, %swap3A_1143], %swap3A_1146 {strides = array<i32>} : memref<112x32xf32, #tpu.memory_space<vmem>>, vector<1x16xf32>,
    %swap3A_1147 = arith.constant 95 : i32
    %swap3A_1148 = arith.index_cast %swap3A_1147 : i32 to index
    %swap3A_1149 = arith.constant 16 : index
    %swap3A_1150 = tpu.vector_load %arg27[%swap3A_1148, %swap3A_1149] {strides = array<i32>} : memref<112x32xf32, #tpu.memory_space<vmem>>, vector<1x16xf32>,
    %swap3A_1151 = vector.shape_cast %swap3A_1150 : vector<1x16xf32> to vector<16xf32>
    %swap3A_1152 = vector.shape_cast %broadcast_in_dim3A_1 : vector<16xf32> to vector<1x16xf32>
    tpu.vector_store %arg27[%swap3A_1148, %swap3A_1149], %swap3A_1152 {strides = array<i32>} : memref<112x32xf32, #tpu.memory_space<vmem>>, vector<1x16xf32>,
    %swap3A_1153 = arith.constant 96 : i32
    %swap3A_1154 = arith.index_cast %swap3A_1153 : i32 to index
    %swap3A_1155 = arith.constant 0 : index
    %swap3A_1156 = tpu.vector_load %arg27[%swap3A_1154, %swap3A_1155] {strides = array<i32>} : memref<112x32xf32, #tpu.memory_space<vmem>>, vector<1x16xf32>,
    %swap3A_1157 = vector.shape_cast %swap3A_1156 : vector<1x16xf32> to vector<16xf32>
    %swap3A_1158 = vector.shape_cast %broadcast_in_dim3A_1 : vector<16xf32> to vector<1x16xf32>
    tpu.vector_store %arg27[%swap3A_1154, %swap3A_1155], %swap3A_1158 {strides = array<i32>} : memref<112x32xf32, #tpu.memory_space<vmem>>, vector<1x16xf32>,
    %swap3A_1159 = arith.constant 96 : i32
    %swap3A_1160 = arith.index_cast %swap3A_1159 : i32 to index
    %swap3A_1161 = arith.constant 16 : index
    %swap3A_1162 = tpu.vector_load %arg27[%swap3A_1160, %swap3A_1161] {strides = array<i32>} : memref<112x32xf32, #tpu.memory_space<vmem>>, vector<1x16xf32>,
    %swap3A_1163 = vector.shape_cast %swap3A_1162 : vector<1x16xf32> to vector<16xf32>
    %swap3A_1164 = vector.shape_cast %broadcast_in_dim3A_1 : vector<16xf32> to vector<1x16xf32>
    tpu.vector_store %arg27[%swap3A_1160, %swap3A_1161], %swap3A_1164 {strides = array<i32>} : memref<112x32xf32, #tpu.memory_space<vmem>>, vector<1x16xf32>,
    %swap3A_1165 = arith.constant 97 : i32
    %swap3A_1166 = arith.index_cast %swap3A_1165 : i32 to index
    %swap3A_1167 = arith.constant 0 : index
    %swap3A_1168 = tpu.vector_load %arg27[%swap3A_1166, %swap3A_1167] {strides = array<i32>} : memref<112x32xf32, #tpu.memory_space<vmem>>, vector<1x16xf32>,
    %swap3A_1169 = vector.shape_cast %swap3A_1168 : vector<1x16xf32> to vector<16xf32>
    %swap3A_1170 = vector.shape_cast %broadcast_in_dim3A_1 : vector<16xf32> to vector<1x16xf32>
    tpu.vector_store %arg27[%swap3A_1166, %swap3A_1167], %swap3A_1170 {strides = array<i32>} : memref<112x32xf32, #tpu.memory_space<vmem>>, vector<1x16xf32>,
    %swap3A_1171 = arith.constant 97 : i32
    %swap3A_1172 = arith.index_cast %swap3A_1171 : i32 to index
    %swap3A_1173 = arith.constant 16 : index
    %swap3A_1174 = tpu.vector_load %arg27[%swap3A_1172, %swap3A_1173] {strides = array<i32>} : memref<112x32xf32, #tpu.memory_space<vmem>>, vector<1x16xf32>,
    %swap3A_1175 = vector.shape_cast %swap3A_1174 : vector<1x16xf32> to vector<16xf32>
    %swap3A_1176 = vector.shape_cast %broadcast_in_dim3A_1 : vector<16xf32> to vector<1x16xf32>
    tpu.vector_store %arg27[%swap3A_1172, %swap3A_1173], %swap3A_1176 {strides = array<i32>} : memref<112x32xf32, #tpu.memory_space<vmem>>, vector<1x16xf32>,
    %swap3A_1177 = arith.constant 98 : i32
    %swap3A_1178 = arith.index_cast %swap3A_1177 : i32 to index
    %swap3A_1179 = arith.constant 0 : index
    %swap3A_1180 = tpu.vector_load %arg27[%swap3A_1178, %swap3A_1179] {strides = array<i32>} : memref<112x32xf32, #tpu.memory_space<vmem>>, vector<1x16xf32>,
    %swap3A_1181 = vector.shape_cast %swap3A_1180 : vector<1x16xf32> to vector<16xf32>
    %swap3A_1182 = vector.shape_cast %broadcast_in_dim3A_1 : vector<16xf32> to vector<1x16xf32>
    tpu.vector_store %arg27[%swap3A_1178, %swap3A_1179], %swap3A_1182 {strides = array<i32>} : memref<112x32xf32, #tpu.memory_space<vmem>>, vector<1x16xf32>,
    %swap3A_1183 = arith.constant 98 : i32
    %swap3A_1184 = arith.index_cast %swap3A_1183 : i32 to index
    %swap3A_1185 = arith.constant 16 : index
    %swap3A_1186 = tpu.vector_load %arg27[%swap3A_1184, %swap3A_1185] {strides = array<i32>} : memref<112x32xf32, #tpu.memory_space<vmem>>, vector<1x16xf32>,
    %swap3A_1187 = vector.shape_cast %swap3A_1186 : vector<1x16xf32> to vector<16xf32>
    %swap3A_1188 = vector.shape_cast %broadcast_in_dim3A_1 : vector<16xf32> to vector<1x16xf32>
    tpu.vector_store %arg27[%swap3A_1184, %swap3A_1185], %swap3A_1188 {strides = array<i32>} : memref<112x32xf32, #tpu.memory_space<vmem>>, vector<1x16xf32>,
    %swap3A_1189 = arith.constant 99 : i32
    %swap3A_1190 = arith.index_cast %swap3A_1189 : i32 to index
    %swap3A_1191 = arith.constant 0 : index
    %swap3A_1192 = tpu.vector_load %arg27[%swap3A_1190, %swap3A_1191] {strides = array<i32>} : memref<112x32xf32, #tpu.memory_space<vmem>>, vector<1x16xf32>,
    %swap3A_1193 = vector.shape_cast %swap3A_1192 : vector<1x16xf32> to vector<16xf32>
    %swap3A_1194 = vector.shape_cast %broadcast_in_dim3A_1 : vector<16xf32> to vector<1x16xf32>
    tpu.vector_store %arg27[%swap3A_1190, %swap3A_1191], %swap3A_1194 {strides = array<i32>} : memref<112x32xf32, #tpu.memory_space<vmem>>, vector<1x16xf32>,
    %swap3A_1195 = arith.constant 99 : i32
    %swap3A_1196 = arith.index_cast %swap3A_1195 : i32 to index
    %swap3A_1197 = arith.constant 16 : index
    %swap3A_1198 = tpu.vector_load %arg27[%swap3A_1196, %swap3A_1197] {strides = array<i32>} : memref<112x32xf32, #tpu.memory_space<vmem>>, vector<1x16xf32>,
    %swap3A_1199 = vector.shape_cast %swap3A_1198 : vector<1x16xf32> to vector<16xf32>
    %swap3A_1200 = vector.shape_cast %broadcast_in_dim3A_1 : vector<16xf32> to vector<1x16xf32>
    tpu.vector_store %arg27[%swap3A_1196, %swap3A_1197], %swap3A_1200 {strides = array<i32>} : memref<112x32xf32, #tpu.memory_space<vmem>>, vector<1x16xf32>,
    %swap3A_1201 = arith.constant 100 : i32
    %swap3A_1202 = arith.index_cast %swap3A_1201 : i32 to index
    %swap3A_1203 = arith.constant 0 : index
    %swap3A_1204 = tpu.vector_load %arg27[%swap3A_1202, %swap3A_1203] {strides = array<i32>} : memref<112x32xf32, #tpu.memory_space<vmem>>, vector<1x16xf32>,
    %swap3A_1205 = vector.shape_cast %swap3A_1204 : vector<1x16xf32> to vector<16xf32>
    %swap3A_1206 = vector.shape_cast %broadcast_in_dim3A_1 : vector<16xf32> to vector<1x16xf32>
    tpu.vector_store %arg27[%swap3A_1202, %swap3A_1203], %swap3A_1206 {strides = array<i32>} : memref<112x32xf32, #tpu.memory_space<vmem>>, vector<1x16xf32>,
    %swap3A_1207 = arith.constant 100 : i32
    %swap3A_1208 = arith.index_cast %swap3A_1207 : i32 to index
    %swap3A_1209 = arith.constant 16 : index
    %swap3A_1210 = tpu.vector_load %arg27[%swap3A_1208, %swap3A_1209] {strides = array<i32>} : memref<112x32xf32, #tpu.memory_space<vmem>>, vector<1x16xf32>,
    %swap3A_1211 = vector.shape_cast %swap3A_1210 : vector<1x16xf32> to vector<16xf32>
    %swap3A_1212 = vector.shape_cast %broadcast_in_dim3A_1 : vector<16xf32> to vector<1x16xf32>
    tpu.vector_store %arg27[%swap3A_1208, %swap3A_1209], %swap3A_1212 {strides = array<i32>} : memref<112x32xf32, #tpu.memory_space<vmem>>, vector<1x16xf32>,
    %swap3A_1213 = arith.constant 101 : i32
    %swap3A_1214 = arith.index_cast %swap3A_1213 : i32 to index
    %swap3A_1215 = arith.constant 0 : index
    %swap3A_1216 = tpu.vector_load %arg27[%swap3A_1214, %swap3A_1215] {strides = array<i32>} : memref<112x32xf32, #tpu.memory_space<vmem>>, vector<1x16xf32>,
    %swap3A_1217 = vector.shape_cast %swap3A_1216 : vector<1x16xf32> to vector<16xf32>
    %swap3A_1218 = vector.shape_cast %broadcast_in_dim3A_1 : vector<16xf32> to vector<1x16xf32>
    tpu.vector_store %arg27[%swap3A_1214, %swap3A_1215], %swap3A_1218 {strides = array<i32>} : memref<112x32xf32, #tpu.memory_space<vmem>>, vector<1x16xf32>,
    %swap3A_1219 = arith.constant 101 : i32
    %swap3A_1220 = arith.index_cast %swap3A_1219 : i32 to index
    %swap3A_1221 = arith.constant 16 : index
    %swap3A_1222 = tpu.vector_load %arg27[%swap3A_1220, %swap3A_1221] {strides = array<i32>} : memref<112x32xf32, #tpu.memory_space<vmem>>, vector<1x16xf32>,
    %swap3A_1223 = vector.shape_cast %swap3A_1222 : vector<1x16xf32> to vector<16xf32>
    %swap3A_1224 = vector.shape_cast %broadcast_in_dim3A_1 : vector<16xf32> to vector<1x16xf32>
    tpu.vector_store %arg27[%swap3A_1220, %swap3A_1221], %swap3A_1224 {strides = array<i32>} : memref<112x32xf32, #tpu.memory_space<vmem>>, vector<1x16xf32>,
    %swap3A_1225 = arith.constant 102 : i32
    %swap3A_1226 = arith.index_cast %swap3A_1225 : i32 to index
    %swap3A_1227 = arith.constant 0 : index
    %swap3A_1228 = tpu.vector_load %arg27[%swap3A_1226, %swap3A_1227] {strides = array<i32>} : memref<112x32xf32, #tpu.memory_space<vmem>>, vector<1x16xf32>,
    %swap3A_1229 = vector.shape_cast %swap3A_1228 : vector<1x16xf32> to vector<16xf32>
    %swap3A_1230 = vector.shape_cast %broadcast_in_dim3A_1 : vector<16xf32> to vector<1x16xf32>
    tpu.vector_store %arg27[%swap3A_1226, %swap3A_1227], %swap3A_1230 {strides = array<i32>} : memref<112x32xf32, #tpu.memory_space<vmem>>, vector<1x16xf32>,
    %swap3A_1231 = arith.constant 102 : i32
    %swap3A_1232 = arith.index_cast %swap3A_1231 : i32 to index
    %swap3A_1233 = arith.constant 16 : index
    %swap3A_1234 = tpu.vector_load %arg27[%swap3A_1232, %swap3A_1233] {strides = array<i32>} : memref<112x32xf32, #tpu.memory_space<vmem>>, vector<1x16xf32>,
    %swap3A_1235 = vector.shape_cast %swap3A_1234 : vector<1x16xf32> to vector<16xf32>
    %swap3A_1236 = vector.shape_cast %broadcast_in_dim3A_1 : vector<16xf32> to vector<1x16xf32>
    tpu.vector_store %arg27[%swap3A_1232, %swap3A_1233], %swap3A_1236 {strides = array<i32>} : memref<112x32xf32, #tpu.memory_space<vmem>>, vector<1x16xf32>,
    %swap3A_1237 = arith.constant 103 : i32
    %swap3A_1238 = arith.index_cast %swap3A_1237 : i32 to index
    %swap3A_1239 = arith.constant 0 : index
    %swap3A_1240 = tpu.vector_load %arg27[%swap3A_1238, %swap3A_1239] {strides = array<i32>} : memref<112x32xf32, #tpu.memory_space<vmem>>, vector<1x16xf32>,
    %swap3A_1241 = vector.shape_cast %swap3A_1240 : vector<1x16xf32> to vector<16xf32>
    %swap3A_1242 = vector.shape_cast %broadcast_in_dim3A_1 : vector<16xf32> to vector<1x16xf32>
    tpu.vector_store %arg27[%swap3A_1238, %swap3A_1239], %swap3A_1242 {strides = array<i32>} : memref<112x32xf32, #tpu.memory_space<vmem>>, vector<1x16xf32>,
    %swap3A_1243 = arith.constant 103 : i32
    %swap3A_1244 = arith.index_cast %swap3A_1243 : i32 to index
    %swap3A_1245 = arith.constant 16 : index
    %swap3A_1246 = tpu.vector_load %arg27[%swap3A_1244, %swap3A_1245] {strides = array<i32>} : memref<112x32xf32, #tpu.memory_space<vmem>>, vector<1x16xf32>,
    %swap3A_1247 = vector.shape_cast %swap3A_1246 : vector<1x16xf32> to vector<16xf32>
    %swap3A_1248 = vector.shape_cast %broadcast_in_dim3A_1 : vector<16xf32> to vector<1x16xf32>
    tpu.vector_store %arg27[%swap3A_1244, %swap3A_1245], %swap3A_1248 {strides = array<i32>} : memref<112x32xf32, #tpu.memory_space<vmem>>, vector<1x16xf32>,
    %swap3A_1249 = arith.constant 104 : i32
    %swap3A_1250 = arith.index_cast %swap3A_1249 : i32 to index
    %swap3A_1251 = arith.constant 0 : index
    %swap3A_1252 = tpu.vector_load %arg27[%swap3A_1250, %swap3A_1251] {strides = array<i32>} : memref<112x32xf32, #tpu.memory_space<vmem>>, vector<1x16xf32>,
    %swap3A_1253 = vector.shape_cast %swap3A_1252 : vector<1x16xf32> to vector<16xf32>
    %swap3A_1254 = vector.shape_cast %broadcast_in_dim3A_1 : vector<16xf32> to vector<1x16xf32>
    tpu.vector_store %arg27[%swap3A_1250, %swap3A_1251], %swap3A_1254 {strides = array<i32>} : memref<112x32xf32, #tpu.memory_space<vmem>>, vector<1x16xf32>,
    %swap3A_1255 = arith.constant 104 : i32
    %swap3A_1256 = arith.index_cast %swap3A_1255 : i32 to index
    %swap3A_1257 = arith.constant 16 : index
    %swap3A_1258 = tpu.vector_load %arg27[%swap3A_1256, %swap3A_1257] {strides = array<i32>} : memref<112x32xf32, #tpu.memory_space<vmem>>, vector<1x16xf32>,
    %swap3A_1259 = vector.shape_cast %swap3A_1258 : vector<1x16xf32> to vector<16xf32>
    %swap3A_1260 = vector.shape_cast %broadcast_in_dim3A_1 : vector<16xf32> to vector<1x16xf32>
    tpu.vector_store %arg27[%swap3A_1256, %swap3A_1257], %swap3A_1260 {strides = array<i32>} : memref<112x32xf32, #tpu.memory_space<vmem>>, vector<1x16xf32>,
    %swap3A_1261 = arith.constant 105 : i32
    %swap3A_1262 = arith.index_cast %swap3A_1261 : i32 to index
    %swap3A_1263 = arith.constant 0 : index
    %swap3A_1264 = tpu.vector_load %arg27[%swap3A_1262, %swap3A_1263] {strides = array<i32>} : memref<112x32xf32, #tpu.memory_space<vmem>>, vector<1x16xf32>,
    %swap3A_1265 = vector.shape_cast %swap3A_1264 : vector<1x16xf32> to vector<16xf32>
    %swap3A_1266 = vector.shape_cast %broadcast_in_dim3A_1 : vector<16xf32> to vector<1x16xf32>
    tpu.vector_store %arg27[%swap3A_1262, %swap3A_1263], %swap3A_1266 {strides = array<i32>} : memref<112x32xf32, #tpu.memory_space<vmem>>, vector<1x16xf32>,
    %swap3A_1267 = arith.constant 105 : i32
    %swap3A_1268 = arith.index_cast %swap3A_1267 : i32 to index
    %swap3A_1269 = arith.constant 16 : index
    %swap3A_1270 = tpu.vector_load %arg27[%swap3A_1268, %swap3A_1269] {strides = array<i32>} : memref<112x32xf32, #tpu.memory_space<vmem>>, vector<1x16xf32>,
    %swap3A_1271 = vector.shape_cast %swap3A_1270 : vector<1x16xf32> to vector<16xf32>
    %swap3A_1272 = vector.shape_cast %broadcast_in_dim3A_1 : vector<16xf32> to vector<1x16xf32>
    tpu.vector_store %arg27[%swap3A_1268, %swap3A_1269], %swap3A_1272 {strides = array<i32>} : memref<112x32xf32, #tpu.memory_space<vmem>>, vector<1x16xf32>,
    %swap3A_1273 = arith.constant 106 : i32
    %swap3A_1274 = arith.index_cast %swap3A_1273 : i32 to index
    %swap3A_1275 = arith.constant 0 : index
    %swap3A_1276 = tpu.vector_load %arg27[%swap3A_1274, %swap3A_1275] {strides = array<i32>} : memref<112x32xf32, #tpu.memory_space<vmem>>, vector<1x16xf32>,
    %swap3A_1277 = vector.shape_cast %swap3A_1276 : vector<1x16xf32> to vector<16xf32>
    %swap3A_1278 = vector.shape_cast %broadcast_in_dim3A_1 : vector<16xf32> to vector<1x16xf32>
    tpu.vector_store %arg27[%swap3A_1274, %swap3A_1275], %swap3A_1278 {strides = array<i32>} : memref<112x32xf32, #tpu.memory_space<vmem>>, vector<1x16xf32>,
    %swap3A_1279 = arith.constant 106 : i32
    %swap3A_1280 = arith.index_cast %swap3A_1279 : i32 to index
    %swap3A_1281 = arith.constant 16 : index
    %swap3A_1282 = tpu.vector_load %arg27[%swap3A_1280, %swap3A_1281] {strides = array<i32>} : memref<112x32xf32, #tpu.memory_space<vmem>>, vector<1x16xf32>,
    %swap3A_1283 = vector.shape_cast %swap3A_1282 : vector<1x16xf32> to vector<16xf32>
    %swap3A_1284 = vector.shape_cast %broadcast_in_dim3A_1 : vector<16xf32> to vector<1x16xf32>
    tpu.vector_store %arg27[%swap3A_1280, %swap3A_1281], %swap3A_1284 {strides = array<i32>} : memref<112x32xf32, #tpu.memory_space<vmem>>, vector<1x16xf32>,
    %swap3A_1285 = arith.constant 107 : i32
    %swap3A_1286 = arith.index_cast %swap3A_1285 : i32 to index
    %swap3A_1287 = arith.constant 0 : index
    %swap3A_1288 = tpu.vector_load %arg27[%swap3A_1286, %swap3A_1287] {strides = array<i32>} : memref<112x32xf32, #tpu.memory_space<vmem>>, vector<1x16xf32>,
    %swap3A_1289 = vector.shape_cast %swap3A_1288 : vector<1x16xf32> to vector<16xf32>
    %swap3A_1290 = vector.shape_cast %broadcast_in_dim3A_1 : vector<16xf32> to vector<1x16xf32>
    tpu.vector_store %arg27[%swap3A_1286, %swap3A_1287], %swap3A_1290 {strides = array<i32>} : memref<112x32xf32, #tpu.memory_space<vmem>>, vector<1x16xf32>,
    %swap3A_1291 = arith.constant 107 : i32
    %swap3A_1292 = arith.index_cast %swap3A_1291 : i32 to index
    %swap3A_1293 = arith.constant 16 : index
    %swap3A_1294 = tpu.vector_load %arg27[%swap3A_1292, %swap3A_1293] {strides = array<i32>} : memref<112x32xf32, #tpu.memory_space<vmem>>, vector<1x16xf32>,
    %swap3A_1295 = vector.shape_cast %swap3A_1294 : vector<1x16xf32> to vector<16xf32>
    %swap3A_1296 = vector.shape_cast %broadcast_in_dim3A_1 : vector<16xf32> to vector<1x16xf32>
    tpu.vector_store %arg27[%swap3A_1292, %swap3A_1293], %swap3A_1296 {strides = array<i32>} : memref<112x32xf32, #tpu.memory_space<vmem>>, vector<1x16xf32>,
    %swap3A_1297 = arith.constant 108 : i32
    %swap3A_1298 = arith.index_cast %swap3A_1297 : i32 to index
    %swap3A_1299 = arith.constant 0 : index
    %swap3A_1300 = tpu.vector_load %arg27[%swap3A_1298, %swap3A_1299] {strides = array<i32>} : memref<112x32xf32, #tpu.memory_space<vmem>>, vector<1x16xf32>,
    %swap3A_1301 = vector.shape_cast %swap3A_1300 : vector<1x16xf32> to vector<16xf32>
    %swap3A_1302 = vector.shape_cast %broadcast_in_dim3A_1 : vector<16xf32> to vector<1x16xf32>
    tpu.vector_store %arg27[%swap3A_1298, %swap3A_1299], %swap3A_1302 {strides = array<i32>} : memref<112x32xf32, #tpu.memory_space<vmem>>, vector<1x16xf32>,
    %swap3A_1303 = arith.constant 108 : i32
    %swap3A_1304 = arith.index_cast %swap3A_1303 : i32 to index
    %swap3A_1305 = arith.constant 16 : index
    %swap3A_1306 = tpu.vector_load %arg27[%swap3A_1304, %swap3A_1305] {strides = array<i32>} : memref<112x32xf32, #tpu.memory_space<vmem>>, vector<1x16xf32>,
    %swap3A_1307 = vector.shape_cast %swap3A_1306 : vector<1x16xf32> to vector<16xf32>
    %swap3A_1308 = vector.shape_cast %broadcast_in_dim3A_1 : vector<16xf32> to vector<1x16xf32>
    tpu.vector_store %arg27[%swap3A_1304, %swap3A_1305], %swap3A_1308 {strides = array<i32>} : memref<112x32xf32, #tpu.memory_space<vmem>>, vector<1x16xf32>,
    %swap3A_1309 = arith.constant 109 : i32
    %swap3A_1310 = arith.index_cast %swap3A_1309 : i32 to index
    %swap3A_1311 = arith.constant 0 : index
    %swap3A_1312 = tpu.vector_load %arg27[%swap3A_1310, %swap3A_1311] {strides = array<i32>} : memref<112x32xf32, #tpu.memory_space<vmem>>, vector<1x16xf32>,
    %swap3A_1313 = vector.shape_cast %swap3A_1312 : vector<1x16xf32> to vector<16xf32>
    %swap3A_1314 = vector.shape_cast %broadcast_in_dim3A_1 : vector<16xf32> to vector<1x16xf32>
    tpu.vector_store %arg27[%swap3A_1310, %swap3A_1311], %swap3A_1314 {strides = array<i32>} : memref<112x32xf32, #tpu.memory_space<vmem>>, vector<1x16xf32>,
    %swap3A_1315 = arith.constant 109 : i32
    %swap3A_1316 = arith.index_cast %swap3A_1315 : i32 to index
    %swap3A_1317 = arith.constant 16 : index
    %swap3A_1318 = tpu.vector_load %arg27[%swap3A_1316, %swap3A_1317] {strides = array<i32>} : memref<112x32xf32, #tpu.memory_space<vmem>>, vector<1x16xf32>,
    %swap3A_1319 = vector.shape_cast %swap3A_1318 : vector<1x16xf32> to vector<16xf32>
    %swap3A_1320 = vector.shape_cast %broadcast_in_dim3A_1 : vector<16xf32> to vector<1x16xf32>
    tpu.vector_store %arg27[%swap3A_1316, %swap3A_1317], %swap3A_1320 {strides = array<i32>} : memref<112x32xf32, #tpu.memory_space<vmem>>, vector<1x16xf32>,
    %swap3A_1321 = arith.constant 110 : i32
    %swap3A_1322 = arith.index_cast %swap3A_1321 : i32 to index
    %swap3A_1323 = arith.constant 0 : index
    %swap3A_1324 = tpu.vector_load %arg27[%swap3A_1322, %swap3A_1323] {strides = array<i32>} : memref<112x32xf32, #tpu.memory_space<vmem>>, vector<1x16xf32>,
    %swap3A_1325 = vector.shape_cast %swap3A_1324 : vector<1x16xf32> to vector<16xf32>
    %swap3A_1326 = vector.shape_cast %broadcast_in_dim3A_1 : vector<16xf32> to vector<1x16xf32>
    tpu.vector_store %arg27[%swap3A_1322, %swap3A_1323], %swap3A_1326 {strides = array<i32>} : memref<112x32xf32, #tpu.memory_space<vmem>>, vector<1x16xf32>,
    %swap3A_1327 = arith.constant 110 : i32
    %swap3A_1328 = arith.index_cast %swap3A_1327 : i32 to index
    %swap3A_1329 = arith.constant 16 : index
    %swap3A_1330 = tpu.vector_load %arg27[%swap3A_1328, %swap3A_1329] {strides = array<i32>} : memref<112x32xf32, #tpu.memory_space<vmem>>, vector<1x16xf32>,
    %swap3A_1331 = vector.shape_cast %swap3A_1330 : vector<1x16xf32> to vector<16xf32>
    %swap3A_1332 = vector.shape_cast %broadcast_in_dim3A_1 : vector<16xf32> to vector<1x16xf32>
    tpu.vector_store %arg27[%swap3A_1328, %swap3A_1329], %swap3A_1332 {strides = array<i32>} : memref<112x32xf32, #tpu.memory_space<vmem>>, vector<1x16xf32>,
    %swap3A_1333 = arith.constant 111 : i32
    %swap3A_1334 = arith.index_cast %swap3A_1333 : i32 to index
    %swap3A_1335 = arith.constant 0 : index
    %swap3A_1336 = tpu.vector_load %arg27[%swap3A_1334, %swap3A_1335] {strides = array<i32>} : memref<112x32xf32, #tpu.memory_space<vmem>>, vector<1x16xf32>,
    %swap3A_1337 = vector.shape_cast %swap3A_1336 : vector<1x16xf32> to vector<16xf32>
    %swap3A_1338 = vector.shape_cast %broadcast_in_dim3A_1 : vector<16xf32> to vector<1x16xf32>
    tpu.vector_store %arg27[%swap3A_1334, %swap3A_1335], %swap3A_1338 {strides = array<i32>} : memref<112x32xf32, #tpu.memory_space<vmem>>, vector<1x16xf32>,
    %swap3A_1339 = arith.constant 111 : i32
    %swap3A_1340 = arith.index_cast %swap3A_1339 : i32 to index
    %swap3A_1341 = arith.constant 16 : index
    %swap3A_1342 = tpu.vector_load %arg27[%swap3A_1340, %swap3A_1341] {strides = array<i32>} : memref<112x32xf32, #tpu.memory_space<vmem>>, vector<1x16xf32>,
    %swap3A_1343 = vector.shape_cast %swap3A_1342 : vector<1x16xf32> to vector<16xf32>
    %swap3A_1344 = vector.shape_cast %broadcast_in_dim3A_1 : vector<16xf32> to vector<1x16xf32>
    tpu.vector_store %arg27[%swap3A_1340, %swap3A_1341], %swap3A_1344 {strides = array<i32>} : memref<112x32xf32, #tpu.memory_space<vmem>>, vector<1x16xf32>,
    %scan3A = arith.constant 0 : i32
    %scan3A_1345 = arith.constant 0 : i32
    %scan3A_1346 = arith.constant 29 : i32
    %scan3A_1347 = arith.addi %scan3A_1345, %scan3A_1346 : i32
    %scan3A_1348 = arith.constant 1 : i32
    scf.for %scan3A_2171 = %scan3A_1345 to %scan3A_1347 step %scan3A_1348  : i32 {
      %mul3A_2172 = arith.constant 3248 : i32
      %mul3A_2173 = arith.muli %arg1, %mul3A_2172 : i32
      %mul3A_2174 = arith.constant 112 : i32
      %mul3A_2175 = arith.muli %scan3A_2171, %mul3A_2174 : i32
      %add3A_2176 = arith.addi %mul3A_2173, %mul3A_2175 : i32
      "tpu.region"() ({
        %run_scoped3A = tpu.sem_alloc : memref<!tpu.dma_semaphore, #tpu.memory_space<semaphore_mem>>
        %dma_start3A_2177 = arith.constant 0 : i32
        %dma_start3A_2178 = tpu.memref_slice %arg28[%add3A_2176, %dma_start3A_2177] : memref<51968x32xf32, #tpu.memory_space<vmem_shared>> -> memref<112x32xf32, #tpu.memory_space<vmem_shared>>
        %dma_start3A_2179 = arith.constant 0 : i32
        %dma_start3A_2180 = tpu.memref_slice %arg28[%add3A_2176, %dma_start3A_2179] : memref<51968x32xf32, #tpu.memory_space<vmem_shared>> -> memref<112x32xf32, #tpu.memory_space<vmem_shared>>
        tpu.enqueue_dma source(%arg27 : memref<112x32xf32, #tpu.memory_space<vmem>>) target(%dma_start3A_2180 : memref<112x32xf32, #tpu.memory_space<vmem_shared>>) target_semaphore(%run_scoped3A : memref<!tpu.dma_semaphore, #tpu.memory_space<semaphore_mem>>)
        %dma_wait3A_2181 = arith.constant 0 : i32
        %dma_wait3A_2182 = tpu.memref_slice %arg28[%add3A_2176, %dma_wait3A_2181] : memref<51968x32xf32, #tpu.memory_space<vmem_shared>> -> memref<112x32xf32, #tpu.memory_space<vmem_shared>>
        %dma_wait3A_2183 = arith.constant 0 : i32
        %dma_wait3A_2184 = tpu.memref_slice %arg28[%add3A_2176, %dma_wait3A_2183] : memref<51968x32xf32, #tpu.memory_space<vmem_shared>> -> memref<112x32xf32, #tpu.memory_space<vmem_shared>>
        tpu.wait_dma2 semaphore(%run_scoped3A : memref<!tpu.dma_semaphore, #tpu.memory_space<semaphore_mem>>) src(%arg27 : memref<112x32xf32, #tpu.memory_space<vmem>>) dst(%dma_wait3A_2184 : memref<112x32xf32, #tpu.memory_space<vmem_shared>>)
        tpu.yield
      }) : () -> ()
    }
    %scan3A_1349 = arith.constant 29 : i32
    %barrier3A = arith.constant 0 : index
    tpu.barrier barrier_id(%barrier3A)
    %mul3A_1350 = arith.constant 100000 : i32
    %mul3A_1351 = arith.muli %arg1, %mul3A_1350 : i32
    %mul3A_1352 = arith.constant 16 : i32
    %mul3A_1353 = arith.muli %arg1, %mul3A_1352 : i32
    %add3A = arith.constant 50000 : i32
    %add3A_1354 = arith.addi %add3A, %mul3A_1353 : i32
    %iota3A = tpu.iota {dimensions = array<i32: 0>} : vector<16xi32>
    %add3A_1355 = vector.broadcast %add3A_1354 : i32 to vector<16xi32>
    %add3A_1356 = arith.addi %add3A_1355, %iota3A : vector<16xi32>
    %add3A_1357 = arith.constant 0 : i32
    %add3A_1358 = arith.addi %mul3A_1351, %add3A_1357 : i32
    %multiple_of3A = tpu.assume_multiple %add3A_1358, 8 : i32
    %dma_start3A = tpu.memref_slice %arg4[%multiple_of3A] : memref<1600000xi32, #tpu.memory_space<hbm>> -> memref<80xi32, #tpu.memory_space<hbm>>
    %dma_start3A_1359 = tpu.memref_slice %arg4[%multiple_of3A] : memref<1600000xi32, #tpu.memory_space<hbm>> -> memref<80xi32, #tpu.memory_space<hbm>>
    tpu.enqueue_dma source(%dma_start3A_1359 : memref<80xi32, #tpu.memory_space<hbm>>) target(%arg7 : memref<80xi32, #tpu.memory_space<vmem>>) target_semaphore(%arg29 : memref<!tpu.dma_semaphore, #tpu.memory_space<semaphore_mem>>)
    %dma_start3A_1360 = tpu.memref_slice %arg5[%multiple_of3A] : memref<1600000xi32, #tpu.memory_space<hbm>> -> memref<80xi32, #tpu.memory_space<hbm>>
    %dma_start3A_1361 = tpu.memref_slice %arg5[%multiple_of3A] : memref<1600000xi32, #tpu.memory_space<hbm>> -> memref<80xi32, #tpu.memory_space<hbm>>
    tpu.enqueue_dma source(%dma_start3A_1361 : memref<80xi32, #tpu.memory_space<hbm>>) target(%arg11 : memref<80xi32, #tpu.memory_space<vmem>>) target_semaphore(%arg29 : memref<!tpu.dma_semaphore, #tpu.memory_space<semaphore_mem>>)
    %add3A_1362 = arith.constant 80 : i32
    %add3A_1363 = arith.addi %mul3A_1351, %add3A_1362 : i32
    %multiple_of3A_1364 = tpu.assume_multiple %add3A_1363, 8 : i32
    %dma_start3A_1365 = tpu.memref_slice %arg4[%multiple_of3A_1364] : memref<1600000xi32, #tpu.memory_space<hbm>> -> memref<80xi32, #tpu.memory_space<hbm>>
    %dma_start3A_1366 = tpu.memref_slice %arg4[%multiple_of3A_1364] : memref<1600000xi32, #tpu.memory_space<hbm>> -> memref<80xi32, #tpu.memory_space<hbm>>
    tpu.enqueue_dma source(%dma_start3A_1366 : memref<80xi32, #tpu.memory_space<hbm>>) target(%arg8 : memref<80xi32, #tpu.memory_space<vmem>>) target_semaphore(%arg30 : memref<!tpu.dma_semaphore, #tpu.memory_space<semaphore_mem>>)
    %dma_start3A_1367 = tpu.memref_slice %arg5[%multiple_of3A_1364] : memref<1600000xi32, #tpu.memory_space<hbm>> -> memref<80xi32, #tpu.memory_space<hbm>>
    %dma_start3A_1368 = tpu.memref_slice %arg5[%multiple_of3A_1364] : memref<1600000xi32, #tpu.memory_space<hbm>> -> memref<80xi32, #tpu.memory_space<hbm>>
    tpu.enqueue_dma source(%dma_start3A_1368 : memref<80xi32, #tpu.memory_space<hbm>>) target(%arg12 : memref<80xi32, #tpu.memory_space<vmem>>) target_semaphore(%arg30 : memref<!tpu.dma_semaphore, #tpu.memory_space<semaphore_mem>>)
    %add3A_1369 = arith.constant 160 : i32
    %add3A_1370 = arith.addi %mul3A_1351, %add3A_1369 : i32
    %multiple_of3A_1371 = tpu.assume_multiple %add3A_1370, 8 : i32
    %dma_start3A_1372 = tpu.memref_slice %arg4[%multiple_of3A_1371] : memref<1600000xi32, #tpu.memory_space<hbm>> -> memref<80xi32, #tpu.memory_space<hbm>>
    %dma_start3A_1373 = tpu.memref_slice %arg4[%multiple_of3A_1371] : memref<1600000xi32, #tpu.memory_space<hbm>> -> memref<80xi32, #tpu.memory_space<hbm>>
    tpu.enqueue_dma source(%dma_start3A_1373 : memref<80xi32, #tpu.memory_space<hbm>>) target(%arg9 : memref<80xi32, #tpu.memory_space<vmem>>) target_semaphore(%arg31 : memref<!tpu.dma_semaphore, #tpu.memory_space<semaphore_mem>>)
    %dma_start3A_1374 = tpu.memref_slice %arg5[%multiple_of3A_1371] : memref<1600000xi32, #tpu.memory_space<hbm>> -> memref<80xi32, #tpu.memory_space<hbm>>
    %dma_start3A_1375 = tpu.memref_slice %arg5[%multiple_of3A_1371] : memref<1600000xi32, #tpu.memory_space<hbm>> -> memref<80xi32, #tpu.memory_space<hbm>>
    tpu.enqueue_dma source(%dma_start3A_1375 : memref<80xi32, #tpu.memory_space<hbm>>) target(%arg13 : memref<80xi32, #tpu.memory_space<vmem>>) target_semaphore(%arg31 : memref<!tpu.dma_semaphore, #tpu.memory_space<semaphore_mem>>)
    %add3A_1376 = arith.constant 240 : i32
    %add3A_1377 = arith.addi %mul3A_1351, %add3A_1376 : i32
    %multiple_of3A_1378 = tpu.assume_multiple %add3A_1377, 8 : i32
    %dma_start3A_1379 = tpu.memref_slice %arg4[%multiple_of3A_1378] : memref<1600000xi32, #tpu.memory_space<hbm>> -> memref<80xi32, #tpu.memory_space<hbm>>
    %dma_start3A_1380 = tpu.memref_slice %arg4[%multiple_of3A_1378] : memref<1600000xi32, #tpu.memory_space<hbm>> -> memref<80xi32, #tpu.memory_space<hbm>>
    tpu.enqueue_dma source(%dma_start3A_1380 : memref<80xi32, #tpu.memory_space<hbm>>) target(%arg10 : memref<80xi32, #tpu.memory_space<vmem>>) target_semaphore(%arg32 : memref<!tpu.dma_semaphore, #tpu.memory_space<semaphore_mem>>)
    %dma_start3A_1381 = tpu.memref_slice %arg5[%multiple_of3A_1378] : memref<1600000xi32, #tpu.memory_space<hbm>> -> memref<80xi32, #tpu.memory_space<hbm>>
    %dma_start3A_1382 = tpu.memref_slice %arg5[%multiple_of3A_1378] : memref<1600000xi32, #tpu.memory_space<hbm>> -> memref<80xi32, #tpu.memory_space<hbm>>
    tpu.enqueue_dma source(%dma_start3A_1382 : memref<80xi32, #tpu.memory_space<hbm>>) target(%arg14 : memref<80xi32, #tpu.memory_space<vmem>>) target_semaphore(%arg32 : memref<!tpu.dma_semaphore, #tpu.memory_space<semaphore_mem>>)
    %dma_wait3A = arith.constant 0 : i32
    %dma_wait3A_1383 = tpu.memref_slice %arg4[%dma_wait3A] : memref<1600000xi32, #tpu.memory_space<hbm>> -> memref<80xi32, #tpu.memory_space<hbm>>
    %dma_wait3A_1384 = arith.constant 0 : i32
    %dma_wait3A_1385 = tpu.memref_slice %arg4[%dma_wait3A_1384] : memref<1600000xi32, #tpu.memory_space<hbm>> -> memref<80xi32, #tpu.memory_space<hbm>>
    tpu.wait_dma2 semaphore(%arg29 : memref<!tpu.dma_semaphore, #tpu.memory_space<semaphore_mem>>) src(%dma_wait3A_1385 : memref<80xi32, #tpu.memory_space<hbm>>) dst(%arg7 : memref<80xi32, #tpu.memory_space<vmem>>)
    %dma_wait3A_1386 = arith.constant 0 : i32
    %dma_wait3A_1387 = tpu.memref_slice %arg5[%dma_wait3A_1386] : memref<1600000xi32, #tpu.memory_space<hbm>> -> memref<80xi32, #tpu.memory_space<hbm>>
    %dma_wait3A_1388 = arith.constant 0 : i32
    %dma_wait3A_1389 = tpu.memref_slice %arg5[%dma_wait3A_1388] : memref<1600000xi32, #tpu.memory_space<hbm>> -> memref<80xi32, #tpu.memory_space<hbm>>
    tpu.wait_dma2 semaphore(%arg29 : memref<!tpu.dma_semaphore, #tpu.memory_space<semaphore_mem>>) src(%dma_wait3A_1389 : memref<80xi32, #tpu.memory_space<hbm>>) dst(%arg11 : memref<80xi32, #tpu.memory_space<vmem>>)
    %get3A = arith.constant 0 : index
    %get3A_1390 = tpu.vector_load %arg11[%get3A] {strides = array<i32>} : memref<80xi32, #tpu.memory_space<vmem>>, vector<16xi32>,
    %get3A_1391 = vector.shape_cast %get3A_1390 : vector<16xi32> to vector<16xi32>
    %sub3A = vector.broadcast %mul3A_0 : i32 to vector<16xi32>
    %sub3A_1392 = arith.subi %get3A_1391, %sub3A : vector<16xi32>
    %ge3A = arith.constant 0 : i32
    %ge3A_1393 = vector.broadcast %ge3A : i32 to vector<16xi32>
    %ge3A_1394 = arith.cmpi sge, %sub3A_1392, %ge3A_1393 : vector<16xi32>
    %lt3A = arith.constant 50000 : i32
    %lt3A_1395 = vector.broadcast %lt3A : i32 to vector<16xi32>
    %lt3A_1396 = arith.cmpi slt, %sub3A_1392, %lt3A_1395 : vector<16xi32>
    %and3A = arith.andi %ge3A_1394, %lt3A_1396 : vector<16xi1>
    %select_n3A = arith.select %and3A, %sub3A_1392, %add3A_1356 : vector<16xi1>, vector<16xi32>
    %swap3A_1397 = arith.constant 0 : index
    %swap3A_1398 = tpu.vector_load %arg15[%swap3A_1397] {strides = array<i32>} : memref<80xi32, #tpu.memory_space<vmem>>, vector<16xi32>,
    %swap3A_1399 = vector.shape_cast %swap3A_1398 : vector<16xi32> to vector<16xi32>
    %swap3A_1400 = vector.shape_cast %select_n3A : vector<16xi32> to vector<16xi32>
    tpu.vector_store %arg15[%swap3A_1397], %swap3A_1400 {strides = array<i32>} : memref<80xi32, #tpu.memory_space<vmem>>, vector<16xi32>,
    %get3A_1401 = arith.constant 16 : index
    %get3A_1402 = tpu.vector_load %arg11[%get3A_1401] {strides = array<i32>} : memref<80xi32, #tpu.memory_space<vmem>>, vector<16xi32>,
    %get3A_1403 = vector.shape_cast %get3A_1402 : vector<16xi32> to vector<16xi32>
    %sub3A_1404 = vector.broadcast %mul3A_0 : i32 to vector<16xi32>
    %sub3A_1405 = arith.subi %get3A_1403, %sub3A_1404 : vector<16xi32>
    %ge3A_1406 = arith.constant 0 : i32
    %ge3A_1407 = vector.broadcast %ge3A_1406 : i32 to vector<16xi32>
    %ge3A_1408 = arith.cmpi sge, %sub3A_1405, %ge3A_1407 : vector<16xi32>
    %lt3A_1409 = arith.constant 50000 : i32
    %lt3A_1410 = vector.broadcast %lt3A_1409 : i32 to vector<16xi32>
    %lt3A_1411 = arith.cmpi slt, %sub3A_1405, %lt3A_1410 : vector<16xi32>
    %and3A_1412 = arith.andi %ge3A_1408, %lt3A_1411 : vector<16xi1>
    %select_n3A_1413 = arith.select %and3A_1412, %sub3A_1405, %add3A_1356 : vector<16xi1>, vector<16xi32>
    %swap3A_1414 = arith.constant 16 : index
    %swap3A_1415 = tpu.vector_load %arg15[%swap3A_1414] {strides = array<i32>} : memref<80xi32, #tpu.memory_space<vmem>>, vector<16xi32>,
    %swap3A_1416 = vector.shape_cast %swap3A_1415 : vector<16xi32> to vector<16xi32>
    %swap3A_1417 = vector.shape_cast %select_n3A_1413 : vector<16xi32> to vector<16xi32>
    tpu.vector_store %arg15[%swap3A_1414], %swap3A_1417 {strides = array<i32>} : memref<80xi32, #tpu.memory_space<vmem>>, vector<16xi32>,
    %get3A_1418 = arith.constant 32 : index
    %get3A_1419 = tpu.vector_load %arg11[%get3A_1418] {strides = array<i32>} : memref<80xi32, #tpu.memory_space<vmem>>, vector<16xi32>,
    %get3A_1420 = vector.shape_cast %get3A_1419 : vector<16xi32> to vector<16xi32>
    %sub3A_1421 = vector.broadcast %mul3A_0 : i32 to vector<16xi32>
    %sub3A_1422 = arith.subi %get3A_1420, %sub3A_1421 : vector<16xi32>
    %ge3A_1423 = arith.constant 0 : i32
    %ge3A_1424 = vector.broadcast %ge3A_1423 : i32 to vector<16xi32>
    %ge3A_1425 = arith.cmpi sge, %sub3A_1422, %ge3A_1424 : vector<16xi32>
    %lt3A_1426 = arith.constant 50000 : i32
    %lt3A_1427 = vector.broadcast %lt3A_1426 : i32 to vector<16xi32>
    %lt3A_1428 = arith.cmpi slt, %sub3A_1422, %lt3A_1427 : vector<16xi32>
    %and3A_1429 = arith.andi %ge3A_1425, %lt3A_1428 : vector<16xi1>
    %select_n3A_1430 = arith.select %and3A_1429, %sub3A_1422, %add3A_1356 : vector<16xi1>, vector<16xi32>
    %swap3A_1431 = arith.constant 32 : index
    %swap3A_1432 = tpu.vector_load %arg15[%swap3A_1431] {strides = array<i32>} : memref<80xi32, #tpu.memory_space<vmem>>, vector<16xi32>,
    %swap3A_1433 = vector.shape_cast %swap3A_1432 : vector<16xi32> to vector<16xi32>
    %swap3A_1434 = vector.shape_cast %select_n3A_1430 : vector<16xi32> to vector<16xi32>
    tpu.vector_store %arg15[%swap3A_1431], %swap3A_1434 {strides = array<i32>} : memref<80xi32, #tpu.memory_space<vmem>>, vector<16xi32>,
    %get3A_1435 = arith.constant 48 : index
    %get3A_1436 = tpu.vector_load %arg11[%get3A_1435] {strides = array<i32>} : memref<80xi32, #tpu.memory_space<vmem>>, vector<16xi32>,
    %get3A_1437 = vector.shape_cast %get3A_1436 : vector<16xi32> to vector<16xi32>
    %sub3A_1438 = vector.broadcast %mul3A_0 : i32 to vector<16xi32>
    %sub3A_1439 = arith.subi %get3A_1437, %sub3A_1438 : vector<16xi32>
    %ge3A_1440 = arith.constant 0 : i32
    %ge3A_1441 = vector.broadcast %ge3A_1440 : i32 to vector<16xi32>
    %ge3A_1442 = arith.cmpi sge, %sub3A_1439, %ge3A_1441 : vector<16xi32>
    %lt3A_1443 = arith.constant 50000 : i32
    %lt3A_1444 = vector.broadcast %lt3A_1443 : i32 to vector<16xi32>
    %lt3A_1445 = arith.cmpi slt, %sub3A_1439, %lt3A_1444 : vector<16xi32>
    %and3A_1446 = arith.andi %ge3A_1442, %lt3A_1445 : vector<16xi1>
    %select_n3A_1447 = arith.select %and3A_1446, %sub3A_1439, %add3A_1356 : vector<16xi1>, vector<16xi32>
    %swap3A_1448 = arith.constant 48 : index
    %swap3A_1449 = tpu.vector_load %arg15[%swap3A_1448] {strides = array<i32>} : memref<80xi32, #tpu.memory_space<vmem>>, vector<16xi32>,
    %swap3A_1450 = vector.shape_cast %swap3A_1449 : vector<16xi32> to vector<16xi32>
    %swap3A_1451 = vector.shape_cast %select_n3A_1447 : vector<16xi32> to vector<16xi32>
    tpu.vector_store %arg15[%swap3A_1448], %swap3A_1451 {strides = array<i32>} : memref<80xi32, #tpu.memory_space<vmem>>, vector<16xi32>,
    %get3A_1452 = arith.constant 64 : index
    %get3A_1453 = tpu.vector_load %arg11[%get3A_1452] {strides = array<i32>} : memref<80xi32, #tpu.memory_space<vmem>>, vector<16xi32>,
    %get3A_1454 = vector.shape_cast %get3A_1453 : vector<16xi32> to vector<16xi32>
    %sub3A_1455 = vector.broadcast %mul3A_0 : i32 to vector<16xi32>
    %sub3A_1456 = arith.subi %get3A_1454, %sub3A_1455 : vector<16xi32>
    %ge3A_1457 = arith.constant 0 : i32
    %ge3A_1458 = vector.broadcast %ge3A_1457 : i32 to vector<16xi32>
    %ge3A_1459 = arith.cmpi sge, %sub3A_1456, %ge3A_1458 : vector<16xi32>
    %lt3A_1460 = arith.constant 50000 : i32
    %lt3A_1461 = vector.broadcast %lt3A_1460 : i32 to vector<16xi32>
    %lt3A_1462 = arith.cmpi slt, %sub3A_1456, %lt3A_1461 : vector<16xi32>
    %and3A_1463 = arith.andi %ge3A_1459, %lt3A_1462 : vector<16xi1>
    %select_n3A_1464 = arith.select %and3A_1463, %sub3A_1456, %add3A_1356 : vector<16xi1>, vector<16xi32>
    %swap3A_1465 = arith.constant 64 : index
    %swap3A_1466 = tpu.vector_load %arg15[%swap3A_1465] {strides = array<i32>} : memref<80xi32, #tpu.memory_space<vmem>>, vector<16xi32>,
    %swap3A_1467 = vector.shape_cast %swap3A_1466 : vector<16xi32> to vector<16xi32>
    %swap3A_1468 = vector.shape_cast %select_n3A_1464 : vector<16xi32> to vector<16xi32>
    tpu.vector_store %arg15[%swap3A_1465], %swap3A_1468 {strides = array<i32>} : memref<80xi32, #tpu.memory_space<vmem>>, vector<16xi32>,
    %dma_start3A_1469 = arith.constant 0 : i32
    %dma_start3A_1470 = arith.constant 0 : i32
    %dma_start3A_1471 = tpu.memref_slice %arg2[%dma_start3A_1469, %dma_start3A_1470] : memref<100000x32xf32, #tpu.memory_space<hbm>> -> memref<100000x32xf32, #tpu.memory_space<hbm>>
    tpu.enqueue_indirect_dma source(%dma_start3A_1471 : memref<100000x32xf32, #tpu.memory_space<hbm>>) target(%arg19 : memref<80x32xf32, #tpu.memory_space<vmem>>) offsets(%arg7 : memref<80xi32, #tpu.memory_space<vmem>>) semaphore(%arg33 : memref<!tpu.dma_semaphore, #tpu.memory_space<semaphore_mem>>)
    %add3A_1472 = arith.constant 0 : i32
    %add3A_1473 = arith.addi %mul3A_1351, %add3A_1472 : i32
    %multiple_of3A_1474 = tpu.assume_multiple %add3A_1473, 8 : i32
    %dma_start3A_1475 = arith.constant 0 : i32
    %dma_start3A_1476 = tpu.memref_slice %arg3[%multiple_of3A_1474, %dma_start3A_1475] : memref<1600000x32xf32, #tpu.memory_space<hbm>> -> memref<80x32xf32, #tpu.memory_space<hbm>>
    %dma_start3A_1477 = arith.constant 0 : i32
    %dma_start3A_1478 = tpu.memref_slice %arg3[%multiple_of3A_1474, %dma_start3A_1477] : memref<1600000x32xf32, #tpu.memory_space<hbm>> -> memref<80x32xf32, #tpu.memory_space<hbm>>
    tpu.enqueue_dma source(%dma_start3A_1478 : memref<80x32xf32, #tpu.memory_space<hbm>>) target(%arg23 : memref<80x32xf32, #tpu.memory_space<vmem>>) target_semaphore(%arg37 : memref<!tpu.dma_semaphore, #tpu.memory_space<semaphore_mem>>)
    %dma_wait3A_1479 = arith.constant 0 : i32
    %dma_wait3A_1480 = tpu.memref_slice %arg4[%dma_wait3A_1479] : memref<1600000xi32, #tpu.memory_space<hbm>> -> memref<80xi32, #tpu.memory_space<hbm>>
    %dma_wait3A_1481 = arith.constant 0 : i32
    %dma_wait3A_1482 = tpu.memref_slice %arg4[%dma_wait3A_1481] : memref<1600000xi32, #tpu.memory_space<hbm>> -> memref<80xi32, #tpu.memory_space<hbm>>
    tpu.wait_dma2 semaphore(%arg30 : memref<!tpu.dma_semaphore, #tpu.memory_space<semaphore_mem>>) src(%dma_wait3A_1482 : memref<80xi32, #tpu.memory_space<hbm>>) dst(%arg8 : memref<80xi32, #tpu.memory_space<vmem>>)
    %dma_wait3A_1483 = arith.constant 0 : i32
    %dma_wait3A_1484 = tpu.memref_slice %arg5[%dma_wait3A_1483] : memref<1600000xi32, #tpu.memory_space<hbm>> -> memref<80xi32, #tpu.memory_space<hbm>>
    %dma_wait3A_1485 = arith.constant 0 : i32
    %dma_wait3A_1486 = tpu.memref_slice %arg5[%dma_wait3A_1485] : memref<1600000xi32, #tpu.memory_space<hbm>> -> memref<80xi32, #tpu.memory_space<hbm>>
    tpu.wait_dma2 semaphore(%arg30 : memref<!tpu.dma_semaphore, #tpu.memory_space<semaphore_mem>>) src(%dma_wait3A_1486 : memref<80xi32, #tpu.memory_space<hbm>>) dst(%arg12 : memref<80xi32, #tpu.memory_space<vmem>>)
    %get3A_1487 = arith.constant 0 : index
    %get3A_1488 = tpu.vector_load %arg12[%get3A_1487] {strides = array<i32>} : memref<80xi32, #tpu.memory_space<vmem>>, vector<16xi32>,
    %get3A_1489 = vector.shape_cast %get3A_1488 : vector<16xi32> to vector<16xi32>
    %sub3A_1490 = vector.broadcast %mul3A_0 : i32 to vector<16xi32>
    %sub3A_1491 = arith.subi %get3A_1489, %sub3A_1490 : vector<16xi32>
    %ge3A_1492 = arith.constant 0 : i32
    %ge3A_1493 = vector.broadcast %ge3A_1492 : i32 to vector<16xi32>
    %ge3A_1494 = arith.cmpi sge, %sub3A_1491, %ge3A_1493 : vector<16xi32>
    %lt3A_1495 = arith.constant 50000 : i32
    %lt3A_1496 = vector.broadcast %lt3A_1495 : i32 to vector<16xi32>
    %lt3A_1497 = arith.cmpi slt, %sub3A_1491, %lt3A_1496 : vector<16xi32>
    %and3A_1498 = arith.andi %ge3A_1494, %lt3A_1497 : vector<16xi1>
    %select_n3A_1499 = arith.select %and3A_1498, %sub3A_1491, %add3A_1356 : vector<16xi1>, vector<16xi32>
    %swap3A_1500 = arith.constant 0 : index
    %swap3A_1501 = tpu.vector_load %arg16[%swap3A_1500] {strides = array<i32>} : memref<80xi32, #tpu.memory_space<vmem>>, vector<16xi32>,
    %swap3A_1502 = vector.shape_cast %swap3A_1501 : vector<16xi32> to vector<16xi32>
    %swap3A_1503 = vector.shape_cast %select_n3A_1499 : vector<16xi32> to vector<16xi32>
    tpu.vector_store %arg16[%swap3A_1500], %swap3A_1503 {strides = array<i32>} : memref<80xi32, #tpu.memory_space<vmem>>, vector<16xi32>,
    %get3A_1504 = arith.constant 16 : index
    %get3A_1505 = tpu.vector_load %arg12[%get3A_1504] {strides = array<i32>} : memref<80xi32, #tpu.memory_space<vmem>>, vector<16xi32>,
    %get3A_1506 = vector.shape_cast %get3A_1505 : vector<16xi32> to vector<16xi32>
    %sub3A_1507 = vector.broadcast %mul3A_0 : i32 to vector<16xi32>
    %sub3A_1508 = arith.subi %get3A_1506, %sub3A_1507 : vector<16xi32>
    %ge3A_1509 = arith.constant 0 : i32
    %ge3A_1510 = vector.broadcast %ge3A_1509 : i32 to vector<16xi32>
    %ge3A_1511 = arith.cmpi sge, %sub3A_1508, %ge3A_1510 : vector<16xi32>
    %lt3A_1512 = arith.constant 50000 : i32
    %lt3A_1513 = vector.broadcast %lt3A_1512 : i32 to vector<16xi32>
    %lt3A_1514 = arith.cmpi slt, %sub3A_1508, %lt3A_1513 : vector<16xi32>
    %and3A_1515 = arith.andi %ge3A_1511, %lt3A_1514 : vector<16xi1>
    %select_n3A_1516 = arith.select %and3A_1515, %sub3A_1508, %add3A_1356 : vector<16xi1>, vector<16xi32>
    %swap3A_1517 = arith.constant 16 : index
    %swap3A_1518 = tpu.vector_load %arg16[%swap3A_1517] {strides = array<i32>} : memref<80xi32, #tpu.memory_space<vmem>>, vector<16xi32>,
    %swap3A_1519 = vector.shape_cast %swap3A_1518 : vector<16xi32> to vector<16xi32>
    %swap3A_1520 = vector.shape_cast %select_n3A_1516 : vector<16xi32> to vector<16xi32>
    tpu.vector_store %arg16[%swap3A_1517], %swap3A_1520 {strides = array<i32>} : memref<80xi32, #tpu.memory_space<vmem>>, vector<16xi32>,
    %get3A_1521 = arith.constant 32 : index
    %get3A_1522 = tpu.vector_load %arg12[%get3A_1521] {strides = array<i32>} : memref<80xi32, #tpu.memory_space<vmem>>, vector<16xi32>,
    %get3A_1523 = vector.shape_cast %get3A_1522 : vector<16xi32> to vector<16xi32>
    %sub3A_1524 = vector.broadcast %mul3A_0 : i32 to vector<16xi32>
    %sub3A_1525 = arith.subi %get3A_1523, %sub3A_1524 : vector<16xi32>
    %ge3A_1526 = arith.constant 0 : i32
    %ge3A_1527 = vector.broadcast %ge3A_1526 : i32 to vector<16xi32>
    %ge3A_1528 = arith.cmpi sge, %sub3A_1525, %ge3A_1527 : vector<16xi32>
    %lt3A_1529 = arith.constant 50000 : i32
    %lt3A_1530 = vector.broadcast %lt3A_1529 : i32 to vector<16xi32>
    %lt3A_1531 = arith.cmpi slt, %sub3A_1525, %lt3A_1530 : vector<16xi32>
    %and3A_1532 = arith.andi %ge3A_1528, %lt3A_1531 : vector<16xi1>
    %select_n3A_1533 = arith.select %and3A_1532, %sub3A_1525, %add3A_1356 : vector<16xi1>, vector<16xi32>
    %swap3A_1534 = arith.constant 32 : index
    %swap3A_1535 = tpu.vector_load %arg16[%swap3A_1534] {strides = array<i32>} : memref<80xi32, #tpu.memory_space<vmem>>, vector<16xi32>,
    %swap3A_1536 = vector.shape_cast %swap3A_1535 : vector<16xi32> to vector<16xi32>
    %swap3A_1537 = vector.shape_cast %select_n3A_1533 : vector<16xi32> to vector<16xi32>
    tpu.vector_store %arg16[%swap3A_1534], %swap3A_1537 {strides = array<i32>} : memref<80xi32, #tpu.memory_space<vmem>>, vector<16xi32>,
    %get3A_1538 = arith.constant 48 : index
    %get3A_1539 = tpu.vector_load %arg12[%get3A_1538] {strides = array<i32>} : memref<80xi32, #tpu.memory_space<vmem>>, vector<16xi32>,
    %get3A_1540 = vector.shape_cast %get3A_1539 : vector<16xi32> to vector<16xi32>
    %sub3A_1541 = vector.broadcast %mul3A_0 : i32 to vector<16xi32>
    %sub3A_1542 = arith.subi %get3A_1540, %sub3A_1541 : vector<16xi32>
    %ge3A_1543 = arith.constant 0 : i32
    %ge3A_1544 = vector.broadcast %ge3A_1543 : i32 to vector<16xi32>
    %ge3A_1545 = arith.cmpi sge, %sub3A_1542, %ge3A_1544 : vector<16xi32>
    %lt3A_1546 = arith.constant 50000 : i32
    %lt3A_1547 = vector.broadcast %lt3A_1546 : i32 to vector<16xi32>
    %lt3A_1548 = arith.cmpi slt, %sub3A_1542, %lt3A_1547 : vector<16xi32>
    %and3A_1549 = arith.andi %ge3A_1545, %lt3A_1548 : vector<16xi1>
    %select_n3A_1550 = arith.select %and3A_1549, %sub3A_1542, %add3A_1356 : vector<16xi1>, vector<16xi32>
    %swap3A_1551 = arith.constant 48 : index
    %swap3A_1552 = tpu.vector_load %arg16[%swap3A_1551] {strides = array<i32>} : memref<80xi32, #tpu.memory_space<vmem>>, vector<16xi32>,
    %swap3A_1553 = vector.shape_cast %swap3A_1552 : vector<16xi32> to vector<16xi32>
    %swap3A_1554 = vector.shape_cast %select_n3A_1550 : vector<16xi32> to vector<16xi32>
    tpu.vector_store %arg16[%swap3A_1551], %swap3A_1554 {strides = array<i32>} : memref<80xi32, #tpu.memory_space<vmem>>, vector<16xi32>,
    %get3A_1555 = arith.constant 64 : index
    %get3A_1556 = tpu.vector_load %arg12[%get3A_1555] {strides = array<i32>} : memref<80xi32, #tpu.memory_space<vmem>>, vector<16xi32>,
    %get3A_1557 = vector.shape_cast %get3A_1556 : vector<16xi32> to vector<16xi32>
    %sub3A_1558 = vector.broadcast %mul3A_0 : i32 to vector<16xi32>
    %sub3A_1559 = arith.subi %get3A_1557, %sub3A_1558 : vector<16xi32>
    %ge3A_1560 = arith.constant 0 : i32
    %ge3A_1561 = vector.broadcast %ge3A_1560 : i32 to vector<16xi32>
    %ge3A_1562 = arith.cmpi sge, %sub3A_1559, %ge3A_1561 : vector<16xi32>
    %lt3A_1563 = arith.constant 50000 : i32
    %lt3A_1564 = vector.broadcast %lt3A_1563 : i32 to vector<16xi32>
    %lt3A_1565 = arith.cmpi slt, %sub3A_1559, %lt3A_1564 : vector<16xi32>
    %and3A_1566 = arith.andi %ge3A_1562, %lt3A_1565 : vector<16xi1>
    %select_n3A_1567 = arith.select %and3A_1566, %sub3A_1559, %add3A_1356 : vector<16xi1>, vector<16xi32>
    %swap3A_1568 = arith.constant 64 : index
    %swap3A_1569 = tpu.vector_load %arg16[%swap3A_1568] {strides = array<i32>} : memref<80xi32, #tpu.memory_space<vmem>>, vector<16xi32>,
    %swap3A_1570 = vector.shape_cast %swap3A_1569 : vector<16xi32> to vector<16xi32>
    %swap3A_1571 = vector.shape_cast %select_n3A_1567 : vector<16xi32> to vector<16xi32>
    tpu.vector_store %arg16[%swap3A_1568], %swap3A_1571 {strides = array<i32>} : memref<80xi32, #tpu.memory_space<vmem>>, vector<16xi32>,
    %dma_start3A_1572 = arith.constant 0 : i32
    %dma_start3A_1573 = arith.constant 0 : i32
    %dma_start3A_1574 = tpu.memref_slice %arg2[%dma_start3A_1572, %dma_start3A_1573] : memref<100000x32xf32, #tpu.memory_space<hbm>> -> memref<100000x32xf32, #tpu.memory_space<hbm>>
    tpu.enqueue_indirect_dma source(%dma_start3A_1574 : memref<100000x32xf32, #tpu.memory_space<hbm>>) target(%arg20 : memref<80x32xf32, #tpu.memory_space<vmem>>) offsets(%arg8 : memref<80xi32, #tpu.memory_space<vmem>>) semaphore(%arg34 : memref<!tpu.dma_semaphore, #tpu.memory_space<semaphore_mem>>)
    %add3A_1575 = arith.constant 80 : i32
    %add3A_1576 = arith.addi %mul3A_1351, %add3A_1575 : i32
    %multiple_of3A_1577 = tpu.assume_multiple %add3A_1576, 8 : i32
    %dma_start3A_1578 = arith.constant 0 : i32
    %dma_start3A_1579 = tpu.memref_slice %arg3[%multiple_of3A_1577, %dma_start3A_1578] : memref<1600000x32xf32, #tpu.memory_space<hbm>> -> memref<80x32xf32, #tpu.memory_space<hbm>>
    %dma_start3A_1580 = arith.constant 0 : i32
    %dma_start3A_1581 = tpu.memref_slice %arg3[%multiple_of3A_1577, %dma_start3A_1580] : memref<1600000x32xf32, #tpu.memory_space<hbm>> -> memref<80x32xf32, #tpu.memory_space<hbm>>
    tpu.enqueue_dma source(%dma_start3A_1581 : memref<80x32xf32, #tpu.memory_space<hbm>>) target(%arg24 : memref<80x32xf32, #tpu.memory_space<vmem>>) target_semaphore(%arg38 : memref<!tpu.dma_semaphore, #tpu.memory_space<semaphore_mem>>)
    %dma_wait3A_1582 = arith.constant 0 : i32
    %dma_wait3A_1583 = arith.constant 0 : i32
    %dma_wait3A_1584 = tpu.memref_slice %arg2[%dma_wait3A_1582, %dma_wait3A_1583] : memref<100000x32xf32, #tpu.memory_space<hbm>> -> memref<100000x32xf32, #tpu.memory_space<hbm>>
    tpu.wait_indirect_dma semaphore(%arg33 : memref<!tpu.dma_semaphore, #tpu.memory_space<semaphore_mem>>) src(%dma_wait3A_1584 : memref<100000x32xf32, #tpu.memory_space<hbm>>) dst(%arg19 : memref<80x32xf32, #tpu.memory_space<vmem>>)
    %dma_wait3A_1585 = arith.constant 0 : i32
    %dma_wait3A_1586 = arith.constant 0 : i32
    %dma_wait3A_1587 = tpu.memref_slice %arg3[%dma_wait3A_1585, %dma_wait3A_1586] : memref<1600000x32xf32, #tpu.memory_space<hbm>> -> memref<80x32xf32, #tpu.memory_space<hbm>>
    %dma_wait3A_1588 = arith.constant 0 : i32
    %dma_wait3A_1589 = arith.constant 0 : i32
    %dma_wait3A_1590 = tpu.memref_slice %arg3[%dma_wait3A_1588, %dma_wait3A_1589] : memref<1600000x32xf32, #tpu.memory_space<hbm>> -> memref<80x32xf32, #tpu.memory_space<hbm>>
    tpu.wait_dma2 semaphore(%arg37 : memref<!tpu.dma_semaphore, #tpu.memory_space<semaphore_mem>>) src(%dma_wait3A_1590 : memref<80x32xf32, #tpu.memory_space<hbm>>) dst(%arg23 : memref<80x32xf32, #tpu.memory_space<vmem>>)
    %add3A_1591 = arith.constant 320 : i32
    %add3A_1592 = arith.addi %mul3A_1351, %add3A_1591 : i32
    %multiple_of3A_1593 = tpu.assume_multiple %add3A_1592, 8 : i32
    %dma_start3A_1594 = tpu.memref_slice %arg4[%multiple_of3A_1593] : memref<1600000xi32, #tpu.memory_space<hbm>> -> memref<80xi32, #tpu.memory_space<hbm>>
    %dma_start3A_1595 = tpu.memref_slice %arg4[%multiple_of3A_1593] : memref<1600000xi32, #tpu.memory_space<hbm>> -> memref<80xi32, #tpu.memory_space<hbm>>
    tpu.enqueue_dma source(%dma_start3A_1595 : memref<80xi32, #tpu.memory_space<hbm>>) target(%arg7 : memref<80xi32, #tpu.memory_space<vmem>>) target_semaphore(%arg29 : memref<!tpu.dma_semaphore, #tpu.memory_space<semaphore_mem>>)
    %dma_start3A_1596 = tpu.memref_slice %arg5[%multiple_of3A_1593] : memref<1600000xi32, #tpu.memory_space<hbm>> -> memref<80xi32, #tpu.memory_space<hbm>>
    %dma_start3A_1597 = tpu.memref_slice %arg5[%multiple_of3A_1593] : memref<1600000xi32, #tpu.memory_space<hbm>> -> memref<80xi32, #tpu.memory_space<hbm>>
    tpu.enqueue_dma source(%dma_start3A_1597 : memref<80xi32, #tpu.memory_space<hbm>>) target(%arg11 : memref<80xi32, #tpu.memory_space<vmem>>) target_semaphore(%arg29 : memref<!tpu.dma_semaphore, #tpu.memory_space<semaphore_mem>>)
    %dma_start3A_1598 = arith.constant 0 : i32
    %dma_start3A_1599 = arith.constant 0 : i32
    %dma_start3A_1600 = tpu.memref_slice %arg28[%dma_start3A_1598, %dma_start3A_1599] : memref<51968x32xf32, #tpu.memory_space<vmem_shared>> -> memref<51968x32xf32, #tpu.memory_space<vmem_shared>>
    tpu.enqueue_indirect_dma source(%arg19 : memref<80x32xf32, #tpu.memory_space<vmem>>) target(%dma_start3A_1600 : memref<51968x32xf32, #tpu.memory_space<vmem_shared>>) offsets(%arg15 : memref<80xi32, #tpu.memory_space<vmem>>) semaphore(%arg41 : memref<!tpu.dma_semaphore, #tpu.memory_space<semaphore_mem>>) {add = true}
    %dma_start3A_1601 = arith.constant 0 : i32
    %dma_start3A_1602 = arith.constant 0 : i32
    %dma_start3A_1603 = tpu.memref_slice %arg28[%dma_start3A_1601, %dma_start3A_1602] : memref<51968x32xf32, #tpu.memory_space<vmem_shared>> -> memref<51968x32xf32, #tpu.memory_space<vmem_shared>>
    tpu.enqueue_indirect_dma source(%arg23 : memref<80x32xf32, #tpu.memory_space<vmem>>) target(%dma_start3A_1603 : memref<51968x32xf32, #tpu.memory_space<vmem_shared>>) offsets(%arg15 : memref<80xi32, #tpu.memory_space<vmem>>) semaphore(%arg41 : memref<!tpu.dma_semaphore, #tpu.memory_space<semaphore_mem>>) {add = true}
    %dma_wait3A_1604 = arith.constant 0 : i32
    %dma_wait3A_1605 = tpu.memref_slice %arg4[%dma_wait3A_1604] : memref<1600000xi32, #tpu.memory_space<hbm>> -> memref<80xi32, #tpu.memory_space<hbm>>
    %dma_wait3A_1606 = arith.constant 0 : i32
    %dma_wait3A_1607 = tpu.memref_slice %arg4[%dma_wait3A_1606] : memref<1600000xi32, #tpu.memory_space<hbm>> -> memref<80xi32, #tpu.memory_space<hbm>>
    tpu.wait_dma2 semaphore(%arg31 : memref<!tpu.dma_semaphore, #tpu.memory_space<semaphore_mem>>) src(%dma_wait3A_1607 : memref<80xi32, #tpu.memory_space<hbm>>) dst(%arg9 : memref<80xi32, #tpu.memory_space<vmem>>)
    %dma_wait3A_1608 = arith.constant 0 : i32
    %dma_wait3A_1609 = tpu.memref_slice %arg5[%dma_wait3A_1608] : memref<1600000xi32, #tpu.memory_space<hbm>> -> memref<80xi32, #tpu.memory_space<hbm>>
    %dma_wait3A_1610 = arith.constant 0 : i32
    %dma_wait3A_1611 = tpu.memref_slice %arg5[%dma_wait3A_1610] : memref<1600000xi32, #tpu.memory_space<hbm>> -> memref<80xi32, #tpu.memory_space<hbm>>
    tpu.wait_dma2 semaphore(%arg31 : memref<!tpu.dma_semaphore, #tpu.memory_space<semaphore_mem>>) src(%dma_wait3A_1611 : memref<80xi32, #tpu.memory_space<hbm>>) dst(%arg13 : memref<80xi32, #tpu.memory_space<vmem>>)
    %get3A_1612 = arith.constant 0 : index
    %get3A_1613 = tpu.vector_load %arg13[%get3A_1612] {strides = array<i32>} : memref<80xi32, #tpu.memory_space<vmem>>, vector<16xi32>,
    %get3A_1614 = vector.shape_cast %get3A_1613 : vector<16xi32> to vector<16xi32>
    %sub3A_1615 = vector.broadcast %mul3A_0 : i32 to vector<16xi32>
    %sub3A_1616 = arith.subi %get3A_1614, %sub3A_1615 : vector<16xi32>
    %ge3A_1617 = arith.constant 0 : i32
    %ge3A_1618 = vector.broadcast %ge3A_1617 : i32 to vector<16xi32>
    %ge3A_1619 = arith.cmpi sge, %sub3A_1616, %ge3A_1618 : vector<16xi32>
    %lt3A_1620 = arith.constant 50000 : i32
    %lt3A_1621 = vector.broadcast %lt3A_1620 : i32 to vector<16xi32>
    %lt3A_1622 = arith.cmpi slt, %sub3A_1616, %lt3A_1621 : vector<16xi32>
    %and3A_1623 = arith.andi %ge3A_1619, %lt3A_1622 : vector<16xi1>
    %select_n3A_1624 = arith.select %and3A_1623, %sub3A_1616, %add3A_1356 : vector<16xi1>, vector<16xi32>
    %swap3A_1625 = arith.constant 0 : index
    %swap3A_1626 = tpu.vector_load %arg17[%swap3A_1625] {strides = array<i32>} : memref<80xi32, #tpu.memory_space<vmem>>, vector<16xi32>,
    %swap3A_1627 = vector.shape_cast %swap3A_1626 : vector<16xi32> to vector<16xi32>
    %swap3A_1628 = vector.shape_cast %select_n3A_1624 : vector<16xi32> to vector<16xi32>
    tpu.vector_store %arg17[%swap3A_1625], %swap3A_1628 {strides = array<i32>} : memref<80xi32, #tpu.memory_space<vmem>>, vector<16xi32>,
    %get3A_1629 = arith.constant 16 : index
    %get3A_1630 = tpu.vector_load %arg13[%get3A_1629] {strides = array<i32>} : memref<80xi32, #tpu.memory_space<vmem>>, vector<16xi32>,
    %get3A_1631 = vector.shape_cast %get3A_1630 : vector<16xi32> to vector<16xi32>
    %sub3A_1632 = vector.broadcast %mul3A_0 : i32 to vector<16xi32>
    %sub3A_1633 = arith.subi %get3A_1631, %sub3A_1632 : vector<16xi32>
    %ge3A_1634 = arith.constant 0 : i32
    %ge3A_1635 = vector.broadcast %ge3A_1634 : i32 to vector<16xi32>
    %ge3A_1636 = arith.cmpi sge, %sub3A_1633, %ge3A_1635 : vector<16xi32>
    %lt3A_1637 = arith.constant 50000 : i32
    %lt3A_1638 = vector.broadcast %lt3A_1637 : i32 to vector<16xi32>
    %lt3A_1639 = arith.cmpi slt, %sub3A_1633, %lt3A_1638 : vector<16xi32>
    %and3A_1640 = arith.andi %ge3A_1636, %lt3A_1639 : vector<16xi1>
    %select_n3A_1641 = arith.select %and3A_1640, %sub3A_1633, %add3A_1356 : vector<16xi1>, vector<16xi32>
    %swap3A_1642 = arith.constant 16 : index
    %swap3A_1643 = tpu.vector_load %arg17[%swap3A_1642] {strides = array<i32>} : memref<80xi32, #tpu.memory_space<vmem>>, vector<16xi32>,
    %swap3A_1644 = vector.shape_cast %swap3A_1643 : vector<16xi32> to vector<16xi32>
    %swap3A_1645 = vector.shape_cast %select_n3A_1641 : vector<16xi32> to vector<16xi32>
    tpu.vector_store %arg17[%swap3A_1642], %swap3A_1645 {strides = array<i32>} : memref<80xi32, #tpu.memory_space<vmem>>, vector<16xi32>,
    %get3A_1646 = arith.constant 32 : index
    %get3A_1647 = tpu.vector_load %arg13[%get3A_1646] {strides = array<i32>} : memref<80xi32, #tpu.memory_space<vmem>>, vector<16xi32>,
    %get3A_1648 = vector.shape_cast %get3A_1647 : vector<16xi32> to vector<16xi32>
    %sub3A_1649 = vector.broadcast %mul3A_0 : i32 to vector<16xi32>
    %sub3A_1650 = arith.subi %get3A_1648, %sub3A_1649 : vector<16xi32>
    %ge3A_1651 = arith.constant 0 : i32
    %ge3A_1652 = vector.broadcast %ge3A_1651 : i32 to vector<16xi32>
    %ge3A_1653 = arith.cmpi sge, %sub3A_1650, %ge3A_1652 : vector<16xi32>
    %lt3A_1654 = arith.constant 50000 : i32
    %lt3A_1655 = vector.broadcast %lt3A_1654 : i32 to vector<16xi32>
    %lt3A_1656 = arith.cmpi slt, %sub3A_1650, %lt3A_1655 : vector<16xi32>
    %and3A_1657 = arith.andi %ge3A_1653, %lt3A_1656 : vector<16xi1>
    %select_n3A_1658 = arith.select %and3A_1657, %sub3A_1650, %add3A_1356 : vector<16xi1>, vector<16xi32>
    %swap3A_1659 = arith.constant 32 : index
    %swap3A_1660 = tpu.vector_load %arg17[%swap3A_1659] {strides = array<i32>} : memref<80xi32, #tpu.memory_space<vmem>>, vector<16xi32>,
    %swap3A_1661 = vector.shape_cast %swap3A_1660 : vector<16xi32> to vector<16xi32>
    %swap3A_1662 = vector.shape_cast %select_n3A_1658 : vector<16xi32> to vector<16xi32>
    tpu.vector_store %arg17[%swap3A_1659], %swap3A_1662 {strides = array<i32>} : memref<80xi32, #tpu.memory_space<vmem>>, vector<16xi32>,
    %get3A_1663 = arith.constant 48 : index
    %get3A_1664 = tpu.vector_load %arg13[%get3A_1663] {strides = array<i32>} : memref<80xi32, #tpu.memory_space<vmem>>, vector<16xi32>,
    %get3A_1665 = vector.shape_cast %get3A_1664 : vector<16xi32> to vector<16xi32>
    %sub3A_1666 = vector.broadcast %mul3A_0 : i32 to vector<16xi32>
    %sub3A_1667 = arith.subi %get3A_1665, %sub3A_1666 : vector<16xi32>
    %ge3A_1668 = arith.constant 0 : i32
    %ge3A_1669 = vector.broadcast %ge3A_1668 : i32 to vector<16xi32>
    %ge3A_1670 = arith.cmpi sge, %sub3A_1667, %ge3A_1669 : vector<16xi32>
    %lt3A_1671 = arith.constant 50000 : i32
    %lt3A_1672 = vector.broadcast %lt3A_1671 : i32 to vector<16xi32>
    %lt3A_1673 = arith.cmpi slt, %sub3A_1667, %lt3A_1672 : vector<16xi32>
    %and3A_1674 = arith.andi %ge3A_1670, %lt3A_1673 : vector<16xi1>
    %select_n3A_1675 = arith.select %and3A_1674, %sub3A_1667, %add3A_1356 : vector<16xi1>, vector<16xi32>
    %swap3A_1676 = arith.constant 48 : index
    %swap3A_1677 = tpu.vector_load %arg17[%swap3A_1676] {strides = array<i32>} : memref<80xi32, #tpu.memory_space<vmem>>, vector<16xi32>,
    %swap3A_1678 = vector.shape_cast %swap3A_1677 : vector<16xi32> to vector<16xi32>
    %swap3A_1679 = vector.shape_cast %select_n3A_1675 : vector<16xi32> to vector<16xi32>
    tpu.vector_store %arg17[%swap3A_1676], %swap3A_1679 {strides = array<i32>} : memref<80xi32, #tpu.memory_space<vmem>>, vector<16xi32>,
    %get3A_1680 = arith.constant 64 : index
    %get3A_1681 = tpu.vector_load %arg13[%get3A_1680] {strides = array<i32>} : memref<80xi32, #tpu.memory_space<vmem>>, vector<16xi32>,
    %get3A_1682 = vector.shape_cast %get3A_1681 : vector<16xi32> to vector<16xi32>
    %sub3A_1683 = vector.broadcast %mul3A_0 : i32 to vector<16xi32>
    %sub3A_1684 = arith.subi %get3A_1682, %sub3A_1683 : vector<16xi32>
    %ge3A_1685 = arith.constant 0 : i32
    %ge3A_1686 = vector.broadcast %ge3A_1685 : i32 to vector<16xi32>
    %ge3A_1687 = arith.cmpi sge, %sub3A_1684, %ge3A_1686 : vector<16xi32>
    %lt3A_1688 = arith.constant 50000 : i32
    %lt3A_1689 = vector.broadcast %lt3A_1688 : i32 to vector<16xi32>
    %lt3A_1690 = arith.cmpi slt, %sub3A_1684, %lt3A_1689 : vector<16xi32>
    %and3A_1691 = arith.andi %ge3A_1687, %lt3A_1690 : vector<16xi1>
    %select_n3A_1692 = arith.select %and3A_1691, %sub3A_1684, %add3A_1356 : vector<16xi1>, vector<16xi32>
    %swap3A_1693 = arith.constant 64 : index
    %swap3A_1694 = tpu.vector_load %arg17[%swap3A_1693] {strides = array<i32>} : memref<80xi32, #tpu.memory_space<vmem>>, vector<16xi32>,
    %swap3A_1695 = vector.shape_cast %swap3A_1694 : vector<16xi32> to vector<16xi32>
    %swap3A_1696 = vector.shape_cast %select_n3A_1692 : vector<16xi32> to vector<16xi32>
    tpu.vector_store %arg17[%swap3A_1693], %swap3A_1696 {strides = array<i32>} : memref<80xi32, #tpu.memory_space<vmem>>, vector<16xi32>,
    %dma_start3A_1697 = arith.constant 0 : i32
    %dma_start3A_1698 = arith.constant 0 : i32
    %dma_start3A_1699 = tpu.memref_slice %arg2[%dma_start3A_1697, %dma_start3A_1698] : memref<100000x32xf32, #tpu.memory_space<hbm>> -> memref<100000x32xf32, #tpu.memory_space<hbm>>
    tpu.enqueue_indirect_dma source(%dma_start3A_1699 : memref<100000x32xf32, #tpu.memory_space<hbm>>) target(%arg21 : memref<80x32xf32, #tpu.memory_space<vmem>>) offsets(%arg9 : memref<80xi32, #tpu.memory_space<vmem>>) semaphore(%arg35 : memref<!tpu.dma_semaphore, #tpu.memory_space<semaphore_mem>>)
    %add3A_1700 = arith.constant 160 : i32
    %add3A_1701 = arith.addi %mul3A_1351, %add3A_1700 : i32
    %multiple_of3A_1702 = tpu.assume_multiple %add3A_1701, 8 : i32
    %dma_start3A_1703 = arith.constant 0 : i32
    %dma_start3A_1704 = tpu.memref_slice %arg3[%multiple_of3A_1702, %dma_start3A_1703] : memref<1600000x32xf32, #tpu.memory_space<hbm>> -> memref<80x32xf32, #tpu.memory_space<hbm>>
    %dma_start3A_1705 = arith.constant 0 : i32
    %dma_start3A_1706 = tpu.memref_slice %arg3[%multiple_of3A_1702, %dma_start3A_1705] : memref<1600000x32xf32, #tpu.memory_space<hbm>> -> memref<80x32xf32, #tpu.memory_space<hbm>>
    tpu.enqueue_dma source(%dma_start3A_1706 : memref<80x32xf32, #tpu.memory_space<hbm>>) target(%arg25 : memref<80x32xf32, #tpu.memory_space<vmem>>) target_semaphore(%arg39 : memref<!tpu.dma_semaphore, #tpu.memory_space<semaphore_mem>>)
    %dma_wait3A_1707 = arith.constant 0 : i32
    %dma_wait3A_1708 = arith.constant 0 : i32
    %dma_wait3A_1709 = tpu.memref_slice %arg2[%dma_wait3A_1707, %dma_wait3A_1708] : memref<100000x32xf32, #tpu.memory_space<hbm>> -> memref<100000x32xf32, #tpu.memory_space<hbm>>
    tpu.wait_indirect_dma semaphore(%arg34 : memref<!tpu.dma_semaphore, #tpu.memory_space<semaphore_mem>>) src(%dma_wait3A_1709 : memref<100000x32xf32, #tpu.memory_space<hbm>>) dst(%arg20 : memref<80x32xf32, #tpu.memory_space<vmem>>)
    %dma_wait3A_1710 = arith.constant 0 : i32
    %dma_wait3A_1711 = arith.constant 0 : i32
    %dma_wait3A_1712 = tpu.memref_slice %arg3[%dma_wait3A_1710, %dma_wait3A_1711] : memref<1600000x32xf32, #tpu.memory_space<hbm>> -> memref<80x32xf32, #tpu.memory_space<hbm>>
    %dma_wait3A_1713 = arith.constant 0 : i32
    %dma_wait3A_1714 = arith.constant 0 : i32
    %dma_wait3A_1715 = tpu.memref_slice %arg3[%dma_wait3A_1713, %dma_wait3A_1714] : memref<1600000x32xf32, #tpu.memory_space<hbm>> -> memref<80x32xf32, #tpu.memory_space<hbm>>
    tpu.wait_dma2 semaphore(%arg38 : memref<!tpu.dma_semaphore, #tpu.memory_space<semaphore_mem>>) src(%dma_wait3A_1715 : memref<80x32xf32, #tpu.memory_space<hbm>>) dst(%arg24 : memref<80x32xf32, #tpu.memory_space<vmem>>)
    %add3A_1716 = arith.constant 400 : i32
    %add3A_1717 = arith.addi %mul3A_1351, %add3A_1716 : i32
    %multiple_of3A_1718 = tpu.assume_multiple %add3A_1717, 8 : i32
    %dma_start3A_1719 = tpu.memref_slice %arg4[%multiple_of3A_1718] : memref<1600000xi32, #tpu.memory_space<hbm>> -> memref<80xi32, #tpu.memory_space<hbm>>
    %dma_start3A_1720 = tpu.memref_slice %arg4[%multiple_of3A_1718] : memref<1600000xi32, #tpu.memory_space<hbm>> -> memref<80xi32, #tpu.memory_space<hbm>>
    tpu.enqueue_dma source(%dma_start3A_1720 : memref<80xi32, #tpu.memory_space<hbm>>) target(%arg8 : memref<80xi32, #tpu.memory_space<vmem>>) target_semaphore(%arg30 : memref<!tpu.dma_semaphore, #tpu.memory_space<semaphore_mem>>)
    %dma_start3A_1721 = tpu.memref_slice %arg5[%multiple_of3A_1718] : memref<1600000xi32, #tpu.memory_space<hbm>> -> memref<80xi32, #tpu.memory_space<hbm>>
    %dma_start3A_1722 = tpu.memref_slice %arg5[%multiple_of3A_1718] : memref<1600000xi32, #tpu.memory_space<hbm>> -> memref<80xi32, #tpu.memory_space<hbm>>
    tpu.enqueue_dma source(%dma_start3A_1722 : memref<80xi32, #tpu.memory_space<hbm>>) target(%arg12 : memref<80xi32, #tpu.memory_space<vmem>>) target_semaphore(%arg30 : memref<!tpu.dma_semaphore, #tpu.memory_space<semaphore_mem>>)
    %dma_start3A_1723 = arith.constant 0 : i32
    %dma_start3A_1724 = arith.constant 0 : i32
    %dma_start3A_1725 = tpu.memref_slice %arg28[%dma_start3A_1723, %dma_start3A_1724] : memref<51968x32xf32, #tpu.memory_space<vmem_shared>> -> memref<51968x32xf32, #tpu.memory_space<vmem_shared>>
    tpu.enqueue_indirect_dma source(%arg20 : memref<80x32xf32, #tpu.memory_space<vmem>>) target(%dma_start3A_1725 : memref<51968x32xf32, #tpu.memory_space<vmem_shared>>) offsets(%arg16 : memref<80xi32, #tpu.memory_space<vmem>>) semaphore(%arg42 : memref<!tpu.dma_semaphore, #tpu.memory_space<semaphore_mem>>) {add = true}
    %dma_start3A_1726 = arith.constant 0 : i32
    %dma_start3A_1727 = arith.constant 0 : i32
    %dma_start3A_1728 = tpu.memref_slice %arg28[%dma_start3A_1726, %dma_start3A_1727] : memref<51968x32xf32, #tpu.memory_space<vmem_shared>> -> memref<51968x32xf32, #tpu.memory_space<vmem_shared>>
    tpu.enqueue_indirect_dma source(%arg24 : memref<80x32xf32, #tpu.memory_space<vmem>>) target(%dma_start3A_1728 : memref<51968x32xf32, #tpu.memory_space<vmem_shared>>) offsets(%arg16 : memref<80xi32, #tpu.memory_space<vmem>>) semaphore(%arg42 : memref<!tpu.dma_semaphore, #tpu.memory_space<semaphore_mem>>) {add = true}
    %dma_wait3A_1729 = arith.constant 0 : i32
    %dma_wait3A_1730 = tpu.memref_slice %arg4[%dma_wait3A_1729] : memref<1600000xi32, #tpu.memory_space<hbm>> -> memref<80xi32, #tpu.memory_space<hbm>>
    %dma_wait3A_1731 = arith.constant 0 : i32
    %dma_wait3A_1732 = tpu.memref_slice %arg4[%dma_wait3A_1731] : memref<1600000xi32, #tpu.memory_space<hbm>> -> memref<80xi32, #tpu.memory_space<hbm>>
    tpu.wait_dma2 semaphore(%arg32 : memref<!tpu.dma_semaphore, #tpu.memory_space<semaphore_mem>>) src(%dma_wait3A_1732 : memref<80xi32, #tpu.memory_space<hbm>>) dst(%arg10 : memref<80xi32, #tpu.memory_space<vmem>>)
    %dma_wait3A_1733 = arith.constant 0 : i32
    %dma_wait3A_1734 = tpu.memref_slice %arg5[%dma_wait3A_1733] : memref<1600000xi32, #tpu.memory_space<hbm>> -> memref<80xi32, #tpu.memory_space<hbm>>
    %dma_wait3A_1735 = arith.constant 0 : i32
    %dma_wait3A_1736 = tpu.memref_slice %arg5[%dma_wait3A_1735] : memref<1600000xi32, #tpu.memory_space<hbm>> -> memref<80xi32, #tpu.memory_space<hbm>>
    tpu.wait_dma2 semaphore(%arg32 : memref<!tpu.dma_semaphore, #tpu.memory_space<semaphore_mem>>) src(%dma_wait3A_1736 : memref<80xi32, #tpu.memory_space<hbm>>) dst(%arg14 : memref<80xi32, #tpu.memory_space<vmem>>)
    %get3A_1737 = arith.constant 0 : index
    %get3A_1738 = tpu.vector_load %arg14[%get3A_1737] {strides = array<i32>} : memref<80xi32, #tpu.memory_space<vmem>>, vector<16xi32>,
    %get3A_1739 = vector.shape_cast %get3A_1738 : vector<16xi32> to vector<16xi32>
    %sub3A_1740 = vector.broadcast %mul3A_0 : i32 to vector<16xi32>
    %sub3A_1741 = arith.subi %get3A_1739, %sub3A_1740 : vector<16xi32>
    %ge3A_1742 = arith.constant 0 : i32
    %ge3A_1743 = vector.broadcast %ge3A_1742 : i32 to vector<16xi32>
    %ge3A_1744 = arith.cmpi sge, %sub3A_1741, %ge3A_1743 : vector<16xi32>
    %lt3A_1745 = arith.constant 50000 : i32
    %lt3A_1746 = vector.broadcast %lt3A_1745 : i32 to vector<16xi32>
    %lt3A_1747 = arith.cmpi slt, %sub3A_1741, %lt3A_1746 : vector<16xi32>
    %and3A_1748 = arith.andi %ge3A_1744, %lt3A_1747 : vector<16xi1>
    %select_n3A_1749 = arith.select %and3A_1748, %sub3A_1741, %add3A_1356 : vector<16xi1>, vector<16xi32>
    %swap3A_1750 = arith.constant 0 : index
    %swap3A_1751 = tpu.vector_load %arg18[%swap3A_1750] {strides = array<i32>} : memref<80xi32, #tpu.memory_space<vmem>>, vector<16xi32>,
    %swap3A_1752 = vector.shape_cast %swap3A_1751 : vector<16xi32> to vector<16xi32>
    %swap3A_1753 = vector.shape_cast %select_n3A_1749 : vector<16xi32> to vector<16xi32>
    tpu.vector_store %arg18[%swap3A_1750], %swap3A_1753 {strides = array<i32>} : memref<80xi32, #tpu.memory_space<vmem>>, vector<16xi32>,
    %get3A_1754 = arith.constant 16 : index
    %get3A_1755 = tpu.vector_load %arg14[%get3A_1754] {strides = array<i32>} : memref<80xi32, #tpu.memory_space<vmem>>, vector<16xi32>,
    %get3A_1756 = vector.shape_cast %get3A_1755 : vector<16xi32> to vector<16xi32>
    %sub3A_1757 = vector.broadcast %mul3A_0 : i32 to vector<16xi32>
    %sub3A_1758 = arith.subi %get3A_1756, %sub3A_1757 : vector<16xi32>
    %ge3A_1759 = arith.constant 0 : i32
    %ge3A_1760 = vector.broadcast %ge3A_1759 : i32 to vector<16xi32>
    %ge3A_1761 = arith.cmpi sge, %sub3A_1758, %ge3A_1760 : vector<16xi32>
    %lt3A_1762 = arith.constant 50000 : i32
    %lt3A_1763 = vector.broadcast %lt3A_1762 : i32 to vector<16xi32>
    %lt3A_1764 = arith.cmpi slt, %sub3A_1758, %lt3A_1763 : vector<16xi32>
    %and3A_1765 = arith.andi %ge3A_1761, %lt3A_1764 : vector<16xi1>
    %select_n3A_1766 = arith.select %and3A_1765, %sub3A_1758, %add3A_1356 : vector<16xi1>, vector<16xi32>
    %swap3A_1767 = arith.constant 16 : index
    %swap3A_1768 = tpu.vector_load %arg18[%swap3A_1767] {strides = array<i32>} : memref<80xi32, #tpu.memory_space<vmem>>, vector<16xi32>,
    %swap3A_1769 = vector.shape_cast %swap3A_1768 : vector<16xi32> to vector<16xi32>
    %swap3A_1770 = vector.shape_cast %select_n3A_1766 : vector<16xi32> to vector<16xi32>
    tpu.vector_store %arg18[%swap3A_1767], %swap3A_1770 {strides = array<i32>} : memref<80xi32, #tpu.memory_space<vmem>>, vector<16xi32>,
    %get3A_1771 = arith.constant 32 : index
    %get3A_1772 = tpu.vector_load %arg14[%get3A_1771] {strides = array<i32>} : memref<80xi32, #tpu.memory_space<vmem>>, vector<16xi32>,
    %get3A_1773 = vector.shape_cast %get3A_1772 : vector<16xi32> to vector<16xi32>
    %sub3A_1774 = vector.broadcast %mul3A_0 : i32 to vector<16xi32>
    %sub3A_1775 = arith.subi %get3A_1773, %sub3A_1774 : vector<16xi32>
    %ge3A_1776 = arith.constant 0 : i32
    %ge3A_1777 = vector.broadcast %ge3A_1776 : i32 to vector<16xi32>
    %ge3A_1778 = arith.cmpi sge, %sub3A_1775, %ge3A_1777 : vector<16xi32>
    %lt3A_1779 = arith.constant 50000 : i32
    %lt3A_1780 = vector.broadcast %lt3A_1779 : i32 to vector<16xi32>
    %lt3A_1781 = arith.cmpi slt, %sub3A_1775, %lt3A_1780 : vector<16xi32>
    %and3A_1782 = arith.andi %ge3A_1778, %lt3A_1781 : vector<16xi1>
    %select_n3A_1783 = arith.select %and3A_1782, %sub3A_1775, %add3A_1356 : vector<16xi1>, vector<16xi32>
    %swap3A_1784 = arith.constant 32 : index
    %swap3A_1785 = tpu.vector_load %arg18[%swap3A_1784] {strides = array<i32>} : memref<80xi32, #tpu.memory_space<vmem>>, vector<16xi32>,
    %swap3A_1786 = vector.shape_cast %swap3A_1785 : vector<16xi32> to vector<16xi32>
    %swap3A_1787 = vector.shape_cast %select_n3A_1783 : vector<16xi32> to vector<16xi32>
    tpu.vector_store %arg18[%swap3A_1784], %swap3A_1787 {strides = array<i32>} : memref<80xi32, #tpu.memory_space<vmem>>, vector<16xi32>,
    %get3A_1788 = arith.constant 48 : index
    %get3A_1789 = tpu.vector_load %arg14[%get3A_1788] {strides = array<i32>} : memref<80xi32, #tpu.memory_space<vmem>>, vector<16xi32>,
    %get3A_1790 = vector.shape_cast %get3A_1789 : vector<16xi32> to vector<16xi32>
    %sub3A_1791 = vector.broadcast %mul3A_0 : i32 to vector<16xi32>
    %sub3A_1792 = arith.subi %get3A_1790, %sub3A_1791 : vector<16xi32>
    %ge3A_1793 = arith.constant 0 : i32
    %ge3A_1794 = vector.broadcast %ge3A_1793 : i32 to vector<16xi32>
    %ge3A_1795 = arith.cmpi sge, %sub3A_1792, %ge3A_1794 : vector<16xi32>
    %lt3A_1796 = arith.constant 50000 : i32
    %lt3A_1797 = vector.broadcast %lt3A_1796 : i32 to vector<16xi32>
    %lt3A_1798 = arith.cmpi slt, %sub3A_1792, %lt3A_1797 : vector<16xi32>
    %and3A_1799 = arith.andi %ge3A_1795, %lt3A_1798 : vector<16xi1>
    %select_n3A_1800 = arith.select %and3A_1799, %sub3A_1792, %add3A_1356 : vector<16xi1>, vector<16xi32>
    %swap3A_1801 = arith.constant 48 : index
    %swap3A_1802 = tpu.vector_load %arg18[%swap3A_1801] {strides = array<i32>} : memref<80xi32, #tpu.memory_space<vmem>>, vector<16xi32>,
    %swap3A_1803 = vector.shape_cast %swap3A_1802 : vector<16xi32> to vector<16xi32>
    %swap3A_1804 = vector.shape_cast %select_n3A_1800 : vector<16xi32> to vector<16xi32>
    tpu.vector_store %arg18[%swap3A_1801], %swap3A_1804 {strides = array<i32>} : memref<80xi32, #tpu.memory_space<vmem>>, vector<16xi32>,
    %get3A_1805 = arith.constant 64 : index
    %get3A_1806 = tpu.vector_load %arg14[%get3A_1805] {strides = array<i32>} : memref<80xi32, #tpu.memory_space<vmem>>, vector<16xi32>,
    %get3A_1807 = vector.shape_cast %get3A_1806 : vector<16xi32> to vector<16xi32>
    %sub3A_1808 = vector.broadcast %mul3A_0 : i32 to vector<16xi32>
    %sub3A_1809 = arith.subi %get3A_1807, %sub3A_1808 : vector<16xi32>
    %ge3A_1810 = arith.constant 0 : i32
    %ge3A_1811 = vector.broadcast %ge3A_1810 : i32 to vector<16xi32>
    %ge3A_1812 = arith.cmpi sge, %sub3A_1809, %ge3A_1811 : vector<16xi32>
    %lt3A_1813 = arith.constant 50000 : i32
    %lt3A_1814 = vector.broadcast %lt3A_1813 : i32 to vector<16xi32>
    %lt3A_1815 = arith.cmpi slt, %sub3A_1809, %lt3A_1814 : vector<16xi32>
    %and3A_1816 = arith.andi %ge3A_1812, %lt3A_1815 : vector<16xi1>
    %select_n3A_1817 = arith.select %and3A_1816, %sub3A_1809, %add3A_1356 : vector<16xi1>, vector<16xi32>
    %swap3A_1818 = arith.constant 64 : index
    %swap3A_1819 = tpu.vector_load %arg18[%swap3A_1818] {strides = array<i32>} : memref<80xi32, #tpu.memory_space<vmem>>, vector<16xi32>,
    %swap3A_1820 = vector.shape_cast %swap3A_1819 : vector<16xi32> to vector<16xi32>
    %swap3A_1821 = vector.shape_cast %select_n3A_1817 : vector<16xi32> to vector<16xi32>
    tpu.vector_store %arg18[%swap3A_1818], %swap3A_1821 {strides = array<i32>} : memref<80xi32, #tpu.memory_space<vmem>>, vector<16xi32>,
    %dma_start3A_1822 = arith.constant 0 : i32
    %dma_start3A_1823 = arith.constant 0 : i32
    %dma_start3A_1824 = tpu.memref_slice %arg2[%dma_start3A_1822, %dma_start3A_1823] : memref<100000x32xf32, #tpu.memory_space<hbm>> -> memref<100000x32xf32, #tpu.memory_space<hbm>>
    tpu.enqueue_indirect_dma source(%dma_start3A_1824 : memref<100000x32xf32, #tpu.memory_space<hbm>>) target(%arg22 : memref<80x32xf32, #tpu.memory_space<vmem>>) offsets(%arg10 : memref<80xi32, #tpu.memory_space<vmem>>) semaphore(%arg36 : memref<!tpu.dma_semaphore, #tpu.memory_space<semaphore_mem>>)
    %add3A_1825 = arith.constant 240 : i32
    %add3A_1826 = arith.addi %mul3A_1351, %add3A_1825 : i32
    %multiple_of3A_1827 = tpu.assume_multiple %add3A_1826, 8 : i32
    %dma_start3A_1828 = arith.constant 0 : i32
    %dma_start3A_1829 = tpu.memref_slice %arg3[%multiple_of3A_1827, %dma_start3A_1828] : memref<1600000x32xf32, #tpu.memory_space<hbm>> -> memref<80x32xf32, #tpu.memory_space<hbm>>
    %dma_start3A_1830 = arith.constant 0 : i32
    %dma_start3A_1831 = tpu.memref_slice %arg3[%multiple_of3A_1827, %dma_start3A_1830] : memref<1600000x32xf32, #tpu.memory_space<hbm>> -> memref<80x32xf32, #tpu.memory_space<hbm>>
    tpu.enqueue_dma source(%dma_start3A_1831 : memref<80x32xf32, #tpu.memory_space<hbm>>) target(%arg26 : memref<80x32xf32, #tpu.memory_space<vmem>>) target_semaphore(%arg40 : memref<!tpu.dma_semaphore, #tpu.memory_space<semaphore_mem>>)
    %dma_wait3A_1832 = arith.constant 0 : i32
    %dma_wait3A_1833 = arith.constant 0 : i32
    %dma_wait3A_1834 = tpu.memref_slice %arg2[%dma_wait3A_1832, %dma_wait3A_1833] : memref<100000x32xf32, #tpu.memory_space<hbm>> -> memref<100000x32xf32, #tpu.memory_space<hbm>>
    tpu.wait_indirect_dma semaphore(%arg35 : memref<!tpu.dma_semaphore, #tpu.memory_space<semaphore_mem>>) src(%dma_wait3A_1834 : memref<100000x32xf32, #tpu.memory_space<hbm>>) dst(%arg21 : memref<80x32xf32, #tpu.memory_space<vmem>>)
    %dma_wait3A_1835 = arith.constant 0 : i32
    %dma_wait3A_1836 = arith.constant 0 : i32
    %dma_wait3A_1837 = tpu.memref_slice %arg3[%dma_wait3A_1835, %dma_wait3A_1836] : memref<1600000x32xf32, #tpu.memory_space<hbm>> -> memref<80x32xf32, #tpu.memory_space<hbm>>
    %dma_wait3A_1838 = arith.constant 0 : i32
    %dma_wait3A_1839 = arith.constant 0 : i32
    %dma_wait3A_1840 = tpu.memref_slice %arg3[%dma_wait3A_1838, %dma_wait3A_1839] : memref<1600000x32xf32, #tpu.memory_space<hbm>> -> memref<80x32xf32, #tpu.memory_space<hbm>>
    tpu.wait_dma2 semaphore(%arg39 : memref<!tpu.dma_semaphore, #tpu.memory_space<semaphore_mem>>) src(%dma_wait3A_1840 : memref<80x32xf32, #tpu.memory_space<hbm>>) dst(%arg25 : memref<80x32xf32, #tpu.memory_space<vmem>>)
    %add3A_1841 = arith.constant 480 : i32
    %add3A_1842 = arith.addi %mul3A_1351, %add3A_1841 : i32
    %multiple_of3A_1843 = tpu.assume_multiple %add3A_1842, 8 : i32
    %dma_start3A_1844 = tpu.memref_slice %arg4[%multiple_of3A_1843] : memref<1600000xi32, #tpu.memory_space<hbm>> -> memref<80xi32, #tpu.memory_space<hbm>>
    %dma_start3A_1845 = tpu.memref_slice %arg4[%multiple_of3A_1843] : memref<1600000xi32, #tpu.memory_space<hbm>> -> memref<80xi32, #tpu.memory_space<hbm>>
    tpu.enqueue_dma source(%dma_start3A_1845 : memref<80xi32, #tpu.memory_space<hbm>>) target(%arg9 : memref<80xi32, #tpu.memory_space<vmem>>) target_semaphore(%arg31 : memref<!tpu.dma_semaphore, #tpu.memory_space<semaphore_mem>>)
    %dma_start3A_1846 = tpu.memref_slice %arg5[%multiple_of3A_1843] : memref<1600000xi32, #tpu.memory_space<hbm>> -> memref<80xi32, #tpu.memory_space<hbm>>
    %dma_start3A_1847 = tpu.memref_slice %arg5[%multiple_of3A_1843] : memref<1600000xi32, #tpu.memory_space<hbm>> -> memref<80xi32, #tpu.memory_space<hbm>>
    tpu.enqueue_dma source(%dma_start3A_1847 : memref<80xi32, #tpu.memory_space<hbm>>) target(%arg13 : memref<80xi32, #tpu.memory_space<vmem>>) target_semaphore(%arg31 : memref<!tpu.dma_semaphore, #tpu.memory_space<semaphore_mem>>)
    %dma_start3A_1848 = arith.constant 0 : i32
    %dma_start3A_1849 = arith.constant 0 : i32
    %dma_start3A_1850 = tpu.memref_slice %arg28[%dma_start3A_1848, %dma_start3A_1849] : memref<51968x32xf32, #tpu.memory_space<vmem_shared>> -> memref<51968x32xf32, #tpu.memory_space<vmem_shared>>
    tpu.enqueue_indirect_dma source(%arg21 : memref<80x32xf32, #tpu.memory_space<vmem>>) target(%dma_start3A_1850 : memref<51968x32xf32, #tpu.memory_space<vmem_shared>>) offsets(%arg17 : memref<80xi32, #tpu.memory_space<vmem>>) semaphore(%arg43 : memref<!tpu.dma_semaphore, #tpu.memory_space<semaphore_mem>>) {add = true}
    %dma_start3A_1851 = arith.constant 0 : i32
    %dma_start3A_1852 = arith.constant 0 : i32
    %dma_start3A_1853 = tpu.memref_slice %arg28[%dma_start3A_1851, %dma_start3A_1852] : memref<51968x32xf32, #tpu.memory_space<vmem_shared>> -> memref<51968x32xf32, #tpu.memory_space<vmem_shared>>
    tpu.enqueue_indirect_dma source(%arg25 : memref<80x32xf32, #tpu.memory_space<vmem>>) target(%dma_start3A_1853 : memref<51968x32xf32, #tpu.memory_space<vmem_shared>>) offsets(%arg17 : memref<80xi32, #tpu.memory_space<vmem>>) semaphore(%arg43 : memref<!tpu.dma_semaphore, #tpu.memory_space<semaphore_mem>>) {add = true}
    %dma_wait3A_1854 = arith.constant 0 : i32
    %dma_wait3A_1855 = arith.constant 0 : i32
    %dma_wait3A_1856 = tpu.memref_slice %arg28[%dma_wait3A_1854, %dma_wait3A_1855] : memref<51968x32xf32, #tpu.memory_space<vmem_shared>> -> memref<51968x32xf32, #tpu.memory_space<vmem_shared>>
    tpu.wait_indirect_dma semaphore(%arg41 : memref<!tpu.dma_semaphore, #tpu.memory_space<semaphore_mem>>) src(%arg19 : memref<80x32xf32, #tpu.memory_space<vmem>>) dst(%dma_wait3A_1856 : memref<51968x32xf32, #tpu.memory_space<vmem_shared>>)
    %dma_wait3A_1857 = arith.constant 0 : i32
    %dma_wait3A_1858 = arith.constant 0 : i32
    %dma_wait3A_1859 = tpu.memref_slice %arg28[%dma_wait3A_1857, %dma_wait3A_1858] : memref<51968x32xf32, #tpu.memory_space<vmem_shared>> -> memref<51968x32xf32, #tpu.memory_space<vmem_shared>>
    tpu.wait_indirect_dma semaphore(%arg41 : memref<!tpu.dma_semaphore, #tpu.memory_space<semaphore_mem>>) src(%arg23 : memref<80x32xf32, #tpu.memory_space<vmem>>) dst(%dma_wait3A_1859 : memref<51968x32xf32, #tpu.memory_space<vmem_shared>>)
    %dma_wait3A_1860 = arith.constant 0 : i32
    %dma_wait3A_1861 = tpu.memref_slice %arg4[%dma_wait3A_1860] : memref<1600000xi32, #tpu.memory_space<hbm>> -> memref<80xi32, #tpu.memory_space<hbm>>
    %dma_wait3A_1862 = arith.constant 0 : i32
    %dma_wait3A_1863 = tpu.memref_slice %arg4[%dma_wait3A_1862] : memref<1600000xi32, #tpu.memory_space<hbm>> -> memref<80xi32, #tpu.memory_space<hbm>>
    tpu.wait_dma2 semaphore(%arg29 : memref<!tpu.dma_semaphore, #tpu.memory_space<semaphore_mem>>) src(%dma_wait3A_1863 : memref<80xi32, #tpu.memory_space<hbm>>) dst(%arg7 : memref<80xi32, #tpu.memory_space<vmem>>)
    %dma_wait3A_1864 = arith.constant 0 : i32
    %dma_wait3A_1865 = tpu.memref_slice %arg5[%dma_wait3A_1864] : memref<1600000xi32, #tpu.memory_space<hbm>> -> memref<80xi32, #tpu.memory_space<hbm>>
    %dma_wait3A_1866 = arith.constant 0 : i32
    %dma_wait3A_1867 = tpu.memref_slice %arg5[%dma_wait3A_1866] : memref<1600000xi32, #tpu.memory_space<hbm>> -> memref<80xi32, #tpu.memory_space<hbm>>
    tpu.wait_dma2 semaphore(%arg29 : memref<!tpu.dma_semaphore, #tpu.memory_space<semaphore_mem>>) src(%dma_wait3A_1867 : memref<80xi32, #tpu.memory_space<hbm>>) dst(%arg11 : memref<80xi32, #tpu.memory_space<vmem>>)
    %get3A_1868 = arith.constant 0 : index
    %get3A_1869 = tpu.vector_load %arg11[%get3A_1868] {strides = array<i32>} : memref<80xi32, #tpu.memory_space<vmem>>, vector<16xi32>,
    %get3A_1870 = vector.shape_cast %get3A_1869 : vector<16xi32> to vector<16xi32>
    %sub3A_1871 = vector.broadcast %mul3A_0 : i32 to vector<16xi32>
    %sub3A_1872 = arith.subi %get3A_1870, %sub3A_1871 : vector<16xi32>
    %ge3A_1873 = arith.constant 0 : i32
    %ge3A_1874 = vector.broadcast %ge3A_1873 : i32 to vector<16xi32>
    %ge3A_1875 = arith.cmpi sge, %sub3A_1872, %ge3A_1874 : vector<16xi32>
    %lt3A_1876 = arith.constant 50000 : i32
    %lt3A_1877 = vector.broadcast %lt3A_1876 : i32 to vector<16xi32>
    %lt3A_1878 = arith.cmpi slt, %sub3A_1872, %lt3A_1877 : vector<16xi32>
    %and3A_1879 = arith.andi %ge3A_1875, %lt3A_1878 : vector<16xi1>
    %select_n3A_1880 = arith.select %and3A_1879, %sub3A_1872, %add3A_1356 : vector<16xi1>, vector<16xi32>
    %swap3A_1881 = arith.constant 0 : index
    %swap3A_1882 = tpu.vector_load %arg15[%swap3A_1881] {strides = array<i32>} : memref<80xi32, #tpu.memory_space<vmem>>, vector<16xi32>,
    %swap3A_1883 = vector.shape_cast %swap3A_1882 : vector<16xi32> to vector<16xi32>
    %swap3A_1884 = vector.shape_cast %select_n3A_1880 : vector<16xi32> to vector<16xi32>
    tpu.vector_store %arg15[%swap3A_1881], %swap3A_1884 {strides = array<i32>} : memref<80xi32, #tpu.memory_space<vmem>>, vector<16xi32>,
    %get3A_1885 = arith.constant 16 : index
    %get3A_1886 = tpu.vector_load %arg11[%get3A_1885] {strides = array<i32>} : memref<80xi32, #tpu.memory_space<vmem>>, vector<16xi32>,
    %get3A_1887 = vector.shape_cast %get3A_1886 : vector<16xi32> to vector<16xi32>
    %sub3A_1888 = vector.broadcast %mul3A_0 : i32 to vector<16xi32>
    %sub3A_1889 = arith.subi %get3A_1887, %sub3A_1888 : vector<16xi32>
    %ge3A_1890 = arith.constant 0 : i32
    %ge3A_1891 = vector.broadcast %ge3A_1890 : i32 to vector<16xi32>
    %ge3A_1892 = arith.cmpi sge, %sub3A_1889, %ge3A_1891 : vector<16xi32>
    %lt3A_1893 = arith.constant 50000 : i32
    %lt3A_1894 = vector.broadcast %lt3A_1893 : i32 to vector<16xi32>
    %lt3A_1895 = arith.cmpi slt, %sub3A_1889, %lt3A_1894 : vector<16xi32>
    %and3A_1896 = arith.andi %ge3A_1892, %lt3A_1895 : vector<16xi1>
    %select_n3A_1897 = arith.select %and3A_1896, %sub3A_1889, %add3A_1356 : vector<16xi1>, vector<16xi32>
    %swap3A_1898 = arith.constant 16 : index
    %swap3A_1899 = tpu.vector_load %arg15[%swap3A_1898] {strides = array<i32>} : memref<80xi32, #tpu.memory_space<vmem>>, vector<16xi32>,
    %swap3A_1900 = vector.shape_cast %swap3A_1899 : vector<16xi32> to vector<16xi32>
    %swap3A_1901 = vector.shape_cast %select_n3A_1897 : vector<16xi32> to vector<16xi32>
    tpu.vector_store %arg15[%swap3A_1898], %swap3A_1901 {strides = array<i32>} : memref<80xi32, #tpu.memory_space<vmem>>, vector<16xi32>,
    %get3A_1902 = arith.constant 32 : index
    %get3A_1903 = tpu.vector_load %arg11[%get3A_1902] {strides = array<i32>} : memref<80xi32, #tpu.memory_space<vmem>>, vector<16xi32>,
    %get3A_1904 = vector.shape_cast %get3A_1903 : vector<16xi32> to vector<16xi32>
    %sub3A_1905 = vector.broadcast %mul3A_0 : i32 to vector<16xi32>
    %sub3A_1906 = arith.subi %get3A_1904, %sub3A_1905 : vector<16xi32>
    %ge3A_1907 = arith.constant 0 : i32
    %ge3A_1908 = vector.broadcast %ge3A_1907 : i32 to vector<16xi32>
    %ge3A_1909 = arith.cmpi sge, %sub3A_1906, %ge3A_1908 : vector<16xi32>
    %lt3A_1910 = arith.constant 50000 : i32
    %lt3A_1911 = vector.broadcast %lt3A_1910 : i32 to vector<16xi32>
    %lt3A_1912 = arith.cmpi slt, %sub3A_1906, %lt3A_1911 : vector<16xi32>
    %and3A_1913 = arith.andi %ge3A_1909, %lt3A_1912 : vector<16xi1>
    %select_n3A_1914 = arith.select %and3A_1913, %sub3A_1906, %add3A_1356 : vector<16xi1>, vector<16xi32>
    %swap3A_1915 = arith.constant 32 : index
    %swap3A_1916 = tpu.vector_load %arg15[%swap3A_1915] {strides = array<i32>} : memref<80xi32, #tpu.memory_space<vmem>>, vector<16xi32>,
    %swap3A_1917 = vector.shape_cast %swap3A_1916 : vector<16xi32> to vector<16xi32>
    %swap3A_1918 = vector.shape_cast %select_n3A_1914 : vector<16xi32> to vector<16xi32>
    tpu.vector_store %arg15[%swap3A_1915], %swap3A_1918 {strides = array<i32>} : memref<80xi32, #tpu.memory_space<vmem>>, vector<16xi32>,
    %get3A_1919 = arith.constant 48 : index
    %get3A_1920 = tpu.vector_load %arg11[%get3A_1919] {strides = array<i32>} : memref<80xi32, #tpu.memory_space<vmem>>, vector<16xi32>,
    %get3A_1921 = vector.shape_cast %get3A_1920 : vector<16xi32> to vector<16xi32>
    %sub3A_1922 = vector.broadcast %mul3A_0 : i32 to vector<16xi32>
    %sub3A_1923 = arith.subi %get3A_1921, %sub3A_1922 : vector<16xi32>
    %ge3A_1924 = arith.constant 0 : i32
    %ge3A_1925 = vector.broadcast %ge3A_1924 : i32 to vector<16xi32>
    %ge3A_1926 = arith.cmpi sge, %sub3A_1923, %ge3A_1925 : vector<16xi32>
    %lt3A_1927 = arith.constant 50000 : i32
    %lt3A_1928 = vector.broadcast %lt3A_1927 : i32 to vector<16xi32>
    %lt3A_1929 = arith.cmpi slt, %sub3A_1923, %lt3A_1928 : vector<16xi32>
    %and3A_1930 = arith.andi %ge3A_1926, %lt3A_1929 : vector<16xi1>
    %select_n3A_1931 = arith.select %and3A_1930, %sub3A_1923, %add3A_1356 : vector<16xi1>, vector<16xi32>
    %swap3A_1932 = arith.constant 48 : index
    %swap3A_1933 = tpu.vector_load %arg15[%swap3A_1932] {strides = array<i32>} : memref<80xi32, #tpu.memory_space<vmem>>, vector<16xi32>,
    %swap3A_1934 = vector.shape_cast %swap3A_1933 : vector<16xi32> to vector<16xi32>
    %swap3A_1935 = vector.shape_cast %select_n3A_1931 : vector<16xi32> to vector<16xi32>
    tpu.vector_store %arg15[%swap3A_1932], %swap3A_1935 {strides = array<i32>} : memref<80xi32, #tpu.memory_space<vmem>>, vector<16xi32>,
    %get3A_1936 = arith.constant 64 : index
    %get3A_1937 = tpu.vector_load %arg11[%get3A_1936] {strides = array<i32>} : memref<80xi32, #tpu.memory_space<vmem>>, vector<16xi32>,
    %get3A_1938 = vector.shape_cast %get3A_1937 : vector<16xi32> to vector<16xi32>
    %sub3A_1939 = vector.broadcast %mul3A_0 : i32 to vector<16xi32>
    %sub3A_1940 = arith.subi %get3A_1938, %sub3A_1939 : vector<16xi32>
    %ge3A_1941 = arith.constant 0 : i32
    %ge3A_1942 = vector.broadcast %ge3A_1941 : i32 to vector<16xi32>
    %ge3A_1943 = arith.cmpi sge, %sub3A_1940, %ge3A_1942 : vector<16xi32>
    %lt3A_1944 = arith.constant 50000 : i32
    %lt3A_1945 = vector.broadcast %lt3A_1944 : i32 to vector<16xi32>
    %lt3A_1946 = arith.cmpi slt, %sub3A_1940, %lt3A_1945 : vector<16xi32>
    %and3A_1947 = arith.andi %ge3A_1943, %lt3A_1946 : vector<16xi1>
    %select_n3A_1948 = arith.select %and3A_1947, %sub3A_1940, %add3A_1356 : vector<16xi1>, vector<16xi32>
    %swap3A_1949 = arith.constant 64 : index
    %swap3A_1950 = tpu.vector_load %arg15[%swap3A_1949] {strides = array<i32>} : memref<80xi32, #tpu.memory_space<vmem>>, vector<16xi32>,
    %swap3A_1951 = vector.shape_cast %swap3A_1950 : vector<16xi32> to vector<16xi32>
    %swap3A_1952 = vector.shape_cast %select_n3A_1948 : vector<16xi32> to vector<16xi32>
    tpu.vector_store %arg15[%swap3A_1949], %swap3A_1952 {strides = array<i32>} : memref<80xi32, #tpu.memory_space<vmem>>, vector<16xi32>,
    %dma_start3A_1953 = arith.constant 0 : i32
    %dma_start3A_1954 = arith.constant 0 : i32
    %dma_start3A_1955 = tpu.memref_slice %arg2[%dma_start3A_1953, %dma_start3A_1954] : memref<100000x32xf32, #tpu.memory_space<hbm>> -> memref<100000x32xf32, #tpu.memory_space<hbm>>
    tpu.enqueue_indirect_dma source(%dma_start3A_1955 : memref<100000x32xf32, #tpu.memory_space<hbm>>) target(%arg19 : memref<80x32xf32, #tpu.memory_space<vmem>>) offsets(%arg7 : memref<80xi32, #tpu.memory_space<vmem>>) semaphore(%arg33 : memref<!tpu.dma_semaphore, #tpu.memory_space<semaphore_mem>>)
    %add3A_1956 = arith.constant 320 : i32
    %add3A_1957 = arith.addi %mul3A_1351, %add3A_1956 : i32
    %multiple_of3A_1958 = tpu.assume_multiple %add3A_1957, 8 : i32
    %dma_start3A_1959 = arith.constant 0 : i32
    %dma_start3A_1960 = tpu.memref_slice %arg3[%multiple_of3A_1958, %dma_start3A_1959] : memref<1600000x32xf32, #tpu.memory_space<hbm>> -> memref<80x32xf32, #tpu.memory_space<hbm>>
    %dma_start3A_1961 = arith.constant 0 : i32
    %dma_start3A_1962 = tpu.memref_slice %arg3[%multiple_of3A_1958, %dma_start3A_1961] : memref<1600000x32xf32, #tpu.memory_space<hbm>> -> memref<80x32xf32, #tpu.memory_space<hbm>>
    tpu.enqueue_dma source(%dma_start3A_1962 : memref<80x32xf32, #tpu.memory_space<hbm>>) target(%arg23 : memref<80x32xf32, #tpu.memory_space<vmem>>) target_semaphore(%arg37 : memref<!tpu.dma_semaphore, #tpu.memory_space<semaphore_mem>>)
    %dma_wait3A_1963 = arith.constant 0 : i32
    %dma_wait3A_1964 = arith.constant 0 : i32
    %dma_wait3A_1965 = tpu.memref_slice %arg2[%dma_wait3A_1963, %dma_wait3A_1964] : memref<100000x32xf32, #tpu.memory_space<hbm>> -> memref<100000x32xf32, #tpu.memory_space<hbm>>
    tpu.wait_indirect_dma semaphore(%arg36 : memref<!tpu.dma_semaphore, #tpu.memory_space<semaphore_mem>>) src(%dma_wait3A_1965 : memref<100000x32xf32, #tpu.memory_space<hbm>>) dst(%arg22 : memref<80x32xf32, #tpu.memory_space<vmem>>)
    %dma_wait3A_1966 = arith.constant 0 : i32
    %dma_wait3A_1967 = arith.constant 0 : i32
    %dma_wait3A_1968 = tpu.memref_slice %arg3[%dma_wait3A_1966, %dma_wait3A_1967] : memref<1600000x32xf32, #tpu.memory_space<hbm>> -> memref<80x32xf32, #tpu.memory_space<hbm>>
    %dma_wait3A_1969 = arith.constant 0 : i32
    %dma_wait3A_1970 = arith.constant 0 : i32
    %dma_wait3A_1971 = tpu.memref_slice %arg3[%dma_wait3A_1969, %dma_wait3A_1970] : memref<1600000x32xf32, #tpu.memory_space<hbm>> -> memref<80x32xf32, #tpu.memory_space<hbm>>
    tpu.wait_dma2 semaphore(%arg40 : memref<!tpu.dma_semaphore, #tpu.memory_space<semaphore_mem>>) src(%dma_wait3A_1971 : memref<80x32xf32, #tpu.memory_space<hbm>>) dst(%arg26 : memref<80x32xf32, #tpu.memory_space<vmem>>)
    %add3A_1972 = arith.constant 560 : i32
    %add3A_1973 = arith.addi %mul3A_1351, %add3A_1972 : i32
    %multiple_of3A_1974 = tpu.assume_multiple %add3A_1973, 8 : i32
    %dma_start3A_1975 = tpu.memref_slice %arg4[%multiple_of3A_1974] : memref<1600000xi32, #tpu.memory_space<hbm>> -> memref<80xi32, #tpu.memory_space<hbm>>
    %dma_start3A_1976 = tpu.memref_slice %arg4[%multiple_of3A_1974] : memref<1600000xi32, #tpu.memory_space<hbm>> -> memref<80xi32, #tpu.memory_space<hbm>>
    tpu.enqueue_dma source(%dma_start3A_1976 : memref<80xi32, #tpu.memory_space<hbm>>) target(%arg10 : memref<80xi32, #tpu.memory_space<vmem>>) target_semaphore(%arg32 : memref<!tpu.dma_semaphore, #tpu.memory_space<semaphore_mem>>)
    %dma_start3A_1977 = tpu.memref_slice %arg5[%multiple_of3A_1974] : memref<1600000xi32, #tpu.memory_space<hbm>> -> memref<80xi32, #tpu.memory_space<hbm>>
    %dma_start3A_1978 = tpu.memref_slice %arg5[%multiple_of3A_1974] : memref<1600000xi32, #tpu.memory_space<hbm>> -> memref<80xi32, #tpu.memory_space<hbm>>
    tpu.enqueue_dma source(%dma_start3A_1978 : memref<80xi32, #tpu.memory_space<hbm>>) target(%arg14 : memref<80xi32, #tpu.memory_space<vmem>>) target_semaphore(%arg32 : memref<!tpu.dma_semaphore, #tpu.memory_space<semaphore_mem>>)
    %dma_start3A_1979 = arith.constant 0 : i32
    %dma_start3A_1980 = arith.constant 0 : i32
    %dma_start3A_1981 = tpu.memref_slice %arg28[%dma_start3A_1979, %dma_start3A_1980] : memref<51968x32xf32, #tpu.memory_space<vmem_shared>> -> memref<51968x32xf32, #tpu.memory_space<vmem_shared>>
    tpu.enqueue_indirect_dma source(%arg22 : memref<80x32xf32, #tpu.memory_space<vmem>>) target(%dma_start3A_1981 : memref<51968x32xf32, #tpu.memory_space<vmem_shared>>) offsets(%arg18 : memref<80xi32, #tpu.memory_space<vmem>>) semaphore(%arg44 : memref<!tpu.dma_semaphore, #tpu.memory_space<semaphore_mem>>) {add = true}
    %dma_start3A_1982 = arith.constant 0 : i32
    %dma_start3A_1983 = arith.constant 0 : i32
    %dma_start3A_1984 = tpu.memref_slice %arg28[%dma_start3A_1982, %dma_start3A_1983] : memref<51968x32xf32, #tpu.memory_space<vmem_shared>> -> memref<51968x32xf32, #tpu.memory_space<vmem_shared>>
    tpu.enqueue_indirect_dma source(%arg26 : memref<80x32xf32, #tpu.memory_space<vmem>>) target(%dma_start3A_1984 : memref<51968x32xf32, #tpu.memory_space<vmem_shared>>) offsets(%arg18 : memref<80xi32, #tpu.memory_space<vmem>>) semaphore(%arg44 : memref<!tpu.dma_semaphore, #tpu.memory_space<semaphore_mem>>) {add = true}
    %dma_wait3A_1985 = arith.constant 0 : i32
    %dma_wait3A_1986 = arith.constant 0 : i32
    %dma_wait3A_1987 = tpu.memref_slice %arg28[%dma_wait3A_1985, %dma_wait3A_1986] : memref<51968x32xf32, #tpu.memory_space<vmem_shared>> -> memref<51968x32xf32, #tpu.memory_space<vmem_shared>>
    tpu.wait_indirect_dma semaphore(%arg42 : memref<!tpu.dma_semaphore, #tpu.memory_space<semaphore_mem>>) src(%arg20 : memref<80x32xf32, #tpu.memory_space<vmem>>) dst(%dma_wait3A_1987 : memref<51968x32xf32, #tpu.memory_space<vmem_shared>>)
    %dma_wait3A_1988 = arith.constant 0 : i32
    %dma_wait3A_1989 = arith.constant 0 : i32
    %dma_wait3A_1990 = tpu.memref_slice %arg28[%dma_wait3A_1988, %dma_wait3A_1989] : memref<51968x32xf32, #tpu.memory_space<vmem_shared>> -> memref<51968x32xf32, #tpu.memory_space<vmem_shared>>
    tpu.wait_indirect_dma semaphore(%arg42 : memref<!tpu.dma_semaphore, #tpu.memory_space<semaphore_mem>>) src(%arg24 : memref<80x32xf32, #tpu.memory_space<vmem>>) dst(%dma_wait3A_1990 : memref<51968x32xf32, #tpu.memory_space<vmem_shared>>)
    %dma_wait3A_1991 = arith.constant 0 : i32
    %dma_wait3A_1992 = tpu.memref_slice %arg4[%dma_wait3A_1991] : memref<1600000xi32, #tpu.memory_space<hbm>> -> memref<80xi32, #tpu.memory_space<hbm>>
    %dma_wait3A_1993 = arith.constant 0 : i32
    %dma_wait3A_1994 = tpu.memref_slice %arg4[%dma_wait3A_1993] : memref<1600000xi32, #tpu.memory_space<hbm>> -> memref<80xi32, #tpu.memory_space<hbm>>
    tpu.wait_dma2 semaphore(%arg30 : memref<!tpu.dma_semaphore, #tpu.memory_space<semaphore_mem>>) src(%dma_wait3A_1994 : memref<80xi32, #tpu.memory_space<hbm>>) dst(%arg8 : memref<80xi32, #tpu.memory_space<vmem>>)
    %dma_wait3A_1995 = arith.constant 0 : i32
    %dma_wait3A_1996 = tpu.memref_slice %arg5[%dma_wait3A_1995] : memref<1600000xi32, #tpu.memory_space<hbm>> -> memref<80xi32, #tpu.memory_space<hbm>>
    %dma_wait3A_1997 = arith.constant 0 : i32
    %dma_wait3A_1998 = tpu.memref_slice %arg5[%dma_wait3A_1997] : memref<1600000xi32, #tpu.memory_space<hbm>> -> memref<80xi32, #tpu.memory_space<hbm>>
    tpu.wait_dma2 semaphore(%arg30 : memref<!tpu.dma_semaphore, #tpu.memory_space<semaphore_mem>>) src(%dma_wait3A_1998 : memref<80xi32, #tpu.memory_space<hbm>>) dst(%arg12 : memref<80xi32, #tpu.memory_space<vmem>>)
    %get3A_1999 = arith.constant 0 : index
    %get3A_2000 = tpu.vector_load %arg12[%get3A_1999] {strides = array<i32>} : memref<80xi32, #tpu.memory_space<vmem>>, vector<16xi32>,
    %get3A_2001 = vector.shape_cast %get3A_2000 : vector<16xi32> to vector<16xi32>
    %sub3A_2002 = vector.broadcast %mul3A_0 : i32 to vector<16xi32>
    %sub3A_2003 = arith.subi %get3A_2001, %sub3A_2002 : vector<16xi32>
    %ge3A_2004 = arith.constant 0 : i32
    %ge3A_2005 = vector.broadcast %ge3A_2004 : i32 to vector<16xi32>
    %ge3A_2006 = arith.cmpi sge, %sub3A_2003, %ge3A_2005 : vector<16xi32>
    %lt3A_2007 = arith.constant 50000 : i32
    %lt3A_2008 = vector.broadcast %lt3A_2007 : i32 to vector<16xi32>
    %lt3A_2009 = arith.cmpi slt, %sub3A_2003, %lt3A_2008 : vector<16xi32>
    %and3A_2010 = arith.andi %ge3A_2006, %lt3A_2009 : vector<16xi1>
    %select_n3A_2011 = arith.select %and3A_2010, %sub3A_2003, %add3A_1356 : vector<16xi1>, vector<16xi32>
    %swap3A_2012 = arith.constant 0 : index
    %swap3A_2013 = tpu.vector_load %arg16[%swap3A_2012] {strides = array<i32>} : memref<80xi32, #tpu.memory_space<vmem>>, vector<16xi32>,
    %swap3A_2014 = vector.shape_cast %swap3A_2013 : vector<16xi32> to vector<16xi32>
    %swap3A_2015 = vector.shape_cast %select_n3A_2011 : vector<16xi32> to vector<16xi32>
    tpu.vector_store %arg16[%swap3A_2012], %swap3A_2015 {strides = array<i32>} : memref<80xi32, #tpu.memory_space<vmem>>, vector<16xi32>,
    %get3A_2016 = arith.constant 16 : index
    %get3A_2017 = tpu.vector_load %arg12[%get3A_2016] {strides = array<i32>} : memref<80xi32, #tpu.memory_space<vmem>>, vector<16xi32>,
    %get3A_2018 = vector.shape_cast %get3A_2017 : vector<16xi32> to vector<16xi32>
    %sub3A_2019 = vector.broadcast %mul3A_0 : i32 to vector<16xi32>
    %sub3A_2020 = arith.subi %get3A_2018, %sub3A_2019 : vector<16xi32>
    %ge3A_2021 = arith.constant 0 : i32
    %ge3A_2022 = vector.broadcast %ge3A_2021 : i32 to vector<16xi32>
    %ge3A_2023 = arith.cmpi sge, %sub3A_2020, %ge3A_2022 : vector<16xi32>
    %lt3A_2024 = arith.constant 50000 : i32
    %lt3A_2025 = vector.broadcast %lt3A_2024 : i32 to vector<16xi32>
    %lt3A_2026 = arith.cmpi slt, %sub3A_2020, %lt3A_2025 : vector<16xi32>
    %and3A_2027 = arith.andi %ge3A_2023, %lt3A_2026 : vector<16xi1>
    %select_n3A_2028 = arith.select %and3A_2027, %sub3A_2020, %add3A_1356 : vector<16xi1>, vector<16xi32>
    %swap3A_2029 = arith.constant 16 : index
    %swap3A_2030 = tpu.vector_load %arg16[%swap3A_2029] {strides = array<i32>} : memref<80xi32, #tpu.memory_space<vmem>>, vector<16xi32>,
    %swap3A_2031 = vector.shape_cast %swap3A_2030 : vector<16xi32> to vector<16xi32>
    %swap3A_2032 = vector.shape_cast %select_n3A_2028 : vector<16xi32> to vector<16xi32>
    tpu.vector_store %arg16[%swap3A_2029], %swap3A_2032 {strides = array<i32>} : memref<80xi32, #tpu.memory_space<vmem>>, vector<16xi32>,
    %get3A_2033 = arith.constant 32 : index
    %get3A_2034 = tpu.vector_load %arg12[%get3A_2033] {strides = array<i32>} : memref<80xi32, #tpu.memory_space<vmem>>, vector<16xi32>,
    %get3A_2035 = vector.shape_cast %get3A_2034 : vector<16xi32> to vector<16xi32>
    %sub3A_2036 = vector.broadcast %mul3A_0 : i32 to vector<16xi32>
    %sub3A_2037 = arith.subi %get3A_2035, %sub3A_2036 : vector<16xi32>
    %ge3A_2038 = arith.constant 0 : i32
    %ge3A_2039 = vector.broadcast %ge3A_2038 : i32 to vector<16xi32>
    %ge3A_2040 = arith.cmpi sge, %sub3A_2037, %ge3A_2039 : vector<16xi32>
    %lt3A_2041 = arith.constant 50000 : i32
    %lt3A_2042 = vector.broadcast %lt3A_2041 : i32 to vector<16xi32>
    %lt3A_2043 = arith.cmpi slt, %sub3A_2037, %lt3A_2042 : vector<16xi32>
    %and3A_2044 = arith.andi %ge3A_2040, %lt3A_2043 : vector<16xi1>
    %select_n3A_2045 = arith.select %and3A_2044, %sub3A_2037, %add3A_1356 : vector<16xi1>, vector<16xi32>
    %swap3A_2046 = arith.constant 32 : index
    %swap3A_2047 = tpu.vector_load %arg16[%swap3A_2046] {strides = array<i32>} : memref<80xi32, #tpu.memory_space<vmem>>, vector<16xi32>,
    %swap3A_2048 = vector.shape_cast %swap3A_2047 : vector<16xi32> to vector<16xi32>
    %swap3A_2049 = vector.shape_cast %select_n3A_2045 : vector<16xi32> to vector<16xi32>
    tpu.vector_store %arg16[%swap3A_2046], %swap3A_2049 {strides = array<i32>} : memref<80xi32, #tpu.memory_space<vmem>>, vector<16xi32>,
    %get3A_2050 = arith.constant 48 : index
    %get3A_2051 = tpu.vector_load %arg12[%get3A_2050] {strides = array<i32>} : memref<80xi32, #tpu.memory_space<vmem>>, vector<16xi32>,
    %get3A_2052 = vector.shape_cast %get3A_2051 : vector<16xi32> to vector<16xi32>
    %sub3A_2053 = vector.broadcast %mul3A_0 : i32 to vector<16xi32>
    %sub3A_2054 = arith.subi %get3A_2052, %sub3A_2053 : vector<16xi32>
    %ge3A_2055 = arith.constant 0 : i32
    %ge3A_2056 = vector.broadcast %ge3A_2055 : i32 to vector<16xi32>
    %ge3A_2057 = arith.cmpi sge, %sub3A_2054, %ge3A_2056 : vector<16xi32>
    %lt3A_2058 = arith.constant 50000 : i32
    %lt3A_2059 = vector.broadcast %lt3A_2058 : i32 to vector<16xi32>
    %lt3A_2060 = arith.cmpi slt, %sub3A_2054, %lt3A_2059 : vector<16xi32>
    %and3A_2061 = arith.andi %ge3A_2057, %lt3A_2060 : vector<16xi1>
    %select_n3A_2062 = arith.select %and3A_2061, %sub3A_2054, %add3A_1356 : vector<16xi1>, vector<16xi32>
    %swap3A_2063 = arith.constant 48 : index
    %swap3A_2064 = tpu.vector_load %arg16[%swap3A_2063] {strides = array<i32>} : memref<80xi32, #tpu.memory_space<vmem>>, vector<16xi32>,
    %swap3A_2065 = vector.shape_cast %swap3A_2064 : vector<16xi32> to vector<16xi32>
    %swap3A_2066 = vector.shape_cast %select_n3A_2062 : vector<16xi32> to vector<16xi32>
    tpu.vector_store %arg16[%swap3A_2063], %swap3A_2066 {strides = array<i32>} : memref<80xi32, #tpu.memory_space<vmem>>, vector<16xi32>,
    %get3A_2067 = arith.constant 64 : index
    %get3A_2068 = tpu.vector_load %arg12[%get3A_2067] {strides = array<i32>} : memref<80xi32, #tpu.memory_space<vmem>>, vector<16xi32>,
    %get3A_2069 = vector.shape_cast %get3A_2068 : vector<16xi32> to vector<16xi32>
    %sub3A_2070 = vector.broadcast %mul3A_0 : i32 to vector<16xi32>
    %sub3A_2071 = arith.subi %get3A_2069, %sub3A_2070 : vector<16xi32>
    %ge3A_2072 = arith.constant 0 : i32
    %ge3A_2073 = vector.broadcast %ge3A_2072 : i32 to vector<16xi32>
    %ge3A_2074 = arith.cmpi sge, %sub3A_2071, %ge3A_2073 : vector<16xi32>
    %lt3A_2075 = arith.constant 50000 : i32
    %lt3A_2076 = vector.broadcast %lt3A_2075 : i32 to vector<16xi32>
    %lt3A_2077 = arith.cmpi slt, %sub3A_2071, %lt3A_2076 : vector<16xi32>
    %and3A_2078 = arith.andi %ge3A_2074, %lt3A_2077 : vector<16xi1>
    %select_n3A_2079 = arith.select %and3A_2078, %sub3A_2071, %add3A_1356 : vector<16xi1>, vector<16xi32>
    %swap3A_2080 = arith.constant 64 : index
    %swap3A_2081 = tpu.vector_load %arg16[%swap3A_2080] {strides = array<i32>} : memref<80xi32, #tpu.memory_space<vmem>>, vector<16xi32>,
    %swap3A_2082 = vector.shape_cast %swap3A_2081 : vector<16xi32> to vector<16xi32>
    %swap3A_2083 = vector.shape_cast %select_n3A_2079 : vector<16xi32> to vector<16xi32>
    tpu.vector_store %arg16[%swap3A_2080], %swap3A_2083 {strides = array<i32>} : memref<80xi32, #tpu.memory_space<vmem>>, vector<16xi32>,
    %dma_start3A_2084 = arith.constant 0 : i32
    %dma_start3A_2085 = arith.constant 0 : i32
    %dma_start3A_2086 = tpu.memref_slice %arg2[%dma_start3A_2084, %dma_start3A_2085] : memref<100000x32xf32, #tpu.memory_space<hbm>> -> memref<100000x32xf32, #tpu.memory_space<hbm>>
    tpu.enqueue_indirect_dma source(%dma_start3A_2086 : memref<100000x32xf32, #tpu.memory_space<hbm>>) target(%arg20 : memref<80x32xf32, #tpu.memory_space<vmem>>) offsets(%arg8 : memref<80xi32, #tpu.memory_space<vmem>>) semaphore(%arg34 : memref<!tpu.dma_semaphore, #tpu.memory_space<semaphore_mem>>)
    %add3A_2087 = arith.constant 400 : i32
    %add3A_2088 = arith.addi %mul3A_1351, %add3A_2087 : i32
    %multiple_of3A_2089 = tpu.assume_multiple %add3A_2088, 8 : i32
    %dma_start3A_2090 = arith.constant 0 : i32
    %dma_start3A_2091 = tpu.memref_slice %arg3[%multiple_of3A_2089, %dma_start3A_2090] : memref<1600000x32xf32, #tpu.memory_space<hbm>> -> memref<80x32xf32, #tpu.memory_space<hbm>>
    %dma_start3A_2092 = arith.constant 0 : i32
    %dma_start3A_2093 = tpu.memref_slice %arg3[%multiple_of3A_2089, %dma_start3A_2092] : memref<1600000x32xf32, #tpu.memory_space<hbm>> -> memref<80x32xf32, #tpu.memory_space<hbm>>
    tpu.enqueue_dma source(%dma_start3A_2093 : memref<80x32xf32, #tpu.memory_space<hbm>>) target(%arg24 : memref<80x32xf32, #tpu.memory_space<vmem>>) target_semaphore(%arg38 : memref<!tpu.dma_semaphore, #tpu.memory_space<semaphore_mem>>)
    %scan3A_2094 = arith.constant 0 : i32
    %scan3A_2095 = arith.constant 1 : i32
    %scan3A_2096 = arith.constant 311 : i32
    %scan3A_2097 = arith.addi %scan3A_2095, %scan3A_2096 : i32
    %scan3A_2098 = arith.constant 1 : i32
    scf.for %scan3A_2171 = %scan3A_2095 to %scan3A_2097 step %scan3A_2098  : i32 {
      %mul3A_2172 = arith.constant 4 : i32
      %mul3A_2173 = arith.muli %scan3A_2171, %mul3A_2172 : i32
      %add3A_2174 = arith.constant 0 : i32
      %add3A_2175 = arith.addi %mul3A_2173, %add3A_2174 : i32
      %dma_wait3A_2176 = arith.constant 0 : i32
      %dma_wait3A_2177 = arith.constant 0 : i32
      %dma_wait3A_2178 = tpu.memref_slice %arg2[%dma_wait3A_2176, %dma_wait3A_2177] : memref<100000x32xf32, #tpu.memory_space<hbm>> -> memref<100000x32xf32, #tpu.memory_space<hbm>>
      tpu.wait_indirect_dma semaphore(%arg33 : memref<!tpu.dma_semaphore, #tpu.memory_space<semaphore_mem>>) src(%dma_wait3A_2178 : memref<100000x32xf32, #tpu.memory_space<hbm>>) dst(%arg19 : memref<80x32xf32, #tpu.memory_space<vmem>>)
      %dma_wait3A_2179 = arith.constant 0 : i32
      %dma_wait3A_2180 = arith.constant 0 : i32
      %dma_wait3A_2181 = tpu.memref_slice %arg3[%dma_wait3A_2179, %dma_wait3A_2180] : memref<1600000x32xf32, #tpu.memory_space<hbm>> -> memref<80x32xf32, #tpu.memory_space<hbm>>
      %dma_wait3A_2182 = arith.constant 0 : i32
      %dma_wait3A_2183 = arith.constant 0 : i32
      %dma_wait3A_2184 = tpu.memref_slice %arg3[%dma_wait3A_2182, %dma_wait3A_2183] : memref<1600000x32xf32, #tpu.memory_space<hbm>> -> memref<80x32xf32, #tpu.memory_space<hbm>>
      tpu.wait_dma2 semaphore(%arg37 : memref<!tpu.dma_semaphore, #tpu.memory_space<semaphore_mem>>) src(%dma_wait3A_2184 : memref<80x32xf32, #tpu.memory_space<hbm>>) dst(%arg23 : memref<80x32xf32, #tpu.memory_space<vmem>>)
      %add3A_2185 = arith.constant 4 : i32
      %add3A_2186 = arith.addi %add3A_2175, %add3A_2185 : i32
      %lt3A_2187 = arith.constant 1250 : i32
      %lt3A_2188 = arith.cmpi slt, %add3A_2186, %lt3A_2187 : i32
      %convert_element_type3A_2189 = arith.extui %lt3A_2188 : i1 to i32
      %cond3A_2190 = arith.constant 0 : i32
      %cond3A_2191 = arith.cmpi ne, %convert_element_type3A_2189, %cond3A_2190 : i32
      scf.if %cond3A_2191 {
        %add3A_2724 = arith.constant 4 : i32
        %add3A_2725 = arith.addi %add3A_2175, %add3A_2724 : i32
        %mul3A_2726 = arith.constant 80 : i32
        %mul3A_2727 = arith.muli %add3A_2725, %mul3A_2726 : i32
        %add3A_2728 = arith.addi %mul3A_1351, %mul3A_2727 : i32
        %multiple_of3A_2729 = tpu.assume_multiple %add3A_2728, 8 : i32
        %dma_start3A_2730 = tpu.memref_slice %arg4[%multiple_of3A_2729] : memref<1600000xi32, #tpu.memory_space<hbm>> -> memref<80xi32, #tpu.memory_space<hbm>>
        %dma_start3A_2731 = tpu.memref_slice %arg4[%multiple_of3A_2729] : memref<1600000xi32, #tpu.memory_space<hbm>> -> memref<80xi32, #tpu.memory_space<hbm>>
        tpu.enqueue_dma source(%dma_start3A_2731 : memref<80xi32, #tpu.memory_space<hbm>>) target(%arg7 : memref<80xi32, #tpu.memory_space<vmem>>) target_semaphore(%arg29 : memref<!tpu.dma_semaphore, #tpu.memory_space<semaphore_mem>>)
        %dma_start3A_2732 = tpu.memref_slice %arg5[%multiple_of3A_2729] : memref<1600000xi32, #tpu.memory_space<hbm>> -> memref<80xi32, #tpu.memory_space<hbm>>
        %dma_start3A_2733 = tpu.memref_slice %arg5[%multiple_of3A_2729] : memref<1600000xi32, #tpu.memory_space<hbm>> -> memref<80xi32, #tpu.memory_space<hbm>>
        tpu.enqueue_dma source(%dma_start3A_2733 : memref<80xi32, #tpu.memory_space<hbm>>) target(%arg11 : memref<80xi32, #tpu.memory_space<vmem>>) target_semaphore(%arg29 : memref<!tpu.dma_semaphore, #tpu.memory_space<semaphore_mem>>)
      } else {
      }
      %dma_start3A_2192 = arith.constant 0 : i32
      %dma_start3A_2193 = arith.constant 0 : i32
      %dma_start3A_2194 = tpu.memref_slice %arg28[%dma_start3A_2192, %dma_start3A_2193] : memref<51968x32xf32, #tpu.memory_space<vmem_shared>> -> memref<51968x32xf32, #tpu.memory_space<vmem_shared>>
      tpu.enqueue_indirect_dma source(%arg19 : memref<80x32xf32, #tpu.memory_space<vmem>>) target(%dma_start3A_2194 : memref<51968x32xf32, #tpu.memory_space<vmem_shared>>) offsets(%arg15 : memref<80xi32, #tpu.memory_space<vmem>>) semaphore(%arg41 : memref<!tpu.dma_semaphore, #tpu.memory_space<semaphore_mem>>) {add = true}
      %dma_start3A_2195 = arith.constant 0 : i32
      %dma_start3A_2196 = arith.constant 0 : i32
      %dma_start3A_2197 = tpu.memref_slice %arg28[%dma_start3A_2195, %dma_start3A_2196] : memref<51968x32xf32, #tpu.memory_space<vmem_shared>> -> memref<51968x32xf32, #tpu.memory_space<vmem_shared>>
      tpu.enqueue_indirect_dma source(%arg23 : memref<80x32xf32, #tpu.memory_space<vmem>>) target(%dma_start3A_2197 : memref<51968x32xf32, #tpu.memory_space<vmem_shared>>) offsets(%arg15 : memref<80xi32, #tpu.memory_space<vmem>>) semaphore(%arg41 : memref<!tpu.dma_semaphore, #tpu.memory_space<semaphore_mem>>) {add = true}
      %dma_wait3A_2198 = arith.constant 0 : i32
      %dma_wait3A_2199 = arith.constant 0 : i32
      %dma_wait3A_2200 = tpu.memref_slice %arg28[%dma_wait3A_2198, %dma_wait3A_2199] : memref<51968x32xf32, #tpu.memory_space<vmem_shared>> -> memref<51968x32xf32, #tpu.memory_space<vmem_shared>>
      tpu.wait_indirect_dma semaphore(%arg43 : memref<!tpu.dma_semaphore, #tpu.memory_space<semaphore_mem>>) src(%arg21 : memref<80x32xf32, #tpu.memory_space<vmem>>) dst(%dma_wait3A_2200 : memref<51968x32xf32, #tpu.memory_space<vmem_shared>>)
      %dma_wait3A_2201 = arith.constant 0 : i32
      %dma_wait3A_2202 = arith.constant 0 : i32
      %dma_wait3A_2203 = tpu.memref_slice %arg28[%dma_wait3A_2201, %dma_wait3A_2202] : memref<51968x32xf32, #tpu.memory_space<vmem_shared>> -> memref<51968x32xf32, #tpu.memory_space<vmem_shared>>
      tpu.wait_indirect_dma semaphore(%arg43 : memref<!tpu.dma_semaphore, #tpu.memory_space<semaphore_mem>>) src(%arg25 : memref<80x32xf32, #tpu.memory_space<vmem>>) dst(%dma_wait3A_2203 : memref<51968x32xf32, #tpu.memory_space<vmem_shared>>)
      %dma_wait3A_2204 = arith.constant 0 : i32
      %dma_wait3A_2205 = tpu.memref_slice %arg4[%dma_wait3A_2204] : memref<1600000xi32, #tpu.memory_space<hbm>> -> memref<80xi32, #tpu.memory_space<hbm>>
      %dma_wait3A_2206 = arith.constant 0 : i32
      %dma_wait3A_2207 = tpu.memref_slice %arg4[%dma_wait3A_2206] : memref<1600000xi32, #tpu.memory_space<hbm>> -> memref<80xi32, #tpu.memory_space<hbm>>
      tpu.wait_dma2 semaphore(%arg31 : memref<!tpu.dma_semaphore, #tpu.memory_space<semaphore_mem>>) src(%dma_wait3A_2207 : memref<80xi32, #tpu.memory_space<hbm>>) dst(%arg9 : memref<80xi32, #tpu.memory_space<vmem>>)
      %dma_wait3A_2208 = arith.constant 0 : i32
      %dma_wait3A_2209 = tpu.memref_slice %arg5[%dma_wait3A_2208] : memref<1600000xi32, #tpu.memory_space<hbm>> -> memref<80xi32, #tpu.memory_space<hbm>>
      %dma_wait3A_2210 = arith.constant 0 : i32
      %dma_wait3A_2211 = tpu.memref_slice %arg5[%dma_wait3A_2210] : memref<1600000xi32, #tpu.memory_space<hbm>> -> memref<80xi32, #tpu.memory_space<hbm>>
      tpu.wait_dma2 semaphore(%arg31 : memref<!tpu.dma_semaphore, #tpu.memory_space<semaphore_mem>>) src(%dma_wait3A_2211 : memref<80xi32, #tpu.memory_space<hbm>>) dst(%arg13 : memref<80xi32, #tpu.memory_space<vmem>>)
      %get3A_2212 = arith.constant 0 : index
      %get3A_2213 = tpu.vector_load %arg13[%get3A_2212] {strides = array<i32>} : memref<80xi32, #tpu.memory_space<vmem>>, vector<16xi32>,
      %get3A_2214 = vector.shape_cast %get3A_2213 : vector<16xi32> to vector<16xi32>
      %sub3A_2215 = vector.broadcast %mul3A_0 : i32 to vector<16xi32>
      %sub3A_2216 = arith.subi %get3A_2214, %sub3A_2215 : vector<16xi32>
      %ge3A_2217 = arith.constant 0 : i32
      %ge3A_2218 = vector.broadcast %ge3A_2217 : i32 to vector<16xi32>
      %ge3A_2219 = arith.cmpi sge, %sub3A_2216, %ge3A_2218 : vector<16xi32>
      %lt3A_2220 = arith.constant 50000 : i32
      %lt3A_2221 = vector.broadcast %lt3A_2220 : i32 to vector<16xi32>
      %lt3A_2222 = arith.cmpi slt, %sub3A_2216, %lt3A_2221 : vector<16xi32>
      %and3A_2223 = arith.andi %ge3A_2219, %lt3A_2222 : vector<16xi1>
      %select_n3A_2224 = arith.select %and3A_2223, %sub3A_2216, %add3A_1356 : vector<16xi1>, vector<16xi32>
      %swap3A_2225 = arith.constant 0 : index
      %swap3A_2226 = tpu.vector_load %arg17[%swap3A_2225] {strides = array<i32>} : memref<80xi32, #tpu.memory_space<vmem>>, vector<16xi32>,
      %swap3A_2227 = vector.shape_cast %swap3A_2226 : vector<16xi32> to vector<16xi32>
      %swap3A_2228 = vector.shape_cast %select_n3A_2224 : vector<16xi32> to vector<16xi32>
      tpu.vector_store %arg17[%swap3A_2225], %swap3A_2228 {strides = array<i32>} : memref<80xi32, #tpu.memory_space<vmem>>, vector<16xi32>,
      %get3A_2229 = arith.constant 16 : index
      %get3A_2230 = tpu.vector_load %arg13[%get3A_2229] {strides = array<i32>} : memref<80xi32, #tpu.memory_space<vmem>>, vector<16xi32>,
      %get3A_2231 = vector.shape_cast %get3A_2230 : vector<16xi32> to vector<16xi32>
      %sub3A_2232 = vector.broadcast %mul3A_0 : i32 to vector<16xi32>
      %sub3A_2233 = arith.subi %get3A_2231, %sub3A_2232 : vector<16xi32>
      %ge3A_2234 = arith.constant 0 : i32
      %ge3A_2235 = vector.broadcast %ge3A_2234 : i32 to vector<16xi32>
      %ge3A_2236 = arith.cmpi sge, %sub3A_2233, %ge3A_2235 : vector<16xi32>
      %lt3A_2237 = arith.constant 50000 : i32
      %lt3A_2238 = vector.broadcast %lt3A_2237 : i32 to vector<16xi32>
      %lt3A_2239 = arith.cmpi slt, %sub3A_2233, %lt3A_2238 : vector<16xi32>
      %and3A_2240 = arith.andi %ge3A_2236, %lt3A_2239 : vector<16xi1>
      %select_n3A_2241 = arith.select %and3A_2240, %sub3A_2233, %add3A_1356 : vector<16xi1>, vector<16xi32>
      %swap3A_2242 = arith.constant 16 : index
      %swap3A_2243 = tpu.vector_load %arg17[%swap3A_2242] {strides = array<i32>} : memref<80xi32, #tpu.memory_space<vmem>>, vector<16xi32>,
      %swap3A_2244 = vector.shape_cast %swap3A_2243 : vector<16xi32> to vector<16xi32>
      %swap3A_2245 = vector.shape_cast %select_n3A_2241 : vector<16xi32> to vector<16xi32>
      tpu.vector_store %arg17[%swap3A_2242], %swap3A_2245 {strides = array<i32>} : memref<80xi32, #tpu.memory_space<vmem>>, vector<16xi32>,
      %get3A_2246 = arith.constant 32 : index
      %get3A_2247 = tpu.vector_load %arg13[%get3A_2246] {strides = array<i32>} : memref<80xi32, #tpu.memory_space<vmem>>, vector<16xi32>,
      %get3A_2248 = vector.shape_cast %get3A_2247 : vector<16xi32> to vector<16xi32>
      %sub3A_2249 = vector.broadcast %mul3A_0 : i32 to vector<16xi32>
      %sub3A_2250 = arith.subi %get3A_2248, %sub3A_2249 : vector<16xi32>
      %ge3A_2251 = arith.constant 0 : i32
      %ge3A_2252 = vector.broadcast %ge3A_2251 : i32 to vector<16xi32>
      %ge3A_2253 = arith.cmpi sge, %sub3A_2250, %ge3A_2252 : vector<16xi32>
      %lt3A_2254 = arith.constant 50000 : i32
      %lt3A_2255 = vector.broadcast %lt3A_2254 : i32 to vector<16xi32>
      %lt3A_2256 = arith.cmpi slt, %sub3A_2250, %lt3A_2255 : vector<16xi32>
      %and3A_2257 = arith.andi %ge3A_2253, %lt3A_2256 : vector<16xi1>
      %select_n3A_2258 = arith.select %and3A_2257, %sub3A_2250, %add3A_1356 : vector<16xi1>, vector<16xi32>
      %swap3A_2259 = arith.constant 32 : index
      %swap3A_2260 = tpu.vector_load %arg17[%swap3A_2259] {strides = array<i32>} : memref<80xi32, #tpu.memory_space<vmem>>, vector<16xi32>,
      %swap3A_2261 = vector.shape_cast %swap3A_2260 : vector<16xi32> to vector<16xi32>
      %swap3A_2262 = vector.shape_cast %select_n3A_2258 : vector<16xi32> to vector<16xi32>
      tpu.vector_store %arg17[%swap3A_2259], %swap3A_2262 {strides = array<i32>} : memref<80xi32, #tpu.memory_space<vmem>>, vector<16xi32>,
      %get3A_2263 = arith.constant 48 : index
      %get3A_2264 = tpu.vector_load %arg13[%get3A_2263] {strides = array<i32>} : memref<80xi32, #tpu.memory_space<vmem>>, vector<16xi32>,
      %get3A_2265 = vector.shape_cast %get3A_2264 : vector<16xi32> to vector<16xi32>
      %sub3A_2266 = vector.broadcast %mul3A_0 : i32 to vector<16xi32>
      %sub3A_2267 = arith.subi %get3A_2265, %sub3A_2266 : vector<16xi32>
      %ge3A_2268 = arith.constant 0 : i32
      %ge3A_2269 = vector.broadcast %ge3A_2268 : i32 to vector<16xi32>
      %ge3A_2270 = arith.cmpi sge, %sub3A_2267, %ge3A_2269 : vector<16xi32>
      %lt3A_2271 = arith.constant 50000 : i32
      %lt3A_2272 = vector.broadcast %lt3A_2271 : i32 to vector<16xi32>
      %lt3A_2273 = arith.cmpi slt, %sub3A_2267, %lt3A_2272 : vector<16xi32>
      %and3A_2274 = arith.andi %ge3A_2270, %lt3A_2273 : vector<16xi1>
      %select_n3A_2275 = arith.select %and3A_2274, %sub3A_2267, %add3A_1356 : vector<16xi1>, vector<16xi32>
      %swap3A_2276 = arith.constant 48 : index
      %swap3A_2277 = tpu.vector_load %arg17[%swap3A_2276] {strides = array<i32>} : memref<80xi32, #tpu.memory_space<vmem>>, vector<16xi32>,
      %swap3A_2278 = vector.shape_cast %swap3A_2277 : vector<16xi32> to vector<16xi32>
      %swap3A_2279 = vector.shape_cast %select_n3A_2275 : vector<16xi32> to vector<16xi32>
      tpu.vector_store %arg17[%swap3A_2276], %swap3A_2279 {strides = array<i32>} : memref<80xi32, #tpu.memory_space<vmem>>, vector<16xi32>,
      %get3A_2280 = arith.constant 64 : index
      %get3A_2281 = tpu.vector_load %arg13[%get3A_2280] {strides = array<i32>} : memref<80xi32, #tpu.memory_space<vmem>>, vector<16xi32>,
      %get3A_2282 = vector.shape_cast %get3A_2281 : vector<16xi32> to vector<16xi32>
      %sub3A_2283 = vector.broadcast %mul3A_0 : i32 to vector<16xi32>
      %sub3A_2284 = arith.subi %get3A_2282, %sub3A_2283 : vector<16xi32>
      %ge3A_2285 = arith.constant 0 : i32
      %ge3A_2286 = vector.broadcast %ge3A_2285 : i32 to vector<16xi32>
      %ge3A_2287 = arith.cmpi sge, %sub3A_2284, %ge3A_2286 : vector<16xi32>
      %lt3A_2288 = arith.constant 50000 : i32
      %lt3A_2289 = vector.broadcast %lt3A_2288 : i32 to vector<16xi32>
      %lt3A_2290 = arith.cmpi slt, %sub3A_2284, %lt3A_2289 : vector<16xi32>
      %and3A_2291 = arith.andi %ge3A_2287, %lt3A_2290 : vector<16xi1>
      %select_n3A_2292 = arith.select %and3A_2291, %sub3A_2284, %add3A_1356 : vector<16xi1>, vector<16xi32>
      %swap3A_2293 = arith.constant 64 : index
      %swap3A_2294 = tpu.vector_load %arg17[%swap3A_2293] {strides = array<i32>} : memref<80xi32, #tpu.memory_space<vmem>>, vector<16xi32>,
      %swap3A_2295 = vector.shape_cast %swap3A_2294 : vector<16xi32> to vector<16xi32>
      %swap3A_2296 = vector.shape_cast %select_n3A_2292 : vector<16xi32> to vector<16xi32>
      tpu.vector_store %arg17[%swap3A_2293], %swap3A_2296 {strides = array<i32>} : memref<80xi32, #tpu.memory_space<vmem>>, vector<16xi32>,
      %add3A_2297 = arith.constant 2 : i32
      %add3A_2298 = arith.addi %add3A_2175, %add3A_2297 : i32
      %dma_start3A_2299 = arith.constant 0 : i32
      %dma_start3A_2300 = arith.constant 0 : i32
      %dma_start3A_2301 = tpu.memref_slice %arg2[%dma_start3A_2299, %dma_start3A_2300] : memref<100000x32xf32, #tpu.memory_space<hbm>> -> memref<100000x32xf32, #tpu.memory_space<hbm>>
      tpu.enqueue_indirect_dma source(%dma_start3A_2301 : memref<100000x32xf32, #tpu.memory_space<hbm>>) target(%arg21 : memref<80x32xf32, #tpu.memory_space<vmem>>) offsets(%arg9 : memref<80xi32, #tpu.memory_space<vmem>>) semaphore(%arg35 : memref<!tpu.dma_semaphore, #tpu.memory_space<semaphore_mem>>)
      %mul3A_2302 = arith.constant 80 : i32
      %mul3A_2303 = arith.muli %add3A_2298, %mul3A_2302 : i32
      %add3A_2304 = arith.addi %mul3A_1351, %mul3A_2303 : i32
      %multiple_of3A_2305 = tpu.assume_multiple %add3A_2304, 8 : i32
      %dma_start3A_2306 = arith.constant 0 : i32
      %dma_start3A_2307 = tpu.memref_slice %arg3[%multiple_of3A_2305, %dma_start3A_2306] : memref<1600000x32xf32, #tpu.memory_space<hbm>> -> memref<80x32xf32, #tpu.memory_space<hbm>>
      %dma_start3A_2308 = arith.constant 0 : i32
      %dma_start3A_2309 = tpu.memref_slice %arg3[%multiple_of3A_2305, %dma_start3A_2308] : memref<1600000x32xf32, #tpu.memory_space<hbm>> -> memref<80x32xf32, #tpu.memory_space<hbm>>
      tpu.enqueue_dma source(%dma_start3A_2309 : memref<80x32xf32, #tpu.memory_space<hbm>>) target(%arg25 : memref<80x32xf32, #tpu.memory_space<vmem>>) target_semaphore(%arg39 : memref<!tpu.dma_semaphore, #tpu.memory_space<semaphore_mem>>)
      %mul3A_2310 = arith.constant 4 : i32
      %mul3A_2311 = arith.muli %scan3A_2171, %mul3A_2310 : i32
      %add3A_2312 = arith.constant 1 : i32
      %add3A_2313 = arith.addi %mul3A_2311, %add3A_2312 : i32
      %dma_wait3A_2314 = arith.constant 0 : i32
      %dma_wait3A_2315 = arith.constant 0 : i32
      %dma_wait3A_2316 = tpu.memref_slice %arg2[%dma_wait3A_2314, %dma_wait3A_2315] : memref<100000x32xf32, #tpu.memory_space<hbm>> -> memref<100000x32xf32, #tpu.memory_space<hbm>>
      tpu.wait_indirect_dma semaphore(%arg34 : memref<!tpu.dma_semaphore, #tpu.memory_space<semaphore_mem>>) src(%dma_wait3A_2316 : memref<100000x32xf32, #tpu.memory_space<hbm>>) dst(%arg20 : memref<80x32xf32, #tpu.memory_space<vmem>>)
      %dma_wait3A_2317 = arith.constant 0 : i32
      %dma_wait3A_2318 = arith.constant 0 : i32
      %dma_wait3A_2319 = tpu.memref_slice %arg3[%dma_wait3A_2317, %dma_wait3A_2318] : memref<1600000x32xf32, #tpu.memory_space<hbm>> -> memref<80x32xf32, #tpu.memory_space<hbm>>
      %dma_wait3A_2320 = arith.constant 0 : i32
      %dma_wait3A_2321 = arith.constant 0 : i32
      %dma_wait3A_2322 = tpu.memref_slice %arg3[%dma_wait3A_2320, %dma_wait3A_2321] : memref<1600000x32xf32, #tpu.memory_space<hbm>> -> memref<80x32xf32, #tpu.memory_space<hbm>>
      tpu.wait_dma2 semaphore(%arg38 : memref<!tpu.dma_semaphore, #tpu.memory_space<semaphore_mem>>) src(%dma_wait3A_2322 : memref<80x32xf32, #tpu.memory_space<hbm>>) dst(%arg24 : memref<80x32xf32, #tpu.memory_space<vmem>>)
      %add3A_2323 = arith.constant 4 : i32
      %add3A_2324 = arith.addi %add3A_2313, %add3A_2323 : i32
      %lt3A_2325 = arith.constant 1250 : i32
      %lt3A_2326 = arith.cmpi slt, %add3A_2324, %lt3A_2325 : i32
      %convert_element_type3A_2327 = arith.extui %lt3A_2326 : i1 to i32
      %cond3A_2328 = arith.constant 0 : i32
      %cond3A_2329 = arith.cmpi ne, %convert_element_type3A_2327, %cond3A_2328 : i32
      scf.if %cond3A_2329 {
        %add3A_2724 = arith.constant 4 : i32
        %add3A_2725 = arith.addi %add3A_2313, %add3A_2724 : i32
        %mul3A_2726 = arith.constant 80 : i32
        %mul3A_2727 = arith.muli %add3A_2725, %mul3A_2726 : i32
        %add3A_2728 = arith.addi %mul3A_1351, %mul3A_2727 : i32
        %multiple_of3A_2729 = tpu.assume_multiple %add3A_2728, 8 : i32
        %dma_start3A_2730 = tpu.memref_slice %arg4[%multiple_of3A_2729] : memref<1600000xi32, #tpu.memory_space<hbm>> -> memref<80xi32, #tpu.memory_space<hbm>>
        %dma_start3A_2731 = tpu.memref_slice %arg4[%multiple_of3A_2729] : memref<1600000xi32, #tpu.memory_space<hbm>> -> memref<80xi32, #tpu.memory_space<hbm>>
        tpu.enqueue_dma source(%dma_start3A_2731 : memref<80xi32, #tpu.memory_space<hbm>>) target(%arg8 : memref<80xi32, #tpu.memory_space<vmem>>) target_semaphore(%arg30 : memref<!tpu.dma_semaphore, #tpu.memory_space<semaphore_mem>>)
        %dma_start3A_2732 = tpu.memref_slice %arg5[%multiple_of3A_2729] : memref<1600000xi32, #tpu.memory_space<hbm>> -> memref<80xi32, #tpu.memory_space<hbm>>
        %dma_start3A_2733 = tpu.memref_slice %arg5[%multiple_of3A_2729] : memref<1600000xi32, #tpu.memory_space<hbm>> -> memref<80xi32, #tpu.memory_space<hbm>>
        tpu.enqueue_dma source(%dma_start3A_2733 : memref<80xi32, #tpu.memory_space<hbm>>) target(%arg12 : memref<80xi32, #tpu.memory_space<vmem>>) target_semaphore(%arg30 : memref<!tpu.dma_semaphore, #tpu.memory_space<semaphore_mem>>)
      } else {
      }
      %dma_start3A_2330 = arith.constant 0 : i32
      %dma_start3A_2331 = arith.constant 0 : i32
      %dma_start3A_2332 = tpu.memref_slice %arg28[%dma_start3A_2330, %dma_start3A_2331] : memref<51968x32xf32, #tpu.memory_space<vmem_shared>> -> memref<51968x32xf32, #tpu.memory_space<vmem_shared>>
      tpu.enqueue_indirect_dma source(%arg20 : memref<80x32xf32, #tpu.memory_space<vmem>>) target(%dma_start3A_2332 : memref<51968x32xf32, #tpu.memory_space<vmem_shared>>) offsets(%arg16 : memref<80xi32, #tpu.memory_space<vmem>>) semaphore(%arg42 : memref<!tpu.dma_semaphore, #tpu.memory_space<semaphore_mem>>) {add = true}
      %dma_start3A_2333 = arith.constant 0 : i32
      %dma_start3A_2334 = arith.constant 0 : i32
      %dma_start3A_2335 = tpu.memref_slice %arg28[%dma_start3A_2333, %dma_start3A_2334] : memref<51968x32xf32, #tpu.memory_space<vmem_shared>> -> memref<51968x32xf32, #tpu.memory_space<vmem_shared>>
      tpu.enqueue_indirect_dma source(%arg24 : memref<80x32xf32, #tpu.memory_space<vmem>>) target(%dma_start3A_2335 : memref<51968x32xf32, #tpu.memory_space<vmem_shared>>) offsets(%arg16 : memref<80xi32, #tpu.memory_space<vmem>>) semaphore(%arg42 : memref<!tpu.dma_semaphore, #tpu.memory_space<semaphore_mem>>) {add = true}
      %dma_wait3A_2336 = arith.constant 0 : i32
      %dma_wait3A_2337 = arith.constant 0 : i32
      %dma_wait3A_2338 = tpu.memref_slice %arg28[%dma_wait3A_2336, %dma_wait3A_2337] : memref<51968x32xf32, #tpu.memory_space<vmem_shared>> -> memref<51968x32xf32, #tpu.memory_space<vmem_shared>>
      tpu.wait_indirect_dma semaphore(%arg44 : memref<!tpu.dma_semaphore, #tpu.memory_space<semaphore_mem>>) src(%arg22 : memref<80x32xf32, #tpu.memory_space<vmem>>) dst(%dma_wait3A_2338 : memref<51968x32xf32, #tpu.memory_space<vmem_shared>>)
      %dma_wait3A_2339 = arith.constant 0 : i32
      %dma_wait3A_2340 = arith.constant 0 : i32
      %dma_wait3A_2341 = tpu.memref_slice %arg28[%dma_wait3A_2339, %dma_wait3A_2340] : memref<51968x32xf32, #tpu.memory_space<vmem_shared>> -> memref<51968x32xf32, #tpu.memory_space<vmem_shared>>
      tpu.wait_indirect_dma semaphore(%arg44 : memref<!tpu.dma_semaphore, #tpu.memory_space<semaphore_mem>>) src(%arg26 : memref<80x32xf32, #tpu.memory_space<vmem>>) dst(%dma_wait3A_2341 : memref<51968x32xf32, #tpu.memory_space<vmem_shared>>)
      %dma_wait3A_2342 = arith.constant 0 : i32
      %dma_wait3A_2343 = tpu.memref_slice %arg4[%dma_wait3A_2342] : memref<1600000xi32, #tpu.memory_space<hbm>> -> memref<80xi32, #tpu.memory_space<hbm>>
      %dma_wait3A_2344 = arith.constant 0 : i32
      %dma_wait3A_2345 = tpu.memref_slice %arg4[%dma_wait3A_2344] : memref<1600000xi32, #tpu.memory_space<hbm>> -> memref<80xi32, #tpu.memory_space<hbm>>
      tpu.wait_dma2 semaphore(%arg32 : memref<!tpu.dma_semaphore, #tpu.memory_space<semaphore_mem>>) src(%dma_wait3A_2345 : memref<80xi32, #tpu.memory_space<hbm>>) dst(%arg10 : memref<80xi32, #tpu.memory_space<vmem>>)
      %dma_wait3A_2346 = arith.constant 0 : i32
      %dma_wait3A_2347 = tpu.memref_slice %arg5[%dma_wait3A_2346] : memref<1600000xi32, #tpu.memory_space<hbm>> -> memref<80xi32, #tpu.memory_space<hbm>>
      %dma_wait3A_2348 = arith.constant 0 : i32
      %dma_wait3A_2349 = tpu.memref_slice %arg5[%dma_wait3A_2348] : memref<1600000xi32, #tpu.memory_space<hbm>> -> memref<80xi32, #tpu.memory_space<hbm>>
      tpu.wait_dma2 semaphore(%arg32 : memref<!tpu.dma_semaphore, #tpu.memory_space<semaphore_mem>>) src(%dma_wait3A_2349 : memref<80xi32, #tpu.memory_space<hbm>>) dst(%arg14 : memref<80xi32, #tpu.memory_space<vmem>>)
      %get3A_2350 = arith.constant 0 : index
      %get3A_2351 = tpu.vector_load %arg14[%get3A_2350] {strides = array<i32>} : memref<80xi32, #tpu.memory_space<vmem>>, vector<16xi32>,
      %get3A_2352 = vector.shape_cast %get3A_2351 : vector<16xi32> to vector<16xi32>
      %sub3A_2353 = vector.broadcast %mul3A_0 : i32 to vector<16xi32>
      %sub3A_2354 = arith.subi %get3A_2352, %sub3A_2353 : vector<16xi32>
      %ge3A_2355 = arith.constant 0 : i32
      %ge3A_2356 = vector.broadcast %ge3A_2355 : i32 to vector<16xi32>
      %ge3A_2357 = arith.cmpi sge, %sub3A_2354, %ge3A_2356 : vector<16xi32>
      %lt3A_2358 = arith.constant 50000 : i32
      %lt3A_2359 = vector.broadcast %lt3A_2358 : i32 to vector<16xi32>
      %lt3A_2360 = arith.cmpi slt, %sub3A_2354, %lt3A_2359 : vector<16xi32>
      %and3A_2361 = arith.andi %ge3A_2357, %lt3A_2360 : vector<16xi1>
      %select_n3A_2362 = arith.select %and3A_2361, %sub3A_2354, %add3A_1356 : vector<16xi1>, vector<16xi32>
      %swap3A_2363 = arith.constant 0 : index
      %swap3A_2364 = tpu.vector_load %arg18[%swap3A_2363] {strides = array<i32>} : memref<80xi32, #tpu.memory_space<vmem>>, vector<16xi32>,
      %swap3A_2365 = vector.shape_cast %swap3A_2364 : vector<16xi32> to vector<16xi32>
      %swap3A_2366 = vector.shape_cast %select_n3A_2362 : vector<16xi32> to vector<16xi32>
      tpu.vector_store %arg18[%swap3A_2363], %swap3A_2366 {strides = array<i32>} : memref<80xi32, #tpu.memory_space<vmem>>, vector<16xi32>,
      %get3A_2367 = arith.constant 16 : index
      %get3A_2368 = tpu.vector_load %arg14[%get3A_2367] {strides = array<i32>} : memref<80xi32, #tpu.memory_space<vmem>>, vector<16xi32>,
      %get3A_2369 = vector.shape_cast %get3A_2368 : vector<16xi32> to vector<16xi32>
      %sub3A_2370 = vector.broadcast %mul3A_0 : i32 to vector<16xi32>
      %sub3A_2371 = arith.subi %get3A_2369, %sub3A_2370 : vector<16xi32>
      %ge3A_2372 = arith.constant 0 : i32
      %ge3A_2373 = vector.broadcast %ge3A_2372 : i32 to vector<16xi32>
      %ge3A_2374 = arith.cmpi sge, %sub3A_2371, %ge3A_2373 : vector<16xi32>
      %lt3A_2375 = arith.constant 50000 : i32
      %lt3A_2376 = vector.broadcast %lt3A_2375 : i32 to vector<16xi32>
      %lt3A_2377 = arith.cmpi slt, %sub3A_2371, %lt3A_2376 : vector<16xi32>
      %and3A_2378 = arith.andi %ge3A_2374, %lt3A_2377 : vector<16xi1>
      %select_n3A_2379 = arith.select %and3A_2378, %sub3A_2371, %add3A_1356 : vector<16xi1>, vector<16xi32>
      %swap3A_2380 = arith.constant 16 : index
      %swap3A_2381 = tpu.vector_load %arg18[%swap3A_2380] {strides = array<i32>} : memref<80xi32, #tpu.memory_space<vmem>>, vector<16xi32>,
      %swap3A_2382 = vector.shape_cast %swap3A_2381 : vector<16xi32> to vector<16xi32>
      %swap3A_2383 = vector.shape_cast %select_n3A_2379 : vector<16xi32> to vector<16xi32>
      tpu.vector_store %arg18[%swap3A_2380], %swap3A_2383 {strides = array<i32>} : memref<80xi32, #tpu.memory_space<vmem>>, vector<16xi32>,
      %get3A_2384 = arith.constant 32 : index
      %get3A_2385 = tpu.vector_load %arg14[%get3A_2384] {strides = array<i32>} : memref<80xi32, #tpu.memory_space<vmem>>, vector<16xi32>,
      %get3A_2386 = vector.shape_cast %get3A_2385 : vector<16xi32> to vector<16xi32>
      %sub3A_2387 = vector.broadcast %mul3A_0 : i32 to vector<16xi32>
      %sub3A_2388 = arith.subi %get3A_2386, %sub3A_2387 : vector<16xi32>
      %ge3A_2389 = arith.constant 0 : i32
      %ge3A_2390 = vector.broadcast %ge3A_2389 : i32 to vector<16xi32>
      %ge3A_2391 = arith.cmpi sge, %sub3A_2388, %ge3A_2390 : vector<16xi32>
      %lt3A_2392 = arith.constant 50000 : i32
      %lt3A_2393 = vector.broadcast %lt3A_2392 : i32 to vector<16xi32>
      %lt3A_2394 = arith.cmpi slt, %sub3A_2388, %lt3A_2393 : vector<16xi32>
      %and3A_2395 = arith.andi %ge3A_2391, %lt3A_2394 : vector<16xi1>
      %select_n3A_2396 = arith.select %and3A_2395, %sub3A_2388, %add3A_1356 : vector<16xi1>, vector<16xi32>
      %swap3A_2397 = arith.constant 32 : index
      %swap3A_2398 = tpu.vector_load %arg18[%swap3A_2397] {strides = array<i32>} : memref<80xi32, #tpu.memory_space<vmem>>, vector<16xi32>,
      %swap3A_2399 = vector.shape_cast %swap3A_2398 : vector<16xi32> to vector<16xi32>
      %swap3A_2400 = vector.shape_cast %select_n3A_2396 : vector<16xi32> to vector<16xi32>
      tpu.vector_store %arg18[%swap3A_2397], %swap3A_2400 {strides = array<i32>} : memref<80xi32, #tpu.memory_space<vmem>>, vector<16xi32>,
      %get3A_2401 = arith.constant 48 : index
      %get3A_2402 = tpu.vector_load %arg14[%get3A_2401] {strides = array<i32>} : memref<80xi32, #tpu.memory_space<vmem>>, vector<16xi32>,
      %get3A_2403 = vector.shape_cast %get3A_2402 : vector<16xi32> to vector<16xi32>
      %sub3A_2404 = vector.broadcast %mul3A_0 : i32 to vector<16xi32>
      %sub3A_2405 = arith.subi %get3A_2403, %sub3A_2404 : vector<16xi32>
      %ge3A_2406 = arith.constant 0 : i32
      %ge3A_2407 = vector.broadcast %ge3A_2406 : i32 to vector<16xi32>
      %ge3A_2408 = arith.cmpi sge, %sub3A_2405, %ge3A_2407 : vector<16xi32>
      %lt3A_2409 = arith.constant 50000 : i32
      %lt3A_2410 = vector.broadcast %lt3A_2409 : i32 to vector<16xi32>
      %lt3A_2411 = arith.cmpi slt, %sub3A_2405, %lt3A_2410 : vector<16xi32>
      %and3A_2412 = arith.andi %ge3A_2408, %lt3A_2411 : vector<16xi1>
      %select_n3A_2413 = arith.select %and3A_2412, %sub3A_2405, %add3A_1356 : vector<16xi1>, vector<16xi32>
      %swap3A_2414 = arith.constant 48 : index
      %swap3A_2415 = tpu.vector_load %arg18[%swap3A_2414] {strides = array<i32>} : memref<80xi32, #tpu.memory_space<vmem>>, vector<16xi32>,
      %swap3A_2416 = vector.shape_cast %swap3A_2415 : vector<16xi32> to vector<16xi32>
      %swap3A_2417 = vector.shape_cast %select_n3A_2413 : vector<16xi32> to vector<16xi32>
      tpu.vector_store %arg18[%swap3A_2414], %swap3A_2417 {strides = array<i32>} : memref<80xi32, #tpu.memory_space<vmem>>, vector<16xi32>,
      %get3A_2418 = arith.constant 64 : index
      %get3A_2419 = tpu.vector_load %arg14[%get3A_2418] {strides = array<i32>} : memref<80xi32, #tpu.memory_space<vmem>>, vector<16xi32>,
      %get3A_2420 = vector.shape_cast %get3A_2419 : vector<16xi32> to vector<16xi32>
      %sub3A_2421 = vector.broadcast %mul3A_0 : i32 to vector<16xi32>
      %sub3A_2422 = arith.subi %get3A_2420, %sub3A_2421 : vector<16xi32>
      %ge3A_2423 = arith.constant 0 : i32
      %ge3A_2424 = vector.broadcast %ge3A_2423 : i32 to vector<16xi32>
      %ge3A_2425 = arith.cmpi sge, %sub3A_2422, %ge3A_2424 : vector<16xi32>
      %lt3A_2426 = arith.constant 50000 : i32
      %lt3A_2427 = vector.broadcast %lt3A_2426 : i32 to vector<16xi32>
      %lt3A_2428 = arith.cmpi slt, %sub3A_2422, %lt3A_2427 : vector<16xi32>
      %and3A_2429 = arith.andi %ge3A_2425, %lt3A_2428 : vector<16xi1>
      %select_n3A_2430 = arith.select %and3A_2429, %sub3A_2422, %add3A_1356 : vector<16xi1>, vector<16xi32>
      %swap3A_2431 = arith.constant 64 : index
      %swap3A_2432 = tpu.vector_load %arg18[%swap3A_2431] {strides = array<i32>} : memref<80xi32, #tpu.memory_space<vmem>>, vector<16xi32>,
      %swap3A_2433 = vector.shape_cast %swap3A_2432 : vector<16xi32> to vector<16xi32>
      %swap3A_2434 = vector.shape_cast %select_n3A_2430 : vector<16xi32> to vector<16xi32>
      tpu.vector_store %arg18[%swap3A_2431], %swap3A_2434 {strides = array<i32>} : memref<80xi32, #tpu.memory_space<vmem>>, vector<16xi32>,
      %add3A_2435 = arith.constant 2 : i32
      %add3A_2436 = arith.addi %add3A_2313, %add3A_2435 : i32
      %dma_start3A_2437 = arith.constant 0 : i32
      %dma_start3A_2438 = arith.constant 0 : i32
      %dma_start3A_2439 = tpu.memref_slice %arg2[%dma_start3A_2437, %dma_start3A_2438] : memref<100000x32xf32, #tpu.memory_space<hbm>> -> memref<100000x32xf32, #tpu.memory_space<hbm>>
      tpu.enqueue_indirect_dma source(%dma_start3A_2439 : memref<100000x32xf32, #tpu.memory_space<hbm>>) target(%arg22 : memref<80x32xf32, #tpu.memory_space<vmem>>) offsets(%arg10 : memref<80xi32, #tpu.memory_space<vmem>>) semaphore(%arg36 : memref<!tpu.dma_semaphore, #tpu.memory_space<semaphore_mem>>)
      %mul3A_2440 = arith.constant 80 : i32
      %mul3A_2441 = arith.muli %add3A_2436, %mul3A_2440 : i32
      %add3A_2442 = arith.addi %mul3A_1351, %mul3A_2441 : i32
      %multiple_of3A_2443 = tpu.assume_multiple %add3A_2442, 8 : i32
      %dma_start3A_2444 = arith.constant 0 : i32
      %dma_start3A_2445 = tpu.memref_slice %arg3[%multiple_of3A_2443, %dma_start3A_2444] : memref<1600000x32xf32, #tpu.memory_space<hbm>> -> memref<80x32xf32, #tpu.memory_space<hbm>>
      %dma_start3A_2446 = arith.constant 0 : i32
      %dma_start3A_2447 = tpu.memref_slice %arg3[%multiple_of3A_2443, %dma_start3A_2446] : memref<1600000x32xf32, #tpu.memory_space<hbm>> -> memref<80x32xf32, #tpu.memory_space<hbm>>
      tpu.enqueue_dma source(%dma_start3A_2447 : memref<80x32xf32, #tpu.memory_space<hbm>>) target(%arg26 : memref<80x32xf32, #tpu.memory_space<vmem>>) target_semaphore(%arg40 : memref<!tpu.dma_semaphore, #tpu.memory_space<semaphore_mem>>)
      %mul3A_2448 = arith.constant 4 : i32
      %mul3A_2449 = arith.muli %scan3A_2171, %mul3A_2448 : i32
      %add3A_2450 = arith.constant 2 : i32
      %add3A_2451 = arith.addi %mul3A_2449, %add3A_2450 : i32
      %dma_wait3A_2452 = arith.constant 0 : i32
      %dma_wait3A_2453 = arith.constant 0 : i32
      %dma_wait3A_2454 = tpu.memref_slice %arg2[%dma_wait3A_2452, %dma_wait3A_2453] : memref<100000x32xf32, #tpu.memory_space<hbm>> -> memref<100000x32xf32, #tpu.memory_space<hbm>>
      tpu.wait_indirect_dma semaphore(%arg35 : memref<!tpu.dma_semaphore, #tpu.memory_space<semaphore_mem>>) src(%dma_wait3A_2454 : memref<100000x32xf32, #tpu.memory_space<hbm>>) dst(%arg21 : memref<80x32xf32, #tpu.memory_space<vmem>>)
      %dma_wait3A_2455 = arith.constant 0 : i32
      %dma_wait3A_2456 = arith.constant 0 : i32
      %dma_wait3A_2457 = tpu.memref_slice %arg3[%dma_wait3A_2455, %dma_wait3A_2456] : memref<1600000x32xf32, #tpu.memory_space<hbm>> -> memref<80x32xf32, #tpu.memory_space<hbm>>
      %dma_wait3A_2458 = arith.constant 0 : i32
      %dma_wait3A_2459 = arith.constant 0 : i32
      %dma_wait3A_2460 = tpu.memref_slice %arg3[%dma_wait3A_2458, %dma_wait3A_2459] : memref<1600000x32xf32, #tpu.memory_space<hbm>> -> memref<80x32xf32, #tpu.memory_space<hbm>>
      tpu.wait_dma2 semaphore(%arg39 : memref<!tpu.dma_semaphore, #tpu.memory_space<semaphore_mem>>) src(%dma_wait3A_2460 : memref<80x32xf32, #tpu.memory_space<hbm>>) dst(%arg25 : memref<80x32xf32, #tpu.memory_space<vmem>>)
      %add3A_2461 = arith.constant 4 : i32
      %add3A_2462 = arith.addi %add3A_2451, %add3A_2461 : i32
      %lt3A_2463 = arith.constant 1250 : i32
      %lt3A_2464 = arith.cmpi slt, %add3A_2462, %lt3A_2463 : i32
      %convert_element_type3A_2465 = arith.extui %lt3A_2464 : i1 to i32
      %cond3A_2466 = arith.constant 0 : i32
      %cond3A_2467 = arith.cmpi ne, %convert_element_type3A_2465, %cond3A_2466 : i32
      scf.if %cond3A_2467 {
        %add3A_2724 = arith.constant 4 : i32
        %add3A_2725 = arith.addi %add3A_2451, %add3A_2724 : i32
        %mul3A_2726 = arith.constant 80 : i32
        %mul3A_2727 = arith.muli %add3A_2725, %mul3A_2726 : i32
        %add3A_2728 = arith.addi %mul3A_1351, %mul3A_2727 : i32
        %multiple_of3A_2729 = tpu.assume_multiple %add3A_2728, 8 : i32
        %dma_start3A_2730 = tpu.memref_slice %arg4[%multiple_of3A_2729] : memref<1600000xi32, #tpu.memory_space<hbm>> -> memref<80xi32, #tpu.memory_space<hbm>>
        %dma_start3A_2731 = tpu.memref_slice %arg4[%multiple_of3A_2729] : memref<1600000xi32, #tpu.memory_space<hbm>> -> memref<80xi32, #tpu.memory_space<hbm>>
        tpu.enqueue_dma source(%dma_start3A_2731 : memref<80xi32, #tpu.memory_space<hbm>>) target(%arg9 : memref<80xi32, #tpu.memory_space<vmem>>) target_semaphore(%arg31 : memref<!tpu.dma_semaphore, #tpu.memory_space<semaphore_mem>>)
        %dma_start3A_2732 = tpu.memref_slice %arg5[%multiple_of3A_2729] : memref<1600000xi32, #tpu.memory_space<hbm>> -> memref<80xi32, #tpu.memory_space<hbm>>
        %dma_start3A_2733 = tpu.memref_slice %arg5[%multiple_of3A_2729] : memref<1600000xi32, #tpu.memory_space<hbm>> -> memref<80xi32, #tpu.memory_space<hbm>>
        tpu.enqueue_dma source(%dma_start3A_2733 : memref<80xi32, #tpu.memory_space<hbm>>) target(%arg13 : memref<80xi32, #tpu.memory_space<vmem>>) target_semaphore(%arg31 : memref<!tpu.dma_semaphore, #tpu.memory_space<semaphore_mem>>)
      } else {
      }
      %dma_start3A_2468 = arith.constant 0 : i32
      %dma_start3A_2469 = arith.constant 0 : i32
      %dma_start3A_2470 = tpu.memref_slice %arg28[%dma_start3A_2468, %dma_start3A_2469] : memref<51968x32xf32, #tpu.memory_space<vmem_shared>> -> memref<51968x32xf32, #tpu.memory_space<vmem_shared>>
      tpu.enqueue_indirect_dma source(%arg21 : memref<80x32xf32, #tpu.memory_space<vmem>>) target(%dma_start3A_2470 : memref<51968x32xf32, #tpu.memory_space<vmem_shared>>) offsets(%arg17 : memref<80xi32, #tpu.memory_space<vmem>>) semaphore(%arg43 : memref<!tpu.dma_semaphore, #tpu.memory_space<semaphore_mem>>) {add = true}
      %dma_start3A_2471 = arith.constant 0 : i32
      %dma_start3A_2472 = arith.constant 0 : i32
      %dma_start3A_2473 = tpu.memref_slice %arg28[%dma_start3A_2471, %dma_start3A_2472] : memref<51968x32xf32, #tpu.memory_space<vmem_shared>> -> memref<51968x32xf32, #tpu.memory_space<vmem_shared>>
      tpu.enqueue_indirect_dma source(%arg25 : memref<80x32xf32, #tpu.memory_space<vmem>>) target(%dma_start3A_2473 : memref<51968x32xf32, #tpu.memory_space<vmem_shared>>) offsets(%arg17 : memref<80xi32, #tpu.memory_space<vmem>>) semaphore(%arg43 : memref<!tpu.dma_semaphore, #tpu.memory_space<semaphore_mem>>) {add = true}
      %dma_wait3A_2474 = arith.constant 0 : i32
      %dma_wait3A_2475 = arith.constant 0 : i32
      %dma_wait3A_2476 = tpu.memref_slice %arg28[%dma_wait3A_2474, %dma_wait3A_2475] : memref<51968x32xf32, #tpu.memory_space<vmem_shared>> -> memref<51968x32xf32, #tpu.memory_space<vmem_shared>>
      tpu.wait_indirect_dma semaphore(%arg41 : memref<!tpu.dma_semaphore, #tpu.memory_space<semaphore_mem>>) src(%arg19 : memref<80x32xf32, #tpu.memory_space<vmem>>) dst(%dma_wait3A_2476 : memref<51968x32xf32, #tpu.memory_space<vmem_shared>>)
      %dma_wait3A_2477 = arith.constant 0 : i32
      %dma_wait3A_2478 = arith.constant 0 : i32
      %dma_wait3A_2479 = tpu.memref_slice %arg28[%dma_wait3A_2477, %dma_wait3A_2478] : memref<51968x32xf32, #tpu.memory_space<vmem_shared>> -> memref<51968x32xf32, #tpu.memory_space<vmem_shared>>
      tpu.wait_indirect_dma semaphore(%arg41 : memref<!tpu.dma_semaphore, #tpu.memory_space<semaphore_mem>>) src(%arg23 : memref<80x32xf32, #tpu.memory_space<vmem>>) dst(%dma_wait3A_2479 : memref<51968x32xf32, #tpu.memory_space<vmem_shared>>)
      %dma_wait3A_2480 = arith.constant 0 : i32
      %dma_wait3A_2481 = tpu.memref_slice %arg4[%dma_wait3A_2480] : memref<1600000xi32, #tpu.memory_space<hbm>> -> memref<80xi32, #tpu.memory_space<hbm>>
      %dma_wait3A_2482 = arith.constant 0 : i32
      %dma_wait3A_2483 = tpu.memref_slice %arg4[%dma_wait3A_2482] : memref<1600000xi32, #tpu.memory_space<hbm>> -> memref<80xi32, #tpu.memory_space<hbm>>
      tpu.wait_dma2 semaphore(%arg29 : memref<!tpu.dma_semaphore, #tpu.memory_space<semaphore_mem>>) src(%dma_wait3A_2483 : memref<80xi32, #tpu.memory_space<hbm>>) dst(%arg7 : memref<80xi32, #tpu.memory_space<vmem>>)
      %dma_wait3A_2484 = arith.constant 0 : i32
      %dma_wait3A_2485 = tpu.memref_slice %arg5[%dma_wait3A_2484] : memref<1600000xi32, #tpu.memory_space<hbm>> -> memref<80xi32, #tpu.memory_space<hbm>>
      %dma_wait3A_2486 = arith.constant 0 : i32
      %dma_wait3A_2487 = tpu.memref_slice %arg5[%dma_wait3A_2486] : memref<1600000xi32, #tpu.memory_space<hbm>> -> memref<80xi32, #tpu.memory_space<hbm>>
      tpu.wait_dma2 semaphore(%arg29 : memref<!tpu.dma_semaphore, #tpu.memory_space<semaphore_mem>>) src(%dma_wait3A_2487 : memref<80xi32, #tpu.memory_space<hbm>>) dst(%arg11 : memref<80xi32, #tpu.memory_space<vmem>>)
      %get3A_2488 = arith.constant 0 : index
      %get3A_2489 = tpu.vector_load %arg11[%get3A_2488] {strides = array<i32>} : memref<80xi32, #tpu.memory_space<vmem>>, vector<16xi32>,
      %get3A_2490 = vector.shape_cast %get3A_2489 : vector<16xi32> to vector<16xi32>
      %sub3A_2491 = vector.broadcast %mul3A_0 : i32 to vector<16xi32>
      %sub3A_2492 = arith.subi %get3A_2490, %sub3A_2491 : vector<16xi32>
      %ge3A_2493 = arith.constant 0 : i32
      %ge3A_2494 = vector.broadcast %ge3A_2493 : i32 to vector<16xi32>
      %ge3A_2495 = arith.cmpi sge, %sub3A_2492, %ge3A_2494 : vector<16xi32>
      %lt3A_2496 = arith.constant 50000 : i32
      %lt3A_2497 = vector.broadcast %lt3A_2496 : i32 to vector<16xi32>
      %lt3A_2498 = arith.cmpi slt, %sub3A_2492, %lt3A_2497 : vector<16xi32>
      %and3A_2499 = arith.andi %ge3A_2495, %lt3A_2498 : vector<16xi1>
      %select_n3A_2500 = arith.select %and3A_2499, %sub3A_2492, %add3A_1356 : vector<16xi1>, vector<16xi32>
      %swap3A_2501 = arith.constant 0 : index
      %swap3A_2502 = tpu.vector_load %arg15[%swap3A_2501] {strides = array<i32>} : memref<80xi32, #tpu.memory_space<vmem>>, vector<16xi32>,
      %swap3A_2503 = vector.shape_cast %swap3A_2502 : vector<16xi32> to vector<16xi32>
      %swap3A_2504 = vector.shape_cast %select_n3A_2500 : vector<16xi32> to vector<16xi32>
      tpu.vector_store %arg15[%swap3A_2501], %swap3A_2504 {strides = array<i32>} : memref<80xi32, #tpu.memory_space<vmem>>, vector<16xi32>,
      %get3A_2505 = arith.constant 16 : index
      %get3A_2506 = tpu.vector_load %arg11[%get3A_2505] {strides = array<i32>} : memref<80xi32, #tpu.memory_space<vmem>>, vector<16xi32>,
      %get3A_2507 = vector.shape_cast %get3A_2506 : vector<16xi32> to vector<16xi32>
      %sub3A_2508 = vector.broadcast %mul3A_0 : i32 to vector<16xi32>
      %sub3A_2509 = arith.subi %get3A_2507, %sub3A_2508 : vector<16xi32>
      %ge3A_2510 = arith.constant 0 : i32
      %ge3A_2511 = vector.broadcast %ge3A_2510 : i32 to vector<16xi32>
      %ge3A_2512 = arith.cmpi sge, %sub3A_2509, %ge3A_2511 : vector<16xi32>
      %lt3A_2513 = arith.constant 50000 : i32
      %lt3A_2514 = vector.broadcast %lt3A_2513 : i32 to vector<16xi32>
      %lt3A_2515 = arith.cmpi slt, %sub3A_2509, %lt3A_2514 : vector<16xi32>
      %and3A_2516 = arith.andi %ge3A_2512, %lt3A_2515 : vector<16xi1>
      %select_n3A_2517 = arith.select %and3A_2516, %sub3A_2509, %add3A_1356 : vector<16xi1>, vector<16xi32>
      %swap3A_2518 = arith.constant 16 : index
      %swap3A_2519 = tpu.vector_load %arg15[%swap3A_2518] {strides = array<i32>} : memref<80xi32, #tpu.memory_space<vmem>>, vector<16xi32>,
      %swap3A_2520 = vector.shape_cast %swap3A_2519 : vector<16xi32> to vector<16xi32>
      %swap3A_2521 = vector.shape_cast %select_n3A_2517 : vector<16xi32> to vector<16xi32>
      tpu.vector_store %arg15[%swap3A_2518], %swap3A_2521 {strides = array<i32>} : memref<80xi32, #tpu.memory_space<vmem>>, vector<16xi32>,
      %get3A_2522 = arith.constant 32 : index
      %get3A_2523 = tpu.vector_load %arg11[%get3A_2522] {strides = array<i32>} : memref<80xi32, #tpu.memory_space<vmem>>, vector<16xi32>,
      %get3A_2524 = vector.shape_cast %get3A_2523 : vector<16xi32> to vector<16xi32>
      %sub3A_2525 = vector.broadcast %mul3A_0 : i32 to vector<16xi32>
      %sub3A_2526 = arith.subi %get3A_2524, %sub3A_2525 : vector<16xi32>
      %ge3A_2527 = arith.constant 0 : i32
      %ge3A_2528 = vector.broadcast %ge3A_2527 : i32 to vector<16xi32>
      %ge3A_2529 = arith.cmpi sge, %sub3A_2526, %ge3A_2528 : vector<16xi32>
      %lt3A_2530 = arith.constant 50000 : i32
      %lt3A_2531 = vector.broadcast %lt3A_2530 : i32 to vector<16xi32>
      %lt3A_2532 = arith.cmpi slt, %sub3A_2526, %lt3A_2531 : vector<16xi32>
      %and3A_2533 = arith.andi %ge3A_2529, %lt3A_2532 : vector<16xi1>
      %select_n3A_2534 = arith.select %and3A_2533, %sub3A_2526, %add3A_1356 : vector<16xi1>, vector<16xi32>
      %swap3A_2535 = arith.constant 32 : index
      %swap3A_2536 = tpu.vector_load %arg15[%swap3A_2535] {strides = array<i32>} : memref<80xi32, #tpu.memory_space<vmem>>, vector<16xi32>,
      %swap3A_2537 = vector.shape_cast %swap3A_2536 : vector<16xi32> to vector<16xi32>
      %swap3A_2538 = vector.shape_cast %select_n3A_2534 : vector<16xi32> to vector<16xi32>
      tpu.vector_store %arg15[%swap3A_2535], %swap3A_2538 {strides = array<i32>} : memref<80xi32, #tpu.memory_space<vmem>>, vector<16xi32>,
      %get3A_2539 = arith.constant 48 : index
      %get3A_2540 = tpu.vector_load %arg11[%get3A_2539] {strides = array<i32>} : memref<80xi32, #tpu.memory_space<vmem>>, vector<16xi32>,
      %get3A_2541 = vector.shape_cast %get3A_2540 : vector<16xi32> to vector<16xi32>
      %sub3A_2542 = vector.broadcast %mul3A_0 : i32 to vector<16xi32>
      %sub3A_2543 = arith.subi %get3A_2541, %sub3A_2542 : vector<16xi32>
      %ge3A_2544 = arith.constant 0 : i32
      %ge3A_2545 = vector.broadcast %ge3A_2544 : i32 to vector<16xi32>
      %ge3A_2546 = arith.cmpi sge, %sub3A_2543, %ge3A_2545 : vector<16xi32>
      %lt3A_2547 = arith.constant 50000 : i32
      %lt3A_2548 = vector.broadcast %lt3A_2547 : i32 to vector<16xi32>
      %lt3A_2549 = arith.cmpi slt, %sub3A_2543, %lt3A_2548 : vector<16xi32>
      %and3A_2550 = arith.andi %ge3A_2546, %lt3A_2549 : vector<16xi1>
      %select_n3A_2551 = arith.select %and3A_2550, %sub3A_2543, %add3A_1356 : vector<16xi1>, vector<16xi32>
      %swap3A_2552 = arith.constant 48 : index
      %swap3A_2553 = tpu.vector_load %arg15[%swap3A_2552] {strides = array<i32>} : memref<80xi32, #tpu.memory_space<vmem>>, vector<16xi32>,
      %swap3A_2554 = vector.shape_cast %swap3A_2553 : vector<16xi32> to vector<16xi32>
      %swap3A_2555 = vector.shape_cast %select_n3A_2551 : vector<16xi32> to vector<16xi32>
      tpu.vector_store %arg15[%swap3A_2552], %swap3A_2555 {strides = array<i32>} : memref<80xi32, #tpu.memory_space<vmem>>, vector<16xi32>,
      %get3A_2556 = arith.constant 64 : index
      %get3A_2557 = tpu.vector_load %arg11[%get3A_2556] {strides = array<i32>} : memref<80xi32, #tpu.memory_space<vmem>>, vector<16xi32>,
      %get3A_2558 = vector.shape_cast %get3A_2557 : vector<16xi32> to vector<16xi32>
      %sub3A_2559 = vector.broadcast %mul3A_0 : i32 to vector<16xi32>
      %sub3A_2560 = arith.subi %get3A_2558, %sub3A_2559 : vector<16xi32>
      %ge3A_2561 = arith.constant 0 : i32
      %ge3A_2562 = vector.broadcast %ge3A_2561 : i32 to vector<16xi32>
      %ge3A_2563 = arith.cmpi sge, %sub3A_2560, %ge3A_2562 : vector<16xi32>
      %lt3A_2564 = arith.constant 50000 : i32
      %lt3A_2565 = vector.broadcast %lt3A_2564 : i32 to vector<16xi32>
      %lt3A_2566 = arith.cmpi slt, %sub3A_2560, %lt3A_2565 : vector<16xi32>
      %and3A_2567 = arith.andi %ge3A_2563, %lt3A_2566 : vector<16xi1>
      %select_n3A_2568 = arith.select %and3A_2567, %sub3A_2560, %add3A_1356 : vector<16xi1>, vector<16xi32>
      %swap3A_2569 = arith.constant 64 : index
      %swap3A_2570 = tpu.vector_load %arg15[%swap3A_2569] {strides = array<i32>} : memref<80xi32, #tpu.memory_space<vmem>>, vector<16xi32>,
      %swap3A_2571 = vector.shape_cast %swap3A_2570 : vector<16xi32> to vector<16xi32>
      %swap3A_2572 = vector.shape_cast %select_n3A_2568 : vector<16xi32> to vector<16xi32>
      tpu.vector_store %arg15[%swap3A_2569], %swap3A_2572 {strides = array<i32>} : memref<80xi32, #tpu.memory_space<vmem>>, vector<16xi32>,
      %add3A_2573 = arith.constant 2 : i32
      %add3A_2574 = arith.addi %add3A_2451, %add3A_2573 : i32
      %dma_start3A_2575 = arith.constant 0 : i32
      %dma_start3A_2576 = arith.constant 0 : i32
      %dma_start3A_2577 = tpu.memref_slice %arg2[%dma_start3A_2575, %dma_start3A_2576] : memref<100000x32xf32, #tpu.memory_space<hbm>> -> memref<100000x32xf32, #tpu.memory_space<hbm>>
      tpu.enqueue_indirect_dma source(%dma_start3A_2577 : memref<100000x32xf32, #tpu.memory_space<hbm>>) target(%arg19 : memref<80x32xf32, #tpu.memory_space<vmem>>) offsets(%arg7 : memref<80xi32, #tpu.memory_space<vmem>>) semaphore(%arg33 : memref<!tpu.dma_semaphore, #tpu.memory_space<semaphore_mem>>)
      %mul3A_2578 = arith.constant 80 : i32
      %mul3A_2579 = arith.muli %add3A_2574, %mul3A_2578 : i32
      %add3A_2580 = arith.addi %mul3A_1351, %mul3A_2579 : i32
      %multiple_of3A_2581 = tpu.assume_multiple %add3A_2580, 8 : i32
      %dma_start3A_2582 = arith.constant 0 : i32
      %dma_start3A_2583 = tpu.memref_slice %arg3[%multiple_of3A_2581, %dma_start3A_2582] : memref<1600000x32xf32, #tpu.memory_space<hbm>> -> memref<80x32xf32, #tpu.memory_space<hbm>>
      %dma_start3A_2584 = arith.constant 0 : i32
      %dma_start3A_2585 = tpu.memref_slice %arg3[%multiple_of3A_2581, %dma_start3A_2584] : memref<1600000x32xf32, #tpu.memory_space<hbm>> -> memref<80x32xf32, #tpu.memory_space<hbm>>
      tpu.enqueue_dma source(%dma_start3A_2585 : memref<80x32xf32, #tpu.memory_space<hbm>>) target(%arg23 : memref<80x32xf32, #tpu.memory_space<vmem>>) target_semaphore(%arg37 : memref<!tpu.dma_semaphore, #tpu.memory_space<semaphore_mem>>)
      %mul3A_2586 = arith.constant 4 : i32
      %mul3A_2587 = arith.muli %scan3A_2171, %mul3A_2586 : i32
      %add3A_2588 = arith.constant 3 : i32
      %add3A_2589 = arith.addi %mul3A_2587, %add3A_2588 : i32
      %dma_wait3A_2590 = arith.constant 0 : i32
      %dma_wait3A_2591 = arith.constant 0 : i32
      %dma_wait3A_2592 = tpu.memref_slice %arg2[%dma_wait3A_2590, %dma_wait3A_2591] : memref<100000x32xf32, #tpu.memory_space<hbm>> -> memref<100000x32xf32, #tpu.memory_space<hbm>>
      tpu.wait_indirect_dma semaphore(%arg36 : memref<!tpu.dma_semaphore, #tpu.memory_space<semaphore_mem>>) src(%dma_wait3A_2592 : memref<100000x32xf32, #tpu.memory_space<hbm>>) dst(%arg22 : memref<80x32xf32, #tpu.memory_space<vmem>>)
      %dma_wait3A_2593 = arith.constant 0 : i32
      %dma_wait3A_2594 = arith.constant 0 : i32
      %dma_wait3A_2595 = tpu.memref_slice %arg3[%dma_wait3A_2593, %dma_wait3A_2594] : memref<1600000x32xf32, #tpu.memory_space<hbm>> -> memref<80x32xf32, #tpu.memory_space<hbm>>
      %dma_wait3A_2596 = arith.constant 0 : i32
      %dma_wait3A_2597 = arith.constant 0 : i32
      %dma_wait3A_2598 = tpu.memref_slice %arg3[%dma_wait3A_2596, %dma_wait3A_2597] : memref<1600000x32xf32, #tpu.memory_space<hbm>> -> memref<80x32xf32, #tpu.memory_space<hbm>>
      tpu.wait_dma2 semaphore(%arg40 : memref<!tpu.dma_semaphore, #tpu.memory_space<semaphore_mem>>) src(%dma_wait3A_2598 : memref<80x32xf32, #tpu.memory_space<hbm>>) dst(%arg26 : memref<80x32xf32, #tpu.memory_space<vmem>>)
      %add3A_2599 = arith.constant 4 : i32
      %add3A_2600 = arith.addi %add3A_2589, %add3A_2599 : i32
      %lt3A_2601 = arith.constant 1250 : i32
      %lt3A_2602 = arith.cmpi slt, %add3A_2600, %lt3A_2601 : i32
      %convert_element_type3A_2603 = arith.extui %lt3A_2602 : i1 to i32
      %cond3A_2604 = arith.constant 0 : i32
      %cond3A_2605 = arith.cmpi ne, %convert_element_type3A_2603, %cond3A_2604 : i32
      scf.if %cond3A_2605 {
        %add3A_2724 = arith.constant 4 : i32
        %add3A_2725 = arith.addi %add3A_2589, %add3A_2724 : i32
        %mul3A_2726 = arith.constant 80 : i32
        %mul3A_2727 = arith.muli %add3A_2725, %mul3A_2726 : i32
        %add3A_2728 = arith.addi %mul3A_1351, %mul3A_2727 : i32
        %multiple_of3A_2729 = tpu.assume_multiple %add3A_2728, 8 : i32
        %dma_start3A_2730 = tpu.memref_slice %arg4[%multiple_of3A_2729] : memref<1600000xi32, #tpu.memory_space<hbm>> -> memref<80xi32, #tpu.memory_space<hbm>>
        %dma_start3A_2731 = tpu.memref_slice %arg4[%multiple_of3A_2729] : memref<1600000xi32, #tpu.memory_space<hbm>> -> memref<80xi32, #tpu.memory_space<hbm>>
        tpu.enqueue_dma source(%dma_start3A_2731 : memref<80xi32, #tpu.memory_space<hbm>>) target(%arg10 : memref<80xi32, #tpu.memory_space<vmem>>) target_semaphore(%arg32 : memref<!tpu.dma_semaphore, #tpu.memory_space<semaphore_mem>>)
        %dma_start3A_2732 = tpu.memref_slice %arg5[%multiple_of3A_2729] : memref<1600000xi32, #tpu.memory_space<hbm>> -> memref<80xi32, #tpu.memory_space<hbm>>
        %dma_start3A_2733 = tpu.memref_slice %arg5[%multiple_of3A_2729] : memref<1600000xi32, #tpu.memory_space<hbm>> -> memref<80xi32, #tpu.memory_space<hbm>>
        tpu.enqueue_dma source(%dma_start3A_2733 : memref<80xi32, #tpu.memory_space<hbm>>) target(%arg14 : memref<80xi32, #tpu.memory_space<vmem>>) target_semaphore(%arg32 : memref<!tpu.dma_semaphore, #tpu.memory_space<semaphore_mem>>)
      } else {
      }
      %dma_start3A_2606 = arith.constant 0 : i32
      %dma_start3A_2607 = arith.constant 0 : i32
      %dma_start3A_2608 = tpu.memref_slice %arg28[%dma_start3A_2606, %dma_start3A_2607] : memref<51968x32xf32, #tpu.memory_space<vmem_shared>> -> memref<51968x32xf32, #tpu.memory_space<vmem_shared>>
      tpu.enqueue_indirect_dma source(%arg22 : memref<80x32xf32, #tpu.memory_space<vmem>>) target(%dma_start3A_2608 : memref<51968x32xf32, #tpu.memory_space<vmem_shared>>) offsets(%arg18 : memref<80xi32, #tpu.memory_space<vmem>>) semaphore(%arg44 : memref<!tpu.dma_semaphore, #tpu.memory_space<semaphore_mem>>) {add = true}
      %dma_start3A_2609 = arith.constant 0 : i32
      %dma_start3A_2610 = arith.constant 0 : i32
      %dma_start3A_2611 = tpu.memref_slice %arg28[%dma_start3A_2609, %dma_start3A_2610] : memref<51968x32xf32, #tpu.memory_space<vmem_shared>> -> memref<51968x32xf32, #tpu.memory_space<vmem_shared>>
      tpu.enqueue_indirect_dma source(%arg26 : memref<80x32xf32, #tpu.memory_space<vmem>>) target(%dma_start3A_2611 : memref<51968x32xf32, #tpu.memory_space<vmem_shared>>) offsets(%arg18 : memref<80xi32, #tpu.memory_space<vmem>>) semaphore(%arg44 : memref<!tpu.dma_semaphore, #tpu.memory_space<semaphore_mem>>) {add = true}
      %dma_wait3A_2612 = arith.constant 0 : i32
      %dma_wait3A_2613 = arith.constant 0 : i32
      %dma_wait3A_2614 = tpu.memref_slice %arg28[%dma_wait3A_2612, %dma_wait3A_2613] : memref<51968x32xf32, #tpu.memory_space<vmem_shared>> -> memref<51968x32xf32, #tpu.memory_space<vmem_shared>>
      tpu.wait_indirect_dma semaphore(%arg42 : memref<!tpu.dma_semaphore, #tpu.memory_space<semaphore_mem>>) src(%arg20 : memref<80x32xf32, #tpu.memory_space<vmem>>) dst(%dma_wait3A_2614 : memref<51968x32xf32, #tpu.memory_space<vmem_shared>>)
      %dma_wait3A_2615 = arith.constant 0 : i32
      %dma_wait3A_2616 = arith.constant 0 : i32
      %dma_wait3A_2617 = tpu.memref_slice %arg28[%dma_wait3A_2615, %dma_wait3A_2616] : memref<51968x32xf32, #tpu.memory_space<vmem_shared>> -> memref<51968x32xf32, #tpu.memory_space<vmem_shared>>
      tpu.wait_indirect_dma semaphore(%arg42 : memref<!tpu.dma_semaphore, #tpu.memory_space<semaphore_mem>>) src(%arg24 : memref<80x32xf32, #tpu.memory_space<vmem>>) dst(%dma_wait3A_2617 : memref<51968x32xf32, #tpu.memory_space<vmem_shared>>)
      %dma_wait3A_2618 = arith.constant 0 : i32
      %dma_wait3A_2619 = tpu.memref_slice %arg4[%dma_wait3A_2618] : memref<1600000xi32, #tpu.memory_space<hbm>> -> memref<80xi32, #tpu.memory_space<hbm>>
      %dma_wait3A_2620 = arith.constant 0 : i32
      %dma_wait3A_2621 = tpu.memref_slice %arg4[%dma_wait3A_2620] : memref<1600000xi32, #tpu.memory_space<hbm>> -> memref<80xi32, #tpu.memory_space<hbm>>
      tpu.wait_dma2 semaphore(%arg30 : memref<!tpu.dma_semaphore, #tpu.memory_space<semaphore_mem>>) src(%dma_wait3A_2621 : memref<80xi32, #tpu.memory_space<hbm>>) dst(%arg8 : memref<80xi32, #tpu.memory_space<vmem>>)
      %dma_wait3A_2622 = arith.constant 0 : i32
      %dma_wait3A_2623 = tpu.memref_slice %arg5[%dma_wait3A_2622] : memref<1600000xi32, #tpu.memory_space<hbm>> -> memref<80xi32, #tpu.memory_space<hbm>>
      %dma_wait3A_2624 = arith.constant 0 : i32
      %dma_wait3A_2625 = tpu.memref_slice %arg5[%dma_wait3A_2624] : memref<1600000xi32, #tpu.memory_space<hbm>> -> memref<80xi32, #tpu.memory_space<hbm>>
      tpu.wait_dma2 semaphore(%arg30 : memref<!tpu.dma_semaphore, #tpu.memory_space<semaphore_mem>>) src(%dma_wait3A_2625 : memref<80xi32, #tpu.memory_space<hbm>>) dst(%arg12 : memref<80xi32, #tpu.memory_space<vmem>>)
      %get3A_2626 = arith.constant 0 : index
      %get3A_2627 = tpu.vector_load %arg12[%get3A_2626] {strides = array<i32>} : memref<80xi32, #tpu.memory_space<vmem>>, vector<16xi32>,
      %get3A_2628 = vector.shape_cast %get3A_2627 : vector<16xi32> to vector<16xi32>
      %sub3A_2629 = vector.broadcast %mul3A_0 : i32 to vector<16xi32>
      %sub3A_2630 = arith.subi %get3A_2628, %sub3A_2629 : vector<16xi32>
      %ge3A_2631 = arith.constant 0 : i32
      %ge3A_2632 = vector.broadcast %ge3A_2631 : i32 to vector<16xi32>
      %ge3A_2633 = arith.cmpi sge, %sub3A_2630, %ge3A_2632 : vector<16xi32>
      %lt3A_2634 = arith.constant 50000 : i32
      %lt3A_2635 = vector.broadcast %lt3A_2634 : i32 to vector<16xi32>
      %lt3A_2636 = arith.cmpi slt, %sub3A_2630, %lt3A_2635 : vector<16xi32>
      %and3A_2637 = arith.andi %ge3A_2633, %lt3A_2636 : vector<16xi1>
      %select_n3A_2638 = arith.select %and3A_2637, %sub3A_2630, %add3A_1356 : vector<16xi1>, vector<16xi32>
      %swap3A_2639 = arith.constant 0 : index
      %swap3A_2640 = tpu.vector_load %arg16[%swap3A_2639] {strides = array<i32>} : memref<80xi32, #tpu.memory_space<vmem>>, vector<16xi32>,
      %swap3A_2641 = vector.shape_cast %swap3A_2640 : vector<16xi32> to vector<16xi32>
      %swap3A_2642 = vector.shape_cast %select_n3A_2638 : vector<16xi32> to vector<16xi32>
      tpu.vector_store %arg16[%swap3A_2639], %swap3A_2642 {strides = array<i32>} : memref<80xi32, #tpu.memory_space<vmem>>, vector<16xi32>,
      %get3A_2643 = arith.constant 16 : index
      %get3A_2644 = tpu.vector_load %arg12[%get3A_2643] {strides = array<i32>} : memref<80xi32, #tpu.memory_space<vmem>>, vector<16xi32>,
      %get3A_2645 = vector.shape_cast %get3A_2644 : vector<16xi32> to vector<16xi32>
      %sub3A_2646 = vector.broadcast %mul3A_0 : i32 to vector<16xi32>
      %sub3A_2647 = arith.subi %get3A_2645, %sub3A_2646 : vector<16xi32>
      %ge3A_2648 = arith.constant 0 : i32
      %ge3A_2649 = vector.broadcast %ge3A_2648 : i32 to vector<16xi32>
      %ge3A_2650 = arith.cmpi sge, %sub3A_2647, %ge3A_2649 : vector<16xi32>
      %lt3A_2651 = arith.constant 50000 : i32
      %lt3A_2652 = vector.broadcast %lt3A_2651 : i32 to vector<16xi32>
      %lt3A_2653 = arith.cmpi slt, %sub3A_2647, %lt3A_2652 : vector<16xi32>
      %and3A_2654 = arith.andi %ge3A_2650, %lt3A_2653 : vector<16xi1>
      %select_n3A_2655 = arith.select %and3A_2654, %sub3A_2647, %add3A_1356 : vector<16xi1>, vector<16xi32>
      %swap3A_2656 = arith.constant 16 : index
      %swap3A_2657 = tpu.vector_load %arg16[%swap3A_2656] {strides = array<i32>} : memref<80xi32, #tpu.memory_space<vmem>>, vector<16xi32>,
      %swap3A_2658 = vector.shape_cast %swap3A_2657 : vector<16xi32> to vector<16xi32>
      %swap3A_2659 = vector.shape_cast %select_n3A_2655 : vector<16xi32> to vector<16xi32>
      tpu.vector_store %arg16[%swap3A_2656], %swap3A_2659 {strides = array<i32>} : memref<80xi32, #tpu.memory_space<vmem>>, vector<16xi32>,
      %get3A_2660 = arith.constant 32 : index
      %get3A_2661 = tpu.vector_load %arg12[%get3A_2660] {strides = array<i32>} : memref<80xi32, #tpu.memory_space<vmem>>, vector<16xi32>,
      %get3A_2662 = vector.shape_cast %get3A_2661 : vector<16xi32> to vector<16xi32>
      %sub3A_2663 = vector.broadcast %mul3A_0 : i32 to vector<16xi32>
      %sub3A_2664 = arith.subi %get3A_2662, %sub3A_2663 : vector<16xi32>
      %ge3A_2665 = arith.constant 0 : i32
      %ge3A_2666 = vector.broadcast %ge3A_2665 : i32 to vector<16xi32>
      %ge3A_2667 = arith.cmpi sge, %sub3A_2664, %ge3A_2666 : vector<16xi32>
      %lt3A_2668 = arith.constant 50000 : i32
      %lt3A_2669 = vector.broadcast %lt3A_2668 : i32 to vector<16xi32>
      %lt3A_2670 = arith.cmpi slt, %sub3A_2664, %lt3A_2669 : vector<16xi32>
      %and3A_2671 = arith.andi %ge3A_2667, %lt3A_2670 : vector<16xi1>
      %select_n3A_2672 = arith.select %and3A_2671, %sub3A_2664, %add3A_1356 : vector<16xi1>, vector<16xi32>
      %swap3A_2673 = arith.constant 32 : index
      %swap3A_2674 = tpu.vector_load %arg16[%swap3A_2673] {strides = array<i32>} : memref<80xi32, #tpu.memory_space<vmem>>, vector<16xi32>,
      %swap3A_2675 = vector.shape_cast %swap3A_2674 : vector<16xi32> to vector<16xi32>
      %swap3A_2676 = vector.shape_cast %select_n3A_2672 : vector<16xi32> to vector<16xi32>
      tpu.vector_store %arg16[%swap3A_2673], %swap3A_2676 {strides = array<i32>} : memref<80xi32, #tpu.memory_space<vmem>>, vector<16xi32>,
      %get3A_2677 = arith.constant 48 : index
      %get3A_2678 = tpu.vector_load %arg12[%get3A_2677] {strides = array<i32>} : memref<80xi32, #tpu.memory_space<vmem>>, vector<16xi32>,
      %get3A_2679 = vector.shape_cast %get3A_2678 : vector<16xi32> to vector<16xi32>
      %sub3A_2680 = vector.broadcast %mul3A_0 : i32 to vector<16xi32>
      %sub3A_2681 = arith.subi %get3A_2679, %sub3A_2680 : vector<16xi32>
      %ge3A_2682 = arith.constant 0 : i32
      %ge3A_2683 = vector.broadcast %ge3A_2682 : i32 to vector<16xi32>
      %ge3A_2684 = arith.cmpi sge, %sub3A_2681, %ge3A_2683 : vector<16xi32>
      %lt3A_2685 = arith.constant 50000 : i32
      %lt3A_2686 = vector.broadcast %lt3A_2685 : i32 to vector<16xi32>
      %lt3A_2687 = arith.cmpi slt, %sub3A_2681, %lt3A_2686 : vector<16xi32>
      %and3A_2688 = arith.andi %ge3A_2684, %lt3A_2687 : vector<16xi1>
      %select_n3A_2689 = arith.select %and3A_2688, %sub3A_2681, %add3A_1356 : vector<16xi1>, vector<16xi32>
      %swap3A_2690 = arith.constant 48 : index
      %swap3A_2691 = tpu.vector_load %arg16[%swap3A_2690] {strides = array<i32>} : memref<80xi32, #tpu.memory_space<vmem>>, vector<16xi32>,
      %swap3A_2692 = vector.shape_cast %swap3A_2691 : vector<16xi32> to vector<16xi32>
      %swap3A_2693 = vector.shape_cast %select_n3A_2689 : vector<16xi32> to vector<16xi32>
      tpu.vector_store %arg16[%swap3A_2690], %swap3A_2693 {strides = array<i32>} : memref<80xi32, #tpu.memory_space<vmem>>, vector<16xi32>,
      %get3A_2694 = arith.constant 64 : index
      %get3A_2695 = tpu.vector_load %arg12[%get3A_2694] {strides = array<i32>} : memref<80xi32, #tpu.memory_space<vmem>>, vector<16xi32>,
      %get3A_2696 = vector.shape_cast %get3A_2695 : vector<16xi32> to vector<16xi32>
      %sub3A_2697 = vector.broadcast %mul3A_0 : i32 to vector<16xi32>
      %sub3A_2698 = arith.subi %get3A_2696, %sub3A_2697 : vector<16xi32>
      %ge3A_2699 = arith.constant 0 : i32
      %ge3A_2700 = vector.broadcast %ge3A_2699 : i32 to vector<16xi32>
      %ge3A_2701 = arith.cmpi sge, %sub3A_2698, %ge3A_2700 : vector<16xi32>
      %lt3A_2702 = arith.constant 50000 : i32
      %lt3A_2703 = vector.broadcast %lt3A_2702 : i32 to vector<16xi32>
      %lt3A_2704 = arith.cmpi slt, %sub3A_2698, %lt3A_2703 : vector<16xi32>
      %and3A_2705 = arith.andi %ge3A_2701, %lt3A_2704 : vector<16xi1>
      %select_n3A_2706 = arith.select %and3A_2705, %sub3A_2698, %add3A_1356 : vector<16xi1>, vector<16xi32>
      %swap3A_2707 = arith.constant 64 : index
      %swap3A_2708 = tpu.vector_load %arg16[%swap3A_2707] {strides = array<i32>} : memref<80xi32, #tpu.memory_space<vmem>>, vector<16xi32>,
      %swap3A_2709 = vector.shape_cast %swap3A_2708 : vector<16xi32> to vector<16xi32>
      %swap3A_2710 = vector.shape_cast %select_n3A_2706 : vector<16xi32> to vector<16xi32>
      tpu.vector_store %arg16[%swap3A_2707], %swap3A_2710 {strides = array<i32>} : memref<80xi32, #tpu.memory_space<vmem>>, vector<16xi32>,
      %add3A_2711 = arith.constant 2 : i32
      %add3A_2712 = arith.addi %add3A_2589, %add3A_2711 : i32
      %dma_start3A_2713 = arith.constant 0 : i32
      %dma_start3A_2714 = arith.constant 0 : i32
      %dma_start3A_2715 = tpu.memref_slice %arg2[%dma_start3A_2713, %dma_start3A_2714] : memref<100000x32xf32, #tpu.memory_space<hbm>> -> memref<100000x32xf32, #tpu.memory_space<hbm>>
      tpu.enqueue_indirect_dma source(%dma_start3A_2715 : memref<100000x32xf32, #tpu.memory_space<hbm>>) target(%arg20 : memref<80x32xf32, #tpu.memory_space<vmem>>) offsets(%arg8 : memref<80xi32, #tpu.memory_space<vmem>>) semaphore(%arg34 : memref<!tpu.dma_semaphore, #tpu.memory_space<semaphore_mem>>)
      %mul3A_2716 = arith.constant 80 : i32
      %mul3A_2717 = arith.muli %add3A_2712, %mul3A_2716 : i32
      %add3A_2718 = arith.addi %mul3A_1351, %mul3A_2717 : i32
      %multiple_of3A_2719 = tpu.assume_multiple %add3A_2718, 8 : i32
      %dma_start3A_2720 = arith.constant 0 : i32
      %dma_start3A_2721 = tpu.memref_slice %arg3[%multiple_of3A_2719, %dma_start3A_2720] : memref<1600000x32xf32, #tpu.memory_space<hbm>> -> memref<80x32xf32, #tpu.memory_space<hbm>>
      %dma_start3A_2722 = arith.constant 0 : i32
      %dma_start3A_2723 = tpu.memref_slice %arg3[%multiple_of3A_2719, %dma_start3A_2722] : memref<1600000x32xf32, #tpu.memory_space<hbm>> -> memref<80x32xf32, #tpu.memory_space<hbm>>
      tpu.enqueue_dma source(%dma_start3A_2723 : memref<80x32xf32, #tpu.memory_space<hbm>>) target(%arg24 : memref<80x32xf32, #tpu.memory_space<vmem>>) target_semaphore(%arg38 : memref<!tpu.dma_semaphore, #tpu.memory_space<semaphore_mem>>)
    }
    %scan3A_2099 = arith.constant 311 : i32
    %dma_wait3A_2100 = arith.constant 0 : i32
    %dma_wait3A_2101 = arith.constant 0 : i32
    %dma_wait3A_2102 = tpu.memref_slice %arg2[%dma_wait3A_2100, %dma_wait3A_2101] : memref<100000x32xf32, #tpu.memory_space<hbm>> -> memref<100000x32xf32, #tpu.memory_space<hbm>>
    tpu.wait_indirect_dma semaphore(%arg33 : memref<!tpu.dma_semaphore, #tpu.memory_space<semaphore_mem>>) src(%dma_wait3A_2102 : memref<100000x32xf32, #tpu.memory_space<hbm>>) dst(%arg19 : memref<80x32xf32, #tpu.memory_space<vmem>>)
    %dma_wait3A_2103 = arith.constant 0 : i32
    %dma_wait3A_2104 = arith.constant 0 : i32
    %dma_wait3A_2105 = tpu.memref_slice %arg3[%dma_wait3A_2103, %dma_wait3A_2104] : memref<1600000x32xf32, #tpu.memory_space<hbm>> -> memref<80x32xf32, #tpu.memory_space<hbm>>
    %dma_wait3A_2106 = arith.constant 0 : i32
    %dma_wait3A_2107 = arith.constant 0 : i32
    %dma_wait3A_2108 = tpu.memref_slice %arg3[%dma_wait3A_2106, %dma_wait3A_2107] : memref<1600000x32xf32, #tpu.memory_space<hbm>> -> memref<80x32xf32, #tpu.memory_space<hbm>>
    tpu.wait_dma2 semaphore(%arg37 : memref<!tpu.dma_semaphore, #tpu.memory_space<semaphore_mem>>) src(%dma_wait3A_2108 : memref<80x32xf32, #tpu.memory_space<hbm>>) dst(%arg23 : memref<80x32xf32, #tpu.memory_space<vmem>>)
    %dma_start3A_2109 = arith.constant 0 : i32
    %dma_start3A_2110 = arith.constant 0 : i32
    %dma_start3A_2111 = tpu.memref_slice %arg28[%dma_start3A_2109, %dma_start3A_2110] : memref<51968x32xf32, #tpu.memory_space<vmem_shared>> -> memref<51968x32xf32, #tpu.memory_space<vmem_shared>>
    tpu.enqueue_indirect_dma source(%arg19 : memref<80x32xf32, #tpu.memory_space<vmem>>) target(%dma_start3A_2111 : memref<51968x32xf32, #tpu.memory_space<vmem_shared>>) offsets(%arg15 : memref<80xi32, #tpu.memory_space<vmem>>) semaphore(%arg41 : memref<!tpu.dma_semaphore, #tpu.memory_space<semaphore_mem>>) {add = true}
    %dma_start3A_2112 = arith.constant 0 : i32
    %dma_start3A_2113 = arith.constant 0 : i32
    %dma_start3A_2114 = tpu.memref_slice %arg28[%dma_start3A_2112, %dma_start3A_2113] : memref<51968x32xf32, #tpu.memory_space<vmem_shared>> -> memref<51968x32xf32, #tpu.memory_space<vmem_shared>>
    tpu.enqueue_indirect_dma source(%arg23 : memref<80x32xf32, #tpu.memory_space<vmem>>) target(%dma_start3A_2114 : memref<51968x32xf32, #tpu.memory_space<vmem_shared>>) offsets(%arg15 : memref<80xi32, #tpu.memory_space<vmem>>) semaphore(%arg41 : memref<!tpu.dma_semaphore, #tpu.memory_space<semaphore_mem>>) {add = true}
    %dma_wait3A_2115 = arith.constant 0 : i32
    %dma_wait3A_2116 = arith.constant 0 : i32
    %dma_wait3A_2117 = tpu.memref_slice %arg28[%dma_wait3A_2115, %dma_wait3A_2116] : memref<51968x32xf32, #tpu.memory_space<vmem_shared>> -> memref<51968x32xf32, #tpu.memory_space<vmem_shared>>
    tpu.wait_indirect_dma semaphore(%arg43 : memref<!tpu.dma_semaphore, #tpu.memory_space<semaphore_mem>>) src(%arg21 : memref<80x32xf32, #tpu.memory_space<vmem>>) dst(%dma_wait3A_2117 : memref<51968x32xf32, #tpu.memory_space<vmem_shared>>)
    %dma_wait3A_2118 = arith.constant 0 : i32
    %dma_wait3A_2119 = arith.constant 0 : i32
    %dma_wait3A_2120 = tpu.memref_slice %arg28[%dma_wait3A_2118, %dma_wait3A_2119] : memref<51968x32xf32, #tpu.memory_space<vmem_shared>> -> memref<51968x32xf32, #tpu.memory_space<vmem_shared>>
    tpu.wait_indirect_dma semaphore(%arg43 : memref<!tpu.dma_semaphore, #tpu.memory_space<semaphore_mem>>) src(%arg25 : memref<80x32xf32, #tpu.memory_space<vmem>>) dst(%dma_wait3A_2120 : memref<51968x32xf32, #tpu.memory_space<vmem_shared>>)
    %dma_wait3A_2121 = arith.constant 0 : i32
    %dma_wait3A_2122 = arith.constant 0 : i32
    %dma_wait3A_2123 = tpu.memref_slice %arg2[%dma_wait3A_2121, %dma_wait3A_2122] : memref<100000x32xf32, #tpu.memory_space<hbm>> -> memref<100000x32xf32, #tpu.memory_space<hbm>>
    tpu.wait_indirect_dma semaphore(%arg34 : memref<!tpu.dma_semaphore, #tpu.memory_space<semaphore_mem>>) src(%dma_wait3A_2123 : memref<100000x32xf32, #tpu.memory_space<hbm>>) dst(%arg20 : memref<80x32xf32, #tpu.memory_space<vmem>>)
    %dma_wait3A_2124 = arith.constant 0 : i32
    %dma_wait3A_2125 = arith.constant 0 : i32
    %dma_wait3A_2126 = tpu.memref_slice %arg3[%dma_wait3A_2124, %dma_wait3A_2125] : memref<1600000x32xf32, #tpu.memory_space<hbm>> -> memref<80x32xf32, #tpu.memory_space<hbm>>
    %dma_wait3A_2127 = arith.constant 0 : i32
    %dma_wait3A_2128 = arith.constant 0 : i32
    %dma_wait3A_2129 = tpu.memref_slice %arg3[%dma_wait3A_2127, %dma_wait3A_2128] : memref<1600000x32xf32, #tpu.memory_space<hbm>> -> memref<80x32xf32, #tpu.memory_space<hbm>>
    tpu.wait_dma2 semaphore(%arg38 : memref<!tpu.dma_semaphore, #tpu.memory_space<semaphore_mem>>) src(%dma_wait3A_2129 : memref<80x32xf32, #tpu.memory_space<hbm>>) dst(%arg24 : memref<80x32xf32, #tpu.memory_space<vmem>>)
    %dma_start3A_2130 = arith.constant 0 : i32
    %dma_start3A_2131 = arith.constant 0 : i32
    %dma_start3A_2132 = tpu.memref_slice %arg28[%dma_start3A_2130, %dma_start3A_2131] : memref<51968x32xf32, #tpu.memory_space<vmem_shared>> -> memref<51968x32xf32, #tpu.memory_space<vmem_shared>>
    tpu.enqueue_indirect_dma source(%arg20 : memref<80x32xf32, #tpu.memory_space<vmem>>) target(%dma_start3A_2132 : memref<51968x32xf32, #tpu.memory_space<vmem_shared>>) offsets(%arg16 : memref<80xi32, #tpu.memory_space<vmem>>) semaphore(%arg42 : memref<!tpu.dma_semaphore, #tpu.memory_space<semaphore_mem>>) {add = true}
    %dma_start3A_2133 = arith.constant 0 : i32
    %dma_start3A_2134 = arith.constant 0 : i32
    %dma_start3A_2135 = tpu.memref_slice %arg28[%dma_start3A_2133, %dma_start3A_2134] : memref<51968x32xf32, #tpu.memory_space<vmem_shared>> -> memref<51968x32xf32, #tpu.memory_space<vmem_shared>>
    tpu.enqueue_indirect_dma source(%arg24 : memref<80x32xf32, #tpu.memory_space<vmem>>) target(%dma_start3A_2135 : memref<51968x32xf32, #tpu.memory_space<vmem_shared>>) offsets(%arg16 : memref<80xi32, #tpu.memory_space<vmem>>) semaphore(%arg42 : memref<!tpu.dma_semaphore, #tpu.memory_space<semaphore_mem>>) {add = true}
    %dma_wait3A_2136 = arith.constant 0 : i32
    %dma_wait3A_2137 = arith.constant 0 : i32
    %dma_wait3A_2138 = tpu.memref_slice %arg28[%dma_wait3A_2136, %dma_wait3A_2137] : memref<51968x32xf32, #tpu.memory_space<vmem_shared>> -> memref<51968x32xf32, #tpu.memory_space<vmem_shared>>
    tpu.wait_indirect_dma semaphore(%arg44 : memref<!tpu.dma_semaphore, #tpu.memory_space<semaphore_mem>>) src(%arg22 : memref<80x32xf32, #tpu.memory_space<vmem>>) dst(%dma_wait3A_2138 : memref<51968x32xf32, #tpu.memory_space<vmem_shared>>)
    %dma_wait3A_2139 = arith.constant 0 : i32
    %dma_wait3A_2140 = arith.constant 0 : i32
    %dma_wait3A_2141 = tpu.memref_slice %arg28[%dma_wait3A_2139, %dma_wait3A_2140] : memref<51968x32xf32, #tpu.memory_space<vmem_shared>> -> memref<51968x32xf32, #tpu.memory_space<vmem_shared>>
    tpu.wait_indirect_dma semaphore(%arg44 : memref<!tpu.dma_semaphore, #tpu.memory_space<semaphore_mem>>) src(%arg26 : memref<80x32xf32, #tpu.memory_space<vmem>>) dst(%dma_wait3A_2141 : memref<51968x32xf32, #tpu.memory_space<vmem_shared>>)
    %dma_wait3A_2142 = arith.constant 0 : i32
    %dma_wait3A_2143 = arith.constant 0 : i32
    %dma_wait3A_2144 = tpu.memref_slice %arg28[%dma_wait3A_2142, %dma_wait3A_2143] : memref<51968x32xf32, #tpu.memory_space<vmem_shared>> -> memref<51968x32xf32, #tpu.memory_space<vmem_shared>>
    tpu.wait_indirect_dma semaphore(%arg41 : memref<!tpu.dma_semaphore, #tpu.memory_space<semaphore_mem>>) src(%arg19 : memref<80x32xf32, #tpu.memory_space<vmem>>) dst(%dma_wait3A_2144 : memref<51968x32xf32, #tpu.memory_space<vmem_shared>>)
    %dma_wait3A_2145 = arith.constant 0 : i32
    %dma_wait3A_2146 = arith.constant 0 : i32
    %dma_wait3A_2147 = tpu.memref_slice %arg28[%dma_wait3A_2145, %dma_wait3A_2146] : memref<51968x32xf32, #tpu.memory_space<vmem_shared>> -> memref<51968x32xf32, #tpu.memory_space<vmem_shared>>
    tpu.wait_indirect_dma semaphore(%arg41 : memref<!tpu.dma_semaphore, #tpu.memory_space<semaphore_mem>>) src(%arg23 : memref<80x32xf32, #tpu.memory_space<vmem>>) dst(%dma_wait3A_2147 : memref<51968x32xf32, #tpu.memory_space<vmem_shared>>)
    %dma_wait3A_2148 = arith.constant 0 : i32
    %dma_wait3A_2149 = arith.constant 0 : i32
    %dma_wait3A_2150 = tpu.memref_slice %arg28[%dma_wait3A_2148, %dma_wait3A_2149] : memref<51968x32xf32, #tpu.memory_space<vmem_shared>> -> memref<51968x32xf32, #tpu.memory_space<vmem_shared>>
    tpu.wait_indirect_dma semaphore(%arg42 : memref<!tpu.dma_semaphore, #tpu.memory_space<semaphore_mem>>) src(%arg20 : memref<80x32xf32, #tpu.memory_space<vmem>>) dst(%dma_wait3A_2150 : memref<51968x32xf32, #tpu.memory_space<vmem_shared>>)
    %dma_wait3A_2151 = arith.constant 0 : i32
    %dma_wait3A_2152 = arith.constant 0 : i32
    %dma_wait3A_2153 = tpu.memref_slice %arg28[%dma_wait3A_2151, %dma_wait3A_2152] : memref<51968x32xf32, #tpu.memory_space<vmem_shared>> -> memref<51968x32xf32, #tpu.memory_space<vmem_shared>>
    tpu.wait_indirect_dma semaphore(%arg42 : memref<!tpu.dma_semaphore, #tpu.memory_space<semaphore_mem>>) src(%arg24 : memref<80x32xf32, #tpu.memory_space<vmem>>) dst(%dma_wait3A_2153 : memref<51968x32xf32, #tpu.memory_space<vmem_shared>>)
    %barrier3A_2154 = arith.constant 0 : index
    tpu.barrier barrier_id(%barrier3A_2154)
    %mul3A_2155 = arith.constant 3128 : i32
    %mul3A_2156 = arith.muli %arg1, %mul3A_2155 : i32
    %multiple_of3A_2157 = tpu.assume_multiple %mul3A_2156, 8 : i32
    %mul3A_2158 = arith.constant 50000 : i32
    %mul3A_2159 = arith.muli %arg0, %mul3A_2158 : i32
    %mul3A_2160 = arith.constant 3128 : i32
    %mul3A_2161 = arith.muli %arg1, %mul3A_2160 : i32
    %add3A_2162 = arith.addi %mul3A_2159, %mul3A_2161 : i32
    %multiple_of3A_2163 = tpu.assume_multiple %add3A_2162, 8 : i32
    %lt3A_2164 = arith.constant 15 : i32
    %lt3A_2165 = arith.cmpi slt, %arg1, %lt3A_2164 : i32
    %convert_element_type3A = arith.extui %lt3A_2165 : i1 to i32
    %cond3A = arith.constant 0 : i32
    %cond3A_2166 = arith.cmpi ne, %convert_element_type3A, %cond3A : i32
    scf.if %cond3A_2166 {
      "tpu.region"() ({
        %run_scoped3A = tpu.sem_alloc : memref<!tpu.dma_semaphore, #tpu.memory_space<semaphore_mem>>
        %dma_start3A_2171 = arith.constant 0 : i32
        %dma_start3A_2172 = tpu.memref_slice %arg6[%multiple_of3A_2163, %dma_start3A_2171] : memref<100000x32xf32, #tpu.memory_space<hbm>> -> memref<3128x32xf32, #tpu.memory_space<hbm>>
        %dma_start3A_2173 = arith.constant 0 : i32
        %dma_start3A_2174 = tpu.memref_slice %arg28[%multiple_of3A_2157, %dma_start3A_2173] : memref<51968x32xf32, #tpu.memory_space<vmem_shared>> -> memref<3128x32xf32, #tpu.memory_space<vmem_shared>>
        tpu.enqueue_dma source(%dma_start3A_2174 : memref<3128x32xf32, #tpu.memory_space<vmem_shared>>) target(%dma_start3A_2172 : memref<3128x32xf32, #tpu.memory_space<hbm>>) target_semaphore(%run_scoped3A : memref<!tpu.dma_semaphore, #tpu.memory_space<semaphore_mem>>)
        %dma_wait3A_2175 = arith.constant 0 : i32
        %dma_wait3A_2176 = tpu.memref_slice %arg6[%multiple_of3A_2163, %dma_wait3A_2175] : memref<100000x32xf32, #tpu.memory_space<hbm>> -> memref<3128x32xf32, #tpu.memory_space<hbm>>
        %dma_wait3A_2177 = arith.constant 0 : i32
        %dma_wait3A_2178 = tpu.memref_slice %arg28[%multiple_of3A_2157, %dma_wait3A_2177] : memref<51968x32xf32, #tpu.memory_space<vmem_shared>> -> memref<3128x32xf32, #tpu.memory_space<vmem_shared>>
        tpu.wait_dma2 semaphore(%run_scoped3A : memref<!tpu.dma_semaphore, #tpu.memory_space<semaphore_mem>>) src(%dma_wait3A_2178 : memref<3128x32xf32, #tpu.memory_space<vmem_shared>>) dst(%dma_wait3A_2176 : memref<3128x32xf32, #tpu.memory_space<hbm>>)
        tpu.yield
      }) : () -> ()
    } else {
    }
    %eq3A = arith.constant 15 : i32
    %eq3A_2167 = arith.cmpi eq, %arg1, %eq3A : i32
    %convert_element_type3A_2168 = arith.extui %eq3A_2167 : i1 to i32
    %cond3A_2169 = arith.constant 0 : i32
    %cond3A_2170 = arith.cmpi ne, %convert_element_type3A_2168, %cond3A_2169 : i32
    scf.if %cond3A_2170 {
      "tpu.region"() ({
        %run_scoped3A = tpu.sem_alloc : memref<!tpu.dma_semaphore, #tpu.memory_space<semaphore_mem>>
        %dma_start3A_2171 = arith.constant 0 : i32
        %dma_start3A_2172 = tpu.memref_slice %arg6[%multiple_of3A_2163, %dma_start3A_2171] : memref<100000x32xf32, #tpu.memory_space<hbm>> -> memref<3080x32xf32, #tpu.memory_space<hbm>>
        %dma_start3A_2173 = arith.constant 0 : i32
        %dma_start3A_2174 = tpu.memref_slice %arg28[%multiple_of3A_2157, %dma_start3A_2173] : memref<51968x32xf32, #tpu.memory_space<vmem_shared>> -> memref<3080x32xf32, #tpu.memory_space<vmem_shared>>
        tpu.enqueue_dma source(%dma_start3A_2174 : memref<3080x32xf32, #tpu.memory_space<vmem_shared>>) target(%dma_start3A_2172 : memref<3080x32xf32, #tpu.memory_space<hbm>>) target_semaphore(%run_scoped3A : memref<!tpu.dma_semaphore, #tpu.memory_space<semaphore_mem>>)
        %dma_wait3A_2175 = arith.constant 0 : i32
        %dma_wait3A_2176 = tpu.memref_slice %arg6[%multiple_of3A_2163, %dma_wait3A_2175] : memref<100000x32xf32, #tpu.memory_space<hbm>> -> memref<3080x32xf32, #tpu.memory_space<hbm>>
        %dma_wait3A_2177 = arith.constant 0 : i32
        %dma_wait3A_2178 = tpu.memref_slice %arg28[%multiple_of3A_2157, %dma_wait3A_2177] : memref<51968x32xf32, #tpu.memory_space<vmem_shared>> -> memref<3080x32xf32, #tpu.memory_space<vmem_shared>>
        tpu.wait_dma2 semaphore(%run_scoped3A : memref<!tpu.dma_semaphore, #tpu.memory_space<semaphore_mem>>) src(%dma_wait3A_2178 : memref<3080x32xf32, #tpu.memory_space<vmem_shared>>) dst(%dma_wait3A_2176 : memref<3080x32xf32, #tpu.memory_space<hbm>>)
        tpu.yield
      }) : () -> ()
    } else {
    }
    return
  }
}

module attributes {stable_mosaic.version = 14 : i64} {
  func.func @_epilogue_body(%arg0: i32, %arg1: memref<4000x32xf32, #tpu.memory_space<vmem>>, %arg2: memref<4000x32xf32, #tpu.memory_space<vmem>>, %arg3: memref<32x64xf32, #tpu.memory_space<vmem>>, %arg4: memref<1x64xf32, #tpu.memory_space<vmem>>, %arg5: memref<64x32xf32, #tpu.memory_space<vmem>>, %arg6: memref<1x32xf32, #tpu.memory_space<vmem>>, %arg7: memref<1x32xf32, #tpu.memory_space<vmem>>, %arg8: memref<1x32xf32, #tpu.memory_space<vmem>>, %arg9: memref<4000x32xf32, #tpu.memory_space<vmem>>) attributes {dimension_semantics = [#tpu.dimension_semantics<arbitrary>], iteration_bounds = array<i64: 25>, scalar_prefetch = 0 : i64, scratch_operands = 0 : i64, tpu.core_type = #tpu.core_type<tc>, window_params = [{transform_indices = @transform_0, window_bounds = array<i64: 4000, 32>}, {transform_indices = @transform_1, window_bounds = array<i64: 4000, 32>}, {pipeline_mode = #tpu.pipeline_mode<synchronous>, transform_indices = @transform_2, window_bounds = array<i64: 32, 64>}, {pipeline_mode = #tpu.pipeline_mode<synchronous>, transform_indices = @transform_3, window_bounds = array<i64: 1, 64>}, {pipeline_mode = #tpu.pipeline_mode<synchronous>, transform_indices = @transform_4, window_bounds = array<i64: 64, 32>}, {pipeline_mode = #tpu.pipeline_mode<synchronous>, transform_indices = @transform_5, window_bounds = array<i64: 1, 32>}, {pipeline_mode = #tpu.pipeline_mode<synchronous>, transform_indices = @transform_6, window_bounds = array<i64: 1, 32>}, {pipeline_mode = #tpu.pipeline_mode<synchronous>, transform_indices = @transform_7, window_bounds = array<i64: 1, 32>}, {transform_indices = @transform_8, window_bounds = array<i64: 4000, 32>}]} {
    %get3A = arith.constant 0 : index
    %get3A_0 = arith.constant 0 : index
    %get3A_1 = vector.load %arg1[%get3A, %get3A_0] : memref<4000x32xf32, #tpu.memory_space<vmem>>, vector<4000x32xf32>
    %get3A_2 = arith.constant 0 : index
    %get3A_3 = arith.constant 0 : index
    %get3A_4 = vector.load %arg3[%get3A_2, %get3A_3] : memref<32x64xf32, #tpu.memory_space<vmem>>, vector<32x64xf32>
    %dot_general3A = arith.constant dense<0.000000e+00> : vector<4000x64xf32>
    %dot_general3A_5 = tpu.matmul %get3A_1, %get3A_4, %dot_general3A {dimension_numbers = #tpu.dot_dimension_numbers<[1], [0], [0], [1], [0, 0, 1, 1], [], []>, transpose_lhs_hint = false} : vector<4000x32xf32>, vector<32x64xf32>, vector<4000x64xf32> -> vector<4000x64xf32>
    %get3A_6 = arith.constant 0 : index
    %get3A_7 = arith.constant 0 : index
    %get3A_8 = vector.load %arg4[%get3A_6, %get3A_7] : memref<1x64xf32, #tpu.memory_space<vmem>>, vector<1x64xf32>
    %add3A = vector.broadcast %get3A_8 : vector<1x64xf32> to vector<4000x64xf32>
    %add3A_9 = arith.addf %dot_general3A_5, %add3A : vector<4000x64xf32>
    %max3A = arith.constant 0.000000e+00 : f32
    %max3A_10 = vector.broadcast %max3A : f32 to vector<4000x64xf32>
    %max3A_11 = arith.maximumf %add3A_9, %max3A_10 : vector<4000x64xf32>
    %get3A_12 = arith.constant 0 : index
    %get3A_13 = arith.constant 0 : index
    %get3A_14 = vector.load %arg5[%get3A_12, %get3A_13] : memref<64x32xf32, #tpu.memory_space<vmem>>, vector<64x32xf32>
    %dot_general3A_15 = arith.constant dense<0.000000e+00> : vector<4000x32xf32>
    %dot_general3A_16 = tpu.matmul %max3A_11, %get3A_14, %dot_general3A_15 {dimension_numbers = #tpu.dot_dimension_numbers<[1], [0], [0], [1], [0, 0, 1, 1], [], []>, transpose_lhs_hint = false} : vector<4000x64xf32>, vector<64x32xf32>, vector<4000x32xf32> -> vector<4000x32xf32>
    %get3A_17 = arith.constant 0 : index
    %get3A_18 = arith.constant 0 : index
    %get3A_19 = vector.load %arg6[%get3A_17, %get3A_18] : memref<1x32xf32, #tpu.memory_space<vmem>>, vector<1x32xf32>
    %add3A_20 = vector.broadcast %get3A_19 : vector<1x32xf32> to vector<4000x32xf32>
    %add3A_21 = arith.addf %dot_general3A_16, %add3A_20 : vector<4000x32xf32>
    %reduce_sum3A = arith.constant dense<0.000000e+00> : vector<4000xf32>
    %reduce_sum3A_22 = vector.multi_reduction <add>, %add3A_21, %reduce_sum3A [1] : vector<4000x32xf32> to vector<4000xf32>
    %broadcast_in_dim3A = vector.shape_cast %reduce_sum3A_22 : vector<4000xf32> to vector<4000x1xf32>
    %div3A = arith.constant 3.200000e+01 : f32
    %div3A_23 = vector.broadcast %div3A : f32 to vector<4000x1xf32>
    %div3A_24 = arith.divf %broadcast_in_dim3A, %div3A_23 : vector<4000x1xf32>
    %sub3A = vector.broadcast %div3A_24 : vector<4000x1xf32> to vector<4000x32xf32>
    %sub3A_25 = arith.subf %add3A_21, %sub3A : vector<4000x32xf32>
    %integer_pow3A = arith.mulf %sub3A_25, %sub3A_25 : vector<4000x32xf32>
    %reduce_sum3A_26 = arith.constant dense<0.000000e+00> : vector<4000xf32>
    %reduce_sum3A_27 = vector.multi_reduction <add>, %integer_pow3A, %reduce_sum3A_26 [1] : vector<4000x32xf32> to vector<4000xf32>
    %broadcast_in_dim3A_28 = vector.shape_cast %reduce_sum3A_27 : vector<4000xf32> to vector<4000x1xf32>
    %div3A_29 = arith.constant 3.200000e+01 : f32
    %div3A_30 = vector.broadcast %div3A_29 : f32 to vector<4000x1xf32>
    %div3A_31 = arith.divf %broadcast_in_dim3A_28, %div3A_30 : vector<4000x1xf32>
    %sub3A_32 = vector.broadcast %div3A_24 : vector<4000x1xf32> to vector<4000x32xf32>
    %sub3A_33 = arith.subf %add3A_21, %sub3A_32 : vector<4000x32xf32>
    %add3A_34 = arith.constant 9.99999974E-6 : f32
    %add3A_35 = vector.broadcast %add3A_34 : f32 to vector<4000x1xf32>
    %add3A_36 = arith.addf %div3A_31, %add3A_35 : vector<4000x1xf32>
    %rsqrt3A = math.rsqrt %add3A_36 : vector<4000x1xf32>
    %mul3A = vector.broadcast %rsqrt3A : vector<4000x1xf32> to vector<4000x32xf32>
    %mul3A_37 = arith.mulf %sub3A_33, %mul3A : vector<4000x32xf32>
    %get3A_38 = arith.constant 0 : index
    %get3A_39 = arith.constant 0 : index
    %get3A_40 = vector.load %arg7[%get3A_38, %get3A_39] : memref<1x32xf32, #tpu.memory_space<vmem>>, vector<1x32xf32>
    %mul3A_41 = vector.broadcast %get3A_40 : vector<1x32xf32> to vector<4000x32xf32>
    %mul3A_42 = arith.mulf %mul3A_37, %mul3A_41 : vector<4000x32xf32>
    %get3A_43 = arith.constant 0 : index
    %get3A_44 = arith.constant 0 : index
    %get3A_45 = vector.load %arg8[%get3A_43, %get3A_44] : memref<1x32xf32, #tpu.memory_space<vmem>>, vector<1x32xf32>
    %add3A_46 = vector.broadcast %get3A_45 : vector<1x32xf32> to vector<4000x32xf32>
    %add3A_47 = arith.addf %mul3A_42, %add3A_46 : vector<4000x32xf32>
    %mul3A_48 = arith.constant 0.00316227763 : f32
    %mul3A_49 = vector.broadcast %mul3A_48 : f32 to vector<4000x32xf32>
    %mul3A_50 = arith.mulf %add3A_47, %mul3A_49 : vector<4000x32xf32>
    %max3A_51 = arith.constant 0.000000e+00 : f32
    %max3A_52 = vector.broadcast %max3A_51 : f32 to vector<4000x32xf32>
    %max3A_53 = arith.maximumf %mul3A_50, %max3A_52 : vector<4000x32xf32>
    %get3A_54 = arith.constant 0 : index
    %get3A_55 = arith.constant 0 : index
    %get3A_56 = vector.load %arg2[%get3A_54, %get3A_55] : memref<4000x32xf32, #tpu.memory_space<vmem>>, vector<4000x32xf32>
    %add3A_57 = arith.addf %max3A_53, %get3A_56 : vector<4000x32xf32>
    %swap3A = arith.constant 0 : index
    %swap3A_58 = arith.constant 0 : index
    %swap3A_59 = vector.load %arg9[%swap3A, %swap3A_58] : memref<4000x32xf32, #tpu.memory_space<vmem>>, vector<4000x32xf32>
    tpu.vector_store %arg9[%swap3A, %swap3A_58], %add3A_57 {strides = array<i32>} : memref<4000x32xf32, #tpu.memory_space<vmem>>, vector<4000x32xf32>,
    return
  }
  func.func @transform_0(%arg0: i32) -> (i32, i32) {
    %c0_i32 = arith.constant 0 : i32
    %c0_i32_0 = arith.constant 0 : i32
    return %arg0, %c0_i32 : i32, i32
  }
  func.func @transform_1(%arg0: i32) -> (i32, i32) {
    %c0_i32 = arith.constant 0 : i32
    %c0_i32_0 = arith.constant 0 : i32
    return %arg0, %c0_i32 : i32, i32
  }
  func.func @transform_2(%arg0: i32) -> (i32, i32) {
    %c0_i32 = arith.constant 0 : i32
    %c0_i32_0 = arith.constant 0 : i32
    %c0_i32_1 = arith.constant 0 : i32
    return %c0_i32, %c0_i32_0 : i32, i32
  }
  func.func @transform_3(%arg0: i32) -> (i32, i32) {
    %c0_i32 = arith.constant 0 : i32
    %c0_i32_0 = arith.constant 0 : i32
    %c0_i32_1 = arith.constant 0 : i32
    return %c0_i32, %c0_i32_0 : i32, i32
  }
  func.func @transform_4(%arg0: i32) -> (i32, i32) {
    %c0_i32 = arith.constant 0 : i32
    %c0_i32_0 = arith.constant 0 : i32
    %c0_i32_1 = arith.constant 0 : i32
    return %c0_i32, %c0_i32_0 : i32, i32
  }
  func.func @transform_5(%arg0: i32) -> (i32, i32) {
    %c0_i32 = arith.constant 0 : i32
    %c0_i32_0 = arith.constant 0 : i32
    %c0_i32_1 = arith.constant 0 : i32
    return %c0_i32, %c0_i32_0 : i32, i32
  }
  func.func @transform_6(%arg0: i32) -> (i32, i32) {
    %c0_i32 = arith.constant 0 : i32
    %c0_i32_0 = arith.constant 0 : i32
    %c0_i32_1 = arith.constant 0 : i32
    return %c0_i32, %c0_i32_0 : i32, i32
  }
  func.func @transform_7(%arg0: i32) -> (i32, i32) {
    %c0_i32 = arith.constant 0 : i32
    %c0_i32_0 = arith.constant 0 : i32
    %c0_i32_1 = arith.constant 0 : i32
    return %c0_i32, %c0_i32_0 : i32, i32
  }
  func.func @transform_8(%arg0: i32) -> (i32, i32) {
    %c0_i32 = arith.constant 0 : i32
    %c0_i32_0 = arith.constant 0 : i32
    return %arg0, %c0_i32 : i32, i32
  }
}

</mosaic_0001>

<sc_bundles>
// kernel: kernel.4.cloned.1.call-start
scs
__scs_entry_jumppad:
0x0: {  	(pc) =	sbr.rel $0x88, $3  }
0x1: {  	(tag) =	ssettag $0x0;
	lr =	simm.s32 $0x1  }
0x2: {  	[smem:$0x3F98] =	sst lr;
	_ =	strace $0xD0000000  }
0x3: {  	_ = 	snop  }
0x4: {  	_ = 	snop  }
0x5: {  	_ = 	snop  }
0x6: {  	_ = 	snop  }
0x7: {  	_ = 	snop  }
__scs_overlays_trampoline_lowered:
0x8: {  	[smem:$0x3FA7] =	sst s0  }
0x9: {  	[smem:$0x3FA8] =	sst s1  }
0xa: {  	[smem:$0x3FA9] =	sst s2  }
0xb: {  	[smem:$0x3FAA] =	sst s3  }
0xc: {  	[smem:$0x3FAB] =	sst s4  }
0xd: {  	[smem:$0x3FAC] =	sst s5  }
0xe: {  	[smem:$0x3FAD] =	sst s6  }
0xf: {  	[smem:$0x3FAE] =	sst s7  }
0x10: {  	[smem:$0x3FAF] =	sst s8  }
0x11: {  	[smem:$0x3FB0] =	sst s9;
	s0 =	simm.s32 @!p0 $0x0  }
0x12: {  	s1 =	sld [smem:$0x3F96];
	s0 =	simm.s32 @p0 $0x1  }
0x13: {  	[smem:$0x3FB1] =	sst s0;
	s0 =	simm.s32 @!p1 $0x0  }
0x14: {  	s2 =	sld [smem:$0x3F95];
	s0 =	simm.s32 @p1 $0x1  }
0x15: {  	[smem:$0x3FB2] =	sst s0;
	s0 =	simm.s32 @!p2 $0x0  }
0x16: {  	s3 =	sld [smem:$0x3FDB];
	s0 =	simm.s32 @p2 $0x1  }
0x17: {  	s4 =	simm.s32 $0x1BF5;
	[smem:$0x3FB4] =	sst s0  }
0x18: {  	s0 =	sld [smem:$0x3F97];
	_ =	swait.ge [sflag:s4], $0x0  }
0x19: {  	s7 =	sld [smem:$0x3F98]  }
0x1a: {  	s8 =	sadd.s32 $0xFFFFE003, lr  }
0x1b: {  	s9 =	sadd.s32 $0xFFFFFEF7, lr;
	s5 =	simm.s32 $0xFFFFFFFF;
	p2 =	slt.u32 s8, $0xFFFFF086  }
0x1c: {  	p1 =	slt.u32 s9, $0xF7A;
	s5 =	simm.s32 @!p2 $0x0  }
0x1d: {  	s5 =	simm.s32 @p1 $0x1;
	p0 =	seq.s32 s7, s2  }
0x1e: {  	s7 =	smul.u32 @!p0 $0xF7A, s2;
	p2 =	seq.s32 @!p0 s5, $0x0  }
0x1f: {  	s9 =	smul.u32 $0xF7A, s1;
	s8 =	simm.s32 @!p0 $0x1BF5;
	p2 =	por !p2, p0  }
0x20: {  	[sflag:s8] =	ssyncset.s32 @!p0 $0xFFFFF086;
	s6 =	sadd.s32 @!p0 s3, s7;
	s7 =	simm.s32 @!p0 $0x108  }
0x21: {  	s3 =	sadd.s32 s3, s9;
	s6 =	sadd.s32 @!p0 $0x88, s6;
	s7 =	simm.s32 @p2 $0x1082  }
0x22: {  	[simem:s7], [sflag:s8] =	dma.local @!p0 [hbm:s6], $0xF7A  }
0x23: {  	s9 =	sor.u32 $0xD0000000, s2;
	s6 =	simm.s32 $0x108;
	_ =	swait.ge @!p0 [sflag:s8], $0x0  }
0x24: {  	s3 =	sadd.s32 $0x88, s3;
	s6 =	simm.s32 @!p1 $0x1082;
	[sflag:s4] =	ssyncset.s32 $0xFFFFF086  }
0x25: {  	[simem:s6], [sflag:s4] =	dma.local [hbm:s3], $0xF7A  }
0x26: {  	[smem:$0x3F98] =	sst s1;
	(tag) =	ssettag s2;
	_ =	strace s9  }
0x27: {  	s1 =	sld [smem:$0x3FA8]  }
0x28: {  	s2 =	sld [smem:$0x3FA9]  }
0x29: {  	s4 =	sld [smem:$0x3FAB]  }
0x2a: {  	p0 =	seq.s32 s5, $0x0;
	s5 =	sld [smem:$0x3FAC]  }
0x2b: {  	s6 =	sld [smem:$0x3FAD]  }
0x2c: {  	s7 =	sld [smem:$0x3FAE]  }
0x2d: {  	s3 =	simm.s32 $0x108;
	s8 =	sld [smem:$0x3FAF]  }
0x2e: {  	s3 =	simm.s32 @!p0 $0x1082;
	s9 =	sld [smem:$0x3FB0]  }
0x2f: {  	lr =	sadd.s32 s0, s3;
	s0 =	sld [smem:$0x3FA7]  }
0x30: {  	s3 =	sld [smem:$0x3FAA]  }
0x31: {  	[smem:$0x3FB3] =	sst s10  }
0x32: {  	s10 =	sld [smem:$0x3FB1];
	_ =	sdelay $0x3  }
0x33: {  	p0 =	seq.s32 s10, $0x1;
	s10 =	sld [smem:$0x3FB3];
	_ =	sdelay $0x3  }
0x34: {  	[smem:$0x3FB3] =	sst s10  }
0x35: {  	s10 =	sld [smem:$0x3FB2];
	_ =	sdelay $0x3  }
0x36: {  	p1 =	seq.s32 s10, $0x1;
	s10 =	sld [smem:$0x3FB3];
	_ =	sdelay $0x3  }
0x37: {  	[smem:$0x3FB3] =	sst s10  }
0x38: {  	s10 =	sld [smem:$0x3FB4]  }
0x39: {  	_ = 	snop;
	(pc) =	sbr.ind lr, $3  }
0x3a: {  	_ = 	snop  }
0x3b: {  	_ = 	snop  }
0x3c: {  	p2 =	seq.s32 s10, $0x1;
	s10 =	sld [smem:$0x3FB3]  }
0x3d: {  	_ =	shalt  }
0x3e: {  	_ =	shalt  }
0x3f: {  	_ =	shalt  }
0x40: {  	_ =	shalt  }
0x41: {  	_ =	shalt  }
0x42: {  	_ =	shalt  }
0x43: {  	_ =	shalt  }
0x44: {  	_ =	shalt  }
0x45: {  	_ =	shalt  }
0x46: {  	_ =	shalt  }
0x47: {  	_ =	shalt  }
0x48: {  	_ =	shalt  }
0x49: {  	_ =	shalt  }
0x4a: {  	_ =	shalt  }
0x4b: {  	_ =	shalt  }
0x4c: {  	_ =	shalt  }
0x4d: {  	_ =	shalt  }
0x4e: {  	_ =	shalt  }
0x4f: {  	_ =	shalt  }
0x50: {  	_ =	shalt  }
0x51: {  	_ =	shalt  }
0x52: {  	_ =	shalt  }
0x53: {  	_ =	shalt  }
0x54: {  	_ =	shalt  }
0x55: {  	_ =	shalt  }
0x56: {  	_ =	shalt  }
0x57: {  	_ =	shalt  }
0x58: {  	_ =	shalt  }
0x59: {  	_ =	shalt  }
0x5a: {  	_ =	shalt  }
0x5b: {  	_ =	shalt  }
0x5c: {  	_ =	shalt  }
0x5d: {  	_ =	shalt  }
0x5e: {  	_ =	shalt  }
0x5f: {  	_ =	shalt  }
0x60: {  	_ =	shalt  }
0x61: {  	_ =	shalt  }
0x62: {  	_ =	shalt  }
0x63: {  	_ =	shalt  }
0x64: {  	_ =	shalt  }
0x65: {  	_ =	shalt  }
0x66: {  	_ =	shalt  }
0x67: {  	_ =	shalt  }
0x68: {  	_ =	shalt  }
0x69: {  	_ =	shalt  }
0x6a: {  	_ =	shalt  }
0x6b: {  	_ =	shalt  }
0x6c: {  	_ =	shalt  }
0x6d: {  	_ =	shalt  }
0x6e: {  	_ =	shalt  }
0x6f: {  	_ =	shalt  }
0x70: {  	_ =	shalt  }
0x71: {  	_ =	shalt  }
0x72: {  	_ =	shalt  }
0x73: {  	_ =	shalt  }
0x74: {  	_ =	shalt  }
0x75: {  	_ =	shalt  }
0x76: {  	_ =	shalt  }
0x77: {  	_ =	shalt  }
0x78: {  	_ =	shalt  }
0x79: {  	_ =	shalt  }
0x7a: {  	_ =	shalt  }
0x7b: {  	_ =	shalt  }
0x7c: {  	_ =	shalt  }
0x7d: {  	_ =	shalt  }
0x7e: {  	_ =	shalt  }
0x7f: {  	_ =	shalt  }
0x80: {  	_ =	shalt  }
0x81: {  	_ =	shalt  }
0x82: {  	_ =	shalt  }
0x83: {  	_ =	shalt  }
0x84: {  	_ =	shalt  }
0x85: {  	_ =	shalt  }
0x86: {  	_ =	shalt  }
0x87: {  	_ =	shalt  }
.Lfunc_end0:
.L_simem_size_0:
called_computation_lowered:
.L_overlay_start_0:
0x88: {  	s2 =	sld [smem:$0x3FD9]  }
0x89: {  	s3 =	sld [smem:$0x3FFE];
	_ =	sdelay $0x1  }
0x8a: {  	s1 =	srdreg.scid  }
0x8b: {  	s0 =	sand.u32 $0x1, s1  }
0x8c: {  	s17 =	sshll.u32 s0, $0xA;
	s2 =	sadd.s32 s3, s2  }
0x8d: {  	s2 =	sadd.s32 s2, s17  }
0x8e: {  	[smem:$0x3FBF] =	sst s2  }
0x8f: {  	_ = 	snop  }
0x90: {  	s2 =	sld [smem:$0x3FD0];
	(tm) =	ssettm $0x1  }
0x91: {  	s18 =	sld [smem:$0x3FFB];
	_ =	sdelay $0x3  }
0x92: {  	_ =	strace s18  }
0x93: {  	s3 =	sld [smem:$0x3FFC];
	_ =	sdelay $0x3  }
0x94: {  	_ =	strace s3  }
0x95: {  	s3 =	sld [smem:$0x3FFD];
	_ =	sdelay $0x3  }
0x96: {  	_ =	strace s3  }
0x97: {  	_ =	strace $0x8FFFFFFF  }
0x98: {  	s19 =	sld [smem:$0x3FDB];
	_ =	sdelay $0x1  }
0x99: {  	s4 =	simm.s32 $_scs_section_size  }
0x9a: {  	s5 =	simm.s32 $_size__tile_overlayer_lowered;
	s6 =	simm.s32 $_tile_overlayer_lowered  }
0x9b: {  	s22 =	simm.s32 $0x1BFF;
	s21 =	sshll.u32 s6, $0x1;
	s3 =	sadd.s32 s4, s19  }
0x9c: {  	s7 =	simm.s32 $0x0;
	s20 =	sshll.u32 s5, $0x1;
	s5 =	sadd.s32 s21, s3  }
0x9d: {  	[timem:s7], [sflag:s22] =	dma.local [hbm:s5], s20  }
0x9e: {  	_ =	swait.ge [sflag:s22], s20  }
0x9f: {  	s4 =	ssub.s32 $0x0, s20;
	[sflag:s22] =	ssyncset.done $0x0  }
0xa0: {  	[sflag:s22] =	ssyncadd.s32 s4;
	_ =	sdelay $0x1  }
0xa1: {  	s23 =	simm.s32 $0x1B8B  }
0xa2: {  	_ =	swait.ge [sflag:s23], $0x1  }
0xa3: {  	[sflag:s23] =	ssyncset.done $0x0  }
0xa4: {  	s25 =	simm.s32 $0x1B8E;
	s24 =	sld [smem:$0x3FFE];
	[sflag:s23] =	ssyncadd.s32 $0xFFFFFFFF  }
0xa5: {  	s26 =	simm.s32 $execute0_lowered;
	[smem:$0x3FD2] =	sst s25  }
0xa6: {  	s5 =	sshll.u32 s26, $0x1;
	_ =	strace $0x80000046;
	[dreg:$0x1] =	wrdreg $0xFFFFFFFF  }
0xa7: {  	s28 =	simm.s32 $_size_execute0_lowered;
	s3 =	sadd.s32 s3, s5;
	[dreg:$0x0] =	wrdreg $0x0  }
0xa8: {  	s5 =	sshll.u32 s28, $0x1;
	[dreg:$0x2] =	wrdreg s3  }
0xa9: {  	[dreg:$0x3] =	wrdreg s5  }
0xaa: {  	[dreg:$0x4] =	wrdreg $0xC0  }
0xab: {  	_ =	task [dreg:s7], $0x5FFFF  }
0xac: {  	[dreg:$0x1] =	wrdreg $0xFFFFFFFF  }
0xad: {  	[dreg:$0x0] =	wrdreg $0x60  }
0xae: {  	[dreg:$0x2] =	wrdreg s2  }
0xaf: {  	[dreg:$0x3] =	wrdreg s24  }
0xb0: {  	[dreg:$0x4] =	wrdreg $0x61C00  }
0xb1: {  	[dreg:$0x5] =	wrdreg $0x9  }
0xb2: {  	_ =	task.clear_ibuf [dreg:s7], $0x6FFFF;
	_ =	strace $0x90000046  }
0xb3: {  	s29 =	simm.s32 $0x9;
	_ =	strace $0x80000048  }
0xb4: {  	_ =	swait.ge [sflag:s29], $0x1  }
0xb5: {  	[sflag:s29] =	ssyncadd.s32 $0xFFFFFFFF  }
0xb6: {  	_ =	strace $0x90000048  }
0xb7: {  	_ =	sfence  }
0xb8: {  	s30 =	sld [smem:$0x0];
	_ =	sdelay $0x2  }
0xb9: {  	s31 =	sshll.u32 s1, $0xD;
	s1 =	sshrl.u32 s1, $0x2  }
0xba: {  	s3 =	sand.u32 $0x4000, s31;
	s1 =	sadd.s32 s1, s30  }
0xbb: {  	s0 =	sor.u32 s3, s0;
	s1 =	sshll.u32 s1, $0x11  }
0xbc: {  	s0 =	sor.u32 s1, s0  }
0xbd: {  	s0 =	sadd.s32 $0x8F2B, s0  }
0xbe: {  	[sflag:s0] =	ssyncadd.remote.s32 $0x1  }
0xbf: {  	_ =	sfence.sel $0xFFFF  }
0xc0: {  	[dreg:$0x0] =	wrdreg $0xFFFFFFFF;
	(pc) =	sbr.abs _section_cstart, $3  }
0xc1: {  	[dreg:$0x1] =	wrdreg $0xFFFFFFFF  }
0xc2: {  	_ =	task.clear_ibuf [dreg:s7], $0x2FFFF;
	_ =	strace $0x9FFFFFFF  }
0xc3: {  	(tm) =	ssettm $0x7FFFFFFF  }
tec
execute0_lowered:
.L_overlay_start_1:
0x0: {  	(tag) =	ssettag $0x1  }
0x1: {  	s0 =	srdreg.scid  }
0x2: {  	s2 =	rddreg [dreg:$0x1];
	s15 =	stileid.u32;
	s1 =	simm.s32 $0x0  }
0x3: {  	s28 =	rddreg [dreg:$0x0];
	s30 =	simm.s32 $0x2BC0;
	s29 =	simm.s32 $0x3FC0  }
0x4: {  	s31 =	simm.s32 $0x49C0;
	s4 =	sadd.s32 $0x19F1400, s2;
	s5 =	smul.u32 $0xC38, s15  }
0x5: {  	s3 =	sand.u32 $0x1, s0;
	s6 =	sadd.s32 $0x1B8200, s2;
	s7 =	smul.u32 $0x186A0, s15  }
0x6: {  	[smem:$0x7FF] =	sst s1;
	s8 =	sadd.s32 $0x187400, s2;
	s26 =	smul.u32 $0x61A80, s15  }
0x7: {  	p0 =	seq.s32 s15, $0xF;
	s0 =	smul.u32 $0xC350, s3;
	s3 =	ssub.s32 $0x2, s3  }
0x8: {  	s9 =	sshrl.u32 s3, $0x1;
	s10 =	sadd.s32 $0x50, s7;
	s22 =	sadd.s32 $0xA0, s7  }
0x9: {  	s12 =	sadd.s32 $0xF0, s7;
	s14 =	sadd.s32 $0x140, s7;
	s5 =	sadd.s32 s5, s0  }
0xa: {  	s3 =	ssub.s32 s3, s9;
	s21 =	sshrl.u32 s10, $0x3;
	s9 =	sshrl.u32 s7, $0x3  }
0xb: {  	s23 =	sshrl.u32 s22, $0x3;
	s24 =	sshrl.u32 s12, $0x3;
	s10 =	sshll.u32 s10, $0x2  }
0xc: {  	s16 =	sshrl.u32 s14, $0x3;
	s19 =	sshll.u32 s22, $0x2;
	s7 =	sadd.s32 $0x190, s7  }
0xd: {  	s5 =	sshll.u32 s5, $0x2;
	s11 =	sadd.s32 s6, s21;
	s13 =	sadd.s32 s6, s23  }
0xe: {  	s25 =	sadd.s32 s6, s24;
	s17 =	sadd.s32 s6, s16;
	[dreg:$0x4] =	wrdreg s11  }
0xf: {  	s18 =	sadd.s32 s8, s16;
	s20 =	sshrl.u32 s7, $0x3;
	[dreg:$0x6] =	wrdreg s13  }
0x10: {  	s7 =	sshll.u32 s7, $0x2;
	s3 =	smax.u32 s3, $0x1;
	[dreg:$0x8] =	wrdreg s25  }
0x11: {  	s2 =	sadd.s32 s5, s2;
	s5 =	sadd.s32 s8, s21;
	[dreg:$0xc] =	wrdreg s17  }
0x12: {  	s13 =	sadd.s32 s4, s26;
	[dreg:$0xd] =	wrdreg s18;
	s21 =	sshll.u32 s12, $0x2  }
0x13: {  	s22 =	sadd.s32 s6, s20;
	s25 =	sshll.u32 s14, $0x2;
	s12 =	smul.u32 $0x30D4, s15  }
0x14: {  	s11 =	sadd.s32 $0x46, s9;
	s17 =	smul.u32 $0x61C00, s15;
	[dreg:$0x5] =	wrdreg s5  }
0x15: {  	s18 =	sshll.u32 s15, $0x4;
	s5 =	sadd.s32 s8, s23;
	[dreg:$0xf] =	wrdreg s22  }
0x16: {  	s23 =	sadd.s32 s4, s21;
	s14 =	sadd.s32 s6, s11;
	[dreg:$0x7] =	wrdreg s5  }
0x17: {  	s2 =	sadd.s32 $0x1E9000, s2;
	s21 =	simm.s32 $0xA0;
	[dreg:$0x11] =	wrdreg s23  }
0x18: {  	s22 =	simm.s32 $0x6;
	s5 =	sadd.s32 s8, s24;
	[dreg:$0x18] =	wrdreg s14  }
0x19: {  	s24 =	sadd.s32 $0x3C, s9;
	s16 =	sadd.s32 s12, s8;
	[dreg:$0x9] =	wrdreg s5  }
0x1a: {  	s23 =	smul.u32 $0x65800, s15;
	s5 =	sadd.s32 s4, s10;
	[smem:$0x7FC] =	sst s16  }
0x1b: {  	s15 =	simm.s32 $0x140;
	s10 =	sadd.s32 s4, s25;
	[dreg:$0xb] =	wrdreg s5  }
0x1c: {  	s14 =	simm.s32 $0x1;
	s26 =	sadd.s32 s6, s24;
	[dreg:$0x12] =	wrdreg s10  }
0x1d: {  	s25 =	sadd.s32 $0xB40, s13;
	s16 =	simm.s32 $0xE;
	[dreg:$0x14] =	wrdreg s26  }
0x1e: {  	s5 =	sadd.s32 s4, s19;
	s4 =	sadd.s32 s4, s7;
	s26 =	rddreg [dreg:$0x2]  }
0x1f: {  	s7 =	sadd.s32 s6, s9;
	s10 =	sadd.s32 s8, s9;
	[dreg:$0xe] =	wrdreg s5  }
0x20: {  	s19 =	sadd.s32 $0xC350, s18;
	s9 =	simm.s32 $0x53C0;
	[dreg:$0x13] =	wrdreg s4  }
0x21: {  	s18 =	simm.s32 $0xF;
	s5 =	sadd.s32 s8, s20;
	[dreg:$0x16] =	wrdreg s7  }
0x22: {  	[dreg:$0x17] =	wrdreg s10;
	s4 =	sadd.s32 s8, s11;
	s7 =	simm.s32 $0x50  }
0x23: {  	s20 =	simm.s32 $0x190;
	s10 =	simm.s32 $0xD;
	[dreg:$0x10] =	wrdreg s5  }
0x24: {  	v0 =	vlaneseq.u32;
	s11 =	simm.s32 $0x3C0;
	s5 =	sadd.s32 s8, s24;
	[dreg:$0x19] =	wrdreg s4  }
0x25: {  	v0 =	vor.u32 s19, v0;
	s19 =	simm.s32 $0x10;
	[dreg:$0x15] =	wrdreg s5;
	s5 =	sadd.s32 s12, s6  }
0x26: {  	s4 =	sshrl.u32 s17, $0x2;
	s24 =	sshrl.u32 s23, $0x2;
	[smem:$0x7FD] =	sst s5  }
0x27: {  	s8 =	simm.s32 $0xF0;
	_ =	strace $0x80000047;
	[dreg:$0x1a] =	wrdreg s2  }
0x28: {  	s17 =	simm.s32 $0x2;
	s23 =	simm.s32 $0x17C0;
	[dreg:$0x1b] =	wrdreg s3  }
0x29: {  	s6 =	simm.s32 $0x0;
	s5 =	sadd.s32 s24, s26;
	[dreg:$0xa] =	wrdreg s13  }
0x2a: {  	s2 =	sadd.s32 s4, s26;
	s4 =	sadd.s32 $0x16E900, s26;
	[dreg:$0x1f] =	wrdreg s25  }
0x2b: {  	s24 =	simm.s32 $0xDC0;
	[dreg:$0x1c] =	wrdreg s5;
	s3 =	sshrl.u32 @p0 s4, $0x3  }
0x2c: {  	s13 =	simm.s32 $0x11;
	s2 =	sshrl.u32 @!p0 s2, $0x3;
	[dreg:$0x1d] =	wrdreg s3  }
0x2d: {  	v2 =	vimm.f32 $0.0e+00;
	v1 =	vmov s0;
	s25 =	simm.s32 $0x3;
	[dreg:$0x1e] =	wrdreg s2;
	s2 =	simm.s32 $0x4  }
.LBB2_1:
0x2e: {  	[tilespmem:$0x53C0] =	vst v2  }
0x2f: {  	[tilespmem:$0x53D0] =	vst v2  }
0x30: {  	[tilespmem:$0x53E0] =	vst v2  }
0x31: {  	[tilespmem:$0x53F0] =	vst v2  }
0x32: {  	[tilespmem:$0x5400] =	vst v2  }
0x33: {  	[tilespmem:$0x5410] =	vst v2  }
0x34: {  	[tilespmem:$0x5420] =	vst v2  }
0x35: {  	[tilespmem:$0x5430] =	vst v2  }
0x36: {  	[tilespmem:$0x5440] =	vst v2  }
0x37: {  	[tilespmem:$0x5450] =	vst v2  }
0x38: {  	[tilespmem:$0x5460] =	vst v2  }
0x39: {  	[tilespmem:$0x5470] =	vst v2  }
0x3a: {  	[tilespmem:$0x5480] =	vst v2  }
0x3b: {  	[tilespmem:$0x5490] =	vst v2  }
0x3c: {  	[tilespmem:$0x54A0] =	vst v2  }
0x3d: {  	[tilespmem:$0x54B0] =	vst v2  }
0x3e: {  	[tilespmem:$0x54C0] =	vst v2  }
0x3f: {  	[tilespmem:$0x54D0] =	vst v2  }
0x40: {  	[tilespmem:$0x54E0] =	vst v2  }
0x41: {  	[tilespmem:$0x54F0] =	vst v2  }
0x42: {  	[tilespmem:$0x5500] =	vst v2  }
0x43: {  	[tilespmem:$0x5510] =	vst v2  }
0x44: {  	[tilespmem:$0x5520] =	vst v2  }
0x45: {  	[tilespmem:$0x5530] =	vst v2  }
0x46: {  	[tilespmem:$0x5540] =	vst v2  }
0x47: {  	[tilespmem:$0x5550] =	vst v2  }
0x48: {  	[tilespmem:$0x5560] =	vst v2  }
0x49: {  	[tilespmem:$0x5570] =	vst v2  }
0x4a: {  	[tilespmem:$0x5580] =	vst v2  }
0x4b: {  	[tilespmem:$0x5590] =	vst v2  }
0x4c: {  	[tilespmem:$0x55A0] =	vst v2  }
0x4d: {  	[tilespmem:$0x55B0] =	vst v2  }
0x4e: {  	[tilespmem:$0x55C0] =	vst v2  }
0x4f: {  	[tilespmem:$0x55D0] =	vst v2  }
0x50: {  	[tilespmem:$0x55E0] =	vst v2  }
0x51: {  	[tilespmem:$0x55F0] =	vst v2  }
0x52: {  	[tilespmem:$0x5600] =	vst v2  }
0x53: {  	[tilespmem:$0x5610] =	vst v2  }
0x54: {  	[tilespmem:$0x5620] =	vst v2  }
0x55: {  	[tilespmem:$0x5630] =	vst v2  }
0x56: {  	[tilespmem:$0x5640] =	vst v2  }
0x57: {  	[tilespmem:$0x5650] =	vst v2  }
0x58: {  	[tilespmem:$0x5660] =	vst v2  }
0x59: {  	[tilespmem:$0x5670] =	vst v2  }
0x5a: {  	[tilespmem:$0x5680] =	vst v2  }
0x5b: {  	[tilespmem:$0x5690] =	vst v2  }
0x5c: {  	[tilespmem:$0x56A0] =	vst v2  }
0x5d: {  	[tilespmem:$0x56B0] =	vst v2  }
0x5e: {  	[tilespmem:$0x56C0] =	vst v2  }
0x5f: {  	[tilespmem:$0x56D0] =	vst v2  }
0x60: {  	[tilespmem:$0x56E0] =	vst v2  }
0x61: {  	[tilespmem:$0x56F0] =	vst v2  }
0x62: {  	[tilespmem:$0x5700] =	vst v2  }
0x63: {  	[tilespmem:$0x5710] =	vst v2  }
0x64: {  	[tilespmem:$0x5720] =	vst v2  }
0x65: {  	[tilespmem:$0x5730] =	vst v2  }
0x66: {  	[tilespmem:$0x5740] =	vst v2  }
0x67: {  	[tilespmem:$0x5750] =	vst v2  }
0x68: {  	[tilespmem:$0x5760] =	vst v2  }
0x69: {  	[tilespmem:$0x5770] =	vst v2  }
0x6a: {  	[tilespmem:$0x5780] =	vst v2  }
0x6b: {  	[tilespmem:$0x5790] =	vst v2  }
0x6c: {  	[tilespmem:$0x57A0] =	vst v2  }
0x6d: {  	[tilespmem:$0x57B0] =	vst v2  }
0x6e: {  	[tilespmem:$0x57C0] =	vst v2  }
0x6f: {  	[tilespmem:$0x57D0] =	vst v2  }
0x70: {  	[tilespmem:$0x57E0] =	vst v2  }
0x71: {  	[tilespmem:$0x57F0] =	vst v2  }
0x72: {  	[tilespmem:$0x5800] =	vst v2  }
0x73: {  	[tilespmem:$0x5810] =	vst v2  }
0x74: {  	[tilespmem:$0x5820] =	vst v2  }
0x75: {  	[tilespmem:$0x5830] =	vst v2  }
0x76: {  	[tilespmem:$0x5840] =	vst v2  }
0x77: {  	[tilespmem:$0x5850] =	vst v2  }
0x78: {  	[tilespmem:$0x5860] =	vst v2  }
0x79: {  	[tilespmem:$0x5870] =	vst v2  }
0x7a: {  	[tilespmem:$0x5880] =	vst v2  }
0x7b: {  	[tilespmem:$0x5890] =	vst v2  }
0x7c: {  	[tilespmem:$0x58A0] =	vst v2  }
0x7d: {  	[tilespmem:$0x58B0] =	vst v2  }
0x7e: {  	[tilespmem:$0x58C0] =	vst v2  }
0x7f: {  	[tilespmem:$0x58D0] =	vst v2  }
0x80: {  	[tilespmem:$0x58E0] =	vst v2  }
0x81: {  	[tilespmem:$0x58F0] =	vst v2  }
0x82: {  	[tilespmem:$0x5900] =	vst v2  }
0x83: {  	[tilespmem:$0x5910] =	vst v2  }
0x84: {  	[tilespmem:$0x5920] =	vst v2  }
0x85: {  	[tilespmem:$0x5930] =	vst v2  }
0x86: {  	[tilespmem:$0x5940] =	vst v2  }
0x87: {  	[tilespmem:$0x5950] =	vst v2  }
0x88: {  	[tilespmem:$0x5960] =	vst v2  }
0x89: {  	[tilespmem:$0x5970] =	vst v2  }
0x8a: {  	[tilespmem:$0x5980] =	vst v2  }
0x8b: {  	[tilespmem:$0x5990] =	vst v2  }
0x8c: {  	[tilespmem:$0x59A0] =	vst v2  }
0x8d: {  	[tilespmem:$0x59B0] =	vst v2  }
0x8e: {  	[tilespmem:$0x59C0] =	vst v2  }
0x8f: {  	[tilespmem:$0x59D0] =	vst v2  }
0x90: {  	[tilespmem:$0x59E0] =	vst v2  }
0x91: {  	[tilespmem:$0x59F0] =	vst v2  }
0x92: {  	[tilespmem:$0x5A00] =	vst v2  }
0x93: {  	[tilespmem:$0x5A10] =	vst v2  }
0x94: {  	[tilespmem:$0x5A20] =	vst v2  }
0x95: {  	[tilespmem:$0x5A30] =	vst v2  }
0x96: {  	[tilespmem:$0x5A40] =	vst v2  }
0x97: {  	[tilespmem:$0x5A50] =	vst v2  }
0x98: {  	[tilespmem:$0x5A60] =	vst v2  }
0x99: {  	[tilespmem:$0x5A70] =	vst v2  }
0x9a: {  	[tilespmem:$0x5A80] =	vst v2  }
0x9b: {  	[tilespmem:$0x5A90] =	vst v2  }
0x9c: {  	[tilespmem:$0x5AA0] =	vst v2  }
0x9d: {  	[tilespmem:$0x5AB0] =	vst v2  }
0x9e: {  	[tilespmem:$0x5AC0] =	vst v2  }
0x9f: {  	[tilespmem:$0x5AD0] =	vst v2  }
0xa0: {  	[tilespmem:$0x5AE0] =	vst v2  }
0xa1: {  	[tilespmem:$0x5AF0] =	vst v2  }
0xa2: {  	[tilespmem:$0x5B00] =	vst v2  }
0xa3: {  	[tilespmem:$0x5B10] =	vst v2  }
0xa4: {  	[tilespmem:$0x5B20] =	vst v2  }
0xa5: {  	[tilespmem:$0x5B30] =	vst v2  }
0xa6: {  	[tilespmem:$0x5B40] =	vst v2  }
0xa7: {  	[tilespmem:$0x5B50] =	vst v2  }
0xa8: {  	[tilespmem:$0x5B60] =	vst v2  }
0xa9: {  	[tilespmem:$0x5B70] =	vst v2  }
0xaa: {  	[tilespmem:$0x5B80] =	vst v2  }
0xab: {  	[tilespmem:$0x5B90] =	vst v2  }
0xac: {  	[tilespmem:$0x5BA0] =	vst v2  }
0xad: {  	[tilespmem:$0x5BB0] =	vst v2  }
0xae: {  	[tilespmem:$0x5BC0] =	vst v2  }
0xaf: {  	[tilespmem:$0x5BD0] =	vst v2  }
0xb0: {  	[tilespmem:$0x5BE0] =	vst v2  }
0xb1: {  	[tilespmem:$0x5BF0] =	vst v2  }
0xb2: {  	[tilespmem:$0x5C00] =	vst v2  }
0xb3: {  	[tilespmem:$0x5C10] =	vst v2  }
0xb4: {  	[tilespmem:$0x5C20] =	vst v2  }
0xb5: {  	[tilespmem:$0x5C30] =	vst v2  }
0xb6: {  	[tilespmem:$0x5C40] =	vst v2  }
0xb7: {  	[tilespmem:$0x5C50] =	vst v2  }
0xb8: {  	[tilespmem:$0x5C60] =	vst v2  }
0xb9: {  	[tilespmem:$0x5C70] =	vst v2  }
0xba: {  	[tilespmem:$0x5C80] =	vst v2  }
0xbb: {  	[tilespmem:$0x5C90] =	vst v2  }
0xbc: {  	[tilespmem:$0x5CA0] =	vst v2  }
0xbd: {  	[tilespmem:$0x5CB0] =	vst v2  }
0xbe: {  	[tilespmem:$0x5CC0] =	vst v2  }
0xbf: {  	[tilespmem:$0x5CD0] =	vst v2  }
0xc0: {  	[tilespmem:$0x5CE0] =	vst v2  }
0xc1: {  	[tilespmem:$0x5CF0] =	vst v2  }
0xc2: {  	[tilespmem:$0x5D00] =	vst v2  }
0xc3: {  	[tilespmem:$0x5D10] =	vst v2  }
0xc4: {  	[tilespmem:$0x5D20] =	vst v2  }
0xc5: {  	[tilespmem:$0x5D30] =	vst v2  }
0xc6: {  	[tilespmem:$0x5D40] =	vst v2  }
0xc7: {  	[tilespmem:$0x5D50] =	vst v2  }
0xc8: {  	[tilespmem:$0x5D60] =	vst v2  }
0xc9: {  	[tilespmem:$0x5D70] =	vst v2  }
0xca: {  	[tilespmem:$0x5D80] =	vst v2  }
0xcb: {  	[tilespmem:$0x5D90] =	vst v2  }
0xcc: {  	[tilespmem:$0x5DA0] =	vst v2  }
0xcd: {  	[tilespmem:$0x5DB0] =	vst v2  }
0xce: {  	[tilespmem:$0x5DC0] =	vst v2  }
0xcf: {  	[tilespmem:$0x5DD0] =	vst v2  }
0xd0: {  	[tilespmem:$0x5DE0] =	vst v2  }
0xd1: {  	[tilespmem:$0x5DF0] =	vst v2  }
0xd2: {  	[tilespmem:$0x5E00] =	vst v2  }
0xd3: {  	[tilespmem:$0x5E10] =	vst v2  }
0xd4: {  	[tilespmem:$0x5E20] =	vst v2  }
0xd5: {  	[tilespmem:$0x5E30] =	vst v2  }
0xd6: {  	[tilespmem:$0x5E40] =	vst v2  }
0xd7: {  	[tilespmem:$0x5E50] =	vst v2  }
0xd8: {  	[tilespmem:$0x5E60] =	vst v2  }
0xd9: {  	[tilespmem:$0x5E70] =	vst v2  }
0xda: {  	[tilespmem:$0x5E80] =	vst v2  }
0xdb: {  	[tilespmem:$0x5E90] =	vst v2  }
0xdc: {  	[tilespmem:$0x5EA0] =	vst v2  }
0xdd: {  	[tilespmem:$0x5EB0] =	vst v2  }
0xde: {  	[tilespmem:$0x5EC0] =	vst v2  }
0xdf: {  	[tilespmem:$0x5ED0] =	vst v2  }
0xe0: {  	[tilespmem:$0x5EE0] =	vst v2  }
0xe1: {  	[tilespmem:$0x5EF0] =	vst v2  }
0xe2: {  	[tilespmem:$0x5F00] =	vst v2  }
0xe3: {  	[tilespmem:$0x5F10] =	vst v2  }
0xe4: {  	[tilespmem:$0x5F20] =	vst v2  }
0xe5: {  	[tilespmem:$0x5F30] =	vst v2  }
0xe6: {  	[tilespmem:$0x5F40] =	vst v2  }
0xe7: {  	[tilespmem:$0x5F50] =	vst v2  }
0xe8: {  	[tilespmem:$0x5F60] =	vst v2  }
0xe9: {  	[tilespmem:$0x5F70] =	vst v2  }
0xea: {  	[tilespmem:$0x5F80] =	vst v2  }
0xeb: {  	[tilespmem:$0x5F90] =	vst v2  }
0xec: {  	[tilespmem:$0x5FA0] =	vst v2  }
0xed: {  	[tilespmem:$0x5FB0] =	vst v2  }
0xee: {  	[tilespmem:$0x5FC0] =	vst v2  }
0xef: {  	[tilespmem:$0x5FD0] =	vst v2  }
0xf0: {  	[tilespmem:$0x5FE0] =	vst v2  }
0xf1: {  	[tilespmem:$0x5FF0] =	vst v2  }
0xf2: {  	[tilespmem:$0x6000] =	vst v2  }
0xf3: {  	[tilespmem:$0x6010] =	vst v2  }
0xf4: {  	[tilespmem:$0x6020] =	vst v2  }
0xf5: {  	[tilespmem:$0x6030] =	vst v2  }
0xf6: {  	[tilespmem:$0x6040] =	vst v2  }
0xf7: {  	[tilespmem:$0x6050] =	vst v2  }
0xf8: {  	[tilespmem:$0x6060] =	vst v2  }
0xf9: {  	[tilespmem:$0x6070] =	vst v2  }
0xfa: {  	[tilespmem:$0x6080] =	vst v2  }
0xfb: {  	[tilespmem:$0x6090] =	vst v2  }
0xfc: {  	[tilespmem:$0x60A0] =	vst v2  }
0xfd: {  	[tilespmem:$0x60B0] =	vst v2  }
0xfe: {  	[tilespmem:$0x60C0] =	vst v2  }
0xff: {  	[tilespmem:$0x60D0] =	vst v2  }
0x100: {  	[tilespmem:$0x60E0] =	vst v2  }
0x101: {  	[tilespmem:$0x60F0] =	vst v2  }
0x102: {  	[tilespmem:$0x6100] =	vst v2  }
0x103: {  	[tilespmem:$0x6110] =	vst v2  }
0x104: {  	[tilespmem:$0x6120] =	vst v2  }
0x105: {  	[tilespmem:$0x6130] =	vst v2  }
0x106: {  	[tilespmem:$0x6140] =	vst v2  }
0x107: {  	[tilespmem:$0x6150] =	vst v2  }
0x108: {  	[tilespmem:$0x6160] =	vst v2  }
0x109: {  	[tilespmem:$0x6170] =	vst v2  }
0x10a: {  	[tilespmem:$0x6180] =	vst v2  }
0x10b: {  	[tilespmem:$0x6190] =	vst v2  }
0x10c: {  	[tilespmem:$0x61A0] =	vst v2  }
0x10d: {  	[smem:$0x7FB] =	sst s6;
	[tilespmem:$0x61B0] =	vst v2;
	s0 =	sadd.s32 $0x0, s5  }
0x10e: {  	[spmem:s0] =	stream.linear.scatter [tilespmem:s9], [sflag:$0x11], $0xE00, $0x38;
	[tilespmem:$0x1F7C0] =	vst v63  }
0x10f: {  	s0 =	simm.s32 $0x3800;
	_ =	swait.ge [sflag:s13], $0xE00  }
.LBB2_2:
0x110: {  	s3 =	sshra.s32 s0, $0x2;
	[sflag:s13] =	ssyncset.done $0x0;
	p1 =	sne.s32 s0, $0x62000  }
.Ltmp0:
0x111: {  	s3 =	sadd.s32 s3, s5;
	[sflag:s13] =	ssyncadd.s32 $0xFFFFF200;
	(pc) =	sbr.rel @p1 .LBB2_2-.Ltmp0, $3  }
0x112: {  	[spmem:s3] =	stream.linear.scatter [tilespmem:s9], [sflag:$0x11], $0xE00, $0x38;
	[tilespmem:$0x1F7C0] =	vst v63  }
0x113: {  	s0 =	sadd.s32 $0x3800, s0;
	_ =	sdelay $0x1  }
0x114: {  	_ =	swait.ge [sflag:s13], $0xE00  }
0x115: {  	[sflag:s13] =	ssyncset.done $0x0  }
0x116: {  	[sflag:s13] =	ssyncadd.s32 $0xFFFFF200  }
0x117: {  	[bflag:$0x0] =	sbarrier.arrive $0xFFFF  }
0x118: {  	s0 =	simm.s32 $0x0;
	s3 =	rddreg [dreg:$0x16]  }
0x119: {  	[tilespmem:s0], [sflag:$0x1] =	stream.linear.gather [hbm4b:s3+s0], $0x50, $0x38;
	[tilespmem:$0x1F7C0] =	vst v63  }
0x11a: {  	s4 =	rddreg [dreg:$0x17]  }
0x11b: {  	[tilespmem:s15], [sflag:$0x1] =	stream.linear.gather [hbm4b:s4+s0], $0x50, $0x38;
	[tilespmem:$0x1F7C0] =	vst v63  }
0x11c: {  	s5 =	rddreg [dreg:$0x4]  }
0x11d: {  	[tilespmem:s7], [sflag:$0x2] =	stream.linear.gather [hbm4b:s5+s0], $0x50, $0x38;
	[tilespmem:$0x1F7C0] =	vst v63  }
0x11e: {  	s6 =	rddreg [dreg:$0x5]  }
0x11f: {  	[tilespmem:s20], [sflag:$0x2] =	stream.linear.gather [hbm4b:s6+s0], $0x50, $0x38;
	[tilespmem:$0x1F7C0] =	vst v63  }
0x120: {  	s9 =	rddreg [dreg:$0x6]  }
0x121: {  	[tilespmem:s21], [sflag:$0x3] =	stream.linear.gather [hbm4b:s9+s0], $0x50, $0x38;
	[tilespmem:$0x1F7C0] =	vst v63  }
0x122: {  	s12 =	rddreg [dreg:$0x7];
	s4 =	simm.s32 $0x1E0  }
0x123: {  	[tilespmem:s4], [sflag:$0x3] =	stream.linear.gather [hbm4b:s12+s0], $0x50, $0x38;
	[tilespmem:$0x1F7C0] =	vst v63  }
0x124: {  	s13 =	rddreg [dreg:$0x8]  }
0x125: {  	[tilespmem:s8], [sflag:$0x4] =	stream.linear.gather [hbm4b:s13+s0], $0x50, $0x38;
	[tilespmem:$0x1F7C0] =	vst v63  }
0x126: {  	s5 =	simm.s32 $0x230;
	s4 =	rddreg [dreg:$0x9]  }
0x127: {  	[tilespmem:s5], [sflag:$0x4] =	stream.linear.gather [hbm4b:s4+s0], $0x50, $0x38;
	[tilespmem:$0x1F7C0] =	vst v63  }
0x128: {  	_ =	swait.ge [sflag:s14], $0x50  }
0x129: {  	[sflag:s14] =	ssyncset.done $0x0  }
0x12a: {  	[sflag:s14] =	ssyncadd.s32 $0xFFFFFFB0  }
0x12b: {  	_ =	swait.ge [sflag:s14], $0x50  }
0x12c: {  	[sflag:s14] =	ssyncset.done $0x0  }
0x12d: {  	[sflag:s14] =	ssyncadd.s32 $0xFFFFFFB0  }
0x12e: {  	v3 =	vld [tilespmem:$0x140]  }
0x12f: {  	v4 =	vld [tilespmem:$0x150]  }
0x130: {  	v5 =	vld [tilespmem:$0x160]  }
0x131: {  	v6 =	vld [tilespmem:$0x170]  }
0x132: {  	v7 =	vld [tilespmem:$0x180]  }
0x133: {  	v3 =	vsub.s32 v3, v1  }
0x134: {  	v4 =	vsub.s32 v4, v1;
	vm0 =	vlt.u32 v3, $0xC350  }
0x135: {  	v5 =	vsub.s32 v5, v1;
	vm9 =	vlt.u32 v4, $0xC350;
	v3 =	vsel vm0, v3, v0  }
0x136: {  	v13 =	vsub.s32 v6, v1;
	vm10 =	vlt.u32 v5, $0xC350;
	[tilespmem:$0x280] =	vst v3;
	v3 =	vsel vm9, v4, v0  }
0x137: {  	v14 =	vsub.s32 v7, v1;
	vm11 =	vlt.u32 v13, $0xC350;
	[tilespmem:$0x290] =	vst v3;
	v3 =	vsel vm10, v5, v0  }
0x138: {  	vm12 =	vlt.u32 v14, $0xC350;
	[tilespmem:$0x2A0] =	vst v3;
	v3 =	vsel vm11, v13, v0  }
0x139: {  	[tilespmem:$0x2B0] =	vst v3;
	v3 =	vsel vm12, v14, v0  }
0x13a: {  	[tilespmem:$0x2C0] =	vst v3  }
0x13b: {  	[tilespmem:s11], [sflag:$0x5] =	stream.indirect.gather [hbm4b:s28+s7], $0x20, s0, s7, $0xb8;
	[tilespmem:$0x1F7C0] =	vst v63  }
0x13c: {  	s6 =	rddreg [dreg:$0xa]  }
0x13d: {  	[tilespmem:s30], [sflag:$0x9] =	stream.linear.gather [hbm4b:s6+s0], $0xA00, $0x38;
	[tilespmem:$0x1F7C0] =	vst v63  }
0x13e: {  	_ =	swait.ge [sflag:s17], $0x50  }
0x13f: {  	[sflag:s17] =	ssyncset.done $0x0  }
0x140: {  	[sflag:s17] =	ssyncadd.s32 $0xFFFFFFB0  }
0x141: {  	_ =	swait.ge [sflag:s17], $0x50  }
0x142: {  	[sflag:s17] =	ssyncset.done $0x0  }
0x143: {  	[sflag:s17] =	ssyncadd.s32 $0xFFFFFFB0  }
0x144: {  	v3 =	vld [tilespmem:$0x190]  }
0x145: {  	v15 =	vld [tilespmem:$0x1A0]  }
0x146: {  	v16 =	vld [tilespmem:$0x1B0]  }
0x147: {  	v17 =	vld [tilespmem:$0x1C0]  }
0x148: {  	v18 =	vld [tilespmem:$0x1D0]  }
0x149: {  	v3 =	vsub.s32 v3, v1  }
0x14a: {  	v4 =	vsub.s32 v15, v1;
	vm13 =	vlt.u32 v3, $0xC350  }
0x14b: {  	v5 =	vsub.s32 v16, v1;
	vm14 =	vlt.u32 v4, $0xC350;
	v3 =	vsel vm13, v3, v0  }
0x14c: {  	v19 =	vsub.s32 v17, v1;
	vm15 =	vlt.u32 v5, $0xC350;
	[tilespmem:$0x2D0] =	vst v3;
	v3 =	vsel vm14, v4, v0  }
0x14d: {  	v20 =	vsub.s32 v18, v1;
	vm4 =	vlt.u32 v19, $0xC350;
	[tilespmem:$0x2E0] =	vst v3;
	v3 =	vsel vm15, v5, v0  }
0x14e: {  	vm5 =	vlt.u32 v20, $0xC350;
	[tilespmem:$0x2F0] =	vst v3;
	v3 =	vsel vm4, v19, v0  }
0x14f: {  	[tilespmem:$0x300] =	vst v3;
	v3 =	vsel vm5, v20, v0  }
0x150: {  	[tilespmem:$0x310] =	vst v3  }
0x151: {  	[tilespmem:s24], [sflag:$0x6] =	stream.indirect.gather [hbm4b:s28+s7], $0x20, s7, s7, $0xb8;
	[tilespmem:$0x1F7C0] =	vst v63  }
0x152: {  	s9 =	simm.s32 $0x5;
	s6 =	simm.s32 $0x35C0;
	s8 =	rddreg [dreg:$0xb]  }
0x153: {  	[tilespmem:s6], [sflag:$0xA] =	stream.linear.gather [hbm4b:s8+s0], $0xA00, $0x38;
	[tilespmem:$0x1F7C0] =	vst v63  }
0x154: {  	_ =	swait.ge [sflag:s9], $0xA00  }
0x155: {  	[sflag:s9] =	ssyncset.done $0x0  }
0x156: {  	s8 =	simm.s32 $0x9;
	[sflag:s9] =	ssyncadd.s32 $0xFFFFF600  }
0x157: {  	_ =	swait.ge [sflag:s8], $0xA00  }
0x158: {  	[sflag:s8] =	ssyncset.done $0x0  }
0x159: {  	s12 =	rddreg [dreg:$0xc];
	[sflag:s8] =	ssyncadd.s32 $0xFFFFF600  }
0x15a: {  	[tilespmem:s0], [sflag:$0x1] =	stream.linear.gather [hbm4b:s12+s0], $0x50, $0x38;
	[tilespmem:$0x1F7C0] =	vst v63  }
0x15b: {  	s13 =	rddreg [dreg:$0xd]  }
0x15c: {  	[tilespmem:s15], [sflag:$0x1] =	stream.linear.gather [hbm4b:s13+s0], $0x50, $0x38;
	[tilespmem:$0x1F7C0] =	vst v63  }
0x15d: {  	s4 =	simm.s32 $0x280  }
0x15e: {  	[spmem:s26] =	stream.indirect.scatter.add.f32 [tilespmem:s11], [sflag:$0xD], $0x20, s4, s7, $0xb8;
	[tilespmem:$0x1F7C0] =	vst v63  }
0x15f: {  	_ = 	snop  }
0x160: {  	[spmem:s26] =	stream.indirect.scatter.add.f32 [tilespmem:s30], [sflag:$0xD], $0x20, s4, s7, $0xb8;
	[tilespmem:$0x1F7C0] =	vst v63  }
0x161: {  	_ =	swait.ge [sflag:s25], $0x50  }
0x162: {  	[sflag:s25] =	ssyncset.done $0x0  }
0x163: {  	[sflag:s25] =	ssyncadd.s32 $0xFFFFFFB0  }
0x164: {  	_ =	swait.ge [sflag:s25], $0x50  }
0x165: {  	[sflag:s25] =	ssyncset.done $0x0  }
0x166: {  	[sflag:s25] =	ssyncadd.s32 $0xFFFFFFB0  }
0x167: {  	v3 =	vld [tilespmem:$0x1E0]  }
0x168: {  	v21 =	vld [tilespmem:$0x1F0]  }
0x169: {  	v22 =	vld [tilespmem:$0x200]  }
0x16a: {  	v23 =	vld [tilespmem:$0x210]  }
0x16b: {  	v24 =	vld [tilespmem:$0x220]  }
0x16c: {  	v3 =	vsub.s32 v3, v1  }
0x16d: {  	v4 =	vsub.s32 v21, v1;
	vm6 =	vlt.u32 v3, $0xC350  }
0x16e: {  	v5 =	vsub.s32 v22, v1;
	vm7 =	vlt.u32 v4, $0xC350;
	v3 =	vsel vm6, v3, v0  }
0x16f: {  	v25 =	vsub.s32 v23, v1;
	vm8 =	vlt.u32 v5, $0xC350;
	[tilespmem:$0x320] =	vst v3;
	v3 =	vsel vm7, v4, v0  }
0x170: {  	v26 =	vsub.s32 v24, v1;
	vm9 =	vlt.u32 v25, $0xC350;
	[tilespmem:$0x330] =	vst v3;
	v3 =	vsel vm8, v5, v0  }
0x171: {  	vm10 =	vlt.u32 v26, $0xC350;
	[tilespmem:$0x340] =	vst v3;
	v3 =	vsel vm9, v25, v0  }
0x172: {  	[tilespmem:$0x350] =	vst v3;
	v3 =	vsel vm10, v26, v0  }
0x173: {  	[tilespmem:$0x360] =	vst v3  }
0x174: {  	[tilespmem:s23], [sflag:$0x7] =	stream.indirect.gather [hbm4b:s28+s7], $0x20, s21, s7, $0xb8;
	[tilespmem:$0x1F7C0] =	vst v63  }
0x175: {  	s5 =	rddreg [dreg:$0xe]  }
0x176: {  	[tilespmem:s29], [sflag:$0xB] =	stream.linear.gather [hbm4b:s5+s0], $0xA00, $0x38;
	[tilespmem:$0x1F7C0] =	vst v63  }
0x177: {  	_ =	swait.ge [sflag:s22], $0xA00  }
0x178: {  	[sflag:s22] =	ssyncset.done $0x0  }
0x179: {  	s13 =	simm.s32 $0xA;
	[sflag:s22] =	ssyncadd.s32 $0xFFFFF600  }
0x17a: {  	_ =	swait.ge [sflag:s13], $0xA00  }
0x17b: {  	[sflag:s13] =	ssyncset.done $0x0  }
0x17c: {  	s12 =	rddreg [dreg:$0xf];
	[sflag:s13] =	ssyncadd.s32 $0xFFFFF600  }
0x17d: {  	[tilespmem:s7], [sflag:$0x2] =	stream.linear.gather [hbm4b:s12+s0], $0x50, $0x38;
	[tilespmem:$0x1F7C0] =	vst v63  }
0x17e: {  	s22 =	rddreg [dreg:$0x10]  }
0x17f: {  	[tilespmem:s20], [sflag:$0x2] =	stream.linear.gather [hbm4b:s22+s0], $0x50, $0x38;
	[tilespmem:$0x1F7C0] =	vst v63  }
0x180: {  	s23 =	simm.s32 $0x2D0  }
0x181: {  	[spmem:s26] =	stream.indirect.scatter.add.f32 [tilespmem:s24], [sflag:$0xE], $0x20, s23, s7, $0xb8;
	[tilespmem:$0x1F7C0] =	vst v63  }
0x182: {  	_ = 	snop  }
0x183: {  	[spmem:s26] =	stream.indirect.scatter.add.f32 [tilespmem:s6], [sflag:$0xE], $0x20, s23, s7, $0xb8;
	[tilespmem:$0x1F7C0] =	vst v63  }
0x184: {  	_ =	swait.ge [sflag:s2], $0x50  }
0x185: {  	[sflag:s2] =	ssyncset.done $0x0  }
0x186: {  	[sflag:s2] =	ssyncadd.s32 $0xFFFFFFB0  }
0x187: {  	_ =	swait.ge [sflag:s2], $0x50  }
0x188: {  	[sflag:s2] =	ssyncset.done $0x0  }
0x189: {  	[sflag:s2] =	ssyncadd.s32 $0xFFFFFFB0  }
0x18a: {  	v3 =	vld [tilespmem:$0x230]  }
0x18b: {  	v27 =	vld [tilespmem:$0x240]  }
0x18c: {  	v28 =	vld [tilespmem:$0x250]  }
0x18d: {  	v29 =	vld [tilespmem:$0x260]  }
0x18e: {  	v30 =	vld [tilespmem:$0x270]  }
0x18f: {  	v3 =	vsub.s32 v3, v1  }
0x190: {  	v4 =	vsub.s32 v27, v1;
	vm11 =	vlt.u32 v3, $0xC350  }
0x191: {  	v5 =	vsub.s32 v28, v1;
	vm12 =	vlt.u32 v4, $0xC350;
	v3 =	vsel vm11, v3, v0  }
0x192: {  	v31 =	vsub.s32 v29, v1;
	vm13 =	vlt.u32 v5, $0xC350;
	[tilespmem:$0x370] =	vst v3;
	v3 =	vsel vm12, v4, v0  }
0x193: {  	v32 =	vsub.s32 v30, v1;
	vm14 =	vlt.u32 v31, $0xC350;
	[tilespmem:$0x380] =	vst v3;
	v3 =	vsel vm13, v5, v0  }
0x194: {  	vm15 =	vlt.u32 v32, $0xC350;
	[tilespmem:$0x390] =	vst v3;
	v3 =	vsel vm14, v31, v0  }
0x195: {  	[tilespmem:$0x3A0] =	vst v3;
	v3 =	vsel vm15, v32, v0  }
0x196: {  	s9 =	simm.s32 $0xF0;
	s24 =	simm.s32 $0x21C0;
	[tilespmem:$0x3B0] =	vst v3  }
0x197: {  	[tilespmem:s24], [sflag:$0x8] =	stream.indirect.gather [hbm4b:s28+s7], $0x20, s9, s7, $0xb8;
	[tilespmem:$0x1F7C0] =	vst v63  }
0x198: {  	s4 =	rddreg [dreg:$0x11]  }
0x199: {  	[tilespmem:s31], [sflag:$0xC] =	stream.linear.gather [hbm4b:s4+s0], $0xA00, $0x38;
	[tilespmem:$0x1F7C0] =	vst v63  }
0x19a: {  	s31 =	simm.s32 $0x7  }
0x19b: {  	_ =	swait.ge [sflag:s31], $0xA00  }
0x19c: {  	[sflag:s31] =	ssyncset.done $0x0  }
0x19d: {  	s24 =	simm.s32 $0xB;
	[sflag:s31] =	ssyncadd.s32 $0xFFFFF600  }
0x19e: {  	_ =	swait.ge [sflag:s24], $0xA00  }
0x19f: {  	[sflag:s24] =	ssyncset.done $0x0  }
0x1a0: {  	s5 =	rddreg [dreg:$0x14];
	[sflag:s24] =	ssyncadd.s32 $0xFFFFF600  }
0x1a1: {  	[tilespmem:s21], [sflag:$0x3] =	stream.linear.gather [hbm4b:s5+s0], $0x50, $0x38;
	[tilespmem:$0x1F7C0] =	vst v63  }
0x1a2: {  	s21 =	rddreg [dreg:$0x15];
	s5 =	simm.s32 $0x1E0  }
0x1a3: {  	[tilespmem:s5], [sflag:$0x3] =	stream.linear.gather [hbm4b:s21+s0], $0x50, $0x38;
	[tilespmem:$0x1F7C0] =	vst v63  }
0x1a4: {  	s9 =	simm.s32 $0x17C0;
	s21 =	simm.s32 $0x320  }
0x1a5: {  	[spmem:s26] =	stream.indirect.scatter.add.f32 [tilespmem:s9], [sflag:$0xF], $0x20, s21, s7, $0xb8;
	[tilespmem:$0x1F7C0] =	vst v63  }
0x1a6: {  	s4 =	simm.s32 $0x3FC0  }
0x1a7: {  	[spmem:s26] =	stream.indirect.scatter.add.f32 [tilespmem:s4], [sflag:$0xF], $0x20, s21, s7, $0xb8;
	[tilespmem:$0x1F7C0] =	vst v63  }
0x1a8: {  	_ =	swait.ge [sflag:s10], $0xA00  }
0x1a9: {  	[sflag:s10] =	ssyncset.done $0x0  }
0x1aa: {  	[sflag:s10] =	ssyncadd.s32 $0xFFFFF600  }
0x1ab: {  	_ =	swait.ge [sflag:s10], $0xA00  }
0x1ac: {  	[sflag:s10] =	ssyncset.done $0x0  }
0x1ad: {  	[sflag:s10] =	ssyncadd.s32 $0xFFFFF600  }
0x1ae: {  	_ =	swait.ge [sflag:s14], $0x50  }
0x1af: {  	[sflag:s14] =	ssyncset.done $0x0  }
0x1b0: {  	[sflag:s14] =	ssyncadd.s32 $0xFFFFFFB0  }
0x1b1: {  	_ =	swait.ge [sflag:s14], $0x50  }
0x1b2: {  	[sflag:s14] =	ssyncset.done $0x0  }
0x1b3: {  	[sflag:s14] =	ssyncadd.s32 $0xFFFFFFB0  }
0x1b4: {  	v3 =	vld [tilespmem:$0x140]  }
0x1b5: {  	v33 =	vld [tilespmem:$0x150]  }
0x1b6: {  	v34 =	vld [tilespmem:$0x160]  }
0x1b7: {  	v35 =	vld [tilespmem:$0x170]  }
0x1b8: {  	v36 =	vld [tilespmem:$0x180]  }
0x1b9: {  	v3 =	vsub.s32 v3, v1  }
0x1ba: {  	v4 =	vsub.s32 v33, v1;
	vm4 =	vlt.u32 v3, $0xC350  }
0x1bb: {  	v5 =	vsub.s32 v34, v1;
	vm5 =	vlt.u32 v4, $0xC350;
	v3 =	vsel vm4, v3, v0  }
0x1bc: {  	v37 =	vsub.s32 v35, v1;
	vm6 =	vlt.u32 v5, $0xC350;
	[tilespmem:$0x280] =	vst v3;
	v3 =	vsel vm5, v4, v0  }
0x1bd: {  	v38 =	vsub.s32 v36, v1;
	vm7 =	vlt.u32 v37, $0xC350;
	[tilespmem:$0x290] =	vst v3;
	v3 =	vsel vm6, v5, v0  }
0x1be: {  	vm8 =	vlt.u32 v38, $0xC350;
	[tilespmem:$0x2A0] =	vst v3;
	v3 =	vsel vm7, v37, v0  }
0x1bf: {  	[tilespmem:$0x2B0] =	vst v3;
	v3 =	vsel vm8, v38, v0  }
0x1c0: {  	[tilespmem:$0x2C0] =	vst v3  }
0x1c1: {  	[tilespmem:s11], [sflag:$0x5] =	stream.indirect.gather [hbm4b:s28+s7], $0x20, s0, s7, $0xb8;
	[tilespmem:$0x1F7C0] =	vst v63  }
0x1c2: {  	s21 =	simm.s32 $0x8;
	s5 =	rddreg [dreg:$0x12]  }
0x1c3: {  	[tilespmem:s30], [sflag:$0x9] =	stream.linear.gather [hbm4b:s5+s0], $0xA00, $0x38;
	[tilespmem:$0x1F7C0] =	vst v63  }
0x1c4: {  	_ =	swait.ge [sflag:s21], $0xA00  }
0x1c5: {  	[sflag:s21] =	ssyncset.done $0x0  }
0x1c6: {  	s14 =	simm.s32 $0xC;
	[sflag:s21] =	ssyncadd.s32 $0xFFFFF600  }
0x1c7: {  	_ =	swait.ge [sflag:s14], $0xA00  }
0x1c8: {  	[sflag:s14] =	ssyncset.done $0x0  }
0x1c9: {  	s12 =	simm.s32 $0xF0;
	s9 =	rddreg [dreg:$0x18];
	[sflag:s14] =	ssyncadd.s32 $0xFFFFF600  }
0x1ca: {  	[tilespmem:s12], [sflag:$0x4] =	stream.linear.gather [hbm4b:s9+s0], $0x50, $0x38;
	[tilespmem:$0x1F7C0] =	vst v63  }
0x1cb: {  	s11 =	rddreg [dreg:$0x19];
	s12 =	simm.s32 $0x230  }
0x1cc: {  	[tilespmem:s12], [sflag:$0x4] =	stream.linear.gather [hbm4b:s11+s0], $0x50, $0x38;
	[tilespmem:$0x1F7C0] =	vst v63  }
0x1cd: {  	s23 =	simm.s32 $0x21C0;
	s30 =	simm.s32 $0x370  }
0x1ce: {  	[spmem:s26] =	stream.indirect.scatter.add.f32 [tilespmem:s23], [sflag:$0x10], $0x20, s30, s7, $0xb8;
	[tilespmem:$0x1F7C0] =	vst v63  }
0x1cf: {  	s29 =	simm.s32 $0x49C0  }
0x1d0: {  	[spmem:s26] =	stream.indirect.scatter.add.f32 [tilespmem:s29], [sflag:$0x10], $0x20, s30, s7, $0xb8;
	[tilespmem:$0x1F7C0] =	vst v63  }
0x1d1: {  	_ =	swait.ge [sflag:s16], $0xA00  }
0x1d2: {  	[sflag:s16] =	ssyncset.done $0x0  }
0x1d3: {  	[sflag:s16] =	ssyncadd.s32 $0xFFFFF600  }
0x1d4: {  	_ =	swait.ge [sflag:s16], $0xA00  }
0x1d5: {  	[sflag:s16] =	ssyncset.done $0x0  }
0x1d6: {  	[sflag:s16] =	ssyncadd.s32 $0xFFFFF600  }
0x1d7: {  	_ =	swait.ge [sflag:s17], $0x50  }
0x1d8: {  	[sflag:s17] =	ssyncset.done $0x0  }
0x1d9: {  	[sflag:s17] =	ssyncadd.s32 $0xFFFFFFB0  }
0x1da: {  	_ =	swait.ge [sflag:s17], $0x50  }
0x1db: {  	[sflag:s17] =	ssyncset.done $0x0  }
0x1dc: {  	[sflag:s17] =	ssyncadd.s32 $0xFFFFFFB0  }
0x1dd: {  	v3 =	vld [tilespmem:$0x190]  }
0x1de: {  	v39 =	vld [tilespmem:$0x1A0]  }
0x1df: {  	v40 =	vld [tilespmem:$0x1B0]  }
0x1e0: {  	v41 =	vld [tilespmem:$0x1C0]  }
0x1e1: {  	v42 =	vld [tilespmem:$0x1D0]  }
0x1e2: {  	v3 =	vsub.s32 v3, v1  }
0x1e3: {  	v4 =	vsub.s32 v39, v1;
	vm9 =	vlt.u32 v3, $0xC350  }
0x1e4: {  	v5 =	vsub.s32 v40, v1;
	vm10 =	vlt.u32 v4, $0xC350;
	v3 =	vsel vm9, v3, v0  }
0x1e5: {  	v43 =	vsub.s32 v41, v1;
	vm11 =	vlt.u32 v5, $0xC350;
	[tilespmem:$0x2D0] =	vst v3;
	v3 =	vsel vm10, v4, v0  }
0x1e6: {  	v44 =	vsub.s32 v42, v1;
	vm12 =	vlt.u32 v43, $0xC350;
	[tilespmem:$0x2E0] =	vst v3;
	v3 =	vsel vm11, v5, v0  }
0x1e7: {  	vm13 =	vlt.u32 v44, $0xC350;
	[tilespmem:$0x2F0] =	vst v3;
	v3 =	vsel vm12, v43, v0  }
0x1e8: {  	[tilespmem:$0x300] =	vst v3;
	v3 =	vsel vm13, v44, v0  }
0x1e9: {  	s22 =	simm.s32 $0xDC0;
	[tilespmem:$0x310] =	vst v3  }
0x1ea: {  	[tilespmem:s22], [sflag:$0x6] =	stream.indirect.gather [hbm4b:s28+s7], $0x20, s7, s7, $0xb8;
	[tilespmem:$0x1F7C0] =	vst v63  }
0x1eb: {  	s9 =	simm.s32 $0x5;
	s4 =	rddreg [dreg:$0x13]  }
0x1ec: {  	[tilespmem:s6], [sflag:$0xA] =	stream.linear.gather [hbm4b:s4+s0], $0xA00, $0x38;
	[tilespmem:$0x1F7C0] =	vst v63  }
0x1ed: {  	_ =	swait.ge [sflag:s9], $0xA00  }
0x1ee: {  	[sflag:s9] =	ssyncset.done $0x0  }
0x1ef: {  	[sflag:s9] =	ssyncadd.s32 $0xFFFFF600  }
0x1f0: {  	_ =	swait.ge [sflag:s8], $0xA00  }
0x1f1: {  	s12 =	sld [smem:$0x7FD]  }
0x1f2: {  	s29 =	sld [smem:$0x7FC];
	_ =	sdelay $0x1  }
0x1f3: {  	[sflag:s8] =	ssyncset.done $0x0;
	s0 =	sadd.s32 $0x0, s12  }
0x1f4: {  	[sflag:s8] =	ssyncadd.s32 $0xFFFFF600;
	s11 =	sadd.s32 $0x0, s29;
	s3 =	sadd.s32 $0x50, s0  }
0x1f5: {  	[tilespmem:s1], [sflag:$0x1] =	stream.linear.gather [hbm4b:s3+s1], $0x50, $0x38;
	[tilespmem:$0x1F7C0] =	vst v63  }
0x1f6: {  	s3 =	sadd.s32 $0x50, s11  }
0x1f7: {  	[tilespmem:s15], [sflag:$0x1] =	stream.linear.gather [hbm4b:s3+s1], $0x50, $0x38;
	[tilespmem:$0x1F7C0] =	vst v63  }
0x1f8: {  	s4 =	simm.s32 $0x3C0;
	s3 =	simm.s32 $0x280  }
0x1f9: {  	[spmem:s26] =	stream.indirect.scatter.add.f32 [tilespmem:s4], [sflag:$0xD], $0x20, s3, s7, $0xb8;
	[tilespmem:$0x1F7C0] =	vst v63  }
0x1fa: {  	s5 =	simm.s32 $0x2BC0  }
0x1fb: {  	[spmem:s26] =	stream.indirect.scatter.add.f32 [tilespmem:s5], [sflag:$0xD], $0x20, s3, s7, $0xb8;
	[tilespmem:$0x1F7C0] =	vst v63  }
0x1fc: {  	_ =	swait.ge [sflag:s18], $0xA00  }
0x1fd: {  	[sflag:s18] =	ssyncset.done $0x0  }
0x1fe: {  	[sflag:s18] =	ssyncadd.s32 $0xFFFFF600  }
0x1ff: {  	_ =	swait.ge [sflag:s18], $0xA00  }
0x200: {  	[sflag:s18] =	ssyncset.done $0x0  }
0x201: {  	[sflag:s18] =	ssyncadd.s32 $0xFFFFF600  }
0x202: {  	_ =	swait.ge [sflag:s25], $0x50  }
0x203: {  	[sflag:s25] =	ssyncset.done $0x0  }
0x204: {  	[sflag:s25] =	ssyncadd.s32 $0xFFFFFFB0  }
0x205: {  	_ =	swait.ge [sflag:s25], $0x50  }
0x206: {  	[sflag:s25] =	ssyncset.done $0x0  }
0x207: {  	[sflag:s25] =	ssyncadd.s32 $0xFFFFFFB0  }
0x208: {  	v3 =	vld [tilespmem:$0x210]  }
0x209: {  	v46 =	vld [tilespmem:$0x1F0]  }
0x20a: {  	v45 =	vld [tilespmem:$0x220]  }
0x20b: {  	v48 =	vld [tilespmem:$0x1E0]  }
0x20c: {  	v47 =	vld [tilespmem:$0x200]  }
0x20d: {  	v3 =	vsub.s32 v3, v1  }
0x20e: {  	v5 =	vsub.s32 v46, v1;
	vm14 =	vlt.u32 v3, $0xC350  }
0x20f: {  	v4 =	vsub.s32 v45, v1;
	vm1 =	vlt.u32 v5, $0xC350;
	v3 =	vsel vm14, v3, v0  }
0x210: {  	v49 =	vsub.s32 v48, v1;
	vm15 =	vlt.u32 v4, $0xC350;
	v5 =	vsel vm1, v5, v0;
	[tilespmem:$0x350] =	vst v3  }
0x211: {  	v6 =	vsub.s32 v47, v1;
	vm5 =	vlt.u32 v49, $0xC350;
	v3 =	vsel vm15, v4, v0;
	[tilespmem:$0x330] =	vst v5  }
0x212: {  	vm4 =	vlt.u32 v6, $0xC350;
	v4 =	vsel vm5, v49, v0;
	[tilespmem:$0x360] =	vst v3  }
0x213: {  	v3 =	vsel vm4, v6, v0;
	[tilespmem:$0x320] =	vst v4  }
0x214: {  	s8 =	simm.s32 $0x17C0;
	s5 =	simm.s32 $0xA0;
	[tilespmem:$0x340] =	vst v3  }
0x215: {  	[tilespmem:s8], [sflag:$0x7] =	stream.indirect.gather [hbm4b:s28+s7], $0x20, s5, s7, $0xb8;
	[tilespmem:$0x1F7C0] =	vst v63  }
0x216: {  	s5 =	rddreg [dreg:$0x1f]  }
0x217: {  	s22 =	simm.s32 $0x3FC0;
	s6 =	simm.s32 $0x6;
	s8 =	sadd.s32 $0xFFFFFC40, s5  }
0x218: {  	[tilespmem:s22], [sflag:$0xB] =	stream.linear.gather [hbm4b:s8+s1], $0xA00, $0x38;
	[tilespmem:$0x1F7C0] =	vst v63  }
0x219: {  	_ =	swait.ge [sflag:s6], $0xA00  }
0x21a: {  	[sflag:s6] =	ssyncset.done $0x0  }
0x21b: {  	[sflag:s6] =	ssyncadd.s32 $0xFFFFF600  }
0x21c: {  	_ =	swait.ge [sflag:s13], $0xA00  }
0x21d: {  	[sflag:s13] =	ssyncset.done $0x0  }
0x21e: {  	s0 =	sadd.s32 $0x5A, s0;
	[sflag:s13] =	ssyncadd.s32 $0xFFFFF600  }
0x21f: {  	[tilespmem:s7], [sflag:$0x2] =	stream.linear.gather [hbm4b:s0+s1], $0x50, $0x38;
	[tilespmem:$0x1F7C0] =	vst v63  }
0x220: {  	s22 =	sadd.s32 $0x5A, s11  }
0x221: {  	[tilespmem:s20], [sflag:$0x2] =	stream.linear.gather [hbm4b:s22+s1], $0x50, $0x38;
	[tilespmem:$0x1F7C0] =	vst v63  }
0x222: {  	s23 =	simm.s32 $0xDC0;
	s3 =	simm.s32 $0x2D0  }
0x223: {  	[spmem:s26] =	stream.indirect.scatter.add.f32 [tilespmem:s23], [sflag:$0xE], $0x20, s3, s7, $0xb8;
	[tilespmem:$0x1F7C0] =	vst v63  }
0x224: {  	s6 =	simm.s32 $0x35C0  }
0x225: {  	[spmem:s26] =	stream.indirect.scatter.add.f32 [tilespmem:s6], [sflag:$0xE], $0x20, s3, s7, $0xb8;
	[tilespmem:$0x1F7C0] =	vst v63  }
0x226: {  	_ =	swait.ge [sflag:s19], $0xA00  }
0x227: {  	[sflag:s19] =	ssyncset.done $0x0  }
0x228: {  	[sflag:s19] =	ssyncadd.s32 $0xFFFFF600  }
0x229: {  	_ =	swait.ge [sflag:s19], $0xA00  }
0x22a: {  	[sflag:s19] =	ssyncset.done $0x0  }
0x22b: {  	[sflag:s19] =	ssyncadd.s32 $0xFFFFF600  }
0x22c: {  	_ =	swait.ge [sflag:s2], $0x50  }
0x22d: {  	[sflag:s2] =	ssyncset.done $0x0  }
0x22e: {  	[sflag:s2] =	ssyncadd.s32 $0xFFFFFFB0  }
0x22f: {  	_ =	swait.ge [sflag:s2], $0x50  }
0x230: {  	[sflag:s2] =	ssyncset.done $0x0  }
0x231: {  	[sflag:s2] =	ssyncadd.s32 $0xFFFFFFB0  }
0x232: {  	v3 =	vld [tilespmem:$0x230]  }
0x233: {  	v53 =	vld [tilespmem:$0x260]  }
0x234: {  	v50 =	vld [tilespmem:$0x240]  }
0x235: {  	v51 =	vld [tilespmem:$0x250]  }
0x236: {  	v52 =	vld [tilespmem:$0x270]  }
0x237: {  	v3 =	vsub.s32 v3, v1  }
0x238: {  	v55 =	vsub.s32 v53, v1;
	vm6 =	vlt.u32 v3, $0xC350  }
0x239: {  	v4 =	vsub.s32 v50, v1;
	vm10 =	vlt.u32 v55, $0xC350;
	v3 =	vsel vm6, v3, v0  }
0x23a: {  	v5 =	vsub.s32 v51, v1;
	vm7 =	vlt.u32 v4, $0xC350;
	v56 =	vsel vm10, v55, v0;
	[tilespmem:$0x370] =	vst v3  }
0x23b: {  	v54 =	vsub.s32 v52, v1;
	vm8 =	vlt.u32 v5, $0xC350;
	v3 =	vsel vm7, v4, v0;
	[tilespmem:$0x3A0] =	vst v56  }
0x23c: {  	vm9 =	vlt.u32 v54, $0xC350;
	[tilespmem:$0x380] =	vst v3;
	v3 =	vsel vm8, v5, v0  }
0x23d: {  	[tilespmem:$0x390] =	vst v3;
	v3 =	vsel vm9, v54, v0  }
0x23e: {  	s8 =	simm.s32 $0x21C0;
	s11 =	simm.s32 $0xF0;
	[tilespmem:$0x3B0] =	vst v3  }
0x23f: {  	[tilespmem:s8], [sflag:$0x8] =	stream.indirect.gather [hbm4b:s28+s7], $0x20, s11, s7, $0xb8;
	[tilespmem:$0x1F7C0] =	vst v63  }
0x240: {  	s13 =	sadd.s32 $0xFFFFFD80, s5;
	s22 =	simm.s32 $0x49C0  }
0x241: {  	[tilespmem:s22], [sflag:$0xC] =	stream.linear.gather [hbm4b:s13+s1], $0xA00, $0x38;
	[tilespmem:$0x1F7C0] =	vst v63  }
0x242: {  	_ =	swait.ge [sflag:s31], $0xA00  }
0x243: {  	[sflag:s31] =	ssyncset.done $0x0  }
0x244: {  	p1 =	por $0x0, $0x0;
	[sflag:s31] =	ssyncadd.s32 $0xFFFFF600  }
0x245: {  	s0 =	sadd.s32 @!p1 $0x0, s12;
	_ =	swait.ge [sflag:s24], $0xA00  }
0x246: {  	s3 =	sadd.s32 @!p1 $0x0, s29;
	s11 =	simm.s32 @!p1 $0xA0;
	[sflag:s24] =	ssyncset.done $0x0  }
0x247: {  	s13 =	sadd.s32 @!p1 $0x64, s0;
	[sflag:s24] =	ssyncadd.s32 $0xFFFFF600;
	s24 =	simm.s32 @!p1 $0x0  }
0x248: {  	[tilespmem:s11], [sflag:$0x3] =	stream.linear.gather @!p1 [hbm4b:s13+s24], $0x50, $0x38;
	[tilespmem:$0x1F7C0] =	vst v63  }
0x249: {  	s11 =	sadd.s32 @!p1 $0x64, s3;
	s13 =	simm.s32 @!p1 $0x1E0  }
0x24a: {  	[tilespmem:s13], [sflag:$0x3] =	stream.linear.gather @!p1 [hbm4b:s11+s24], $0x50, $0x38;
	[tilespmem:$0x1F7C0] =	vst v63  }
0x24b: {  	s23 =	simm.s32 $0x320;
	s31 =	simm.s32 $0x17C0  }
0x24c: {  	[spmem:s26] =	stream.indirect.scatter.add.f32 [tilespmem:s31], [sflag:$0xF], $0x20, s23, s7, $0xb8;
	[tilespmem:$0x1F7C0] =	vst v63  }
0x24d: {  	s4 =	simm.s32 $0x3FC0  }
0x24e: {  	[spmem:s26] =	stream.indirect.scatter.add.f32 [tilespmem:s4], [sflag:$0xF], $0x20, s23, s7, $0xb8;
	[tilespmem:$0x1F7C0] =	vst v63  }
0x24f: {  	_ =	swait.ge [sflag:s10], $0xA00  }
0x250: {  	[sflag:s10] =	ssyncset.done $0x0  }
0x251: {  	[sflag:s10] =	ssyncadd.s32 $0xFFFFF600  }
0x252: {  	_ =	swait.ge [sflag:s10], $0xA00  }
0x253: {  	[sflag:s10] =	ssyncset.done $0x0  }
0x254: {  	s13 =	simm.s32 $0x1;
	[sflag:s10] =	ssyncadd.s32 $0xFFFFF600  }
0x255: {  	_ =	swait.ge [sflag:s13], $0x50  }
0x256: {  	[sflag:s13] =	ssyncset.done $0x0  }
0x257: {  	[sflag:s13] =	ssyncadd.s32 $0xFFFFFFB0  }
0x258: {  	_ =	swait.ge [sflag:s13], $0x50  }
0x259: {  	[sflag:s13] =	ssyncset.done $0x0  }
0x25a: {  	[sflag:s13] =	ssyncadd.s32 $0xFFFFFFB0  }
0x25b: {  	v3 =	vld [tilespmem:$0x140]  }
0x25c: {  	v60 =	vld [tilespmem:$0x170]  }
0x25d: {  	v57 =	vld [tilespmem:$0x150]  }
0x25e: {  	v58 =	vld [tilespmem:$0x160]  }
0x25f: {  	v59 =	vld [tilespmem:$0x180]  }
0x260: {  	v3 =	vsub.s32 v3, v1  }
0x261: {  	v62 =	vsub.s32 v60, v1;
	vm11 =	vlt.u32 v3, $0xC350  }
0x262: {  	v4 =	vsub.s32 v57, v1;
	vm15 =	vlt.u32 v62, $0xC350;
	v3 =	vsel vm11, v3, v0  }
0x263: {  	v5 =	vsub.s32 v58, v1;
	vm12 =	vlt.u32 v4, $0xC350;
	v63 =	vsel vm15, v62, v0;
	[tilespmem:$0x280] =	vst v3  }
0x264: {  	v61 =	vsub.s32 v59, v1;
	vm13 =	vlt.u32 v5, $0xC350;
	v3 =	vsel vm12, v4, v0;
	[tilespmem:$0x2B0] =	vst v63  }
0x265: {  	vm14 =	vlt.u32 v61, $0xC350;
	[tilespmem:$0x290] =	vst v3;
	v3 =	vsel vm13, v5, v0  }
0x266: {  	[tilespmem:$0x2A0] =	vst v3;
	v3 =	vsel vm14, v61, v0  }
0x267: {  	s22 =	simm.s32 $0x3C0;
	[tilespmem:$0x2C0] =	vst v3  }
0x268: {  	[tilespmem:s22], [sflag:$0x5] =	stream.indirect.gather [hbm4b:s28+s7], $0x20, s1, s7, $0xb8;
	[tilespmem:$0x1F7C0] =	vst v63  }
0x269: {  	s31 =	simm.s32 $0x2BC0;
	s23 =	sadd.s32 $0xFFFFFEC0, s5  }
0x26a: {  	[tilespmem:s31], [sflag:$0x9] =	stream.linear.gather [hbm4b:s23+s1], $0xA00, $0x38;
	[tilespmem:$0x1F7C0] =	vst v63  }
0x26b: {  	_ =	swait.ge [sflag:s21], $0xA00  }
0x26c: {  	[sflag:s21] =	ssyncset.done $0x0  }
0x26d: {  	[sflag:s21] =	ssyncadd.s32 $0xFFFFF600  }
0x26e: {  	_ =	swait.ge [sflag:s14], $0xA00  }
0x26f: {  	s8 =	simm.s32 $0x21C0;
	[sflag:s14] =	ssyncset.done $0x0  }
0x270: {  	s0 =	sadd.s32 @!p1 $0x6E, s0;
	s11 =	simm.s32 @!p1 $0xF0;
	[sflag:s14] =	ssyncadd.s32 $0xFFFFF600  }
0x271: {  	[tilespmem:s11], [sflag:$0x4] =	stream.linear.gather @!p1 [hbm4b:s0+s24], $0x50, $0x38;
	[tilespmem:$0x1F7C0] =	vst v63  }
0x272: {  	s13 =	smov.u32 s5;
	s0 =	sadd.s32 @!p1 $0x6E, s3;
	s3 =	simm.s32 @!p1 $0x230  }
0x273: {  	[tilespmem:s3], [sflag:$0x4] =	stream.linear.gather @!p1 [hbm4b:s0+s24], $0x50, $0x38;
	[tilespmem:$0x1F7C0] =	vst v63  }
0x274: {  	s11 =	simm.s32 $0x28;
	s24 =	smov.u32 s5;
	s5 =	simm.s32 $0x21C0  }
0x275: {  	[spmem:s26] =	stream.indirect.scatter.add.f32 [tilespmem:s8], [sflag:$0x10], $0x20, s30, s7, $0xb8;
	[tilespmem:$0x1F7C0] =	vst v63  }
.LBB2_4:
0x276: {  	s13 =	sadd.s32 $0x500, s13  }
0x277: {  	s0 =	smov.u32 s11;
	s11 =	sadd.s32 $0x28, s11;
	s6 =	simm.s32 $0x49C0  }
0x278: {  	[spmem:s26] =	stream.indirect.scatter.add.f32 [tilespmem:s6], [sflag:$0x10], $0x20, s30, s7, $0xb8;
	[tilespmem:$0x1F7C0] =	vst v63  }
0x279: {  	p1 =	sne.s32 s11, $0x3098;
	_ =	swait.ge [sflag:s16], $0xA00  }
0x27a: {  	[sflag:s16] =	ssyncset.done $0x0  }
0x27b: {  	[sflag:s16] =	ssyncadd.s32 $0xFFFFF600  }
0x27c: {  	_ =	swait.ge [sflag:s16], $0xA00  }
0x27d: {  	[sflag:s16] =	ssyncset.done $0x0  }
0x27e: {  	[sflag:s16] =	ssyncadd.s32 $0xFFFFF600  }
0x27f: {  	_ =	swait.ge [sflag:s17], $0x50  }
0x280: {  	[sflag:s17] =	ssyncset.done $0x0  }
0x281: {  	[sflag:s17] =	ssyncadd.s32 $0xFFFFFFB0  }
0x282: {  	_ =	swait.ge [sflag:s17], $0x50  }
0x283: {  	[sflag:s17] =	ssyncset.done $0x0  }
0x284: {  	[sflag:s17] =	ssyncadd.s32 $0xFFFFFFB0  }
0x285: {  	v3 =	vld [tilespmem:$0x190]  }
0x286: {  	v4 =	vld [tilespmem:$0x1A0]  }
0x287: {  	v5 =	vld [tilespmem:$0x1B0]  }
0x288: {  	v6 =	vld [tilespmem:$0x1C0];
	_ =	sdelay $0x1  }
0x289: {  	v3 =	vsub.s32 v3, v1  }
0x28a: {  	vm0 =	vlt.u32 v3, $0xC350;
	v4 =	vsub.s32 v4, v1;
	v7 =	vld [tilespmem:$0x1D0]  }
0x28b: {  	v3 =	vsel vm0, v3, v0;
	vm0 =	vlt.u32 v4, $0xC350;
	v5 =	vsub.s32 v5, v1  }
0x28c: {  	[tilespmem:$0x2D0] =	vst v3;
	v3 =	vsel vm0, v4, v0;
	vm0 =	vlt.u32 v5, $0xC350;
	v4 =	vsub.s32 v6, v1  }
0x28d: {  	[tilespmem:$0x2E0] =	vst v3;
	v3 =	vsel vm0, v5, v0;
	vm0 =	vlt.u32 v4, $0xC350  }
0x28e: {  	[tilespmem:$0x2F0] =	vst v3;
	v3 =	vsel vm0, v4, v0  }
0x28f: {  	[tilespmem:$0x300] =	vst v3;
	v3 =	vsub.s32 v7, v1  }
0x290: {  	vm0 =	vlt.u32 v3, $0xC350  }
0x291: {  	v3 =	vsel vm0, v3, v0  }
0x292: {  	s21 =	simm.s32 $0xDC0;
	[tilespmem:$0x310] =	vst v3  }
0x293: {  	[tilespmem:s21], [sflag:$0x6] =	stream.indirect.gather [hbm4b:s28+s7], $0x20, s7, s7, $0xb8;
	[tilespmem:$0x1F7C0] =	vst v63  }
0x294: {  	s31 =	simm.s32 $0x35C0  }
0x295: {  	[tilespmem:s31], [sflag:$0xA] =	stream.linear.gather [hbm4b:s24+s1], $0xA00, $0x38;
	[tilespmem:$0x1F7C0] =	vst v63  }
0x296: {  	s24 =	smov.u32 s13;
	_ =	sdelay $0x1  }
0x297: {  	_ =	swait.ge [sflag:s9], $0xA00  }
0x298: {  	[sflag:s9] =	ssyncset.done $0x0  }
0x299: {  	s3 =	simm.s32 $0x9;
	[sflag:s9] =	ssyncadd.s32 $0xFFFFF600  }
0x29a: {  	_ =	swait.ge [sflag:s3], $0xA00  }
0x29b: {  	s30 =	sadd.s32 s0, s12;
	[sflag:s3] =	ssyncset.done $0x0  }
0x29c: {  	s9 =	sadd.s32 $0x50, s30;
	[sflag:s3] =	ssyncadd.s32 $0xFFFFF600;
	s3 =	sadd.s32 s0, s29  }
0x29d: {  	[tilespmem:s1], [sflag:$0x1] =	stream.linear.gather [hbm4b:s9+s1], $0x50, $0x38;
	[tilespmem:$0x1F7C0] =	vst v63  }
0x29e: {  	s9 =	sadd.s32 $0x50, s3  }
0x29f: {  	[tilespmem:s15], [sflag:$0x1] =	stream.linear.gather [hbm4b:s9+s1], $0x50, $0x38;
	[tilespmem:$0x1F7C0] =	vst v63  }
0x2a0: {  	s22 =	simm.s32 $0x3C0;
	s9 =	simm.s32 $0x280  }
0x2a1: {  	[spmem:s26] =	stream.indirect.scatter.add.f32 [tilespmem:s22], [sflag:$0xD], $0x20, s9, s7, $0xb8;
	[tilespmem:$0x1F7C0] =	vst v63  }
0x2a2: {  	s23 =	simm.s32 $0x2BC0  }
0x2a3: {  	[spmem:s26] =	stream.indirect.scatter.add.f32 [tilespmem:s23], [sflag:$0xD], $0x20, s9, s7, $0xb8;
	[tilespmem:$0x1F7C0] =	vst v63  }
0x2a4: {  	_ =	swait.ge [sflag:s18], $0xA00  }
0x2a5: {  	[sflag:s18] =	ssyncset.done $0x0  }
0x2a6: {  	[sflag:s18] =	ssyncadd.s32 $0xFFFFF600  }
0x2a7: {  	_ =	swait.ge [sflag:s18], $0xA00  }
0x2a8: {  	[sflag:s18] =	ssyncset.done $0x0  }
0x2a9: {  	[sflag:s18] =	ssyncadd.s32 $0xFFFFF600  }
0x2aa: {  	_ =	swait.ge [sflag:s25], $0x50  }
0x2ab: {  	[sflag:s25] =	ssyncset.done $0x0  }
0x2ac: {  	[sflag:s25] =	ssyncadd.s32 $0xFFFFFFB0  }
0x2ad: {  	_ =	swait.ge [sflag:s25], $0x50  }
0x2ae: {  	[sflag:s25] =	ssyncset.done $0x0  }
0x2af: {  	[sflag:s25] =	ssyncadd.s32 $0xFFFFFFB0  }
0x2b0: {  	v3 =	vld [tilespmem:$0x210]  }
0x2b1: {  	v4 =	vld [tilespmem:$0x220]  }
0x2b2: {  	v5 =	vld [tilespmem:$0x1F0]  }
0x2b3: {  	v6 =	vld [tilespmem:$0x200]  }
0x2b4: {  	v7 =	vld [tilespmem:$0x1E0]  }
0x2b5: {  	v3 =	vsub.s32 v3, v1  }
0x2b6: {  	vm0 =	vlt.u32 v3, $0xC350;
	v4 =	vsub.s32 v4, v1  }
0x2b7: {  	v5 =	vsub.s32 v5, v1;
	v3 =	vsel vm0, v3, v0;
	vm0 =	vlt.u32 v4, $0xC350  }
0x2b8: {  	vm1 =	vlt.u32 v5, $0xC350;
	v6 =	vsub.s32 v6, v1;
	[tilespmem:$0x350] =	vst v3;
	v3 =	vsel vm0, v4, v0  }
0x2b9: {  	s9 =	sadd.s32 $0x5A, s30;
	v4 =	vsub.s32 v7, v1;
	v5 =	vsel vm1, v5, v0;
	vm0 =	vlt.u32 v6, $0xC350;
	[tilespmem:$0x360] =	vst v3  }
0x2ba: {  	vm1 =	vlt.u32 v4, $0xC350;
	[tilespmem:$0x330] =	vst v5;
	v3 =	vsel vm0, v6, v0  }
0x2bb: {  	v4 =	vsel vm1, v4, v0;
	[tilespmem:$0x340] =	vst v3  }
0x2bc: {  	s4 =	simm.s32 $0x17C0;
	s8 =	simm.s32 $0xA0;
	[tilespmem:$0x320] =	vst v4  }
0x2bd: {  	[tilespmem:s4], [sflag:$0x7] =	stream.indirect.gather [hbm4b:s28+s7], $0x20, s8, s7, $0xb8;
	[tilespmem:$0x1F7C0] =	vst v63  }
0x2be: {  	s14 =	simm.s32 $0x3FC0;
	s30 =	sadd.s32 $0xFFFFFC40, s13;
	s8 =	simm.s32 $0x6  }
0x2bf: {  	[tilespmem:s14], [sflag:$0xB] =	stream.linear.gather [hbm4b:s30+s1], $0xA00, $0x38;
	[tilespmem:$0x1F7C0] =	vst v63  }
0x2c0: {  	_ =	swait.ge [sflag:s8], $0xA00  }
0x2c1: {  	[sflag:s8] =	ssyncset.done $0x0  }
0x2c2: {  	[sflag:s8] =	ssyncadd.s32 $0xFFFFF600;
	s8 =	simm.s32 $0xA  }
0x2c3: {  	_ =	swait.ge [sflag:s8], $0xA00  }
0x2c4: {  	[sflag:s8] =	ssyncset.done $0x0  }
0x2c5: {  	[sflag:s8] =	ssyncadd.s32 $0xFFFFF600  }
0x2c6: {  	[tilespmem:s7], [sflag:$0x2] =	stream.linear.gather [hbm4b:s9+s1], $0x50, $0x38;
	[tilespmem:$0x1F7C0] =	vst v63  }
0x2c7: {  	s3 =	sadd.s32 $0x5A, s3  }
0x2c8: {  	[tilespmem:s20], [sflag:$0x2] =	stream.linear.gather [hbm4b:s3+s1], $0x50, $0x38;
	[tilespmem:$0x1F7C0] =	vst v63  }
0x2c9: {  	s3 =	simm.s32 $0x2D0  }
0x2ca: {  	[spmem:s26] =	stream.indirect.scatter.add.f32 [tilespmem:s21], [sflag:$0xE], $0x20, s3, s7, $0xb8;
	[tilespmem:$0x1F7C0] =	vst v63  }
0x2cb: {  	_ = 	snop  }
0x2cc: {  	[spmem:s26] =	stream.indirect.scatter.add.f32 [tilespmem:s31], [sflag:$0xE], $0x20, s3, s7, $0xb8;
	[tilespmem:$0x1F7C0] =	vst v63  }
0x2cd: {  	_ =	swait.ge [sflag:s19], $0xA00  }
0x2ce: {  	[sflag:s19] =	ssyncset.done $0x0  }
0x2cf: {  	[sflag:s19] =	ssyncadd.s32 $0xFFFFF600  }
0x2d0: {  	_ =	swait.ge [sflag:s19], $0xA00  }
0x2d1: {  	[sflag:s19] =	ssyncset.done $0x0  }
0x2d2: {  	[sflag:s19] =	ssyncadd.s32 $0xFFFFF600  }
0x2d3: {  	_ =	swait.ge [sflag:s2], $0x50  }
0x2d4: {  	[sflag:s2] =	ssyncset.done $0x0  }
0x2d5: {  	[sflag:s2] =	ssyncadd.s32 $0xFFFFFFB0  }
0x2d6: {  	_ =	swait.ge [sflag:s2], $0x50  }
0x2d7: {  	[sflag:s2] =	ssyncset.done $0x0  }
0x2d8: {  	[sflag:s2] =	ssyncadd.s32 $0xFFFFFFB0  }
0x2d9: {  	v3 =	vld [tilespmem:$0x230]  }
0x2da: {  	v4 =	vld [tilespmem:$0x240]  }
0x2db: {  	v5 =	vld [tilespmem:$0x250]  }
0x2dc: {  	s3 =	sadd.s32 $0xFFFFFD80, s13  }
0x2dd: {  	v6 =	vld [tilespmem:$0x270]  }
0x2de: {  	v3 =	vsub.s32 v3, v1;
	v7 =	vld [tilespmem:$0x260]  }
0x2df: {  	vm0 =	vlt.u32 v3, $0xC350;
	v4 =	vsub.s32 v4, v1  }
0x2e0: {  	v3 =	vsel vm0, v3, v0;
	vm0 =	vlt.u32 v4, $0xC350;
	v5 =	vsub.s32 v5, v1  }
0x2e1: {  	p2 =	seq.s32 s0, $0x3070;
	[tilespmem:$0x370] =	vst v3;
	v3 =	vsel vm0, v4, v0;
	vm0 =	vlt.u32 v5, $0xC350  }
0x2e2: {  	s30 =	sadd.s32 @!p2 s0, s12;
	[tilespmem:$0x380] =	vst v3;
	v3 =	vsel vm0, v5, v0;
	v4 =	vsub.s32 v6, v1  }
0x2e3: {  	[tilespmem:$0x390] =	vst v3;
	v3 =	vsub.s32 v7, v1;
	vm0 =	vlt.u32 v4, $0xC350  }
0x2e4: {  	vm1 =	vlt.u32 v3, $0xC350;
	v4 =	vsel vm0, v4, v0  }
0x2e5: {  	s0 =	sadd.s32 @!p2 s0, s29;
	v3 =	vsel vm1, v3, v0;
	[tilespmem:$0x3B0] =	vst v4  }
0x2e6: {  	s15 =	simm.s32 @!p2 $0x1E0;
	s8 =	simm.s32 $0xF0;
	s9 =	sadd.s32 @!p2 $0x64, s0;
	[tilespmem:$0x3A0] =	vst v3  }
0x2e7: {  	[tilespmem:s5], [sflag:$0x8] =	stream.indirect.gather [hbm4b:s28+s7], $0x20, s8, s7, $0xb8;
	[tilespmem:$0x1F7C0] =	vst v63  }
0x2e8: {  	_ = 	snop  }
0x2e9: {  	[tilespmem:s6], [sflag:$0xC] =	stream.linear.gather [hbm4b:s3+s1], $0xA00, $0x38;
	[tilespmem:$0x1F7C0] =	vst v63  }
0x2ea: {  	s8 =	simm.s32 $0x49C0;
	s3 =	simm.s32 $0x7  }
0x2eb: {  	_ =	swait.ge [sflag:s3], $0xA00  }
0x2ec: {  	[sflag:s3] =	ssyncset.done $0x0  }
0x2ed: {  	[sflag:s3] =	ssyncadd.s32 $0xFFFFF600;
	s3 =	simm.s32 $0xB  }
0x2ee: {  	_ =	swait.ge [sflag:s3], $0xA00  }
0x2ef: {  	s5 =	simm.s32 @!p2 $0xA0;
	[sflag:s3] =	ssyncset.done $0x0  }
0x2f0: {  	s20 =	sadd.s32 @!p2 $0x64, s30;
	[sflag:s3] =	ssyncadd.s32 $0xFFFFF600;
	s3 =	simm.s32 @!p2 $0x0  }
0x2f1: {  	[tilespmem:s5], [sflag:$0x3] =	stream.linear.gather @!p2 [hbm4b:s20+s3], $0x50, $0x38;
	[tilespmem:$0x1F7C0] =	vst v63  }
0x2f2: {  	s20 =	simm.s32 $0x190;
	_ =	sdelay $0x1  }
0x2f3: {  	[tilespmem:s15], [sflag:$0x3] =	stream.linear.gather @!p2 [hbm4b:s9+s3], $0x50, $0x38;
	[tilespmem:$0x1F7C0] =	vst v63  }
0x2f4: {  	s15 =	simm.s32 $0x140  }
0x2f5: {  	s5 =	simm.s32 $0x320  }
0x2f6: {  	[spmem:s26] =	stream.indirect.scatter.add.f32 [tilespmem:s4], [sflag:$0xF], $0x20, s5, s7, $0xb8;
	[tilespmem:$0x1F7C0] =	vst v63  }
0x2f7: {  	_ = 	snop  }
0x2f8: {  	[spmem:s26] =	stream.indirect.scatter.add.f32 [tilespmem:s14], [sflag:$0xF], $0x20, s5, s7, $0xb8;
	[tilespmem:$0x1F7C0] =	vst v63  }
0x2f9: {  	s14 =	simm.s32 $0x1  }
0x2fa: {  	_ =	swait.ge [sflag:s10], $0xA00  }
0x2fb: {  	[sflag:s10] =	ssyncset.done $0x0  }
0x2fc: {  	[sflag:s10] =	ssyncadd.s32 $0xFFFFF600  }
0x2fd: {  	_ =	swait.ge [sflag:s10], $0xA00  }
0x2fe: {  	[sflag:s10] =	ssyncset.done $0x0  }
0x2ff: {  	[sflag:s10] =	ssyncadd.s32 $0xFFFFF600  }
0x300: {  	_ =	swait.ge [sflag:s14], $0x50  }
0x301: {  	[sflag:s14] =	ssyncset.done $0x0  }
0x302: {  	[sflag:s14] =	ssyncadd.s32 $0xFFFFFFB0  }
0x303: {  	_ =	swait.ge [sflag:s14], $0x50  }
0x304: {  	[sflag:s14] =	ssyncset.done $0x0  }
0x305: {  	[sflag:s14] =	ssyncadd.s32 $0xFFFFFFB0  }
0x306: {  	v3 =	vld [tilespmem:$0x140]  }
0x307: {  	v4 =	vld [tilespmem:$0x150]  }
0x308: {  	v5 =	vld [tilespmem:$0x160]  }
0x309: {  	v6 =	vld [tilespmem:$0x180]  }
0x30a: {  	v7 =	vld [tilespmem:$0x170]  }
0x30b: {  	v3 =	vsub.s32 v3, v1  }
0x30c: {  	vm0 =	vlt.u32 v3, $0xC350;
	v4 =	vsub.s32 v4, v1  }
0x30d: {  	v3 =	vsel vm0, v3, v0;
	vm0 =	vlt.u32 v4, $0xC350;
	v5 =	vsub.s32 v5, v1  }
0x30e: {  	[tilespmem:$0x280] =	vst v3;
	v3 =	vsel vm0, v4, v0;
	vm0 =	vlt.u32 v5, $0xC350;
	v4 =	vsub.s32 v6, v1  }
0x30f: {  	[tilespmem:$0x290] =	vst v3;
	v3 =	vsel vm0, v5, v0;
	v5 =	vsub.s32 v7, v1;
	vm0 =	vlt.u32 v4, $0xC350  }
0x310: {  	[tilespmem:$0x2A0] =	vst v3;
	vm1 =	vlt.u32 v5, $0xC350;
	v3 =	vsel vm0, v4, v0  }
0x311: {  	v4 =	vsel vm1, v5, v0;
	[tilespmem:$0x2C0] =	vst v3  }
0x312: {  	s21 =	simm.s32 $0x3C0;
	[tilespmem:$0x2B0] =	vst v4  }
0x313: {  	[tilespmem:s22], [sflag:$0x5] =	stream.indirect.gather [hbm4b:s28+s7], $0x20, s1, s7, $0xb8;
	[tilespmem:$0x1F7C0] =	vst v63  }
0x314: {  	s5 =	sadd.s32 $0xFFFFFEC0, s13  }
0x315: {  	[tilespmem:s23], [sflag:$0x9] =	stream.linear.gather [hbm4b:s5+s1], $0xA00, $0x38;
	[tilespmem:$0x1F7C0] =	vst v63  }
0x316: {  	s6 =	simm.s32 $0x2BC0;
	s5 =	simm.s32 $0x8  }
0x317: {  	_ =	swait.ge [sflag:s5], $0xA00  }
0x318: {  	[sflag:s5] =	ssyncset.done $0x0  }
0x319: {  	s4 =	simm.s32 $0xC;
	[sflag:s5] =	ssyncadd.s32 $0xFFFFF600  }
0x31a: {  	_ =	swait.ge [sflag:s4], $0xA00  }
0x31b: {  	s9 =	simm.s32 @!p2 $0xF0;
	[sflag:s4] =	ssyncset.done $0x0  }
0x31c: {  	s5 =	sadd.s32 @!p2 $0x6E, s30;
	s30 =	simm.s32 $0x370;
	[sflag:s4] =	ssyncadd.s32 $0xFFFFF600  }
0x31d: {  	[tilespmem:s9], [sflag:$0x4] =	stream.linear.gather @!p2 [hbm4b:s5+s3], $0x50, $0x38;
	[tilespmem:$0x1F7C0] =	vst v63  }
0x31e: {  	s9 =	simm.s32 $0x5  }
.Ltmp1:
0x31f: {  	s0 =	sadd.s32 @!p2 $0x6E, s0;
	s5 =	simm.s32 @!p2 $0x230;
	(pc) =	sbr.rel @p1 .LBB2_4-.Ltmp1, $3  }
0x320: {  	[tilespmem:s5], [sflag:$0x4] =	stream.linear.gather @!p2 [hbm4b:s0+s3], $0x50, $0x38;
	[tilespmem:$0x1F7C0] =	vst v63  }
0x321: {  	s5 =	simm.s32 $0x21C0;
	_ =	sdelay $0x1  }
0x322: {  	[spmem:s26] =	stream.indirect.scatter.add.f32 [tilespmem:s5], [sflag:$0x10], $0x20, s30, s7, $0xb8;
	[tilespmem:$0x1F7C0] =	vst v63  }
0x323: {  	[spmem:s26] =	stream.indirect.scatter.add.f32 [tilespmem:s8], [sflag:$0x10], $0x20, s30, s7, $0xb8;
	[tilespmem:$0x1F7C0] =	vst v63  }
0x324: {  	_ =	swait.ge [sflag:s16], $0xA00  }
0x325: {  	[sflag:s16] =	ssyncset.done $0x0  }
0x326: {  	[sflag:s16] =	ssyncadd.s32 $0xFFFFF600  }
0x327: {  	_ =	swait.ge [sflag:s16], $0xA00  }
0x328: {  	[sflag:s16] =	ssyncset.done $0x0  }
0x329: {  	[sflag:s16] =	ssyncadd.s32 $0xFFFFF600  }
0x32a: {  	_ =	swait.ge [sflag:s17], $0x50  }
0x32b: {  	[sflag:s17] =	ssyncset.done $0x0  }
0x32c: {  	[sflag:s17] =	ssyncadd.s32 $0xFFFFFFB0  }
0x32d: {  	_ =	swait.ge [sflag:s17], $0x50  }
0x32e: {  	[sflag:s17] =	ssyncset.done $0x0  }
0x32f: {  	[sflag:s17] =	ssyncadd.s32 $0xFFFFFFB0  }
0x330: {  	v3 =	vld [tilespmem:$0x190]  }
0x331: {  	v4 =	vld [tilespmem:$0x1A0]  }
0x332: {  	v5 =	vld [tilespmem:$0x1B0]  }
0x333: {  	v6 =	vld [tilespmem:$0x1C0]  }
0x334: {  	v7 =	vld [tilespmem:$0x1D0]  }
0x335: {  	v3 =	vsub.s32 v3, v1  }
0x336: {  	v4 =	vsub.s32 v4, v1;
	vm0 =	vlt.u32 v3, $0xC350  }
0x337: {  	v5 =	vsub.s32 v5, v1;
	vm12 =	vlt.u32 v4, $0xC350;
	v3 =	vsel vm0, v3, v0  }
0x338: {  	v62 =	vsub.s32 v6, v1;
	vm13 =	vlt.u32 v5, $0xC350;
	[tilespmem:$0x2D0] =	vst v3;
	v3 =	vsel vm12, v4, v0  }
0x339: {  	v63 =	vsub.s32 v7, v1;
	vm14 =	vlt.u32 v62, $0xC350;
	[tilespmem:$0x2E0] =	vst v3;
	v3 =	vsel vm13, v5, v0  }
0x33a: {  	vm15 =	vlt.u32 v63, $0xC350;
	[tilespmem:$0x2F0] =	vst v3;
	v3 =	vsel vm14, v62, v0  }
0x33b: {  	[tilespmem:$0x300] =	vst v3;
	v3 =	vsel vm15, v63, v0  }
0x33c: {  	s4 =	simm.s32 $0xDC0;
	[tilespmem:$0x310] =	vst v3  }
0x33d: {  	[tilespmem:s4], [sflag:$0x6] =	stream.indirect.gather [hbm4b:s28+s7], $0x20, s7, s7, $0xb8;
	[tilespmem:$0x1F7C0] =	vst v63  }
0x33e: {  	s3 =	simm.s32 $0x35C0  }
0x33f: {  	[tilespmem:s3], [sflag:$0xA] =	stream.linear.gather [hbm4b:s24+s1], $0xA00, $0x38;
	[tilespmem:$0x1F7C0] =	vst v63  }
0x340: {  	_ =	swait.ge [sflag:s9], $0xA00  }
0x341: {  	[sflag:s9] =	ssyncset.done $0x0  }
0x342: {  	s0 =	simm.s32 $0x9;
	[sflag:s9] =	ssyncadd.s32 $0xFFFFF600  }
0x343: {  	_ =	swait.ge [sflag:s0], $0xA00  }
0x344: {  	[sflag:s0] =	ssyncset.done $0x0  }
0x345: {  	s12 =	simm.s32 $0x280;
	[sflag:s0] =	ssyncadd.s32 $0xFFFFF600  }
0x346: {  	[spmem:s26] =	stream.indirect.scatter.add.f32 [tilespmem:s21], [sflag:$0xD], $0x20, s12, s7, $0xb8;
	[tilespmem:$0x1F7C0] =	vst v63  }
0x347: {  	_ = 	snop  }
0x348: {  	[spmem:s26] =	stream.indirect.scatter.add.f32 [tilespmem:s6], [sflag:$0xD], $0x20, s12, s7, $0xb8;
	[tilespmem:$0x1F7C0] =	vst v63  }
0x349: {  	_ =	swait.ge [sflag:s18], $0xA00  }
0x34a: {  	[sflag:s18] =	ssyncset.done $0x0  }
0x34b: {  	[sflag:s18] =	ssyncadd.s32 $0xFFFFF600  }
0x34c: {  	_ =	swait.ge [sflag:s18], $0xA00  }
0x34d: {  	[sflag:s18] =	ssyncset.done $0x0  }
0x34e: {  	s13 =	simm.s32 $0x6;
	[sflag:s18] =	ssyncadd.s32 $0xFFFFF600  }
0x34f: {  	_ =	swait.ge [sflag:s13], $0xA00  }
0x350: {  	[sflag:s13] =	ssyncset.done $0x0  }
0x351: {  	s21 =	simm.s32 $0xA;
	[sflag:s13] =	ssyncadd.s32 $0xFFFFF600  }
0x352: {  	_ =	swait.ge [sflag:s21], $0xA00  }
0x353: {  	[sflag:s21] =	ssyncset.done $0x0  }
0x354: {  	s22 =	simm.s32 $0x2D0;
	[sflag:s21] =	ssyncadd.s32 $0xFFFFF600  }
0x355: {  	[spmem:s26] =	stream.indirect.scatter.add.f32 [tilespmem:s4], [sflag:$0xE], $0x20, s22, s7, $0xb8;
	[tilespmem:$0x1F7C0] =	vst v63  }
0x356: {  	_ = 	snop  }
0x357: {  	[spmem:s26] =	stream.indirect.scatter.add.f32 [tilespmem:s3], [sflag:$0xE], $0x20, s22, s7, $0xb8;
	[tilespmem:$0x1F7C0] =	vst v63  }
0x358: {  	_ =	swait.ge [sflag:s19], $0xA00  }
0x359: {  	[sflag:s19] =	ssyncset.done $0x0  }
0x35a: {  	[sflag:s19] =	ssyncadd.s32 $0xFFFFF600  }
0x35b: {  	_ =	swait.ge [sflag:s19], $0xA00  }
0x35c: {  	[sflag:s19] =	ssyncset.done $0x0  }
0x35d: {  	[sflag:s19] =	ssyncadd.s32 $0xFFFFF600  }
0x35e: {  	_ =	swait.ge [sflag:s10], $0xA00  }
0x35f: {  	[sflag:s10] =	ssyncset.done $0x0  }
0x360: {  	[sflag:s10] =	ssyncadd.s32 $0xFFFFF600  }
0x361: {  	_ =	swait.ge [sflag:s10], $0xA00  }
0x362: {  	[sflag:s10] =	ssyncset.done $0x0  }
0x363: {  	[sflag:s10] =	ssyncadd.s32 $0xFFFFF600  }
0x364: {  	_ =	swait.ge [sflag:s16], $0xA00  }
0x365: {  	[sflag:s16] =	ssyncset.done $0x0  }
0x366: {  	[sflag:s16] =	ssyncadd.s32 $0xFFFFF600  }
0x367: {  	_ =	swait.ge [sflag:s16], $0xA00  }
0x368: {  	[sflag:s16] =	ssyncset.done $0x0  }
0x369: {  	[sflag:s16] =	ssyncadd.s32 $0xFFFFF600  }
0x36a: {  	[bflag:$0x0] =	sbarrier.arrive $0xFFFF  }
0x36b: {  	s5 =	rddreg [dreg:$0x1a]  }
0x36c: {  	s0 =	simm.s32 @p0 $0x1FD1;
	s3 =	rddreg [dreg:$0x1d]  }
0x36d: {  	[hbm:s5], [sflag:s0] =	dma.local @p0 [spmem:s3], $0x3020  }
0x36e: {  	s0 =	simm.s32 @p0 $0x11  }
0x36f: {  	s3 =	stileid.u32;
	_ =	swait.ge @p0 [sflag:s0], $0x3020  }
0x370: {  	s3 =	sshll.u32 @!p0 s3, $0x6;
	[sflag:s0] =	ssyncset.done @p0 $0x0  }
0x371: {  	[sflag:s0] =	ssyncadd.s32 @p0 $0xFFFFCFE0;
	s0 =	sor.u32 @!p0 $0x1C11, s3;
	s3 =	rddreg [dreg:$0x1e]  }
0x372: {  	[hbm:s5], [sflag:s0] =	dma.local @!p0 [spmem:s3], $0x30E0  }
0x373: {  	s0 =	simm.s32 @!p0 $0x11  }
0x374: {  	_ =	swait.ge @!p0 [sflag:s0], $0x30E0  }
0x375: {  	s23 =	sld [smem:$0x7FB];
	_ =	sdelay $0x2  }
0x376: {  	s24 =	rddreg [dreg:$0x1b];
	s6 =	sadd.s32 $0x1, s23  }
0x377: {  	p1 =	sne.s32 s6, s24  }
.Ltmp2:
0x378: {  	s8 =	simm.s32 $0xF0;
	s11 =	simm.s32 $0x3C0;
	(pc) =	sbr.rel @p1 .LBB2_1-.Ltmp2, $4  }
0x379: {  	s30 =	simm.s32 $0x2BC0;
	s29 =	simm.s32 $0x3FC0;
	s31 =	simm.s32 $0x49C0  }
0x37a: {  	s9 =	simm.s32 $0x53C0;
	s13 =	simm.s32 $0x11;
	s21 =	simm.s32 $0xA0  }
0x37b: {  	s22 =	simm.s32 $0x6;
	[sflag:s0] =	ssyncset.done @!p0 $0x0;
	s5 =	rddreg [dreg:$0x1c]  }
0x37c: {  	[sflag:s0] =	ssyncadd.s32 @!p0 $0xFFFFCF20;
	s23 =	simm.s32 $0x17C0;
	s24 =	simm.s32 $0xDC0  }
0x37d: {  	_ =	sfence.sel $0x180000  }
0x37e: {  	[bflag:$0x0] =	sbarrier.arrive $0xFFFF  }
0x37f: {  	_ =	strace $0x90000047  }
0x380: {  	s0 =	stileid.u32;
	[bflag:$0x2] =	sbarrier.arrive $0xFFFF  }
0x381: {  	p0 =	sne.s32 s0, $0x0;
	s0 =	rddreg [dreg:$0x3]  }
0x382: {  	s0 =	sadd.s32 @!p0 $0x100000, s0  }
0x383: {  	[sflag:s0] =	ssyncadd.tile.s32 @!p0 $0x1;
	_ =	shalt  }
.Lfunc_end2:
_tile_overlayer_lowered:
.L_overlay_start_2:
0x384: {  	(tag) =	ssettag $0x2  }
0x385: {  	s0 =	rddreg [dreg:$0x0];
	s2 =	stileid.u32  }
0x386: {  	s1 =	rddreg [dreg:$0x1];
	p0 =	sne.s32 s2, $0x0  }
0x387: {  	s3 =	rddreg [dreg:$0x2];
	[bflag:$0x3] =	sbarrier.arrive $0xFFFF;
	s2 =	simm.s32 @!p0 $0x1C11  }
0x388: {  	[timem:s3], [sflag:s2] =	dma.local @!p0 [hbm:s0], s1  }
0x389: {  	s0 =	simm.s32 @!p0 $0x11  }
0x38a: {  	_ =	swait.ge @!p0 [sflag:s0], s1  }
0x38b: {  	s1 =	ssub.s32 @!p0 $0x0, s1;
	[sflag:s0] =	ssyncset.done @!p0 $0x0  }
0x38c: {  	[sflag:s0] =	ssyncadd.s32 @!p0 s1  }
0x38d: {  	[bflag:$0x3] =	sbarrier.arrive $0xFFFF  }
0x38e: {  	_ =	shalt  }

</sc_bundles>
